<compile_context>
chip_gen: v7x
topology: tpu7x:2x2x1
jax: 0.10.2.dev20260603
libtpu: 0.0.44.dev20260713+nightly
codegen_flags: <defaults>
</compile_context>

<pallas_src>
import functools

import jax
import jax.numpy as jnp
from jax import lax
from jax.experimental import pallas as pl
from jax.experimental.pallas import tpu as pltpu
from jax.experimental.pallas import tpu_sc as plsc

_NC = 2
_NS = 16
_NW = _NC * _NS
_L = 16
_CH = 256


@functools.lru_cache(maxsize=None)
def _make_sc_kernel(B, K):
    assert B % (_NW * _CH) == 0
    assert K == 64
    bpw = B // _NW
    nchunk = bpw // _CH
    nblk = _CH // _L

    mesh = plsc.VectorSubcoreMesh(core_axis_name="c", subcore_axis_name="s")

    @functools.partial(
        pl.kernel,
        mesh=mesh,
        compiler_params=pltpu.CompilerParams(needs_layout_passes=False),
        out_type=(
            jax.ShapeDtypeStruct((B,), jnp.float32),
            jax.ShapeDtypeStruct((B,), jnp.float32),
        ),
        scratch_types=[
            pltpu.VMEM((bpw,), jnp.int32),
            pltpu.VMEM((bpw,), jnp.int32),
            pltpu.VMEM((bpw,), jnp.int32),
            pltpu.VMEM((_CH,), jnp.int32),
            pltpu.VMEM((_CH,), jnp.int32),
            pltpu.VMEM((_CH,), jnp.int32),
            pltpu.VMEM((_CH, 2 * K), jnp.float32),
            pltpu.VMEM((_CH, 2 * K), jnp.float32),
            pltpu.VMEM((_CH, 2 * K), jnp.float32),
            pltpu.VMEM((bpw,), jnp.float32),
            pltpu.VMEM((bpw,), jnp.float32),
            pltpu.VMEM((bpw,), jnp.float32),
            pltpu.VMEM((bpw,), jnp.float32),
            pltpu.VMEM((bpw,), jnp.float32),
            pltpu.SemaphoreType.DMA,
        ],
    )
    def sc_kernel(u_hbm, i_hbm, j_hbm, gu_hbm, gi_hbm, bu_hbm, bi_hbm,
                  xui_hbm, xuj_hbm,
                  u_idx, i_idx, j_idx, nu, ni, nj, u_rows, i_rows, j_rows,
                  bu_v, bi_v, bj_v, xui_v, xuj_v, sem):
        wid = lax.axis_index("s") * _NC + lax.axis_index("c")
        base = wid * bpw

        pltpu.sync_copy(u_hbm.at[pl.ds(base, bpw)], u_idx)
        pltpu.sync_copy(i_hbm.at[pl.ds(base, bpw)], i_idx)
        pltpu.sync_copy(j_hbm.at[pl.ds(base, bpw)], j_idx)

        beta_copies = [
            pltpu.async_copy(bu_hbm.at[u_idx], bu_v, sem),
            pltpu.async_copy(bi_hbm.at[i_idx], bi_v, sem),
            pltpu.async_copy(bi_hbm.at[j_idx], bj_v, sem),
        ]

        lane = lax.iota(jnp.int32, _L)

        for c in range(nchunk):
            coff = c * _CH
            for b in range(nblk):
                s_src = pl.ds(coff + b * _L, _L)
                s_dst = pl.ds(b * _L, _L)
                nu[s_dst] = lax.shift_right_logical(u_idx[s_src], 1)
                ni[s_dst] = lax.shift_right_logical(i_idx[s_src], 1)
                nj[s_dst] = lax.shift_right_logical(j_idx[s_src], 1)
            row_copies = [
                pltpu.async_copy(gu_hbm.at[nu], u_rows, sem),
                pltpu.async_copy(gi_hbm.at[ni], i_rows, sem),
                pltpu.async_copy(gi_hbm.at[nj], j_rows, sem),
            ]
            if c == 0:
                for bc in beta_copies:
                    bc.wait()
            for rc in row_copies:
                rc.wait()

            def blk_body(blk, carry):
                off = coff + blk * _L
                sl = pl.ds(off, _L)
                rids = blk * _L + lane
                pu = lax.bitwise_and(u_idx[sl], 1) * K
                pi = lax.bitwise_and(i_idx[sl], 1) * K
                pj = lax.bitwise_and(j_idx[sl], 1) * K
                bu = bu_v[sl]
                acc_ui = bu + bi_v[sl]
                acc_uj = bu + bj_v[sl]
                for k in range(K):
                    ck = lax.bitwise_and(lane + k, K - 1)
                    vu = plsc.load_gather(u_rows, [rids, pu + ck])
                    vi = plsc.load_gather(i_rows, [rids, pi + ck])
                    vj = plsc.load_gather(j_rows, [rids, pj + ck])
                    acc_ui = acc_ui + vu * vi
                    acc_uj = acc_uj + vu * vj
                xui_v[sl] = acc_ui
                xuj_v[sl] = acc_uj
                return carry

            lax.fori_loop(0, nblk, blk_body, 0)

        pltpu.sync_copy(xui_v, xui_hbm.at[pl.ds(base, bpw)])
        pltpu.sync_copy(xuj_v, xuj_hbm.at[pl.ds(base, bpw)])

    return sc_kernel


def _loss_body(xui_ref, xuj_ref, out_ref):
    d = xui_ref[...] - xuj_ref[...]
    ls = jnp.minimum(d, 0.0) - jnp.log1p(jnp.exp(-jnp.abs(d)))
    out_ref[0, 0] = -jnp.sum(ls) / d.size


@functools.lru_cache(maxsize=None)
def _make_loss_kernel(B):
    return pl.pallas_call(
        _loss_body,
        out_shape=jax.ShapeDtypeStruct((1, 1), jnp.float32),
        out_specs=pl.BlockSpec(memory_space=pltpu.SMEM),
    )


def kernel(u, i, j, kps, gamma_u, gamma_i, beta_u, beta_i):
    B = u.shape[0]
    K = gamma_u.shape[1]
    sc = _make_sc_kernel(B, K)
    x_ui, x_uj = sc(
        u.astype(jnp.int32), i.astype(jnp.int32), j.astype(jnp.int32),
        gamma_u.reshape(-1, 2 * K), gamma_i.reshape(-1, 2 * K),
        beta_u.reshape(-1), beta_i.reshape(-1),
    )
    loss2d = _make_loss_kernel(B)(
        x_ui.reshape(B // 128, 128), x_uj.reshape(B // 128, 128)
    )
    return x_ui, x_uj, loss2d[0, 0]

# --- scband reference (transcript-rebuilt; emitter-appended) ---
"""Pipeline reference for scband-bprkp-12369505813196 (READ-ONLY COPY).

The authoritative reference and input builder live on the scoring server;
editing this copy changes nothing except your own understanding.
"""

import jax, jax.numpy as jnp
import numpy as np

N_USERS = 1000000
N_ITEMS = 1000000
K = 64
B = 16384


def setup_inputs(seed: int = 0) -> dict:
    key = jax.random.key(seed)
    ks = jax.random.split(key, 8)
    u = jax.random.randint(ks[0], (B,), 0, N_USERS)
    i = jax.random.randint(ks[1], (B,), 0, N_ITEMS)
    j = jax.random.randint(ks[2], (B,), 0, N_ITEMS)
    kps = jnp.zeros((B,), dtype=jnp.int32)  # unused since n_kp=0
    gamma_u = jax.random.normal(ks[3], (N_USERS, K), dtype=jnp.float32) * 0.1
    gamma_i = jax.random.normal(ks[4], (N_ITEMS, K), dtype=jnp.float32) * 0.1
    beta_u = jax.random.normal(ks[5], (N_USERS, 1), dtype=jnp.float32) * 0.1
    beta_i = jax.random.normal(ks[6], (N_ITEMS, 1), dtype=jnp.float32) * 0.1
    return {"u": u, "i": i, "j": j, "kps": kps,
            "gamma_u": gamma_u, "gamma_i": gamma_i,
            "beta_u": beta_u, "beta_i": beta_i}


def reference(u, i, j, kps, gamma_u, gamma_i, beta_u, beta_i):
    # embedding lookups (gather)
    latent_u = jnp.take(gamma_u, u, axis=0)
    latent_i = jnp.take(gamma_i, i, axis=0)
    latent_j = jnp.take(gamma_i, j, axis=0)
    x_ui = jnp.sum(latent_u * latent_i, axis=-1)
    x_uj = jnp.sum(latent_u * latent_j, axis=-1)
    # bias terms (has_beta=True)
    bias_u = jnp.take(beta_u, u, axis=0).squeeze(-1)
    bias_i = jnp.take(beta_i, i, axis=0).squeeze(-1)
    bias_j = jnp.take(beta_i, j, axis=0).squeeze(-1)
    x_ui = x_ui + bias_u + bias_i
    x_uj = x_uj + bias_u + bias_j
    # n_kp=0 -> kp_proj is None, kps_ui and kp_loss are None in the torch model
    bpr_loss = -jnp.mean(jax.nn.log_sigmoid(x_ui - x_uj))
    return (x_ui, x_uj, bpr_loss)

if __name__ == "__main__":
    import jax
    _d = setup_inputs()
    print(jax.jit(kernel)(*tuple(_d.values())))

</pallas_src>

<mosaic_0001>
#map = affine_map<(d0, d1) -> (0)>
#map1 = affine_map<(d0, d1) -> (0, 0)>
module attributes {stable_mosaic.version = 14 : i64} {
  func.func @sc_kernel(%arg0: i32, %arg1: i32, %arg2: memref<16384xi32, #tpu.memory_space<hbm>>, %arg3: memref<16384xi32, #tpu.memory_space<hbm>>, %arg4: memref<16384xi32, #tpu.memory_space<hbm>>, %arg5: memref<500000x128xf32, #tpu.memory_space<hbm>>, %arg6: memref<500000x128xf32, #tpu.memory_space<hbm>>, %arg7: memref<1000000xf32, #tpu.memory_space<hbm>>, %arg8: memref<1000000xf32, #tpu.memory_space<hbm>>, %arg9: memref<16384xf32, #tpu.memory_space<hbm>>, %arg10: memref<16384xf32, #tpu.memory_space<hbm>>, %arg11: memref<512xi32, #tpu.memory_space<vmem>>, %arg12: memref<512xi32, #tpu.memory_space<vmem>>, %arg13: memref<512xi32, #tpu.memory_space<vmem>>, %arg14: memref<256xi32, #tpu.memory_space<vmem>>, %arg15: memref<256xi32, #tpu.memory_space<vmem>>, %arg16: memref<256xi32, #tpu.memory_space<vmem>>, %arg17: memref<256x128xf32, #tpu.memory_space<vmem>>, %arg18: memref<256x128xf32, #tpu.memory_space<vmem>>, %arg19: memref<256x128xf32, #tpu.memory_space<vmem>>, %arg20: memref<512xf32, #tpu.memory_space<vmem>>, %arg21: memref<512xf32, #tpu.memory_space<vmem>>, %arg22: memref<512xf32, #tpu.memory_space<vmem>>, %arg23: memref<512xf32, #tpu.memory_space<vmem>>, %arg24: memref<512xf32, #tpu.memory_space<vmem>>, %arg25: memref<!tpu.dma_semaphore, #tpu.memory_space<semaphore_mem>>) attributes {dimension_semantics = [#tpu.dimension_semantics<core_parallel>, #tpu.dimension_semantics<subcore_parallel>], iteration_bounds = array<i64: 2, 16>, scalar_prefetch = 0 : i64, scratch_operands = 15 : i64, tpu.core_type = #tpu.core_type<sc_vector_subcore>, window_params = [{transform_indices = #map}, {transform_indices = #map}, {transform_indices = #map}, {transform_indices = #map1}, {transform_indices = #map1}, {transform_indices = #map}, {transform_indices = #map}, {transform_indices = #map}, {transform_indices = #map}]} {
    %mul3A = arith.constant 2 : i32
    %mul3A_0 = arith.muli %arg1, %mul3A : i32
    %add3A = arith.addi %mul3A_0, %arg0 : i32
    %mul3A_1 = arith.constant 512 : i32
    %mul3A_2 = arith.muli %add3A, %mul3A_1 : i32
    "tpu.region"() ({
      %run_scoped3A = tpu.sem_alloc : memref<!tpu.dma_semaphore, #tpu.memory_space<semaphore_mem>>
      %dma_start3A_729 = tpu.memref_slice %arg2[%mul3A_2] : memref<16384xi32, #tpu.memory_space<hbm>> -> memref<512xi32, #tpu.memory_space<hbm>>
      %dma_start3A_730 = tpu.memref_slice %arg2[%mul3A_2] : memref<16384xi32, #tpu.memory_space<hbm>> -> memref<512xi32, #tpu.memory_space<hbm>>
      tpu.enqueue_dma source(%dma_start3A_730 : memref<512xi32, #tpu.memory_space<hbm>>) target(%arg11 : memref<512xi32, #tpu.memory_space<vmem>>) target_semaphore(%run_scoped3A : memref<!tpu.dma_semaphore, #tpu.memory_space<semaphore_mem>>)
      %dma_wait3A_731 = tpu.memref_slice %arg2[%mul3A_2] : memref<16384xi32, #tpu.memory_space<hbm>> -> memref<512xi32, #tpu.memory_space<hbm>>
      %dma_wait3A_732 = tpu.memref_slice %arg2[%mul3A_2] : memref<16384xi32, #tpu.memory_space<hbm>> -> memref<512xi32, #tpu.memory_space<hbm>>
      tpu.wait_dma2 semaphore(%run_scoped3A : memref<!tpu.dma_semaphore, #tpu.memory_space<semaphore_mem>>) src(%dma_wait3A_732 : memref<512xi32, #tpu.memory_space<hbm>>) dst(%arg11 : memref<512xi32, #tpu.memory_space<vmem>>)
      tpu.yield
    }) : () -> ()
    "tpu.region"() ({
      %run_scoped3A = tpu.sem_alloc : memref<!tpu.dma_semaphore, #tpu.memory_space<semaphore_mem>>
      %dma_start3A_729 = tpu.memref_slice %arg3[%mul3A_2] : memref<16384xi32, #tpu.memory_space<hbm>> -> memref<512xi32, #tpu.memory_space<hbm>>
      %dma_start3A_730 = tpu.memref_slice %arg3[%mul3A_2] : memref<16384xi32, #tpu.memory_space<hbm>> -> memref<512xi32, #tpu.memory_space<hbm>>
      tpu.enqueue_dma source(%dma_start3A_730 : memref<512xi32, #tpu.memory_space<hbm>>) target(%arg12 : memref<512xi32, #tpu.memory_space<vmem>>) target_semaphore(%run_scoped3A : memref<!tpu.dma_semaphore, #tpu.memory_space<semaphore_mem>>)
      %dma_wait3A_731 = tpu.memref_slice %arg3[%mul3A_2] : memref<16384xi32, #tpu.memory_space<hbm>> -> memref<512xi32, #tpu.memory_space<hbm>>
      %dma_wait3A_732 = tpu.memref_slice %arg3[%mul3A_2] : memref<16384xi32, #tpu.memory_space<hbm>> -> memref<512xi32, #tpu.memory_space<hbm>>
      tpu.wait_dma2 semaphore(%run_scoped3A : memref<!tpu.dma_semaphore, #tpu.memory_space<semaphore_mem>>) src(%dma_wait3A_732 : memref<512xi32, #tpu.memory_space<hbm>>) dst(%arg12 : memref<512xi32, #tpu.memory_space<vmem>>)
      tpu.yield
    }) : () -> ()
    "tpu.region"() ({
      %run_scoped3A = tpu.sem_alloc : memref<!tpu.dma_semaphore, #tpu.memory_space<semaphore_mem>>
      %dma_start3A_729 = tpu.memref_slice %arg4[%mul3A_2] : memref<16384xi32, #tpu.memory_space<hbm>> -> memref<512xi32, #tpu.memory_space<hbm>>
      %dma_start3A_730 = tpu.memref_slice %arg4[%mul3A_2] : memref<16384xi32, #tpu.memory_space<hbm>> -> memref<512xi32, #tpu.memory_space<hbm>>
      tpu.enqueue_dma source(%dma_start3A_730 : memref<512xi32, #tpu.memory_space<hbm>>) target(%arg13 : memref<512xi32, #tpu.memory_space<vmem>>) target_semaphore(%run_scoped3A : memref<!tpu.dma_semaphore, #tpu.memory_space<semaphore_mem>>)
      %dma_wait3A_731 = tpu.memref_slice %arg4[%mul3A_2] : memref<16384xi32, #tpu.memory_space<hbm>> -> memref<512xi32, #tpu.memory_space<hbm>>
      %dma_wait3A_732 = tpu.memref_slice %arg4[%mul3A_2] : memref<16384xi32, #tpu.memory_space<hbm>> -> memref<512xi32, #tpu.memory_space<hbm>>
      tpu.wait_dma2 semaphore(%run_scoped3A : memref<!tpu.dma_semaphore, #tpu.memory_space<semaphore_mem>>) src(%dma_wait3A_732 : memref<512xi32, #tpu.memory_space<hbm>>) dst(%arg13 : memref<512xi32, #tpu.memory_space<vmem>>)
      tpu.yield
    }) : () -> ()
    %dma_start3A = arith.constant 0 : i32
    %dma_start3A_3 = tpu.memref_slice %arg7[%dma_start3A] : memref<1000000xf32, #tpu.memory_space<hbm>> -> memref<1000000xf32, #tpu.memory_space<hbm>>
    tpu.enqueue_indirect_dma source(%dma_start3A_3 : memref<1000000xf32, #tpu.memory_space<hbm>>) target(%arg20 : memref<512xf32, #tpu.memory_space<vmem>>) offsets(%arg11 : memref<512xi32, #tpu.memory_space<vmem>>) semaphore(%arg25 : memref<!tpu.dma_semaphore, #tpu.memory_space<semaphore_mem>>)
    %dma_start3A_4 = arith.constant 0 : i32
    %dma_start3A_5 = tpu.memref_slice %arg8[%dma_start3A_4] : memref<1000000xf32, #tpu.memory_space<hbm>> -> memref<1000000xf32, #tpu.memory_space<hbm>>
    tpu.enqueue_indirect_dma source(%dma_start3A_5 : memref<1000000xf32, #tpu.memory_space<hbm>>) target(%arg21 : memref<512xf32, #tpu.memory_space<vmem>>) offsets(%arg12 : memref<512xi32, #tpu.memory_space<vmem>>) semaphore(%arg25 : memref<!tpu.dma_semaphore, #tpu.memory_space<semaphore_mem>>)
    %dma_start3A_6 = arith.constant 0 : i32
    %dma_start3A_7 = tpu.memref_slice %arg8[%dma_start3A_6] : memref<1000000xf32, #tpu.memory_space<hbm>> -> memref<1000000xf32, #tpu.memory_space<hbm>>
    tpu.enqueue_indirect_dma source(%dma_start3A_7 : memref<1000000xf32, #tpu.memory_space<hbm>>) target(%arg22 : memref<512xf32, #tpu.memory_space<vmem>>) offsets(%arg13 : memref<512xi32, #tpu.memory_space<vmem>>) semaphore(%arg25 : memref<!tpu.dma_semaphore, #tpu.memory_space<semaphore_mem>>)
    %iota3A = tpu.iota {dimensions = array<i32: 0>} : vector<16xi32>
    %get3A = arith.constant 0 : index
    %get3A_8 = tpu.vector_load %arg11[%get3A] {strides = array<i32>} : memref<512xi32, #tpu.memory_space<vmem>>, vector<16xi32>,
    %shift_right_logical3A = arith.constant 1 : i32
    %shift_right_logical3A_9 = vector.broadcast %shift_right_logical3A : i32 to vector<16xi32>
    %shift_right_logical3A_10 = arith.shrui %get3A_8, %shift_right_logical3A_9 : vector<16xi32>
    %swap3A = arith.constant 0 : index
    %swap3A_11 = tpu.vector_load %arg14[%swap3A] {strides = array<i32>} : memref<256xi32, #tpu.memory_space<vmem>>, vector<16xi32>,
    tpu.vector_store %arg14[%swap3A], %shift_right_logical3A_10 {strides = array<i32>} : memref<256xi32, #tpu.memory_space<vmem>>, vector<16xi32>,
    %get3A_12 = arith.constant 0 : index
    %get3A_13 = tpu.vector_load %arg12[%get3A_12] {strides = array<i32>} : memref<512xi32, #tpu.memory_space<vmem>>, vector<16xi32>,
    %shift_right_logical3A_14 = arith.constant 1 : i32
    %shift_right_logical3A_15 = vector.broadcast %shift_right_logical3A_14 : i32 to vector<16xi32>
    %shift_right_logical3A_16 = arith.shrui %get3A_13, %shift_right_logical3A_15 : vector<16xi32>
    %swap3A_17 = arith.constant 0 : index
    %swap3A_18 = tpu.vector_load %arg15[%swap3A_17] {strides = array<i32>} : memref<256xi32, #tpu.memory_space<vmem>>, vector<16xi32>,
    tpu.vector_store %arg15[%swap3A_17], %shift_right_logical3A_16 {strides = array<i32>} : memref<256xi32, #tpu.memory_space<vmem>>, vector<16xi32>,
    %get3A_19 = arith.constant 0 : index
    %get3A_20 = tpu.vector_load %arg13[%get3A_19] {strides = array<i32>} : memref<512xi32, #tpu.memory_space<vmem>>, vector<16xi32>,
    %shift_right_logical3A_21 = arith.constant 1 : i32
    %shift_right_logical3A_22 = vector.broadcast %shift_right_logical3A_21 : i32 to vector<16xi32>
    %shift_right_logical3A_23 = arith.shrui %get3A_20, %shift_right_logical3A_22 : vector<16xi32>
    %swap3A_24 = arith.constant 0 : index
    %swap3A_25 = tpu.vector_load %arg16[%swap3A_24] {strides = array<i32>} : memref<256xi32, #tpu.memory_space<vmem>>, vector<16xi32>,
    tpu.vector_store %arg16[%swap3A_24], %shift_right_logical3A_23 {strides = array<i32>} : memref<256xi32, #tpu.memory_space<vmem>>, vector<16xi32>,
    %get3A_26 = arith.constant 16 : index
    %get3A_27 = tpu.vector_load %arg11[%get3A_26] {strides = array<i32>} : memref<512xi32, #tpu.memory_space<vmem>>, vector<16xi32>,
    %shift_right_logical3A_28 = arith.constant 1 : i32
    %shift_right_logical3A_29 = vector.broadcast %shift_right_logical3A_28 : i32 to vector<16xi32>
    %shift_right_logical3A_30 = arith.shrui %get3A_27, %shift_right_logical3A_29 : vector<16xi32>
    %swap3A_31 = arith.constant 16 : index
    %swap3A_32 = tpu.vector_load %arg14[%swap3A_31] {strides = array<i32>} : memref<256xi32, #tpu.memory_space<vmem>>, vector<16xi32>,
    tpu.vector_store %arg14[%swap3A_31], %shift_right_logical3A_30 {strides = array<i32>} : memref<256xi32, #tpu.memory_space<vmem>>, vector<16xi32>,
    %get3A_33 = arith.constant 16 : index
    %get3A_34 = tpu.vector_load %arg12[%get3A_33] {strides = array<i32>} : memref<512xi32, #tpu.memory_space<vmem>>, vector<16xi32>,
    %shift_right_logical3A_35 = arith.constant 1 : i32
    %shift_right_logical3A_36 = vector.broadcast %shift_right_logical3A_35 : i32 to vector<16xi32>
    %shift_right_logical3A_37 = arith.shrui %get3A_34, %shift_right_logical3A_36 : vector<16xi32>
    %swap3A_38 = arith.constant 16 : index
    %swap3A_39 = tpu.vector_load %arg15[%swap3A_38] {strides = array<i32>} : memref<256xi32, #tpu.memory_space<vmem>>, vector<16xi32>,
    tpu.vector_store %arg15[%swap3A_38], %shift_right_logical3A_37 {strides = array<i32>} : memref<256xi32, #tpu.memory_space<vmem>>, vector<16xi32>,
    %get3A_40 = arith.constant 16 : index
    %get3A_41 = tpu.vector_load %arg13[%get3A_40] {strides = array<i32>} : memref<512xi32, #tpu.memory_space<vmem>>, vector<16xi32>,
    %shift_right_logical3A_42 = arith.constant 1 : i32
    %shift_right_logical3A_43 = vector.broadcast %shift_right_logical3A_42 : i32 to vector<16xi32>
    %shift_right_logical3A_44 = arith.shrui %get3A_41, %shift_right_logical3A_43 : vector<16xi32>
    %swap3A_45 = arith.constant 16 : index
    %swap3A_46 = tpu.vector_load %arg16[%swap3A_45] {strides = array<i32>} : memref<256xi32, #tpu.memory_space<vmem>>, vector<16xi32>,
    tpu.vector_store %arg16[%swap3A_45], %shift_right_logical3A_44 {strides = array<i32>} : memref<256xi32, #tpu.memory_space<vmem>>, vector<16xi32>,
    %get3A_47 = arith.constant 32 : index
    %get3A_48 = tpu.vector_load %arg11[%get3A_47] {strides = array<i32>} : memref<512xi32, #tpu.memory_space<vmem>>, vector<16xi32>,
    %shift_right_logical3A_49 = arith.constant 1 : i32
    %shift_right_logical3A_50 = vector.broadcast %shift_right_logical3A_49 : i32 to vector<16xi32>
    %shift_right_logical3A_51 = arith.shrui %get3A_48, %shift_right_logical3A_50 : vector<16xi32>
    %swap3A_52 = arith.constant 32 : index
    %swap3A_53 = tpu.vector_load %arg14[%swap3A_52] {strides = array<i32>} : memref<256xi32, #tpu.memory_space<vmem>>, vector<16xi32>,
    tpu.vector_store %arg14[%swap3A_52], %shift_right_logical3A_51 {strides = array<i32>} : memref<256xi32, #tpu.memory_space<vmem>>, vector<16xi32>,
    %get3A_54 = arith.constant 32 : index
    %get3A_55 = tpu.vector_load %arg12[%get3A_54] {strides = array<i32>} : memref<512xi32, #tpu.memory_space<vmem>>, vector<16xi32>,
    %shift_right_logical3A_56 = arith.constant 1 : i32
    %shift_right_logical3A_57 = vector.broadcast %shift_right_logical3A_56 : i32 to vector<16xi32>
    %shift_right_logical3A_58 = arith.shrui %get3A_55, %shift_right_logical3A_57 : vector<16xi32>
    %swap3A_59 = arith.constant 32 : index
    %swap3A_60 = tpu.vector_load %arg15[%swap3A_59] {strides = array<i32>} : memref<256xi32, #tpu.memory_space<vmem>>, vector<16xi32>,
    tpu.vector_store %arg15[%swap3A_59], %shift_right_logical3A_58 {strides = array<i32>} : memref<256xi32, #tpu.memory_space<vmem>>, vector<16xi32>,
    %get3A_61 = arith.constant 32 : index
    %get3A_62 = tpu.vector_load %arg13[%get3A_61] {strides = array<i32>} : memref<512xi32, #tpu.memory_space<vmem>>, vector<16xi32>,
    %shift_right_logical3A_63 = arith.constant 1 : i32
    %shift_right_logical3A_64 = vector.broadcast %shift_right_logical3A_63 : i32 to vector<16xi32>
    %shift_right_logical3A_65 = arith.shrui %get3A_62, %shift_right_logical3A_64 : vector<16xi32>
    %swap3A_66 = arith.constant 32 : index
    %swap3A_67 = tpu.vector_load %arg16[%swap3A_66] {strides = array<i32>} : memref<256xi32, #tpu.memory_space<vmem>>, vector<16xi32>,
    tpu.vector_store %arg16[%swap3A_66], %shift_right_logical3A_65 {strides = array<i32>} : memref<256xi32, #tpu.memory_space<vmem>>, vector<16xi32>,
    %get3A_68 = arith.constant 48 : index
    %get3A_69 = tpu.vector_load %arg11[%get3A_68] {strides = array<i32>} : memref<512xi32, #tpu.memory_space<vmem>>, vector<16xi32>,
    %shift_right_logical3A_70 = arith.constant 1 : i32
    %shift_right_logical3A_71 = vector.broadcast %shift_right_logical3A_70 : i32 to vector<16xi32>
    %shift_right_logical3A_72 = arith.shrui %get3A_69, %shift_right_logical3A_71 : vector<16xi32>
    %swap3A_73 = arith.constant 48 : index
    %swap3A_74 = tpu.vector_load %arg14[%swap3A_73] {strides = array<i32>} : memref<256xi32, #tpu.memory_space<vmem>>, vector<16xi32>,
    tpu.vector_store %arg14[%swap3A_73], %shift_right_logical3A_72 {strides = array<i32>} : memref<256xi32, #tpu.memory_space<vmem>>, vector<16xi32>,
    %get3A_75 = arith.constant 48 : index
    %get3A_76 = tpu.vector_load %arg12[%get3A_75] {strides = array<i32>} : memref<512xi32, #tpu.memory_space<vmem>>, vector<16xi32>,
    %shift_right_logical3A_77 = arith.constant 1 : i32
    %shift_right_logical3A_78 = vector.broadcast %shift_right_logical3A_77 : i32 to vector<16xi32>
    %shift_right_logical3A_79 = arith.shrui %get3A_76, %shift_right_logical3A_78 : vector<16xi32>
    %swap3A_80 = arith.constant 48 : index
    %swap3A_81 = tpu.vector_load %arg15[%swap3A_80] {strides = array<i32>} : memref<256xi32, #tpu.memory_space<vmem>>, vector<16xi32>,
    tpu.vector_store %arg15[%swap3A_80], %shift_right_logical3A_79 {strides = array<i32>} : memref<256xi32, #tpu.memory_space<vmem>>, vector<16xi32>,
    %get3A_82 = arith.constant 48 : index
    %get3A_83 = tpu.vector_load %arg13[%get3A_82] {strides = array<i32>} : memref<512xi32, #tpu.memory_space<vmem>>, vector<16xi32>,
    %shift_right_logical3A_84 = arith.constant 1 : i32
    %shift_right_logical3A_85 = vector.broadcast %shift_right_logical3A_84 : i32 to vector<16xi32>
    %shift_right_logical3A_86 = arith.shrui %get3A_83, %shift_right_logical3A_85 : vector<16xi32>
    %swap3A_87 = arith.constant 48 : index
    %swap3A_88 = tpu.vector_load %arg16[%swap3A_87] {strides = array<i32>} : memref<256xi32, #tpu.memory_space<vmem>>, vector<16xi32>,
    tpu.vector_store %arg16[%swap3A_87], %shift_right_logical3A_86 {strides = array<i32>} : memref<256xi32, #tpu.memory_space<vmem>>, vector<16xi32>,
    %get3A_89 = arith.constant 64 : index
    %get3A_90 = tpu.vector_load %arg11[%get3A_89] {strides = array<i32>} : memref<512xi32, #tpu.memory_space<vmem>>, vector<16xi32>,
    %shift_right_logical3A_91 = arith.constant 1 : i32
    %shift_right_logical3A_92 = vector.broadcast %shift_right_logical3A_91 : i32 to vector<16xi32>
    %shift_right_logical3A_93 = arith.shrui %get3A_90, %shift_right_logical3A_92 : vector<16xi32>
    %swap3A_94 = arith.constant 64 : index
    %swap3A_95 = tpu.vector_load %arg14[%swap3A_94] {strides = array<i32>} : memref<256xi32, #tpu.memory_space<vmem>>, vector<16xi32>,
    tpu.vector_store %arg14[%swap3A_94], %shift_right_logical3A_93 {strides = array<i32>} : memref<256xi32, #tpu.memory_space<vmem>>, vector<16xi32>,
    %get3A_96 = arith.constant 64 : index
    %get3A_97 = tpu.vector_load %arg12[%get3A_96] {strides = array<i32>} : memref<512xi32, #tpu.memory_space<vmem>>, vector<16xi32>,
    %shift_right_logical3A_98 = arith.constant 1 : i32
    %shift_right_logical3A_99 = vector.broadcast %shift_right_logical3A_98 : i32 to vector<16xi32>
    %shift_right_logical3A_100 = arith.shrui %get3A_97, %shift_right_logical3A_99 : vector<16xi32>
    %swap3A_101 = arith.constant 64 : index
    %swap3A_102 = tpu.vector_load %arg15[%swap3A_101] {strides = array<i32>} : memref<256xi32, #tpu.memory_space<vmem>>, vector<16xi32>,
    tpu.vector_store %arg15[%swap3A_101], %shift_right_logical3A_100 {strides = array<i32>} : memref<256xi32, #tpu.memory_space<vmem>>, vector<16xi32>,
    %get3A_103 = arith.constant 64 : index
    %get3A_104 = tpu.vector_load %arg13[%get3A_103] {strides = array<i32>} : memref<512xi32, #tpu.memory_space<vmem>>, vector<16xi32>,
    %shift_right_logical3A_105 = arith.constant 1 : i32
    %shift_right_logical3A_106 = vector.broadcast %shift_right_logical3A_105 : i32 to vector<16xi32>
    %shift_right_logical3A_107 = arith.shrui %get3A_104, %shift_right_logical3A_106 : vector<16xi32>
    %swap3A_108 = arith.constant 64 : index
    %swap3A_109 = tpu.vector_load %arg16[%swap3A_108] {strides = array<i32>} : memref<256xi32, #tpu.memory_space<vmem>>, vector<16xi32>,
    tpu.vector_store %arg16[%swap3A_108], %shift_right_logical3A_107 {strides = array<i32>} : memref<256xi32, #tpu.memory_space<vmem>>, vector<16xi32>,
    %get3A_110 = arith.constant 80 : index
    %get3A_111 = tpu.vector_load %arg11[%get3A_110] {strides = array<i32>} : memref<512xi32, #tpu.memory_space<vmem>>, vector<16xi32>,
    %shift_right_logical3A_112 = arith.constant 1 : i32
    %shift_right_logical3A_113 = vector.broadcast %shift_right_logical3A_112 : i32 to vector<16xi32>
    %shift_right_logical3A_114 = arith.shrui %get3A_111, %shift_right_logical3A_113 : vector<16xi32>
    %swap3A_115 = arith.constant 80 : index
    %swap3A_116 = tpu.vector_load %arg14[%swap3A_115] {strides = array<i32>} : memref<256xi32, #tpu.memory_space<vmem>>, vector<16xi32>,
    tpu.vector_store %arg14[%swap3A_115], %shift_right_logical3A_114 {strides = array<i32>} : memref<256xi32, #tpu.memory_space<vmem>>, vector<16xi32>,
    %get3A_117 = arith.constant 80 : index
    %get3A_118 = tpu.vector_load %arg12[%get3A_117] {strides = array<i32>} : memref<512xi32, #tpu.memory_space<vmem>>, vector<16xi32>,
    %shift_right_logical3A_119 = arith.constant 1 : i32
    %shift_right_logical3A_120 = vector.broadcast %shift_right_logical3A_119 : i32 to vector<16xi32>
    %shift_right_logical3A_121 = arith.shrui %get3A_118, %shift_right_logical3A_120 : vector<16xi32>
    %swap3A_122 = arith.constant 80 : index
    %swap3A_123 = tpu.vector_load %arg15[%swap3A_122] {strides = array<i32>} : memref<256xi32, #tpu.memory_space<vmem>>, vector<16xi32>,
    tpu.vector_store %arg15[%swap3A_122], %shift_right_logical3A_121 {strides = array<i32>} : memref<256xi32, #tpu.memory_space<vmem>>, vector<16xi32>,
    %get3A_124 = arith.constant 80 : index
    %get3A_125 = tpu.vector_load %arg13[%get3A_124] {strides = array<i32>} : memref<512xi32, #tpu.memory_space<vmem>>, vector<16xi32>,
    %shift_right_logical3A_126 = arith.constant 1 : i32
    %shift_right_logical3A_127 = vector.broadcast %shift_right_logical3A_126 : i32 to vector<16xi32>
    %shift_right_logical3A_128 = arith.shrui %get3A_125, %shift_right_logical3A_127 : vector<16xi32>
    %swap3A_129 = arith.constant 80 : index
    %swap3A_130 = tpu.vector_load %arg16[%swap3A_129] {strides = array<i32>} : memref<256xi32, #tpu.memory_space<vmem>>, vector<16xi32>,
    tpu.vector_store %arg16[%swap3A_129], %shift_right_logical3A_128 {strides = array<i32>} : memref<256xi32, #tpu.memory_space<vmem>>, vector<16xi32>,
    %get3A_131 = arith.constant 96 : index
    %get3A_132 = tpu.vector_load %arg11[%get3A_131] {strides = array<i32>} : memref<512xi32, #tpu.memory_space<vmem>>, vector<16xi32>,
    %shift_right_logical3A_133 = arith.constant 1 : i32
    %shift_right_logical3A_134 = vector.broadcast %shift_right_logical3A_133 : i32 to vector<16xi32>
    %shift_right_logical3A_135 = arith.shrui %get3A_132, %shift_right_logical3A_134 : vector<16xi32>
    %swap3A_136 = arith.constant 96 : index
    %swap3A_137 = tpu.vector_load %arg14[%swap3A_136] {strides = array<i32>} : memref<256xi32, #tpu.memory_space<vmem>>, vector<16xi32>,
    tpu.vector_store %arg14[%swap3A_136], %shift_right_logical3A_135 {strides = array<i32>} : memref<256xi32, #tpu.memory_space<vmem>>, vector<16xi32>,
    %get3A_138 = arith.constant 96 : index
    %get3A_139 = tpu.vector_load %arg12[%get3A_138] {strides = array<i32>} : memref<512xi32, #tpu.memory_space<vmem>>, vector<16xi32>,
    %shift_right_logical3A_140 = arith.constant 1 : i32
    %shift_right_logical3A_141 = vector.broadcast %shift_right_logical3A_140 : i32 to vector<16xi32>
    %shift_right_logical3A_142 = arith.shrui %get3A_139, %shift_right_logical3A_141 : vector<16xi32>
    %swap3A_143 = arith.constant 96 : index
    %swap3A_144 = tpu.vector_load %arg15[%swap3A_143] {strides = array<i32>} : memref<256xi32, #tpu.memory_space<vmem>>, vector<16xi32>,
    tpu.vector_store %arg15[%swap3A_143], %shift_right_logical3A_142 {strides = array<i32>} : memref<256xi32, #tpu.memory_space<vmem>>, vector<16xi32>,
    %get3A_145 = arith.constant 96 : index
    %get3A_146 = tpu.vector_load %arg13[%get3A_145] {strides = array<i32>} : memref<512xi32, #tpu.memory_space<vmem>>, vector<16xi32>,
    %shift_right_logical3A_147 = arith.constant 1 : i32
    %shift_right_logical3A_148 = vector.broadcast %shift_right_logical3A_147 : i32 to vector<16xi32>
    %shift_right_logical3A_149 = arith.shrui %get3A_146, %shift_right_logical3A_148 : vector<16xi32>
    %swap3A_150 = arith.constant 96 : index
    %swap3A_151 = tpu.vector_load %arg16[%swap3A_150] {strides = array<i32>} : memref<256xi32, #tpu.memory_space<vmem>>, vector<16xi32>,
    tpu.vector_store %arg16[%swap3A_150], %shift_right_logical3A_149 {strides = array<i32>} : memref<256xi32, #tpu.memory_space<vmem>>, vector<16xi32>,
    %get3A_152 = arith.constant 112 : index
    %get3A_153 = tpu.vector_load %arg11[%get3A_152] {strides = array<i32>} : memref<512xi32, #tpu.memory_space<vmem>>, vector<16xi32>,
    %shift_right_logical3A_154 = arith.constant 1 : i32
    %shift_right_logical3A_155 = vector.broadcast %shift_right_logical3A_154 : i32 to vector<16xi32>
    %shift_right_logical3A_156 = arith.shrui %get3A_153, %shift_right_logical3A_155 : vector<16xi32>
    %swap3A_157 = arith.constant 112 : index
    %swap3A_158 = tpu.vector_load %arg14[%swap3A_157] {strides = array<i32>} : memref<256xi32, #tpu.memory_space<vmem>>, vector<16xi32>,
    tpu.vector_store %arg14[%swap3A_157], %shift_right_logical3A_156 {strides = array<i32>} : memref<256xi32, #tpu.memory_space<vmem>>, vector<16xi32>,
    %get3A_159 = arith.constant 112 : index
    %get3A_160 = tpu.vector_load %arg12[%get3A_159] {strides = array<i32>} : memref<512xi32, #tpu.memory_space<vmem>>, vector<16xi32>,
    %shift_right_logical3A_161 = arith.constant 1 : i32
    %shift_right_logical3A_162 = vector.broadcast %shift_right_logical3A_161 : i32 to vector<16xi32>
    %shift_right_logical3A_163 = arith.shrui %get3A_160, %shift_right_logical3A_162 : vector<16xi32>
    %swap3A_164 = arith.constant 112 : index
    %swap3A_165 = tpu.vector_load %arg15[%swap3A_164] {strides = array<i32>} : memref<256xi32, #tpu.memory_space<vmem>>, vector<16xi32>,
    tpu.vector_store %arg15[%swap3A_164], %shift_right_logical3A_163 {strides = array<i32>} : memref<256xi32, #tpu.memory_space<vmem>>, vector<16xi32>,
    %get3A_166 = arith.constant 112 : index
    %get3A_167 = tpu.vector_load %arg13[%get3A_166] {strides = array<i32>} : memref<512xi32, #tpu.memory_space<vmem>>, vector<16xi32>,
    %shift_right_logical3A_168 = arith.constant 1 : i32
    %shift_right_logical3A_169 = vector.broadcast %shift_right_logical3A_168 : i32 to vector<16xi32>
    %shift_right_logical3A_170 = arith.shrui %get3A_167, %shift_right_logical3A_169 : vector<16xi32>
    %swap3A_171 = arith.constant 112 : index
    %swap3A_172 = tpu.vector_load %arg16[%swap3A_171] {strides = array<i32>} : memref<256xi32, #tpu.memory_space<vmem>>, vector<16xi32>,
    tpu.vector_store %arg16[%swap3A_171], %shift_right_logical3A_170 {strides = array<i32>} : memref<256xi32, #tpu.memory_space<vmem>>, vector<16xi32>,
    %get3A_173 = arith.constant 128 : index
    %get3A_174 = tpu.vector_load %arg11[%get3A_173] {strides = array<i32>} : memref<512xi32, #tpu.memory_space<vmem>>, vector<16xi32>,
    %shift_right_logical3A_175 = arith.constant 1 : i32
    %shift_right_logical3A_176 = vector.broadcast %shift_right_logical3A_175 : i32 to vector<16xi32>
    %shift_right_logical3A_177 = arith.shrui %get3A_174, %shift_right_logical3A_176 : vector<16xi32>
    %swap3A_178 = arith.constant 128 : index
    %swap3A_179 = tpu.vector_load %arg14[%swap3A_178] {strides = array<i32>} : memref<256xi32, #tpu.memory_space<vmem>>, vector<16xi32>,
    tpu.vector_store %arg14[%swap3A_178], %shift_right_logical3A_177 {strides = array<i32>} : memref<256xi32, #tpu.memory_space<vmem>>, vector<16xi32>,
    %get3A_180 = arith.constant 128 : index
    %get3A_181 = tpu.vector_load %arg12[%get3A_180] {strides = array<i32>} : memref<512xi32, #tpu.memory_space<vmem>>, vector<16xi32>,
    %shift_right_logical3A_182 = arith.constant 1 : i32
    %shift_right_logical3A_183 = vector.broadcast %shift_right_logical3A_182 : i32 to vector<16xi32>
    %shift_right_logical3A_184 = arith.shrui %get3A_181, %shift_right_logical3A_183 : vector<16xi32>
    %swap3A_185 = arith.constant 128 : index
    %swap3A_186 = tpu.vector_load %arg15[%swap3A_185] {strides = array<i32>} : memref<256xi32, #tpu.memory_space<vmem>>, vector<16xi32>,
    tpu.vector_store %arg15[%swap3A_185], %shift_right_logical3A_184 {strides = array<i32>} : memref<256xi32, #tpu.memory_space<vmem>>, vector<16xi32>,
    %get3A_187 = arith.constant 128 : index
    %get3A_188 = tpu.vector_load %arg13[%get3A_187] {strides = array<i32>} : memref<512xi32, #tpu.memory_space<vmem>>, vector<16xi32>,
    %shift_right_logical3A_189 = arith.constant 1 : i32
    %shift_right_logical3A_190 = vector.broadcast %shift_right_logical3A_189 : i32 to vector<16xi32>
    %shift_right_logical3A_191 = arith.shrui %get3A_188, %shift_right_logical3A_190 : vector<16xi32>
    %swap3A_192 = arith.constant 128 : index
    %swap3A_193 = tpu.vector_load %arg16[%swap3A_192] {strides = array<i32>} : memref<256xi32, #tpu.memory_space<vmem>>, vector<16xi32>,
    tpu.vector_store %arg16[%swap3A_192], %shift_right_logical3A_191 {strides = array<i32>} : memref<256xi32, #tpu.memory_space<vmem>>, vector<16xi32>,
    %get3A_194 = arith.constant 144 : index
    %get3A_195 = tpu.vector_load %arg11[%get3A_194] {strides = array<i32>} : memref<512xi32, #tpu.memory_space<vmem>>, vector<16xi32>,
    %shift_right_logical3A_196 = arith.constant 1 : i32
    %shift_right_logical3A_197 = vector.broadcast %shift_right_logical3A_196 : i32 to vector<16xi32>
    %shift_right_logical3A_198 = arith.shrui %get3A_195, %shift_right_logical3A_197 : vector<16xi32>
    %swap3A_199 = arith.constant 144 : index
    %swap3A_200 = tpu.vector_load %arg14[%swap3A_199] {strides = array<i32>} : memref<256xi32, #tpu.memory_space<vmem>>, vector<16xi32>,
    tpu.vector_store %arg14[%swap3A_199], %shift_right_logical3A_198 {strides = array<i32>} : memref<256xi32, #tpu.memory_space<vmem>>, vector<16xi32>,
    %get3A_201 = arith.constant 144 : index
    %get3A_202 = tpu.vector_load %arg12[%get3A_201] {strides = array<i32>} : memref<512xi32, #tpu.memory_space<vmem>>, vector<16xi32>,
    %shift_right_logical3A_203 = arith.constant 1 : i32
    %shift_right_logical3A_204 = vector.broadcast %shift_right_logical3A_203 : i32 to vector<16xi32>
    %shift_right_logical3A_205 = arith.shrui %get3A_202, %shift_right_logical3A_204 : vector<16xi32>
    %swap3A_206 = arith.constant 144 : index
    %swap3A_207 = tpu.vector_load %arg15[%swap3A_206] {strides = array<i32>} : memref<256xi32, #tpu.memory_space<vmem>>, vector<16xi32>,
    tpu.vector_store %arg15[%swap3A_206], %shift_right_logical3A_205 {strides = array<i32>} : memref<256xi32, #tpu.memory_space<vmem>>, vector<16xi32>,
    %get3A_208 = arith.constant 144 : index
    %get3A_209 = tpu.vector_load %arg13[%get3A_208] {strides = array<i32>} : memref<512xi32, #tpu.memory_space<vmem>>, vector<16xi32>,
    %shift_right_logical3A_210 = arith.constant 1 : i32
    %shift_right_logical3A_211 = vector.broadcast %shift_right_logical3A_210 : i32 to vector<16xi32>
    %shift_right_logical3A_212 = arith.shrui %get3A_209, %shift_right_logical3A_211 : vector<16xi32>
    %swap3A_213 = arith.constant 144 : index
    %swap3A_214 = tpu.vector_load %arg16[%swap3A_213] {strides = array<i32>} : memref<256xi32, #tpu.memory_space<vmem>>, vector<16xi32>,
    tpu.vector_store %arg16[%swap3A_213], %shift_right_logical3A_212 {strides = array<i32>} : memref<256xi32, #tpu.memory_space<vmem>>, vector<16xi32>,
    %get3A_215 = arith.constant 160 : index
    %get3A_216 = tpu.vector_load %arg11[%get3A_215] {strides = array<i32>} : memref<512xi32, #tpu.memory_space<vmem>>, vector<16xi32>,
    %shift_right_logical3A_217 = arith.constant 1 : i32
    %shift_right_logical3A_218 = vector.broadcast %shift_right_logical3A_217 : i32 to vector<16xi32>
    %shift_right_logical3A_219 = arith.shrui %get3A_216, %shift_right_logical3A_218 : vector<16xi32>
    %swap3A_220 = arith.constant 160 : index
    %swap3A_221 = tpu.vector_load %arg14[%swap3A_220] {strides = array<i32>} : memref<256xi32, #tpu.memory_space<vmem>>, vector<16xi32>,
    tpu.vector_store %arg14[%swap3A_220], %shift_right_logical3A_219 {strides = array<i32>} : memref<256xi32, #tpu.memory_space<vmem>>, vector<16xi32>,
    %get3A_222 = arith.constant 160 : index
    %get3A_223 = tpu.vector_load %arg12[%get3A_222] {strides = array<i32>} : memref<512xi32, #tpu.memory_space<vmem>>, vector<16xi32>,
    %shift_right_logical3A_224 = arith.constant 1 : i32
    %shift_right_logical3A_225 = vector.broadcast %shift_right_logical3A_224 : i32 to vector<16xi32>
    %shift_right_logical3A_226 = arith.shrui %get3A_223, %shift_right_logical3A_225 : vector<16xi32>
    %swap3A_227 = arith.constant 160 : index
    %swap3A_228 = tpu.vector_load %arg15[%swap3A_227] {strides = array<i32>} : memref<256xi32, #tpu.memory_space<vmem>>, vector<16xi32>,
    tpu.vector_store %arg15[%swap3A_227], %shift_right_logical3A_226 {strides = array<i32>} : memref<256xi32, #tpu.memory_space<vmem>>, vector<16xi32>,
    %get3A_229 = arith.constant 160 : index
    %get3A_230 = tpu.vector_load %arg13[%get3A_229] {strides = array<i32>} : memref<512xi32, #tpu.memory_space<vmem>>, vector<16xi32>,
    %shift_right_logical3A_231 = arith.constant 1 : i32
    %shift_right_logical3A_232 = vector.broadcast %shift_right_logical3A_231 : i32 to vector<16xi32>
    %shift_right_logical3A_233 = arith.shrui %get3A_230, %shift_right_logical3A_232 : vector<16xi32>
    %swap3A_234 = arith.constant 160 : index
    %swap3A_235 = tpu.vector_load %arg16[%swap3A_234] {strides = array<i32>} : memref<256xi32, #tpu.memory_space<vmem>>, vector<16xi32>,
    tpu.vector_store %arg16[%swap3A_234], %shift_right_logical3A_233 {strides = array<i32>} : memref<256xi32, #tpu.memory_space<vmem>>, vector<16xi32>,
    %get3A_236 = arith.constant 176 : index
    %get3A_237 = tpu.vector_load %arg11[%get3A_236] {strides = array<i32>} : memref<512xi32, #tpu.memory_space<vmem>>, vector<16xi32>,
    %shift_right_logical3A_238 = arith.constant 1 : i32
    %shift_right_logical3A_239 = vector.broadcast %shift_right_logical3A_238 : i32 to vector<16xi32>
    %shift_right_logical3A_240 = arith.shrui %get3A_237, %shift_right_logical3A_239 : vector<16xi32>
    %swap3A_241 = arith.constant 176 : index
    %swap3A_242 = tpu.vector_load %arg14[%swap3A_241] {strides = array<i32>} : memref<256xi32, #tpu.memory_space<vmem>>, vector<16xi32>,
    tpu.vector_store %arg14[%swap3A_241], %shift_right_logical3A_240 {strides = array<i32>} : memref<256xi32, #tpu.memory_space<vmem>>, vector<16xi32>,
    %get3A_243 = arith.constant 176 : index
    %get3A_244 = tpu.vector_load %arg12[%get3A_243] {strides = array<i32>} : memref<512xi32, #tpu.memory_space<vmem>>, vector<16xi32>,
    %shift_right_logical3A_245 = arith.constant 1 : i32
    %shift_right_logical3A_246 = vector.broadcast %shift_right_logical3A_245 : i32 to vector<16xi32>
    %shift_right_logical3A_247 = arith.shrui %get3A_244, %shift_right_logical3A_246 : vector<16xi32>
    %swap3A_248 = arith.constant 176 : index
    %swap3A_249 = tpu.vector_load %arg15[%swap3A_248] {strides = array<i32>} : memref<256xi32, #tpu.memory_space<vmem>>, vector<16xi32>,
    tpu.vector_store %arg15[%swap3A_248], %shift_right_logical3A_247 {strides = array<i32>} : memref<256xi32, #tpu.memory_space<vmem>>, vector<16xi32>,
    %get3A_250 = arith.constant 176 : index
    %get3A_251 = tpu.vector_load %arg13[%get3A_250] {strides = array<i32>} : memref<512xi32, #tpu.memory_space<vmem>>, vector<16xi32>,
    %shift_right_logical3A_252 = arith.constant 1 : i32
    %shift_right_logical3A_253 = vector.broadcast %shift_right_logical3A_252 : i32 to vector<16xi32>
    %shift_right_logical3A_254 = arith.shrui %get3A_251, %shift_right_logical3A_253 : vector<16xi32>
    %swap3A_255 = arith.constant 176 : index
    %swap3A_256 = tpu.vector_load %arg16[%swap3A_255] {strides = array<i32>} : memref<256xi32, #tpu.memory_space<vmem>>, vector<16xi32>,
    tpu.vector_store %arg16[%swap3A_255], %shift_right_logical3A_254 {strides = array<i32>} : memref<256xi32, #tpu.memory_space<vmem>>, vector<16xi32>,
    %get3A_257 = arith.constant 192 : index
    %get3A_258 = tpu.vector_load %arg11[%get3A_257] {strides = array<i32>} : memref<512xi32, #tpu.memory_space<vmem>>, vector<16xi32>,
    %shift_right_logical3A_259 = arith.constant 1 : i32
    %shift_right_logical3A_260 = vector.broadcast %shift_right_logical3A_259 : i32 to vector<16xi32>
    %shift_right_logical3A_261 = arith.shrui %get3A_258, %shift_right_logical3A_260 : vector<16xi32>
    %swap3A_262 = arith.constant 192 : index
    %swap3A_263 = tpu.vector_load %arg14[%swap3A_262] {strides = array<i32>} : memref<256xi32, #tpu.memory_space<vmem>>, vector<16xi32>,
    tpu.vector_store %arg14[%swap3A_262], %shift_right_logical3A_261 {strides = array<i32>} : memref<256xi32, #tpu.memory_space<vmem>>, vector<16xi32>,
    %get3A_264 = arith.constant 192 : index
    %get3A_265 = tpu.vector_load %arg12[%get3A_264] {strides = array<i32>} : memref<512xi32, #tpu.memory_space<vmem>>, vector<16xi32>,
    %shift_right_logical3A_266 = arith.constant 1 : i32
    %shift_right_logical3A_267 = vector.broadcast %shift_right_logical3A_266 : i32 to vector<16xi32>
    %shift_right_logical3A_268 = arith.shrui %get3A_265, %shift_right_logical3A_267 : vector<16xi32>
    %swap3A_269 = arith.constant 192 : index
    %swap3A_270 = tpu.vector_load %arg15[%swap3A_269] {strides = array<i32>} : memref<256xi32, #tpu.memory_space<vmem>>, vector<16xi32>,
    tpu.vector_store %arg15[%swap3A_269], %shift_right_logical3A_268 {strides = array<i32>} : memref<256xi32, #tpu.memory_space<vmem>>, vector<16xi32>,
    %get3A_271 = arith.constant 192 : index
    %get3A_272 = tpu.vector_load %arg13[%get3A_271] {strides = array<i32>} : memref<512xi32, #tpu.memory_space<vmem>>, vector<16xi32>,
    %shift_right_logical3A_273 = arith.constant 1 : i32
    %shift_right_logical3A_274 = vector.broadcast %shift_right_logical3A_273 : i32 to vector<16xi32>
    %shift_right_logical3A_275 = arith.shrui %get3A_272, %shift_right_logical3A_274 : vector<16xi32>
    %swap3A_276 = arith.constant 192 : index
    %swap3A_277 = tpu.vector_load %arg16[%swap3A_276] {strides = array<i32>} : memref<256xi32, #tpu.memory_space<vmem>>, vector<16xi32>,
    tpu.vector_store %arg16[%swap3A_276], %shift_right_logical3A_275 {strides = array<i32>} : memref<256xi32, #tpu.memory_space<vmem>>, vector<16xi32>,
    %get3A_278 = arith.constant 208 : index
    %get3A_279 = tpu.vector_load %arg11[%get3A_278] {strides = array<i32>} : memref<512xi32, #tpu.memory_space<vmem>>, vector<16xi32>,
    %shift_right_logical3A_280 = arith.constant 1 : i32
    %shift_right_logical3A_281 = vector.broadcast %shift_right_logical3A_280 : i32 to vector<16xi32>
    %shift_right_logical3A_282 = arith.shrui %get3A_279, %shift_right_logical3A_281 : vector<16xi32>
    %swap3A_283 = arith.constant 208 : index
    %swap3A_284 = tpu.vector_load %arg14[%swap3A_283] {strides = array<i32>} : memref<256xi32, #tpu.memory_space<vmem>>, vector<16xi32>,
    tpu.vector_store %arg14[%swap3A_283], %shift_right_logical3A_282 {strides = array<i32>} : memref<256xi32, #tpu.memory_space<vmem>>, vector<16xi32>,
    %get3A_285 = arith.constant 208 : index
    %get3A_286 = tpu.vector_load %arg12[%get3A_285] {strides = array<i32>} : memref<512xi32, #tpu.memory_space<vmem>>, vector<16xi32>,
    %shift_right_logical3A_287 = arith.constant 1 : i32
    %shift_right_logical3A_288 = vector.broadcast %shift_right_logical3A_287 : i32 to vector<16xi32>
    %shift_right_logical3A_289 = arith.shrui %get3A_286, %shift_right_logical3A_288 : vector<16xi32>
    %swap3A_290 = arith.constant 208 : index
    %swap3A_291 = tpu.vector_load %arg15[%swap3A_290] {strides = array<i32>} : memref<256xi32, #tpu.memory_space<vmem>>, vector<16xi32>,
    tpu.vector_store %arg15[%swap3A_290], %shift_right_logical3A_289 {strides = array<i32>} : memref<256xi32, #tpu.memory_space<vmem>>, vector<16xi32>,
    %get3A_292 = arith.constant 208 : index
    %get3A_293 = tpu.vector_load %arg13[%get3A_292] {strides = array<i32>} : memref<512xi32, #tpu.memory_space<vmem>>, vector<16xi32>,
    %shift_right_logical3A_294 = arith.constant 1 : i32
    %shift_right_logical3A_295 = vector.broadcast %shift_right_logical3A_294 : i32 to vector<16xi32>
    %shift_right_logical3A_296 = arith.shrui %get3A_293, %shift_right_logical3A_295 : vector<16xi32>
    %swap3A_297 = arith.constant 208 : index
    %swap3A_298 = tpu.vector_load %arg16[%swap3A_297] {strides = array<i32>} : memref<256xi32, #tpu.memory_space<vmem>>, vector<16xi32>,
    tpu.vector_store %arg16[%swap3A_297], %shift_right_logical3A_296 {strides = array<i32>} : memref<256xi32, #tpu.memory_space<vmem>>, vector<16xi32>,
    %get3A_299 = arith.constant 224 : index
    %get3A_300 = tpu.vector_load %arg11[%get3A_299] {strides = array<i32>} : memref<512xi32, #tpu.memory_space<vmem>>, vector<16xi32>,
    %shift_right_logical3A_301 = arith.constant 1 : i32
    %shift_right_logical3A_302 = vector.broadcast %shift_right_logical3A_301 : i32 to vector<16xi32>
    %shift_right_logical3A_303 = arith.shrui %get3A_300, %shift_right_logical3A_302 : vector<16xi32>
    %swap3A_304 = arith.constant 224 : index
    %swap3A_305 = tpu.vector_load %arg14[%swap3A_304] {strides = array<i32>} : memref<256xi32, #tpu.memory_space<vmem>>, vector<16xi32>,
    tpu.vector_store %arg14[%swap3A_304], %shift_right_logical3A_303 {strides = array<i32>} : memref<256xi32, #tpu.memory_space<vmem>>, vector<16xi32>,
    %get3A_306 = arith.constant 224 : index
    %get3A_307 = tpu.vector_load %arg12[%get3A_306] {strides = array<i32>} : memref<512xi32, #tpu.memory_space<vmem>>, vector<16xi32>,
    %shift_right_logical3A_308 = arith.constant 1 : i32
    %shift_right_logical3A_309 = vector.broadcast %shift_right_logical3A_308 : i32 to vector<16xi32>
    %shift_right_logical3A_310 = arith.shrui %get3A_307, %shift_right_logical3A_309 : vector<16xi32>
    %swap3A_311 = arith.constant 224 : index
    %swap3A_312 = tpu.vector_load %arg15[%swap3A_311] {strides = array<i32>} : memref<256xi32, #tpu.memory_space<vmem>>, vector<16xi32>,
    tpu.vector_store %arg15[%swap3A_311], %shift_right_logical3A_310 {strides = array<i32>} : memref<256xi32, #tpu.memory_space<vmem>>, vector<16xi32>,
    %get3A_313 = arith.constant 224 : index
    %get3A_314 = tpu.vector_load %arg13[%get3A_313] {strides = array<i32>} : memref<512xi32, #tpu.memory_space<vmem>>, vector<16xi32>,
    %shift_right_logical3A_315 = arith.constant 1 : i32
    %shift_right_logical3A_316 = vector.broadcast %shift_right_logical3A_315 : i32 to vector<16xi32>
    %shift_right_logical3A_317 = arith.shrui %get3A_314, %shift_right_logical3A_316 : vector<16xi32>
    %swap3A_318 = arith.constant 224 : index
    %swap3A_319 = tpu.vector_load %arg16[%swap3A_318] {strides = array<i32>} : memref<256xi32, #tpu.memory_space<vmem>>, vector<16xi32>,
    tpu.vector_store %arg16[%swap3A_318], %shift_right_logical3A_317 {strides = array<i32>} : memref<256xi32, #tpu.memory_space<vmem>>, vector<16xi32>,
    %get3A_320 = arith.constant 240 : index
    %get3A_321 = tpu.vector_load %arg11[%get3A_320] {strides = array<i32>} : memref<512xi32, #tpu.memory_space<vmem>>, vector<16xi32>,
    %shift_right_logical3A_322 = arith.constant 1 : i32
    %shift_right_logical3A_323 = vector.broadcast %shift_right_logical3A_322 : i32 to vector<16xi32>
    %shift_right_logical3A_324 = arith.shrui %get3A_321, %shift_right_logical3A_323 : vector<16xi32>
    %swap3A_325 = arith.constant 240 : index
    %swap3A_326 = tpu.vector_load %arg14[%swap3A_325] {strides = array<i32>} : memref<256xi32, #tpu.memory_space<vmem>>, vector<16xi32>,
    tpu.vector_store %arg14[%swap3A_325], %shift_right_logical3A_324 {strides = array<i32>} : memref<256xi32, #tpu.memory_space<vmem>>, vector<16xi32>,
    %get3A_327 = arith.constant 240 : index
    %get3A_328 = tpu.vector_load %arg12[%get3A_327] {strides = array<i32>} : memref<512xi32, #tpu.memory_space<vmem>>, vector<16xi32>,
    %shift_right_logical3A_329 = arith.constant 1 : i32
    %shift_right_logical3A_330 = vector.broadcast %shift_right_logical3A_329 : i32 to vector<16xi32>
    %shift_right_logical3A_331 = arith.shrui %get3A_328, %shift_right_logical3A_330 : vector<16xi32>
    %swap3A_332 = arith.constant 240 : index
    %swap3A_333 = tpu.vector_load %arg15[%swap3A_332] {strides = array<i32>} : memref<256xi32, #tpu.memory_space<vmem>>, vector<16xi32>,
    tpu.vector_store %arg15[%swap3A_332], %shift_right_logical3A_331 {strides = array<i32>} : memref<256xi32, #tpu.memory_space<vmem>>, vector<16xi32>,
    %get3A_334 = arith.constant 240 : index
    %get3A_335 = tpu.vector_load %arg13[%get3A_334] {strides = array<i32>} : memref<512xi32, #tpu.memory_space<vmem>>, vector<16xi32>,
    %shift_right_logical3A_336 = arith.constant 1 : i32
    %shift_right_logical3A_337 = vector.broadcast %shift_right_logical3A_336 : i32 to vector<16xi32>
    %shift_right_logical3A_338 = arith.shrui %get3A_335, %shift_right_logical3A_337 : vector<16xi32>
    %swap3A_339 = arith.constant 240 : index
    %swap3A_340 = tpu.vector_load %arg16[%swap3A_339] {strides = array<i32>} : memref<256xi32, #tpu.memory_space<vmem>>, vector<16xi32>,
    tpu.vector_store %arg16[%swap3A_339], %shift_right_logical3A_338 {strides = array<i32>} : memref<256xi32, #tpu.memory_space<vmem>>, vector<16xi32>,
    %dma_start3A_341 = arith.constant 0 : i32
    %dma_start3A_342 = arith.constant 0 : i32
    %dma_start3A_343 = tpu.memref_slice %arg5[%dma_start3A_341, %dma_start3A_342] : memref<500000x128xf32, #tpu.memory_space<hbm>> -> memref<500000x128xf32, #tpu.memory_space<hbm>>
    tpu.enqueue_indirect_dma source(%dma_start3A_343 : memref<500000x128xf32, #tpu.memory_space<hbm>>) target(%arg17 : memref<256x128xf32, #tpu.memory_space<vmem>>) offsets(%arg14 : memref<256xi32, #tpu.memory_space<vmem>>) semaphore(%arg25 : memref<!tpu.dma_semaphore, #tpu.memory_space<semaphore_mem>>)
    %dma_start3A_344 = arith.constant 0 : i32
    %dma_start3A_345 = arith.constant 0 : i32
    %dma_start3A_346 = tpu.memref_slice %arg6[%dma_start3A_344, %dma_start3A_345] : memref<500000x128xf32, #tpu.memory_space<hbm>> -> memref<500000x128xf32, #tpu.memory_space<hbm>>
    tpu.enqueue_indirect_dma source(%dma_start3A_346 : memref<500000x128xf32, #tpu.memory_space<hbm>>) target(%arg18 : memref<256x128xf32, #tpu.memory_space<vmem>>) offsets(%arg15 : memref<256xi32, #tpu.memory_space<vmem>>) semaphore(%arg25 : memref<!tpu.dma_semaphore, #tpu.memory_space<semaphore_mem>>)
    %dma_start3A_347 = arith.constant 0 : i32
    %dma_start3A_348 = arith.constant 0 : i32
    %dma_start3A_349 = tpu.memref_slice %arg6[%dma_start3A_347, %dma_start3A_348] : memref<500000x128xf32, #tpu.memory_space<hbm>> -> memref<500000x128xf32, #tpu.memory_space<hbm>>
    tpu.enqueue_indirect_dma source(%dma_start3A_349 : memref<500000x128xf32, #tpu.memory_space<hbm>>) target(%arg19 : memref<256x128xf32, #tpu.memory_space<vmem>>) offsets(%arg16 : memref<256xi32, #tpu.memory_space<vmem>>) semaphore(%arg25 : memref<!tpu.dma_semaphore, #tpu.memory_space<semaphore_mem>>)
    %dma_wait3A = arith.constant 0 : i32
    %dma_wait3A_350 = tpu.memref_slice %arg7[%dma_wait3A] : memref<1000000xf32, #tpu.memory_space<hbm>> -> memref<1000000xf32, #tpu.memory_space<hbm>>
    tpu.wait_indirect_dma semaphore(%arg25 : memref<!tpu.dma_semaphore, #tpu.memory_space<semaphore_mem>>) src(%dma_wait3A_350 : memref<1000000xf32, #tpu.memory_space<hbm>>) dst(%arg20 : memref<512xf32, #tpu.memory_space<vmem>>)
    %dma_wait3A_351 = arith.constant 0 : i32
    %dma_wait3A_352 = tpu.memref_slice %arg8[%dma_wait3A_351] : memref<1000000xf32, #tpu.memory_space<hbm>> -> memref<1000000xf32, #tpu.memory_space<hbm>>
    tpu.wait_indirect_dma semaphore(%arg25 : memref<!tpu.dma_semaphore, #tpu.memory_space<semaphore_mem>>) src(%dma_wait3A_352 : memref<1000000xf32, #tpu.memory_space<hbm>>) dst(%arg21 : memref<512xf32, #tpu.memory_space<vmem>>)
    %dma_wait3A_353 = arith.constant 0 : i32
    %dma_wait3A_354 = tpu.memref_slice %arg8[%dma_wait3A_353] : memref<1000000xf32, #tpu.memory_space<hbm>> -> memref<1000000xf32, #tpu.memory_space<hbm>>
    tpu.wait_indirect_dma semaphore(%arg25 : memref<!tpu.dma_semaphore, #tpu.memory_space<semaphore_mem>>) src(%dma_wait3A_354 : memref<1000000xf32, #tpu.memory_space<hbm>>) dst(%arg22 : memref<512xf32, #tpu.memory_space<vmem>>)
    %dma_wait3A_355 = arith.constant 0 : i32
    %dma_wait3A_356 = arith.constant 0 : i32
    %dma_wait3A_357 = tpu.memref_slice %arg5[%dma_wait3A_355, %dma_wait3A_356] : memref<500000x128xf32, #tpu.memory_space<hbm>> -> memref<500000x128xf32, #tpu.memory_space<hbm>>
    tpu.wait_indirect_dma semaphore(%arg25 : memref<!tpu.dma_semaphore, #tpu.memory_space<semaphore_mem>>) src(%dma_wait3A_357 : memref<500000x128xf32, #tpu.memory_space<hbm>>) dst(%arg17 : memref<256x128xf32, #tpu.memory_space<vmem>>)
    %dma_wait3A_358 = arith.constant 0 : i32
    %dma_wait3A_359 = arith.constant 0 : i32
    %dma_wait3A_360 = tpu.memref_slice %arg6[%dma_wait3A_358, %dma_wait3A_359] : memref<500000x128xf32, #tpu.memory_space<hbm>> -> memref<500000x128xf32, #tpu.memory_space<hbm>>
    tpu.wait_indirect_dma semaphore(%arg25 : memref<!tpu.dma_semaphore, #tpu.memory_space<semaphore_mem>>) src(%dma_wait3A_360 : memref<500000x128xf32, #tpu.memory_space<hbm>>) dst(%arg18 : memref<256x128xf32, #tpu.memory_space<vmem>>)
    %dma_wait3A_361 = arith.constant 0 : i32
    %dma_wait3A_362 = arith.constant 0 : i32
    %dma_wait3A_363 = tpu.memref_slice %arg6[%dma_wait3A_361, %dma_wait3A_362] : memref<500000x128xf32, #tpu.memory_space<hbm>> -> memref<500000x128xf32, #tpu.memory_space<hbm>>
    tpu.wait_indirect_dma semaphore(%arg25 : memref<!tpu.dma_semaphore, #tpu.memory_space<semaphore_mem>>) src(%dma_wait3A_363 : memref<500000x128xf32, #tpu.memory_space<hbm>>) dst(%arg19 : memref<256x128xf32, #tpu.memory_space<vmem>>)
    %scan3A = arith.constant 0 : i32
    %scan3A_364 = arith.constant 0 : i32
    %scan3A_365 = arith.constant 16 : i32
    %scan3A_366 = arith.addi %scan3A_364, %scan3A_365 : i32
    %scan3A_367 = arith.constant 1 : i32
    scf.for %scan3A_729 = %scan3A_364 to %scan3A_366 step %scan3A_367  : i32 {
      %mul3A_730 = arith.constant 16 : i32
      %mul3A_731 = arith.muli %scan3A_729, %mul3A_730 : i32
      %add3A_732 = arith.constant 0 : i32
      %add3A_733 = arith.addi %add3A_732, %mul3A_731 : i32
      %mul3A_734 = arith.constant 16 : i32
      %mul3A_735 = arith.muli %scan3A_729, %mul3A_734 : i32
      %add3A_736 = vector.broadcast %mul3A_735 : i32 to vector<16xi32>
      %add3A_737 = arith.addi %add3A_736, %iota3A : vector<16xi32>
      %get3A_738 = arith.index_cast %add3A_733 : i32 to index
      %get3A_739 = tpu.vector_load %arg11[%get3A_738] {strides = array<i32>} : memref<512xi32, #tpu.memory_space<vmem>>, vector<16xi32>,
      %and3A = arith.constant 1 : i32
      %and3A_740 = vector.broadcast %and3A : i32 to vector<16xi32>
      %and3A_741 = arith.andi %get3A_739, %and3A_740 : vector<16xi32>
      %mul3A_742 = arith.constant 64 : i32
      %mul3A_743 = vector.broadcast %mul3A_742 : i32 to vector<16xi32>
      %mul3A_744 = arith.muli %and3A_741, %mul3A_743 : vector<16xi32>
      %get3A_745 = arith.index_cast %add3A_733 : i32 to index
      %get3A_746 = tpu.vector_load %arg12[%get3A_745] {strides = array<i32>} : memref<512xi32, #tpu.memory_space<vmem>>, vector<16xi32>,
      %and3A_747 = arith.constant 1 : i32
      %and3A_748 = vector.broadcast %and3A_747 : i32 to vector<16xi32>
      %and3A_749 = arith.andi %get3A_746, %and3A_748 : vector<16xi32>
      %mul3A_750 = arith.constant 64 : i32
      %mul3A_751 = vector.broadcast %mul3A_750 : i32 to vector<16xi32>
      %mul3A_752 = arith.muli %and3A_749, %mul3A_751 : vector<16xi32>
      %get3A_753 = arith.index_cast %add3A_733 : i32 to index
      %get3A_754 = tpu.vector_load %arg13[%get3A_753] {strides = array<i32>} : memref<512xi32, #tpu.memory_space<vmem>>, vector<16xi32>,
      %and3A_755 = arith.constant 1 : i32
      %and3A_756 = vector.broadcast %and3A_755 : i32 to vector<16xi32>
      %and3A_757 = arith.andi %get3A_754, %and3A_756 : vector<16xi32>
      %mul3A_758 = arith.constant 64 : i32
      %mul3A_759 = vector.broadcast %mul3A_758 : i32 to vector<16xi32>
      %mul3A_760 = arith.muli %and3A_757, %mul3A_759 : vector<16xi32>
      %get3A_761 = arith.index_cast %add3A_733 : i32 to index
      %get3A_762 = tpu.vector_load %arg20[%get3A_761] {strides = array<i32>} : memref<512xf32, #tpu.memory_space<vmem>>, vector<16xf32>,
      %get3A_763 = arith.index_cast %add3A_733 : i32 to index
      %get3A_764 = tpu.vector_load %arg21[%get3A_763] {strides = array<i32>} : memref<512xf32, #tpu.memory_space<vmem>>, vector<16xf32>,
      %add3A_765 = arith.addf %get3A_762, %get3A_764 : vector<16xf32>
      %get3A_766 = arith.index_cast %add3A_733 : i32 to index
      %get3A_767 = tpu.vector_load %arg22[%get3A_766] {strides = array<i32>} : memref<512xf32, #tpu.memory_space<vmem>>, vector<16xf32>,
      %add3A_768 = arith.addf %get3A_762, %get3A_767 : vector<16xf32>
      %add3A_769 = arith.constant 0 : i32
      %add3A_770 = vector.broadcast %add3A_769 : i32 to vector<16xi32>
      %add3A_771 = arith.addi %iota3A, %add3A_770 : vector<16xi32>
      %and3A_772 = arith.constant 63 : i32
      %and3A_773 = vector.broadcast %and3A_772 : i32 to vector<16xi32>
      %and3A_774 = arith.andi %add3A_771, %and3A_773 : vector<16xi32>
      %add3A_775 = arith.addi %mul3A_744, %and3A_774 : vector<16xi32>
      %gather3A = tpu.vector_load_idx %arg17[%add3A_737, %add3A_775] : memref<256x128xf32, #tpu.memory_space<vmem>>[vector<16xi32>, vector<16xi32>], vector<16xf32>,
      %add3A_776 = arith.addi %mul3A_752, %and3A_774 : vector<16xi32>
      %gather3A_777 = tpu.vector_load_idx %arg18[%add3A_737, %add3A_776] : memref<256x128xf32, #tpu.memory_space<vmem>>[vector<16xi32>, vector<16xi32>], vector<16xf32>,
      %add3A_778 = arith.addi %mul3A_760, %and3A_774 : vector<16xi32>
      %gather3A_779 = tpu.vector_load_idx %arg19[%add3A_737, %add3A_778] : memref<256x128xf32, #tpu.memory_space<vmem>>[vector<16xi32>, vector<16xi32>], vector<16xf32>,
      %mul3A_780 = arith.mulf %gather3A, %gather3A_777 : vector<16xf32>
      %add3A_781 = arith.addf %add3A_765, %mul3A_780 : vector<16xf32>
      %mul3A_782 = arith.mulf %gather3A, %gather3A_779 : vector<16xf32>
      %add3A_783 = arith.addf %add3A_768, %mul3A_782 : vector<16xf32>
      %add3A_784 = arith.constant 1 : i32
      %add3A_785 = vector.broadcast %add3A_784 : i32 to vector<16xi32>
      %add3A_786 = arith.addi %iota3A, %add3A_785 : vector<16xi32>
      %and3A_787 = arith.constant 63 : i32
      %and3A_788 = vector.broadcast %and3A_787 : i32 to vector<16xi32>
      %and3A_789 = arith.andi %add3A_786, %and3A_788 : vector<16xi32>
      %add3A_790 = arith.addi %mul3A_744, %and3A_789 : vector<16xi32>
      %gather3A_791 = tpu.vector_load_idx %arg17[%add3A_737, %add3A_790] : memref<256x128xf32, #tpu.memory_space<vmem>>[vector<16xi32>, vector<16xi32>], vector<16xf32>,
      %add3A_792 = arith.addi %mul3A_752, %and3A_789 : vector<16xi32>
      %gather3A_793 = tpu.vector_load_idx %arg18[%add3A_737, %add3A_792] : memref<256x128xf32, #tpu.memory_space<vmem>>[vector<16xi32>, vector<16xi32>], vector<16xf32>,
      %add3A_794 = arith.addi %mul3A_760, %and3A_789 : vector<16xi32>
      %gather3A_795 = tpu.vector_load_idx %arg19[%add3A_737, %add3A_794] : memref<256x128xf32, #tpu.memory_space<vmem>>[vector<16xi32>, vector<16xi32>], vector<16xf32>,
      %mul3A_796 = arith.mulf %gather3A_791, %gather3A_793 : vector<16xf32>
      %add3A_797 = arith.addf %add3A_781, %mul3A_796 : vector<16xf32>
      %mul3A_798 = arith.mulf %gather3A_791, %gather3A_795 : vector<16xf32>
      %add3A_799 = arith.addf %add3A_783, %mul3A_798 : vector<16xf32>
      %add3A_800 = arith.constant 2 : i32
      %add3A_801 = vector.broadcast %add3A_800 : i32 to vector<16xi32>
      %add3A_802 = arith.addi %iota3A, %add3A_801 : vector<16xi32>
      %and3A_803 = arith.constant 63 : i32
      %and3A_804 = vector.broadcast %and3A_803 : i32 to vector<16xi32>
      %and3A_805 = arith.andi %add3A_802, %and3A_804 : vector<16xi32>
      %add3A_806 = arith.addi %mul3A_744, %and3A_805 : vector<16xi32>
      %gather3A_807 = tpu.vector_load_idx %arg17[%add3A_737, %add3A_806] : memref<256x128xf32, #tpu.memory_space<vmem>>[vector<16xi32>, vector<16xi32>], vector<16xf32>,
      %add3A_808 = arith.addi %mul3A_752, %and3A_805 : vector<16xi32>
      %gather3A_809 = tpu.vector_load_idx %arg18[%add3A_737, %add3A_808] : memref<256x128xf32, #tpu.memory_space<vmem>>[vector<16xi32>, vector<16xi32>], vector<16xf32>,
      %add3A_810 = arith.addi %mul3A_760, %and3A_805 : vector<16xi32>
      %gather3A_811 = tpu.vector_load_idx %arg19[%add3A_737, %add3A_810] : memref<256x128xf32, #tpu.memory_space<vmem>>[vector<16xi32>, vector<16xi32>], vector<16xf32>,
      %mul3A_812 = arith.mulf %gather3A_807, %gather3A_809 : vector<16xf32>
      %add3A_813 = arith.addf %add3A_797, %mul3A_812 : vector<16xf32>
      %mul3A_814 = arith.mulf %gather3A_807, %gather3A_811 : vector<16xf32>
      %add3A_815 = arith.addf %add3A_799, %mul3A_814 : vector<16xf32>
      %add3A_816 = arith.constant 3 : i32
      %add3A_817 = vector.broadcast %add3A_816 : i32 to vector<16xi32>
      %add3A_818 = arith.addi %iota3A, %add3A_817 : vector<16xi32>
      %and3A_819 = arith.constant 63 : i32
      %and3A_820 = vector.broadcast %and3A_819 : i32 to vector<16xi32>
      %and3A_821 = arith.andi %add3A_818, %and3A_820 : vector<16xi32>
      %add3A_822 = arith.addi %mul3A_744, %and3A_821 : vector<16xi32>
      %gather3A_823 = tpu.vector_load_idx %arg17[%add3A_737, %add3A_822] : memref<256x128xf32, #tpu.memory_space<vmem>>[vector<16xi32>, vector<16xi32>], vector<16xf32>,
      %add3A_824 = arith.addi %mul3A_752, %and3A_821 : vector<16xi32>
      %gather3A_825 = tpu.vector_load_idx %arg18[%add3A_737, %add3A_824] : memref<256x128xf32, #tpu.memory_space<vmem>>[vector<16xi32>, vector<16xi32>], vector<16xf32>,
      %add3A_826 = arith.addi %mul3A_760, %and3A_821 : vector<16xi32>
      %gather3A_827 = tpu.vector_load_idx %arg19[%add3A_737, %add3A_826] : memref<256x128xf32, #tpu.memory_space<vmem>>[vector<16xi32>, vector<16xi32>], vector<16xf32>,
      %mul3A_828 = arith.mulf %gather3A_823, %gather3A_825 : vector<16xf32>
      %add3A_829 = arith.addf %add3A_813, %mul3A_828 : vector<16xf32>
      %mul3A_830 = arith.mulf %gather3A_823, %gather3A_827 : vector<16xf32>
      %add3A_831 = arith.addf %add3A_815, %mul3A_830 : vector<16xf32>
      %add3A_832 = arith.constant 4 : i32
      %add3A_833 = vector.broadcast %add3A_832 : i32 to vector<16xi32>
      %add3A_834 = arith.addi %iota3A, %add3A_833 : vector<16xi32>
      %and3A_835 = arith.constant 63 : i32
      %and3A_836 = vector.broadcast %and3A_835 : i32 to vector<16xi32>
      %and3A_837 = arith.andi %add3A_834, %and3A_836 : vector<16xi32>
      %add3A_838 = arith.addi %mul3A_744, %and3A_837 : vector<16xi32>
      %gather3A_839 = tpu.vector_load_idx %arg17[%add3A_737, %add3A_838] : memref<256x128xf32, #tpu.memory_space<vmem>>[vector<16xi32>, vector<16xi32>], vector<16xf32>,
      %add3A_840 = arith.addi %mul3A_752, %and3A_837 : vector<16xi32>
      %gather3A_841 = tpu.vector_load_idx %arg18[%add3A_737, %add3A_840] : memref<256x128xf32, #tpu.memory_space<vmem>>[vector<16xi32>, vector<16xi32>], vector<16xf32>,
      %add3A_842 = arith.addi %mul3A_760, %and3A_837 : vector<16xi32>
      %gather3A_843 = tpu.vector_load_idx %arg19[%add3A_737, %add3A_842] : memref<256x128xf32, #tpu.memory_space<vmem>>[vector<16xi32>, vector<16xi32>], vector<16xf32>,
      %mul3A_844 = arith.mulf %gather3A_839, %gather3A_841 : vector<16xf32>
      %add3A_845 = arith.addf %add3A_829, %mul3A_844 : vector<16xf32>
      %mul3A_846 = arith.mulf %gather3A_839, %gather3A_843 : vector<16xf32>
      %add3A_847 = arith.addf %add3A_831, %mul3A_846 : vector<16xf32>
      %add3A_848 = arith.constant 5 : i32
      %add3A_849 = vector.broadcast %add3A_848 : i32 to vector<16xi32>
      %add3A_850 = arith.addi %iota3A, %add3A_849 : vector<16xi32>
      %and3A_851 = arith.constant 63 : i32
      %and3A_852 = vector.broadcast %and3A_851 : i32 to vector<16xi32>
      %and3A_853 = arith.andi %add3A_850, %and3A_852 : vector<16xi32>
      %add3A_854 = arith.addi %mul3A_744, %and3A_853 : vector<16xi32>
      %gather3A_855 = tpu.vector_load_idx %arg17[%add3A_737, %add3A_854] : memref<256x128xf32, #tpu.memory_space<vmem>>[vector<16xi32>, vector<16xi32>], vector<16xf32>,
      %add3A_856 = arith.addi %mul3A_752, %and3A_853 : vector<16xi32>
      %gather3A_857 = tpu.vector_load_idx %arg18[%add3A_737, %add3A_856] : memref<256x128xf32, #tpu.memory_space<vmem>>[vector<16xi32>, vector<16xi32>], vector<16xf32>,
      %add3A_858 = arith.addi %mul3A_760, %and3A_853 : vector<16xi32>
      %gather3A_859 = tpu.vector_load_idx %arg19[%add3A_737, %add3A_858] : memref<256x128xf32, #tpu.memory_space<vmem>>[vector<16xi32>, vector<16xi32>], vector<16xf32>,
      %mul3A_860 = arith.mulf %gather3A_855, %gather3A_857 : vector<16xf32>
      %add3A_861 = arith.addf %add3A_845, %mul3A_860 : vector<16xf32>
      %mul3A_862 = arith.mulf %gather3A_855, %gather3A_859 : vector<16xf32>
      %add3A_863 = arith.addf %add3A_847, %mul3A_862 : vector<16xf32>
      %add3A_864 = arith.constant 6 : i32
      %add3A_865 = vector.broadcast %add3A_864 : i32 to vector<16xi32>
      %add3A_866 = arith.addi %iota3A, %add3A_865 : vector<16xi32>
      %and3A_867 = arith.constant 63 : i32
      %and3A_868 = vector.broadcast %and3A_867 : i32 to vector<16xi32>
      %and3A_869 = arith.andi %add3A_866, %and3A_868 : vector<16xi32>
      %add3A_870 = arith.addi %mul3A_744, %and3A_869 : vector<16xi32>
      %gather3A_871 = tpu.vector_load_idx %arg17[%add3A_737, %add3A_870] : memref<256x128xf32, #tpu.memory_space<vmem>>[vector<16xi32>, vector<16xi32>], vector<16xf32>,
      %add3A_872 = arith.addi %mul3A_752, %and3A_869 : vector<16xi32>
      %gather3A_873 = tpu.vector_load_idx %arg18[%add3A_737, %add3A_872] : memref<256x128xf32, #tpu.memory_space<vmem>>[vector<16xi32>, vector<16xi32>], vector<16xf32>,
      %add3A_874 = arith.addi %mul3A_760, %and3A_869 : vector<16xi32>
      %gather3A_875 = tpu.vector_load_idx %arg19[%add3A_737, %add3A_874] : memref<256x128xf32, #tpu.memory_space<vmem>>[vector<16xi32>, vector<16xi32>], vector<16xf32>,
      %mul3A_876 = arith.mulf %gather3A_871, %gather3A_873 : vector<16xf32>
      %add3A_877 = arith.addf %add3A_861, %mul3A_876 : vector<16xf32>
      %mul3A_878 = arith.mulf %gather3A_871, %gather3A_875 : vector<16xf32>
      %add3A_879 = arith.addf %add3A_863, %mul3A_878 : vector<16xf32>
      %add3A_880 = arith.constant 7 : i32
      %add3A_881 = vector.broadcast %add3A_880 : i32 to vector<16xi32>
      %add3A_882 = arith.addi %iota3A, %add3A_881 : vector<16xi32>
      %and3A_883 = arith.constant 63 : i32
      %and3A_884 = vector.broadcast %and3A_883 : i32 to vector<16xi32>
      %and3A_885 = arith.andi %add3A_882, %and3A_884 : vector<16xi32>
      %add3A_886 = arith.addi %mul3A_744, %and3A_885 : vector<16xi32>
      %gather3A_887 = tpu.vector_load_idx %arg17[%add3A_737, %add3A_886] : memref<256x128xf32, #tpu.memory_space<vmem>>[vector<16xi32>, vector<16xi32>], vector<16xf32>,
      %add3A_888 = arith.addi %mul3A_752, %and3A_885 : vector<16xi32>
      %gather3A_889 = tpu.vector_load_idx %arg18[%add3A_737, %add3A_888] : memref<256x128xf32, #tpu.memory_space<vmem>>[vector<16xi32>, vector<16xi32>], vector<16xf32>,
      %add3A_890 = arith.addi %mul3A_760, %and3A_885 : vector<16xi32>
      %gather3A_891 = tpu.vector_load_idx %arg19[%add3A_737, %add3A_890] : memref<256x128xf32, #tpu.memory_space<vmem>>[vector<16xi32>, vector<16xi32>], vector<16xf32>,
      %mul3A_892 = arith.mulf %gather3A_887, %gather3A_889 : vector<16xf32>
      %add3A_893 = arith.addf %add3A_877, %mul3A_892 : vector<16xf32>
      %mul3A_894 = arith.mulf %gather3A_887, %gather3A_891 : vector<16xf32>
      %add3A_895 = arith.addf %add3A_879, %mul3A_894 : vector<16xf32>
      %add3A_896 = arith.constant 8 : i32
      %add3A_897 = vector.broadcast %add3A_896 : i32 to vector<16xi32>
      %add3A_898 = arith.addi %iota3A, %add3A_897 : vector<16xi32>
      %and3A_899 = arith.constant 63 : i32
      %and3A_900 = vector.broadcast %and3A_899 : i32 to vector<16xi32>
      %and3A_901 = arith.andi %add3A_898, %and3A_900 : vector<16xi32>
      %add3A_902 = arith.addi %mul3A_744, %and3A_901 : vector<16xi32>
      %gather3A_903 = tpu.vector_load_idx %arg17[%add3A_737, %add3A_902] : memref<256x128xf32, #tpu.memory_space<vmem>>[vector<16xi32>, vector<16xi32>], vector<16xf32>,
      %add3A_904 = arith.addi %mul3A_752, %and3A_901 : vector<16xi32>
      %gather3A_905 = tpu.vector_load_idx %arg18[%add3A_737, %add3A_904] : memref<256x128xf32, #tpu.memory_space<vmem>>[vector<16xi32>, vector<16xi32>], vector<16xf32>,
      %add3A_906 = arith.addi %mul3A_760, %and3A_901 : vector<16xi32>
      %gather3A_907 = tpu.vector_load_idx %arg19[%add3A_737, %add3A_906] : memref<256x128xf32, #tpu.memory_space<vmem>>[vector<16xi32>, vector<16xi32>], vector<16xf32>,
      %mul3A_908 = arith.mulf %gather3A_903, %gather3A_905 : vector<16xf32>
      %add3A_909 = arith.addf %add3A_893, %mul3A_908 : vector<16xf32>
      %mul3A_910 = arith.mulf %gather3A_903, %gather3A_907 : vector<16xf32>
      %add3A_911 = arith.addf %add3A_895, %mul3A_910 : vector<16xf32>
      %add3A_912 = arith.constant 9 : i32
      %add3A_913 = vector.broadcast %add3A_912 : i32 to vector<16xi32>
      %add3A_914 = arith.addi %iota3A, %add3A_913 : vector<16xi32>
      %and3A_915 = arith.constant 63 : i32
      %and3A_916 = vector.broadcast %and3A_915 : i32 to vector<16xi32>
      %and3A_917 = arith.andi %add3A_914, %and3A_916 : vector<16xi32>
      %add3A_918 = arith.addi %mul3A_744, %and3A_917 : vector<16xi32>
      %gather3A_919 = tpu.vector_load_idx %arg17[%add3A_737, %add3A_918] : memref<256x128xf32, #tpu.memory_space<vmem>>[vector<16xi32>, vector<16xi32>], vector<16xf32>,
      %add3A_920 = arith.addi %mul3A_752, %and3A_917 : vector<16xi32>
      %gather3A_921 = tpu.vector_load_idx %arg18[%add3A_737, %add3A_920] : memref<256x128xf32, #tpu.memory_space<vmem>>[vector<16xi32>, vector<16xi32>], vector<16xf32>,
      %add3A_922 = arith.addi %mul3A_760, %and3A_917 : vector<16xi32>
      %gather3A_923 = tpu.vector_load_idx %arg19[%add3A_737, %add3A_922] : memref<256x128xf32, #tpu.memory_space<vmem>>[vector<16xi32>, vector<16xi32>], vector<16xf32>,
      %mul3A_924 = arith.mulf %gather3A_919, %gather3A_921 : vector<16xf32>
      %add3A_925 = arith.addf %add3A_909, %mul3A_924 : vector<16xf32>
      %mul3A_926 = arith.mulf %gather3A_919, %gather3A_923 : vector<16xf32>
      %add3A_927 = arith.addf %add3A_911, %mul3A_926 : vector<16xf32>
      %add3A_928 = arith.constant 10 : i32
      %add3A_929 = vector.broadcast %add3A_928 : i32 to vector<16xi32>
      %add3A_930 = arith.addi %iota3A, %add3A_929 : vector<16xi32>
      %and3A_931 = arith.constant 63 : i32
      %and3A_932 = vector.broadcast %and3A_931 : i32 to vector<16xi32>
      %and3A_933 = arith.andi %add3A_930, %and3A_932 : vector<16xi32>
      %add3A_934 = arith.addi %mul3A_744, %and3A_933 : vector<16xi32>
      %gather3A_935 = tpu.vector_load_idx %arg17[%add3A_737, %add3A_934] : memref<256x128xf32, #tpu.memory_space<vmem>>[vector<16xi32>, vector<16xi32>], vector<16xf32>,
      %add3A_936 = arith.addi %mul3A_752, %and3A_933 : vector<16xi32>
      %gather3A_937 = tpu.vector_load_idx %arg18[%add3A_737, %add3A_936] : memref<256x128xf32, #tpu.memory_space<vmem>>[vector<16xi32>, vector<16xi32>], vector<16xf32>,
      %add3A_938 = arith.addi %mul3A_760, %and3A_933 : vector<16xi32>
      %gather3A_939 = tpu.vector_load_idx %arg19[%add3A_737, %add3A_938] : memref<256x128xf32, #tpu.memory_space<vmem>>[vector<16xi32>, vector<16xi32>], vector<16xf32>,
      %mul3A_940 = arith.mulf %gather3A_935, %gather3A_937 : vector<16xf32>
      %add3A_941 = arith.addf %add3A_925, %mul3A_940 : vector<16xf32>
      %mul3A_942 = arith.mulf %gather3A_935, %gather3A_939 : vector<16xf32>
      %add3A_943 = arith.addf %add3A_927, %mul3A_942 : vector<16xf32>
      %add3A_944 = arith.constant 11 : i32
      %add3A_945 = vector.broadcast %add3A_944 : i32 to vector<16xi32>
      %add3A_946 = arith.addi %iota3A, %add3A_945 : vector<16xi32>
      %and3A_947 = arith.constant 63 : i32
      %and3A_948 = vector.broadcast %and3A_947 : i32 to vector<16xi32>
      %and3A_949 = arith.andi %add3A_946, %and3A_948 : vector<16xi32>
      %add3A_950 = arith.addi %mul3A_744, %and3A_949 : vector<16xi32>
      %gather3A_951 = tpu.vector_load_idx %arg17[%add3A_737, %add3A_950] : memref<256x128xf32, #tpu.memory_space<vmem>>[vector<16xi32>, vector<16xi32>], vector<16xf32>,
      %add3A_952 = arith.addi %mul3A_752, %and3A_949 : vector<16xi32>
      %gather3A_953 = tpu.vector_load_idx %arg18[%add3A_737, %add3A_952] : memref<256x128xf32, #tpu.memory_space<vmem>>[vector<16xi32>, vector<16xi32>], vector<16xf32>,
      %add3A_954 = arith.addi %mul3A_760, %and3A_949 : vector<16xi32>
      %gather3A_955 = tpu.vector_load_idx %arg19[%add3A_737, %add3A_954] : memref<256x128xf32, #tpu.memory_space<vmem>>[vector<16xi32>, vector<16xi32>], vector<16xf32>,
      %mul3A_956 = arith.mulf %gather3A_951, %gather3A_953 : vector<16xf32>
      %add3A_957 = arith.addf %add3A_941, %mul3A_956 : vector<16xf32>
      %mul3A_958 = arith.mulf %gather3A_951, %gather3A_955 : vector<16xf32>
      %add3A_959 = arith.addf %add3A_943, %mul3A_958 : vector<16xf32>
      %add3A_960 = arith.constant 12 : i32
      %add3A_961 = vector.broadcast %add3A_960 : i32 to vector<16xi32>
      %add3A_962 = arith.addi %iota3A, %add3A_961 : vector<16xi32>
      %and3A_963 = arith.constant 63 : i32
      %and3A_964 = vector.broadcast %and3A_963 : i32 to vector<16xi32>
      %and3A_965 = arith.andi %add3A_962, %and3A_964 : vector<16xi32>
      %add3A_966 = arith.addi %mul3A_744, %and3A_965 : vector<16xi32>
      %gather3A_967 = tpu.vector_load_idx %arg17[%add3A_737, %add3A_966] : memref<256x128xf32, #tpu.memory_space<vmem>>[vector<16xi32>, vector<16xi32>], vector<16xf32>,
      %add3A_968 = arith.addi %mul3A_752, %and3A_965 : vector<16xi32>
      %gather3A_969 = tpu.vector_load_idx %arg18[%add3A_737, %add3A_968] : memref<256x128xf32, #tpu.memory_space<vmem>>[vector<16xi32>, vector<16xi32>], vector<16xf32>,
      %add3A_970 = arith.addi %mul3A_760, %and3A_965 : vector<16xi32>
      %gather3A_971 = tpu.vector_load_idx %arg19[%add3A_737, %add3A_970] : memref<256x128xf32, #tpu.memory_space<vmem>>[vector<16xi32>, vector<16xi32>], vector<16xf32>,
      %mul3A_972 = arith.mulf %gather3A_967, %gather3A_969 : vector<16xf32>
      %add3A_973 = arith.addf %add3A_957, %mul3A_972 : vector<16xf32>
      %mul3A_974 = arith.mulf %gather3A_967, %gather3A_971 : vector<16xf32>
      %add3A_975 = arith.addf %add3A_959, %mul3A_974 : vector<16xf32>
      %add3A_976 = arith.constant 13 : i32
      %add3A_977 = vector.broadcast %add3A_976 : i32 to vector<16xi32>
      %add3A_978 = arith.addi %iota3A, %add3A_977 : vector<16xi32>
      %and3A_979 = arith.constant 63 : i32
      %and3A_980 = vector.broadcast %and3A_979 : i32 to vector<16xi32>
      %and3A_981 = arith.andi %add3A_978, %and3A_980 : vector<16xi32>
      %add3A_982 = arith.addi %mul3A_744, %and3A_981 : vector<16xi32>
      %gather3A_983 = tpu.vector_load_idx %arg17[%add3A_737, %add3A_982] : memref<256x128xf32, #tpu.memory_space<vmem>>[vector<16xi32>, vector<16xi32>], vector<16xf32>,
      %add3A_984 = arith.addi %mul3A_752, %and3A_981 : vector<16xi32>
      %gather3A_985 = tpu.vector_load_idx %arg18[%add3A_737, %add3A_984] : memref<256x128xf32, #tpu.memory_space<vmem>>[vector<16xi32>, vector<16xi32>], vector<16xf32>,
      %add3A_986 = arith.addi %mul3A_760, %and3A_981 : vector<16xi32>
      %gather3A_987 = tpu.vector_load_idx %arg19[%add3A_737, %add3A_986] : memref<256x128xf32, #tpu.memory_space<vmem>>[vector<16xi32>, vector<16xi32>], vector<16xf32>,
      %mul3A_988 = arith.mulf %gather3A_983, %gather3A_985 : vector<16xf32>
      %add3A_989 = arith.addf %add3A_973, %mul3A_988 : vector<16xf32>
      %mul3A_990 = arith.mulf %gather3A_983, %gather3A_987 : vector<16xf32>
      %add3A_991 = arith.addf %add3A_975, %mul3A_990 : vector<16xf32>
      %add3A_992 = arith.constant 14 : i32
      %add3A_993 = vector.broadcast %add3A_992 : i32 to vector<16xi32>
      %add3A_994 = arith.addi %iota3A, %add3A_993 : vector<16xi32>
      %and3A_995 = arith.constant 63 : i32
      %and3A_996 = vector.broadcast %and3A_995 : i32 to vector<16xi32>
      %and3A_997 = arith.andi %add3A_994, %and3A_996 : vector<16xi32>
      %add3A_998 = arith.addi %mul3A_744, %and3A_997 : vector<16xi32>
      %gather3A_999 = tpu.vector_load_idx %arg17[%add3A_737, %add3A_998] : memref<256x128xf32, #tpu.memory_space<vmem>>[vector<16xi32>, vector<16xi32>], vector<16xf32>,
      %add3A_1000 = arith.addi %mul3A_752, %and3A_997 : vector<16xi32>
      %gather3A_1001 = tpu.vector_load_idx %arg18[%add3A_737, %add3A_1000] : memref<256x128xf32, #tpu.memory_space<vmem>>[vector<16xi32>, vector<16xi32>], vector<16xf32>,
      %add3A_1002 = arith.addi %mul3A_760, %and3A_997 : vector<16xi32>
      %gather3A_1003 = tpu.vector_load_idx %arg19[%add3A_737, %add3A_1002] : memref<256x128xf32, #tpu.memory_space<vmem>>[vector<16xi32>, vector<16xi32>], vector<16xf32>,
      %mul3A_1004 = arith.mulf %gather3A_999, %gather3A_1001 : vector<16xf32>
      %add3A_1005 = arith.addf %add3A_989, %mul3A_1004 : vector<16xf32>
      %mul3A_1006 = arith.mulf %gather3A_999, %gather3A_1003 : vector<16xf32>
      %add3A_1007 = arith.addf %add3A_991, %mul3A_1006 : vector<16xf32>
      %add3A_1008 = arith.constant 15 : i32
      %add3A_1009 = vector.broadcast %add3A_1008 : i32 to vector<16xi32>
      %add3A_1010 = arith.addi %iota3A, %add3A_1009 : vector<16xi32>
      %and3A_1011 = arith.constant 63 : i32
      %and3A_1012 = vector.broadcast %and3A_1011 : i32 to vector<16xi32>
      %and3A_1013 = arith.andi %add3A_1010, %and3A_1012 : vector<16xi32>
      %add3A_1014 = arith.addi %mul3A_744, %and3A_1013 : vector<16xi32>
      %gather3A_1015 = tpu.vector_load_idx %arg17[%add3A_737, %add3A_1014] : memref<256x128xf32, #tpu.memory_space<vmem>>[vector<16xi32>, vector<16xi32>], vector<16xf32>,
      %add3A_1016 = arith.addi %mul3A_752, %and3A_1013 : vector<16xi32>
      %gather3A_1017 = tpu.vector_load_idx %arg18[%add3A_737, %add3A_1016] : memref<256x128xf32, #tpu.memory_space<vmem>>[vector<16xi32>, vector<16xi32>], vector<16xf32>,
      %add3A_1018 = arith.addi %mul3A_760, %and3A_1013 : vector<16xi32>
      %gather3A_1019 = tpu.vector_load_idx %arg19[%add3A_737, %add3A_1018] : memref<256x128xf32, #tpu.memory_space<vmem>>[vector<16xi32>, vector<16xi32>], vector<16xf32>,
      %mul3A_1020 = arith.mulf %gather3A_1015, %gather3A_1017 : vector<16xf32>
      %add3A_1021 = arith.addf %add3A_1005, %mul3A_1020 : vector<16xf32>
      %mul3A_1022 = arith.mulf %gather3A_1015, %gather3A_1019 : vector<16xf32>
      %add3A_1023 = arith.addf %add3A_1007, %mul3A_1022 : vector<16xf32>
      %add3A_1024 = arith.constant 16 : i32
      %add3A_1025 = vector.broadcast %add3A_1024 : i32 to vector<16xi32>
      %add3A_1026 = arith.addi %iota3A, %add3A_1025 : vector<16xi32>
      %and3A_1027 = arith.constant 63 : i32
      %and3A_1028 = vector.broadcast %and3A_1027 : i32 to vector<16xi32>
      %and3A_1029 = arith.andi %add3A_1026, %and3A_1028 : vector<16xi32>
      %add3A_1030 = arith.addi %mul3A_744, %and3A_1029 : vector<16xi32>
      %gather3A_1031 = tpu.vector_load_idx %arg17[%add3A_737, %add3A_1030] : memref<256x128xf32, #tpu.memory_space<vmem>>[vector<16xi32>, vector<16xi32>], vector<16xf32>,
      %add3A_1032 = arith.addi %mul3A_752, %and3A_1029 : vector<16xi32>
      %gather3A_1033 = tpu.vector_load_idx %arg18[%add3A_737, %add3A_1032] : memref<256x128xf32, #tpu.memory_space<vmem>>[vector<16xi32>, vector<16xi32>], vector<16xf32>,
      %add3A_1034 = arith.addi %mul3A_760, %and3A_1029 : vector<16xi32>
      %gather3A_1035 = tpu.vector_load_idx %arg19[%add3A_737, %add3A_1034] : memref<256x128xf32, #tpu.memory_space<vmem>>[vector<16xi32>, vector<16xi32>], vector<16xf32>,
      %mul3A_1036 = arith.mulf %gather3A_1031, %gather3A_1033 : vector<16xf32>
      %add3A_1037 = arith.addf %add3A_1021, %mul3A_1036 : vector<16xf32>
      %mul3A_1038 = arith.mulf %gather3A_1031, %gather3A_1035 : vector<16xf32>
      %add3A_1039 = arith.addf %add3A_1023, %mul3A_1038 : vector<16xf32>
      %add3A_1040 = arith.constant 17 : i32
      %add3A_1041 = vector.broadcast %add3A_1040 : i32 to vector<16xi32>
      %add3A_1042 = arith.addi %iota3A, %add3A_1041 : vector<16xi32>
      %and3A_1043 = arith.constant 63 : i32
      %and3A_1044 = vector.broadcast %and3A_1043 : i32 to vector<16xi32>
      %and3A_1045 = arith.andi %add3A_1042, %and3A_1044 : vector<16xi32>
      %add3A_1046 = arith.addi %mul3A_744, %and3A_1045 : vector<16xi32>
      %gather3A_1047 = tpu.vector_load_idx %arg17[%add3A_737, %add3A_1046] : memref<256x128xf32, #tpu.memory_space<vmem>>[vector<16xi32>, vector<16xi32>], vector<16xf32>,
      %add3A_1048 = arith.addi %mul3A_752, %and3A_1045 : vector<16xi32>
      %gather3A_1049 = tpu.vector_load_idx %arg18[%add3A_737, %add3A_1048] : memref<256x128xf32, #tpu.memory_space<vmem>>[vector<16xi32>, vector<16xi32>], vector<16xf32>,
      %add3A_1050 = arith.addi %mul3A_760, %and3A_1045 : vector<16xi32>
      %gather3A_1051 = tpu.vector_load_idx %arg19[%add3A_737, %add3A_1050] : memref<256x128xf32, #tpu.memory_space<vmem>>[vector<16xi32>, vector<16xi32>], vector<16xf32>,
      %mul3A_1052 = arith.mulf %gather3A_1047, %gather3A_1049 : vector<16xf32>
      %add3A_1053 = arith.addf %add3A_1037, %mul3A_1052 : vector<16xf32>
      %mul3A_1054 = arith.mulf %gather3A_1047, %gather3A_1051 : vector<16xf32>
      %add3A_1055 = arith.addf %add3A_1039, %mul3A_1054 : vector<16xf32>
      %add3A_1056 = arith.constant 18 : i32
      %add3A_1057 = vector.broadcast %add3A_1056 : i32 to vector<16xi32>
      %add3A_1058 = arith.addi %iota3A, %add3A_1057 : vector<16xi32>
      %and3A_1059 = arith.constant 63 : i32
      %and3A_1060 = vector.broadcast %and3A_1059 : i32 to vector<16xi32>
      %and3A_1061 = arith.andi %add3A_1058, %and3A_1060 : vector<16xi32>
      %add3A_1062 = arith.addi %mul3A_744, %and3A_1061 : vector<16xi32>
      %gather3A_1063 = tpu.vector_load_idx %arg17[%add3A_737, %add3A_1062] : memref<256x128xf32, #tpu.memory_space<vmem>>[vector<16xi32>, vector<16xi32>], vector<16xf32>,
      %add3A_1064 = arith.addi %mul3A_752, %and3A_1061 : vector<16xi32>
      %gather3A_1065 = tpu.vector_load_idx %arg18[%add3A_737, %add3A_1064] : memref<256x128xf32, #tpu.memory_space<vmem>>[vector<16xi32>, vector<16xi32>], vector<16xf32>,
      %add3A_1066 = arith.addi %mul3A_760, %and3A_1061 : vector<16xi32>
      %gather3A_1067 = tpu.vector_load_idx %arg19[%add3A_737, %add3A_1066] : memref<256x128xf32, #tpu.memory_space<vmem>>[vector<16xi32>, vector<16xi32>], vector<16xf32>,
      %mul3A_1068 = arith.mulf %gather3A_1063, %gather3A_1065 : vector<16xf32>
      %add3A_1069 = arith.addf %add3A_1053, %mul3A_1068 : vector<16xf32>
      %mul3A_1070 = arith.mulf %gather3A_1063, %gather3A_1067 : vector<16xf32>
      %add3A_1071 = arith.addf %add3A_1055, %mul3A_1070 : vector<16xf32>
      %add3A_1072 = arith.constant 19 : i32
      %add3A_1073 = vector.broadcast %add3A_1072 : i32 to vector<16xi32>
      %add3A_1074 = arith.addi %iota3A, %add3A_1073 : vector<16xi32>
      %and3A_1075 = arith.constant 63 : i32
      %and3A_1076 = vector.broadcast %and3A_1075 : i32 to vector<16xi32>
      %and3A_1077 = arith.andi %add3A_1074, %and3A_1076 : vector<16xi32>
      %add3A_1078 = arith.addi %mul3A_744, %and3A_1077 : vector<16xi32>
      %gather3A_1079 = tpu.vector_load_idx %arg17[%add3A_737, %add3A_1078] : memref<256x128xf32, #tpu.memory_space<vmem>>[vector<16xi32>, vector<16xi32>], vector<16xf32>,
      %add3A_1080 = arith.addi %mul3A_752, %and3A_1077 : vector<16xi32>
      %gather3A_1081 = tpu.vector_load_idx %arg18[%add3A_737, %add3A_1080] : memref<256x128xf32, #tpu.memory_space<vmem>>[vector<16xi32>, vector<16xi32>], vector<16xf32>,
      %add3A_1082 = arith.addi %mul3A_760, %and3A_1077 : vector<16xi32>
      %gather3A_1083 = tpu.vector_load_idx %arg19[%add3A_737, %add3A_1082] : memref<256x128xf32, #tpu.memory_space<vmem>>[vector<16xi32>, vector<16xi32>], vector<16xf32>,
      %mul3A_1084 = arith.mulf %gather3A_1079, %gather3A_1081 : vector<16xf32>
      %add3A_1085 = arith.addf %add3A_1069, %mul3A_1084 : vector<16xf32>
      %mul3A_1086 = arith.mulf %gather3A_1079, %gather3A_1083 : vector<16xf32>
      %add3A_1087 = arith.addf %add3A_1071, %mul3A_1086 : vector<16xf32>
      %add3A_1088 = arith.constant 20 : i32
      %add3A_1089 = vector.broadcast %add3A_1088 : i32 to vector<16xi32>
      %add3A_1090 = arith.addi %iota3A, %add3A_1089 : vector<16xi32>
      %and3A_1091 = arith.constant 63 : i32
      %and3A_1092 = vector.broadcast %and3A_1091 : i32 to vector<16xi32>
      %and3A_1093 = arith.andi %add3A_1090, %and3A_1092 : vector<16xi32>
      %add3A_1094 = arith.addi %mul3A_744, %and3A_1093 : vector<16xi32>
      %gather3A_1095 = tpu.vector_load_idx %arg17[%add3A_737, %add3A_1094] : memref<256x128xf32, #tpu.memory_space<vmem>>[vector<16xi32>, vector<16xi32>], vector<16xf32>,
      %add3A_1096 = arith.addi %mul3A_752, %and3A_1093 : vector<16xi32>
      %gather3A_1097 = tpu.vector_load_idx %arg18[%add3A_737, %add3A_1096] : memref<256x128xf32, #tpu.memory_space<vmem>>[vector<16xi32>, vector<16xi32>], vector<16xf32>,
      %add3A_1098 = arith.addi %mul3A_760, %and3A_1093 : vector<16xi32>
      %gather3A_1099 = tpu.vector_load_idx %arg19[%add3A_737, %add3A_1098] : memref<256x128xf32, #tpu.memory_space<vmem>>[vector<16xi32>, vector<16xi32>], vector<16xf32>,
      %mul3A_1100 = arith.mulf %gather3A_1095, %gather3A_1097 : vector<16xf32>
      %add3A_1101 = arith.addf %add3A_1085, %mul3A_1100 : vector<16xf32>
      %mul3A_1102 = arith.mulf %gather3A_1095, %gather3A_1099 : vector<16xf32>
      %add3A_1103 = arith.addf %add3A_1087, %mul3A_1102 : vector<16xf32>
      %add3A_1104 = arith.constant 21 : i32
      %add3A_1105 = vector.broadcast %add3A_1104 : i32 to vector<16xi32>
      %add3A_1106 = arith.addi %iota3A, %add3A_1105 : vector<16xi32>
      %and3A_1107 = arith.constant 63 : i32
      %and3A_1108 = vector.broadcast %and3A_1107 : i32 to vector<16xi32>
      %and3A_1109 = arith.andi %add3A_1106, %and3A_1108 : vector<16xi32>
      %add3A_1110 = arith.addi %mul3A_744, %and3A_1109 : vector<16xi32>
      %gather3A_1111 = tpu.vector_load_idx %arg17[%add3A_737, %add3A_1110] : memref<256x128xf32, #tpu.memory_space<vmem>>[vector<16xi32>, vector<16xi32>], vector<16xf32>,
      %add3A_1112 = arith.addi %mul3A_752, %and3A_1109 : vector<16xi32>
      %gather3A_1113 = tpu.vector_load_idx %arg18[%add3A_737, %add3A_1112] : memref<256x128xf32, #tpu.memory_space<vmem>>[vector<16xi32>, vector<16xi32>], vector<16xf32>,
      %add3A_1114 = arith.addi %mul3A_760, %and3A_1109 : vector<16xi32>
      %gather3A_1115 = tpu.vector_load_idx %arg19[%add3A_737, %add3A_1114] : memref<256x128xf32, #tpu.memory_space<vmem>>[vector<16xi32>, vector<16xi32>], vector<16xf32>,
      %mul3A_1116 = arith.mulf %gather3A_1111, %gather3A_1113 : vector<16xf32>
      %add3A_1117 = arith.addf %add3A_1101, %mul3A_1116 : vector<16xf32>
      %mul3A_1118 = arith.mulf %gather3A_1111, %gather3A_1115 : vector<16xf32>
      %add3A_1119 = arith.addf %add3A_1103, %mul3A_1118 : vector<16xf32>
      %add3A_1120 = arith.constant 22 : i32
      %add3A_1121 = vector.broadcast %add3A_1120 : i32 to vector<16xi32>
      %add3A_1122 = arith.addi %iota3A, %add3A_1121 : vector<16xi32>
      %and3A_1123 = arith.constant 63 : i32
      %and3A_1124 = vector.broadcast %and3A_1123 : i32 to vector<16xi32>
      %and3A_1125 = arith.andi %add3A_1122, %and3A_1124 : vector<16xi32>
      %add3A_1126 = arith.addi %mul3A_744, %and3A_1125 : vector<16xi32>
      %gather3A_1127 = tpu.vector_load_idx %arg17[%add3A_737, %add3A_1126] : memref<256x128xf32, #tpu.memory_space<vmem>>[vector<16xi32>, vector<16xi32>], vector<16xf32>,
      %add3A_1128 = arith.addi %mul3A_752, %and3A_1125 : vector<16xi32>
      %gather3A_1129 = tpu.vector_load_idx %arg18[%add3A_737, %add3A_1128] : memref<256x128xf32, #tpu.memory_space<vmem>>[vector<16xi32>, vector<16xi32>], vector<16xf32>,
      %add3A_1130 = arith.addi %mul3A_760, %and3A_1125 : vector<16xi32>
      %gather3A_1131 = tpu.vector_load_idx %arg19[%add3A_737, %add3A_1130] : memref<256x128xf32, #tpu.memory_space<vmem>>[vector<16xi32>, vector<16xi32>], vector<16xf32>,
      %mul3A_1132 = arith.mulf %gather3A_1127, %gather3A_1129 : vector<16xf32>
      %add3A_1133 = arith.addf %add3A_1117, %mul3A_1132 : vector<16xf32>
      %mul3A_1134 = arith.mulf %gather3A_1127, %gather3A_1131 : vector<16xf32>
      %add3A_1135 = arith.addf %add3A_1119, %mul3A_1134 : vector<16xf32>
      %add3A_1136 = arith.constant 23 : i32
      %add3A_1137 = vector.broadcast %add3A_1136 : i32 to vector<16xi32>
      %add3A_1138 = arith.addi %iota3A, %add3A_1137 : vector<16xi32>
      %and3A_1139 = arith.constant 63 : i32
      %and3A_1140 = vector.broadcast %and3A_1139 : i32 to vector<16xi32>
      %and3A_1141 = arith.andi %add3A_1138, %and3A_1140 : vector<16xi32>
      %add3A_1142 = arith.addi %mul3A_744, %and3A_1141 : vector<16xi32>
      %gather3A_1143 = tpu.vector_load_idx %arg17[%add3A_737, %add3A_1142] : memref<256x128xf32, #tpu.memory_space<vmem>>[vector<16xi32>, vector<16xi32>], vector<16xf32>,
      %add3A_1144 = arith.addi %mul3A_752, %and3A_1141 : vector<16xi32>
      %gather3A_1145 = tpu.vector_load_idx %arg18[%add3A_737, %add3A_1144] : memref<256x128xf32, #tpu.memory_space<vmem>>[vector<16xi32>, vector<16xi32>], vector<16xf32>,
      %add3A_1146 = arith.addi %mul3A_760, %and3A_1141 : vector<16xi32>
      %gather3A_1147 = tpu.vector_load_idx %arg19[%add3A_737, %add3A_1146] : memref<256x128xf32, #tpu.memory_space<vmem>>[vector<16xi32>, vector<16xi32>], vector<16xf32>,
      %mul3A_1148 = arith.mulf %gather3A_1143, %gather3A_1145 : vector<16xf32>
      %add3A_1149 = arith.addf %add3A_1133, %mul3A_1148 : vector<16xf32>
      %mul3A_1150 = arith.mulf %gather3A_1143, %gather3A_1147 : vector<16xf32>
      %add3A_1151 = arith.addf %add3A_1135, %mul3A_1150 : vector<16xf32>
      %add3A_1152 = arith.constant 24 : i32
      %add3A_1153 = vector.broadcast %add3A_1152 : i32 to vector<16xi32>
      %add3A_1154 = arith.addi %iota3A, %add3A_1153 : vector<16xi32>
      %and3A_1155 = arith.constant 63 : i32
      %and3A_1156 = vector.broadcast %and3A_1155 : i32 to vector<16xi32>
      %and3A_1157 = arith.andi %add3A_1154, %and3A_1156 : vector<16xi32>
      %add3A_1158 = arith.addi %mul3A_744, %and3A_1157 : vector<16xi32>
      %gather3A_1159 = tpu.vector_load_idx %arg17[%add3A_737, %add3A_1158] : memref<256x128xf32, #tpu.memory_space<vmem>>[vector<16xi32>, vector<16xi32>], vector<16xf32>,
      %add3A_1160 = arith.addi %mul3A_752, %and3A_1157 : vector<16xi32>
      %gather3A_1161 = tpu.vector_load_idx %arg18[%add3A_737, %add3A_1160] : memref<256x128xf32, #tpu.memory_space<vmem>>[vector<16xi32>, vector<16xi32>], vector<16xf32>,
      %add3A_1162 = arith.addi %mul3A_760, %and3A_1157 : vector<16xi32>
      %gather3A_1163 = tpu.vector_load_idx %arg19[%add3A_737, %add3A_1162] : memref<256x128xf32, #tpu.memory_space<vmem>>[vector<16xi32>, vector<16xi32>], vector<16xf32>,
      %mul3A_1164 = arith.mulf %gather3A_1159, %gather3A_1161 : vector<16xf32>
      %add3A_1165 = arith.addf %add3A_1149, %mul3A_1164 : vector<16xf32>
      %mul3A_1166 = arith.mulf %gather3A_1159, %gather3A_1163 : vector<16xf32>
      %add3A_1167 = arith.addf %add3A_1151, %mul3A_1166 : vector<16xf32>
      %add3A_1168 = arith.constant 25 : i32
      %add3A_1169 = vector.broadcast %add3A_1168 : i32 to vector<16xi32>
      %add3A_1170 = arith.addi %iota3A, %add3A_1169 : vector<16xi32>
      %and3A_1171 = arith.constant 63 : i32
      %and3A_1172 = vector.broadcast %and3A_1171 : i32 to vector<16xi32>
      %and3A_1173 = arith.andi %add3A_1170, %and3A_1172 : vector<16xi32>
      %add3A_1174 = arith.addi %mul3A_744, %and3A_1173 : vector<16xi32>
      %gather3A_1175 = tpu.vector_load_idx %arg17[%add3A_737, %add3A_1174] : memref<256x128xf32, #tpu.memory_space<vmem>>[vector<16xi32>, vector<16xi32>], vector<16xf32>,
      %add3A_1176 = arith.addi %mul3A_752, %and3A_1173 : vector<16xi32>
      %gather3A_1177 = tpu.vector_load_idx %arg18[%add3A_737, %add3A_1176] : memref<256x128xf32, #tpu.memory_space<vmem>>[vector<16xi32>, vector<16xi32>], vector<16xf32>,
      %add3A_1178 = arith.addi %mul3A_760, %and3A_1173 : vector<16xi32>
      %gather3A_1179 = tpu.vector_load_idx %arg19[%add3A_737, %add3A_1178] : memref<256x128xf32, #tpu.memory_space<vmem>>[vector<16xi32>, vector<16xi32>], vector<16xf32>,
      %mul3A_1180 = arith.mulf %gather3A_1175, %gather3A_1177 : vector<16xf32>
      %add3A_1181 = arith.addf %add3A_1165, %mul3A_1180 : vector<16xf32>
      %mul3A_1182 = arith.mulf %gather3A_1175, %gather3A_1179 : vector<16xf32>
      %add3A_1183 = arith.addf %add3A_1167, %mul3A_1182 : vector<16xf32>
      %add3A_1184 = arith.constant 26 : i32
      %add3A_1185 = vector.broadcast %add3A_1184 : i32 to vector<16xi32>
      %add3A_1186 = arith.addi %iota3A, %add3A_1185 : vector<16xi32>
      %and3A_1187 = arith.constant 63 : i32
      %and3A_1188 = vector.broadcast %and3A_1187 : i32 to vector<16xi32>
      %and3A_1189 = arith.andi %add3A_1186, %and3A_1188 : vector<16xi32>
      %add3A_1190 = arith.addi %mul3A_744, %and3A_1189 : vector<16xi32>
      %gather3A_1191 = tpu.vector_load_idx %arg17[%add3A_737, %add3A_1190] : memref<256x128xf32, #tpu.memory_space<vmem>>[vector<16xi32>, vector<16xi32>], vector<16xf32>,
      %add3A_1192 = arith.addi %mul3A_752, %and3A_1189 : vector<16xi32>
      %gather3A_1193 = tpu.vector_load_idx %arg18[%add3A_737, %add3A_1192] : memref<256x128xf32, #tpu.memory_space<vmem>>[vector<16xi32>, vector<16xi32>], vector<16xf32>,
      %add3A_1194 = arith.addi %mul3A_760, %and3A_1189 : vector<16xi32>
      %gather3A_1195 = tpu.vector_load_idx %arg19[%add3A_737, %add3A_1194] : memref<256x128xf32, #tpu.memory_space<vmem>>[vector<16xi32>, vector<16xi32>], vector<16xf32>,
      %mul3A_1196 = arith.mulf %gather3A_1191, %gather3A_1193 : vector<16xf32>
      %add3A_1197 = arith.addf %add3A_1181, %mul3A_1196 : vector<16xf32>
      %mul3A_1198 = arith.mulf %gather3A_1191, %gather3A_1195 : vector<16xf32>
      %add3A_1199 = arith.addf %add3A_1183, %mul3A_1198 : vector<16xf32>
      %add3A_1200 = arith.constant 27 : i32
      %add3A_1201 = vector.broadcast %add3A_1200 : i32 to vector<16xi32>
      %add3A_1202 = arith.addi %iota3A, %add3A_1201 : vector<16xi32>
      %and3A_1203 = arith.constant 63 : i32
      %and3A_1204 = vector.broadcast %and3A_1203 : i32 to vector<16xi32>
      %and3A_1205 = arith.andi %add3A_1202, %and3A_1204 : vector<16xi32>
      %add3A_1206 = arith.addi %mul3A_744, %and3A_1205 : vector<16xi32>
      %gather3A_1207 = tpu.vector_load_idx %arg17[%add3A_737, %add3A_1206] : memref<256x128xf32, #tpu.memory_space<vmem>>[vector<16xi32>, vector<16xi32>], vector<16xf32>,
      %add3A_1208 = arith.addi %mul3A_752, %and3A_1205 : vector<16xi32>
      %gather3A_1209 = tpu.vector_load_idx %arg18[%add3A_737, %add3A_1208] : memref<256x128xf32, #tpu.memory_space<vmem>>[vector<16xi32>, vector<16xi32>], vector<16xf32>,
      %add3A_1210 = arith.addi %mul3A_760, %and3A_1205 : vector<16xi32>
      %gather3A_1211 = tpu.vector_load_idx %arg19[%add3A_737, %add3A_1210] : memref<256x128xf32, #tpu.memory_space<vmem>>[vector<16xi32>, vector<16xi32>], vector<16xf32>,
      %mul3A_1212 = arith.mulf %gather3A_1207, %gather3A_1209 : vector<16xf32>
      %add3A_1213 = arith.addf %add3A_1197, %mul3A_1212 : vector<16xf32>
      %mul3A_1214 = arith.mulf %gather3A_1207, %gather3A_1211 : vector<16xf32>
      %add3A_1215 = arith.addf %add3A_1199, %mul3A_1214 : vector<16xf32>
      %add3A_1216 = arith.constant 28 : i32
      %add3A_1217 = vector.broadcast %add3A_1216 : i32 to vector<16xi32>
      %add3A_1218 = arith.addi %iota3A, %add3A_1217 : vector<16xi32>
      %and3A_1219 = arith.constant 63 : i32
      %and3A_1220 = vector.broadcast %and3A_1219 : i32 to vector<16xi32>
      %and3A_1221 = arith.andi %add3A_1218, %and3A_1220 : vector<16xi32>
      %add3A_1222 = arith.addi %mul3A_744, %and3A_1221 : vector<16xi32>
      %gather3A_1223 = tpu.vector_load_idx %arg17[%add3A_737, %add3A_1222] : memref<256x128xf32, #tpu.memory_space<vmem>>[vector<16xi32>, vector<16xi32>], vector<16xf32>,
      %add3A_1224 = arith.addi %mul3A_752, %and3A_1221 : vector<16xi32>
      %gather3A_1225 = tpu.vector_load_idx %arg18[%add3A_737, %add3A_1224] : memref<256x128xf32, #tpu.memory_space<vmem>>[vector<16xi32>, vector<16xi32>], vector<16xf32>,
      %add3A_1226 = arith.addi %mul3A_760, %and3A_1221 : vector<16xi32>
      %gather3A_1227 = tpu.vector_load_idx %arg19[%add3A_737, %add3A_1226] : memref<256x128xf32, #tpu.memory_space<vmem>>[vector<16xi32>, vector<16xi32>], vector<16xf32>,
      %mul3A_1228 = arith.mulf %gather3A_1223, %gather3A_1225 : vector<16xf32>
      %add3A_1229 = arith.addf %add3A_1213, %mul3A_1228 : vector<16xf32>
      %mul3A_1230 = arith.mulf %gather3A_1223, %gather3A_1227 : vector<16xf32>
      %add3A_1231 = arith.addf %add3A_1215, %mul3A_1230 : vector<16xf32>
      %add3A_1232 = arith.constant 29 : i32
      %add3A_1233 = vector.broadcast %add3A_1232 : i32 to vector<16xi32>
      %add3A_1234 = arith.addi %iota3A, %add3A_1233 : vector<16xi32>
      %and3A_1235 = arith.constant 63 : i32
      %and3A_1236 = vector.broadcast %and3A_1235 : i32 to vector<16xi32>
      %and3A_1237 = arith.andi %add3A_1234, %and3A_1236 : vector<16xi32>
      %add3A_1238 = arith.addi %mul3A_744, %and3A_1237 : vector<16xi32>
      %gather3A_1239 = tpu.vector_load_idx %arg17[%add3A_737, %add3A_1238] : memref<256x128xf32, #tpu.memory_space<vmem>>[vector<16xi32>, vector<16xi32>], vector<16xf32>,
      %add3A_1240 = arith.addi %mul3A_752, %and3A_1237 : vector<16xi32>
      %gather3A_1241 = tpu.vector_load_idx %arg18[%add3A_737, %add3A_1240] : memref<256x128xf32, #tpu.memory_space<vmem>>[vector<16xi32>, vector<16xi32>], vector<16xf32>,
      %add3A_1242 = arith.addi %mul3A_760, %and3A_1237 : vector<16xi32>
      %gather3A_1243 = tpu.vector_load_idx %arg19[%add3A_737, %add3A_1242] : memref<256x128xf32, #tpu.memory_space<vmem>>[vector<16xi32>, vector<16xi32>], vector<16xf32>,
      %mul3A_1244 = arith.mulf %gather3A_1239, %gather3A_1241 : vector<16xf32>
      %add3A_1245 = arith.addf %add3A_1229, %mul3A_1244 : vector<16xf32>
      %mul3A_1246 = arith.mulf %gather3A_1239, %gather3A_1243 : vector<16xf32>
      %add3A_1247 = arith.addf %add3A_1231, %mul3A_1246 : vector<16xf32>
      %add3A_1248 = arith.constant 30 : i32
      %add3A_1249 = vector.broadcast %add3A_1248 : i32 to vector<16xi32>
      %add3A_1250 = arith.addi %iota3A, %add3A_1249 : vector<16xi32>
      %and3A_1251 = arith.constant 63 : i32
      %and3A_1252 = vector.broadcast %and3A_1251 : i32 to vector<16xi32>
      %and3A_1253 = arith.andi %add3A_1250, %and3A_1252 : vector<16xi32>
      %add3A_1254 = arith.addi %mul3A_744, %and3A_1253 : vector<16xi32>
      %gather3A_1255 = tpu.vector_load_idx %arg17[%add3A_737, %add3A_1254] : memref<256x128xf32, #tpu.memory_space<vmem>>[vector<16xi32>, vector<16xi32>], vector<16xf32>,
      %add3A_1256 = arith.addi %mul3A_752, %and3A_1253 : vector<16xi32>
      %gather3A_1257 = tpu.vector_load_idx %arg18[%add3A_737, %add3A_1256] : memref<256x128xf32, #tpu.memory_space<vmem>>[vector<16xi32>, vector<16xi32>], vector<16xf32>,
      %add3A_1258 = arith.addi %mul3A_760, %and3A_1253 : vector<16xi32>
      %gather3A_1259 = tpu.vector_load_idx %arg19[%add3A_737, %add3A_1258] : memref<256x128xf32, #tpu.memory_space<vmem>>[vector<16xi32>, vector<16xi32>], vector<16xf32>,
      %mul3A_1260 = arith.mulf %gather3A_1255, %gather3A_1257 : vector<16xf32>
      %add3A_1261 = arith.addf %add3A_1245, %mul3A_1260 : vector<16xf32>
      %mul3A_1262 = arith.mulf %gather3A_1255, %gather3A_1259 : vector<16xf32>
      %add3A_1263 = arith.addf %add3A_1247, %mul3A_1262 : vector<16xf32>
      %add3A_1264 = arith.constant 31 : i32
      %add3A_1265 = vector.broadcast %add3A_1264 : i32 to vector<16xi32>
      %add3A_1266 = arith.addi %iota3A, %add3A_1265 : vector<16xi32>
      %and3A_1267 = arith.constant 63 : i32
      %and3A_1268 = vector.broadcast %and3A_1267 : i32 to vector<16xi32>
      %and3A_1269 = arith.andi %add3A_1266, %and3A_1268 : vector<16xi32>
      %add3A_1270 = arith.addi %mul3A_744, %and3A_1269 : vector<16xi32>
      %gather3A_1271 = tpu.vector_load_idx %arg17[%add3A_737, %add3A_1270] : memref<256x128xf32, #tpu.memory_space<vmem>>[vector<16xi32>, vector<16xi32>], vector<16xf32>,
      %add3A_1272 = arith.addi %mul3A_752, %and3A_1269 : vector<16xi32>
      %gather3A_1273 = tpu.vector_load_idx %arg18[%add3A_737, %add3A_1272] : memref<256x128xf32, #tpu.memory_space<vmem>>[vector<16xi32>, vector<16xi32>], vector<16xf32>,
      %add3A_1274 = arith.addi %mul3A_760, %and3A_1269 : vector<16xi32>
      %gather3A_1275 = tpu.vector_load_idx %arg19[%add3A_737, %add3A_1274] : memref<256x128xf32, #tpu.memory_space<vmem>>[vector<16xi32>, vector<16xi32>], vector<16xf32>,
      %mul3A_1276 = arith.mulf %gather3A_1271, %gather3A_1273 : vector<16xf32>
      %add3A_1277 = arith.addf %add3A_1261, %mul3A_1276 : vector<16xf32>
      %mul3A_1278 = arith.mulf %gather3A_1271, %gather3A_1275 : vector<16xf32>
      %add3A_1279 = arith.addf %add3A_1263, %mul3A_1278 : vector<16xf32>
      %add3A_1280 = arith.constant 32 : i32
      %add3A_1281 = vector.broadcast %add3A_1280 : i32 to vector<16xi32>
      %add3A_1282 = arith.addi %iota3A, %add3A_1281 : vector<16xi32>
      %and3A_1283 = arith.constant 63 : i32
      %and3A_1284 = vector.broadcast %and3A_1283 : i32 to vector<16xi32>
      %and3A_1285 = arith.andi %add3A_1282, %and3A_1284 : vector<16xi32>
      %add3A_1286 = arith.addi %mul3A_744, %and3A_1285 : vector<16xi32>
      %gather3A_1287 = tpu.vector_load_idx %arg17[%add3A_737, %add3A_1286] : memref<256x128xf32, #tpu.memory_space<vmem>>[vector<16xi32>, vector<16xi32>], vector<16xf32>,
      %add3A_1288 = arith.addi %mul3A_752, %and3A_1285 : vector<16xi32>
      %gather3A_1289 = tpu.vector_load_idx %arg18[%add3A_737, %add3A_1288] : memref<256x128xf32, #tpu.memory_space<vmem>>[vector<16xi32>, vector<16xi32>], vector<16xf32>,
      %add3A_1290 = arith.addi %mul3A_760, %and3A_1285 : vector<16xi32>
      %gather3A_1291 = tpu.vector_load_idx %arg19[%add3A_737, %add3A_1290] : memref<256x128xf32, #tpu.memory_space<vmem>>[vector<16xi32>, vector<16xi32>], vector<16xf32>,
      %mul3A_1292 = arith.mulf %gather3A_1287, %gather3A_1289 : vector<16xf32>
      %add3A_1293 = arith.addf %add3A_1277, %mul3A_1292 : vector<16xf32>
      %mul3A_1294 = arith.mulf %gather3A_1287, %gather3A_1291 : vector<16xf32>
      %add3A_1295 = arith.addf %add3A_1279, %mul3A_1294 : vector<16xf32>
      %add3A_1296 = arith.constant 33 : i32
      %add3A_1297 = vector.broadcast %add3A_1296 : i32 to vector<16xi32>
      %add3A_1298 = arith.addi %iota3A, %add3A_1297 : vector<16xi32>
      %and3A_1299 = arith.constant 63 : i32
      %and3A_1300 = vector.broadcast %and3A_1299 : i32 to vector<16xi32>
      %and3A_1301 = arith.andi %add3A_1298, %and3A_1300 : vector<16xi32>
      %add3A_1302 = arith.addi %mul3A_744, %and3A_1301 : vector<16xi32>
      %gather3A_1303 = tpu.vector_load_idx %arg17[%add3A_737, %add3A_1302] : memref<256x128xf32, #tpu.memory_space<vmem>>[vector<16xi32>, vector<16xi32>], vector<16xf32>,
      %add3A_1304 = arith.addi %mul3A_752, %and3A_1301 : vector<16xi32>
      %gather3A_1305 = tpu.vector_load_idx %arg18[%add3A_737, %add3A_1304] : memref<256x128xf32, #tpu.memory_space<vmem>>[vector<16xi32>, vector<16xi32>], vector<16xf32>,
      %add3A_1306 = arith.addi %mul3A_760, %and3A_1301 : vector<16xi32>
      %gather3A_1307 = tpu.vector_load_idx %arg19[%add3A_737, %add3A_1306] : memref<256x128xf32, #tpu.memory_space<vmem>>[vector<16xi32>, vector<16xi32>], vector<16xf32>,
      %mul3A_1308 = arith.mulf %gather3A_1303, %gather3A_1305 : vector<16xf32>
      %add3A_1309 = arith.addf %add3A_1293, %mul3A_1308 : vector<16xf32>
      %mul3A_1310 = arith.mulf %gather3A_1303, %gather3A_1307 : vector<16xf32>
      %add3A_1311 = arith.addf %add3A_1295, %mul3A_1310 : vector<16xf32>
      %add3A_1312 = arith.constant 34 : i32
      %add3A_1313 = vector.broadcast %add3A_1312 : i32 to vector<16xi32>
      %add3A_1314 = arith.addi %iota3A, %add3A_1313 : vector<16xi32>
      %and3A_1315 = arith.constant 63 : i32
      %and3A_1316 = vector.broadcast %and3A_1315 : i32 to vector<16xi32>
      %and3A_1317 = arith.andi %add3A_1314, %and3A_1316 : vector<16xi32>
      %add3A_1318 = arith.addi %mul3A_744, %and3A_1317 : vector<16xi32>
      %gather3A_1319 = tpu.vector_load_idx %arg17[%add3A_737, %add3A_1318] : memref<256x128xf32, #tpu.memory_space<vmem>>[vector<16xi32>, vector<16xi32>], vector<16xf32>,
      %add3A_1320 = arith.addi %mul3A_752, %and3A_1317 : vector<16xi32>
      %gather3A_1321 = tpu.vector_load_idx %arg18[%add3A_737, %add3A_1320] : memref<256x128xf32, #tpu.memory_space<vmem>>[vector<16xi32>, vector<16xi32>], vector<16xf32>,
      %add3A_1322 = arith.addi %mul3A_760, %and3A_1317 : vector<16xi32>
      %gather3A_1323 = tpu.vector_load_idx %arg19[%add3A_737, %add3A_1322] : memref<256x128xf32, #tpu.memory_space<vmem>>[vector<16xi32>, vector<16xi32>], vector<16xf32>,
      %mul3A_1324 = arith.mulf %gather3A_1319, %gather3A_1321 : vector<16xf32>
      %add3A_1325 = arith.addf %add3A_1309, %mul3A_1324 : vector<16xf32>
      %mul3A_1326 = arith.mulf %gather3A_1319, %gather3A_1323 : vector<16xf32>
      %add3A_1327 = arith.addf %add3A_1311, %mul3A_1326 : vector<16xf32>
      %add3A_1328 = arith.constant 35 : i32
      %add3A_1329 = vector.broadcast %add3A_1328 : i32 to vector<16xi32>
      %add3A_1330 = arith.addi %iota3A, %add3A_1329 : vector<16xi32>
      %and3A_1331 = arith.constant 63 : i32
      %and3A_1332 = vector.broadcast %and3A_1331 : i32 to vector<16xi32>
      %and3A_1333 = arith.andi %add3A_1330, %and3A_1332 : vector<16xi32>
      %add3A_1334 = arith.addi %mul3A_744, %and3A_1333 : vector<16xi32>
      %gather3A_1335 = tpu.vector_load_idx %arg17[%add3A_737, %add3A_1334] : memref<256x128xf32, #tpu.memory_space<vmem>>[vector<16xi32>, vector<16xi32>], vector<16xf32>,
      %add3A_1336 = arith.addi %mul3A_752, %and3A_1333 : vector<16xi32>
      %gather3A_1337 = tpu.vector_load_idx %arg18[%add3A_737, %add3A_1336] : memref<256x128xf32, #tpu.memory_space<vmem>>[vector<16xi32>, vector<16xi32>], vector<16xf32>,
      %add3A_1338 = arith.addi %mul3A_760, %and3A_1333 : vector<16xi32>
      %gather3A_1339 = tpu.vector_load_idx %arg19[%add3A_737, %add3A_1338] : memref<256x128xf32, #tpu.memory_space<vmem>>[vector<16xi32>, vector<16xi32>], vector<16xf32>,
      %mul3A_1340 = arith.mulf %gather3A_1335, %gather3A_1337 : vector<16xf32>
      %add3A_1341 = arith.addf %add3A_1325, %mul3A_1340 : vector<16xf32>
      %mul3A_1342 = arith.mulf %gather3A_1335, %gather3A_1339 : vector<16xf32>
      %add3A_1343 = arith.addf %add3A_1327, %mul3A_1342 : vector<16xf32>
      %add3A_1344 = arith.constant 36 : i32
      %add3A_1345 = vector.broadcast %add3A_1344 : i32 to vector<16xi32>
      %add3A_1346 = arith.addi %iota3A, %add3A_1345 : vector<16xi32>
      %and3A_1347 = arith.constant 63 : i32
      %and3A_1348 = vector.broadcast %and3A_1347 : i32 to vector<16xi32>
      %and3A_1349 = arith.andi %add3A_1346, %and3A_1348 : vector<16xi32>
      %add3A_1350 = arith.addi %mul3A_744, %and3A_1349 : vector<16xi32>
      %gather3A_1351 = tpu.vector_load_idx %arg17[%add3A_737, %add3A_1350] : memref<256x128xf32, #tpu.memory_space<vmem>>[vector<16xi32>, vector<16xi32>], vector<16xf32>,
      %add3A_1352 = arith.addi %mul3A_752, %and3A_1349 : vector<16xi32>
      %gather3A_1353 = tpu.vector_load_idx %arg18[%add3A_737, %add3A_1352] : memref<256x128xf32, #tpu.memory_space<vmem>>[vector<16xi32>, vector<16xi32>], vector<16xf32>,
      %add3A_1354 = arith.addi %mul3A_760, %and3A_1349 : vector<16xi32>
      %gather3A_1355 = tpu.vector_load_idx %arg19[%add3A_737, %add3A_1354] : memref<256x128xf32, #tpu.memory_space<vmem>>[vector<16xi32>, vector<16xi32>], vector<16xf32>,
      %mul3A_1356 = arith.mulf %gather3A_1351, %gather3A_1353 : vector<16xf32>
      %add3A_1357 = arith.addf %add3A_1341, %mul3A_1356 : vector<16xf32>
      %mul3A_1358 = arith.mulf %gather3A_1351, %gather3A_1355 : vector<16xf32>
      %add3A_1359 = arith.addf %add3A_1343, %mul3A_1358 : vector<16xf32>
      %add3A_1360 = arith.constant 37 : i32
      %add3A_1361 = vector.broadcast %add3A_1360 : i32 to vector<16xi32>
      %add3A_1362 = arith.addi %iota3A, %add3A_1361 : vector<16xi32>
      %and3A_1363 = arith.constant 63 : i32
      %and3A_1364 = vector.broadcast %and3A_1363 : i32 to vector<16xi32>
      %and3A_1365 = arith.andi %add3A_1362, %and3A_1364 : vector<16xi32>
      %add3A_1366 = arith.addi %mul3A_744, %and3A_1365 : vector<16xi32>
      %gather3A_1367 = tpu.vector_load_idx %arg17[%add3A_737, %add3A_1366] : memref<256x128xf32, #tpu.memory_space<vmem>>[vector<16xi32>, vector<16xi32>], vector<16xf32>,
      %add3A_1368 = arith.addi %mul3A_752, %and3A_1365 : vector<16xi32>
      %gather3A_1369 = tpu.vector_load_idx %arg18[%add3A_737, %add3A_1368] : memref<256x128xf32, #tpu.memory_space<vmem>>[vector<16xi32>, vector<16xi32>], vector<16xf32>,
      %add3A_1370 = arith.addi %mul3A_760, %and3A_1365 : vector<16xi32>
      %gather3A_1371 = tpu.vector_load_idx %arg19[%add3A_737, %add3A_1370] : memref<256x128xf32, #tpu.memory_space<vmem>>[vector<16xi32>, vector<16xi32>], vector<16xf32>,
      %mul3A_1372 = arith.mulf %gather3A_1367, %gather3A_1369 : vector<16xf32>
      %add3A_1373 = arith.addf %add3A_1357, %mul3A_1372 : vector<16xf32>
      %mul3A_1374 = arith.mulf %gather3A_1367, %gather3A_1371 : vector<16xf32>
      %add3A_1375 = arith.addf %add3A_1359, %mul3A_1374 : vector<16xf32>
      %add3A_1376 = arith.constant 38 : i32
      %add3A_1377 = vector.broadcast %add3A_1376 : i32 to vector<16xi32>
      %add3A_1378 = arith.addi %iota3A, %add3A_1377 : vector<16xi32>
      %and3A_1379 = arith.constant 63 : i32
      %and3A_1380 = vector.broadcast %and3A_1379 : i32 to vector<16xi32>
      %and3A_1381 = arith.andi %add3A_1378, %and3A_1380 : vector<16xi32>
      %add3A_1382 = arith.addi %mul3A_744, %and3A_1381 : vector<16xi32>
      %gather3A_1383 = tpu.vector_load_idx %arg17[%add3A_737, %add3A_1382] : memref<256x128xf32, #tpu.memory_space<vmem>>[vector<16xi32>, vector<16xi32>], vector<16xf32>,
      %add3A_1384 = arith.addi %mul3A_752, %and3A_1381 : vector<16xi32>
      %gather3A_1385 = tpu.vector_load_idx %arg18[%add3A_737, %add3A_1384] : memref<256x128xf32, #tpu.memory_space<vmem>>[vector<16xi32>, vector<16xi32>], vector<16xf32>,
      %add3A_1386 = arith.addi %mul3A_760, %and3A_1381 : vector<16xi32>
      %gather3A_1387 = tpu.vector_load_idx %arg19[%add3A_737, %add3A_1386] : memref<256x128xf32, #tpu.memory_space<vmem>>[vector<16xi32>, vector<16xi32>], vector<16xf32>,
      %mul3A_1388 = arith.mulf %gather3A_1383, %gather3A_1385 : vector<16xf32>
      %add3A_1389 = arith.addf %add3A_1373, %mul3A_1388 : vector<16xf32>
      %mul3A_1390 = arith.mulf %gather3A_1383, %gather3A_1387 : vector<16xf32>
      %add3A_1391 = arith.addf %add3A_1375, %mul3A_1390 : vector<16xf32>
      %add3A_1392 = arith.constant 39 : i32
      %add3A_1393 = vector.broadcast %add3A_1392 : i32 to vector<16xi32>
      %add3A_1394 = arith.addi %iota3A, %add3A_1393 : vector<16xi32>
      %and3A_1395 = arith.constant 63 : i32
      %and3A_1396 = vector.broadcast %and3A_1395 : i32 to vector<16xi32>
      %and3A_1397 = arith.andi %add3A_1394, %and3A_1396 : vector<16xi32>
      %add3A_1398 = arith.addi %mul3A_744, %and3A_1397 : vector<16xi32>
      %gather3A_1399 = tpu.vector_load_idx %arg17[%add3A_737, %add3A_1398] : memref<256x128xf32, #tpu.memory_space<vmem>>[vector<16xi32>, vector<16xi32>], vector<16xf32>,
      %add3A_1400 = arith.addi %mul3A_752, %and3A_1397 : vector<16xi32>
      %gather3A_1401 = tpu.vector_load_idx %arg18[%add3A_737, %add3A_1400] : memref<256x128xf32, #tpu.memory_space<vmem>>[vector<16xi32>, vector<16xi32>], vector<16xf32>,
      %add3A_1402 = arith.addi %mul3A_760, %and3A_1397 : vector<16xi32>
      %gather3A_1403 = tpu.vector_load_idx %arg19[%add3A_737, %add3A_1402] : memref<256x128xf32, #tpu.memory_space<vmem>>[vector<16xi32>, vector<16xi32>], vector<16xf32>,
      %mul3A_1404 = arith.mulf %gather3A_1399, %gather3A_1401 : vector<16xf32>
      %add3A_1405 = arith.addf %add3A_1389, %mul3A_1404 : vector<16xf32>
      %mul3A_1406 = arith.mulf %gather3A_1399, %gather3A_1403 : vector<16xf32>
      %add3A_1407 = arith.addf %add3A_1391, %mul3A_1406 : vector<16xf32>
      %add3A_1408 = arith.constant 40 : i32
      %add3A_1409 = vector.broadcast %add3A_1408 : i32 to vector<16xi32>
      %add3A_1410 = arith.addi %iota3A, %add3A_1409 : vector<16xi32>
      %and3A_1411 = arith.constant 63 : i32
      %and3A_1412 = vector.broadcast %and3A_1411 : i32 to vector<16xi32>
      %and3A_1413 = arith.andi %add3A_1410, %and3A_1412 : vector<16xi32>
      %add3A_1414 = arith.addi %mul3A_744, %and3A_1413 : vector<16xi32>
      %gather3A_1415 = tpu.vector_load_idx %arg17[%add3A_737, %add3A_1414] : memref<256x128xf32, #tpu.memory_space<vmem>>[vector<16xi32>, vector<16xi32>], vector<16xf32>,
      %add3A_1416 = arith.addi %mul3A_752, %and3A_1413 : vector<16xi32>
      %gather3A_1417 = tpu.vector_load_idx %arg18[%add3A_737, %add3A_1416] : memref<256x128xf32, #tpu.memory_space<vmem>>[vector<16xi32>, vector<16xi32>], vector<16xf32>,
      %add3A_1418 = arith.addi %mul3A_760, %and3A_1413 : vector<16xi32>
      %gather3A_1419 = tpu.vector_load_idx %arg19[%add3A_737, %add3A_1418] : memref<256x128xf32, #tpu.memory_space<vmem>>[vector<16xi32>, vector<16xi32>], vector<16xf32>,
      %mul3A_1420 = arith.mulf %gather3A_1415, %gather3A_1417 : vector<16xf32>
      %add3A_1421 = arith.addf %add3A_1405, %mul3A_1420 : vector<16xf32>
      %mul3A_1422 = arith.mulf %gather3A_1415, %gather3A_1419 : vector<16xf32>
      %add3A_1423 = arith.addf %add3A_1407, %mul3A_1422 : vector<16xf32>
      %add3A_1424 = arith.constant 41 : i32
      %add3A_1425 = vector.broadcast %add3A_1424 : i32 to vector<16xi32>
      %add3A_1426 = arith.addi %iota3A, %add3A_1425 : vector<16xi32>
      %and3A_1427 = arith.constant 63 : i32
      %and3A_1428 = vector.broadcast %and3A_1427 : i32 to vector<16xi32>
      %and3A_1429 = arith.andi %add3A_1426, %and3A_1428 : vector<16xi32>
      %add3A_1430 = arith.addi %mul3A_744, %and3A_1429 : vector<16xi32>
      %gather3A_1431 = tpu.vector_load_idx %arg17[%add3A_737, %add3A_1430] : memref<256x128xf32, #tpu.memory_space<vmem>>[vector<16xi32>, vector<16xi32>], vector<16xf32>,
      %add3A_1432 = arith.addi %mul3A_752, %and3A_1429 : vector<16xi32>
      %gather3A_1433 = tpu.vector_load_idx %arg18[%add3A_737, %add3A_1432] : memref<256x128xf32, #tpu.memory_space<vmem>>[vector<16xi32>, vector<16xi32>], vector<16xf32>,
      %add3A_1434 = arith.addi %mul3A_760, %and3A_1429 : vector<16xi32>
      %gather3A_1435 = tpu.vector_load_idx %arg19[%add3A_737, %add3A_1434] : memref<256x128xf32, #tpu.memory_space<vmem>>[vector<16xi32>, vector<16xi32>], vector<16xf32>,
      %mul3A_1436 = arith.mulf %gather3A_1431, %gather3A_1433 : vector<16xf32>
      %add3A_1437 = arith.addf %add3A_1421, %mul3A_1436 : vector<16xf32>
      %mul3A_1438 = arith.mulf %gather3A_1431, %gather3A_1435 : vector<16xf32>
      %add3A_1439 = arith.addf %add3A_1423, %mul3A_1438 : vector<16xf32>
      %add3A_1440 = arith.constant 42 : i32
      %add3A_1441 = vector.broadcast %add3A_1440 : i32 to vector<16xi32>
      %add3A_1442 = arith.addi %iota3A, %add3A_1441 : vector<16xi32>
      %and3A_1443 = arith.constant 63 : i32
      %and3A_1444 = vector.broadcast %and3A_1443 : i32 to vector<16xi32>
      %and3A_1445 = arith.andi %add3A_1442, %and3A_1444 : vector<16xi32>
      %add3A_1446 = arith.addi %mul3A_744, %and3A_1445 : vector<16xi32>
      %gather3A_1447 = tpu.vector_load_idx %arg17[%add3A_737, %add3A_1446] : memref<256x128xf32, #tpu.memory_space<vmem>>[vector<16xi32>, vector<16xi32>], vector<16xf32>,
      %add3A_1448 = arith.addi %mul3A_752, %and3A_1445 : vector<16xi32>
      %gather3A_1449 = tpu.vector_load_idx %arg18[%add3A_737, %add3A_1448] : memref<256x128xf32, #tpu.memory_space<vmem>>[vector<16xi32>, vector<16xi32>], vector<16xf32>,
      %add3A_1450 = arith.addi %mul3A_760, %and3A_1445 : vector<16xi32>
      %gather3A_1451 = tpu.vector_load_idx %arg19[%add3A_737, %add3A_1450] : memref<256x128xf32, #tpu.memory_space<vmem>>[vector<16xi32>, vector<16xi32>], vector<16xf32>,
      %mul3A_1452 = arith.mulf %gather3A_1447, %gather3A_1449 : vector<16xf32>
      %add3A_1453 = arith.addf %add3A_1437, %mul3A_1452 : vector<16xf32>
      %mul3A_1454 = arith.mulf %gather3A_1447, %gather3A_1451 : vector<16xf32>
      %add3A_1455 = arith.addf %add3A_1439, %mul3A_1454 : vector<16xf32>
      %add3A_1456 = arith.constant 43 : i32
      %add3A_1457 = vector.broadcast %add3A_1456 : i32 to vector<16xi32>
      %add3A_1458 = arith.addi %iota3A, %add3A_1457 : vector<16xi32>
      %and3A_1459 = arith.constant 63 : i32
      %and3A_1460 = vector.broadcast %and3A_1459 : i32 to vector<16xi32>
      %and3A_1461 = arith.andi %add3A_1458, %and3A_1460 : vector<16xi32>
      %add3A_1462 = arith.addi %mul3A_744, %and3A_1461 : vector<16xi32>
      %gather3A_1463 = tpu.vector_load_idx %arg17[%add3A_737, %add3A_1462] : memref<256x128xf32, #tpu.memory_space<vmem>>[vector<16xi32>, vector<16xi32>], vector<16xf32>,
      %add3A_1464 = arith.addi %mul3A_752, %and3A_1461 : vector<16xi32>
      %gather3A_1465 = tpu.vector_load_idx %arg18[%add3A_737, %add3A_1464] : memref<256x128xf32, #tpu.memory_space<vmem>>[vector<16xi32>, vector<16xi32>], vector<16xf32>,
      %add3A_1466 = arith.addi %mul3A_760, %and3A_1461 : vector<16xi32>
      %gather3A_1467 = tpu.vector_load_idx %arg19[%add3A_737, %add3A_1466] : memref<256x128xf32, #tpu.memory_space<vmem>>[vector<16xi32>, vector<16xi32>], vector<16xf32>,
      %mul3A_1468 = arith.mulf %gather3A_1463, %gather3A_1465 : vector<16xf32>
      %add3A_1469 = arith.addf %add3A_1453, %mul3A_1468 : vector<16xf32>
      %mul3A_1470 = arith.mulf %gather3A_1463, %gather3A_1467 : vector<16xf32>
      %add3A_1471 = arith.addf %add3A_1455, %mul3A_1470 : vector<16xf32>
      %add3A_1472 = arith.constant 44 : i32
      %add3A_1473 = vector.broadcast %add3A_1472 : i32 to vector<16xi32>
      %add3A_1474 = arith.addi %iota3A, %add3A_1473 : vector<16xi32>
      %and3A_1475 = arith.constant 63 : i32
      %and3A_1476 = vector.broadcast %and3A_1475 : i32 to vector<16xi32>
      %and3A_1477 = arith.andi %add3A_1474, %and3A_1476 : vector<16xi32>
      %add3A_1478 = arith.addi %mul3A_744, %and3A_1477 : vector<16xi32>
      %gather3A_1479 = tpu.vector_load_idx %arg17[%add3A_737, %add3A_1478] : memref<256x128xf32, #tpu.memory_space<vmem>>[vector<16xi32>, vector<16xi32>], vector<16xf32>,
      %add3A_1480 = arith.addi %mul3A_752, %and3A_1477 : vector<16xi32>
      %gather3A_1481 = tpu.vector_load_idx %arg18[%add3A_737, %add3A_1480] : memref<256x128xf32, #tpu.memory_space<vmem>>[vector<16xi32>, vector<16xi32>], vector<16xf32>,
      %add3A_1482 = arith.addi %mul3A_760, %and3A_1477 : vector<16xi32>
      %gather3A_1483 = tpu.vector_load_idx %arg19[%add3A_737, %add3A_1482] : memref<256x128xf32, #tpu.memory_space<vmem>>[vector<16xi32>, vector<16xi32>], vector<16xf32>,
      %mul3A_1484 = arith.mulf %gather3A_1479, %gather3A_1481 : vector<16xf32>
      %add3A_1485 = arith.addf %add3A_1469, %mul3A_1484 : vector<16xf32>
      %mul3A_1486 = arith.mulf %gather3A_1479, %gather3A_1483 : vector<16xf32>
      %add3A_1487 = arith.addf %add3A_1471, %mul3A_1486 : vector<16xf32>
      %add3A_1488 = arith.constant 45 : i32
      %add3A_1489 = vector.broadcast %add3A_1488 : i32 to vector<16xi32>
      %add3A_1490 = arith.addi %iota3A, %add3A_1489 : vector<16xi32>
      %and3A_1491 = arith.constant 63 : i32
      %and3A_1492 = vector.broadcast %and3A_1491 : i32 to vector<16xi32>
      %and3A_1493 = arith.andi %add3A_1490, %and3A_1492 : vector<16xi32>
      %add3A_1494 = arith.addi %mul3A_744, %and3A_1493 : vector<16xi32>
      %gather3A_1495 = tpu.vector_load_idx %arg17[%add3A_737, %add3A_1494] : memref<256x128xf32, #tpu.memory_space<vmem>>[vector<16xi32>, vector<16xi32>], vector<16xf32>,
      %add3A_1496 = arith.addi %mul3A_752, %and3A_1493 : vector<16xi32>
      %gather3A_1497 = tpu.vector_load_idx %arg18[%add3A_737, %add3A_1496] : memref<256x128xf32, #tpu.memory_space<vmem>>[vector<16xi32>, vector<16xi32>], vector<16xf32>,
      %add3A_1498 = arith.addi %mul3A_760, %and3A_1493 : vector<16xi32>
      %gather3A_1499 = tpu.vector_load_idx %arg19[%add3A_737, %add3A_1498] : memref<256x128xf32, #tpu.memory_space<vmem>>[vector<16xi32>, vector<16xi32>], vector<16xf32>,
      %mul3A_1500 = arith.mulf %gather3A_1495, %gather3A_1497 : vector<16xf32>
      %add3A_1501 = arith.addf %add3A_1485, %mul3A_1500 : vector<16xf32>
      %mul3A_1502 = arith.mulf %gather3A_1495, %gather3A_1499 : vector<16xf32>
      %add3A_1503 = arith.addf %add3A_1487, %mul3A_1502 : vector<16xf32>
      %add3A_1504 = arith.constant 46 : i32
      %add3A_1505 = vector.broadcast %add3A_1504 : i32 to vector<16xi32>
      %add3A_1506 = arith.addi %iota3A, %add3A_1505 : vector<16xi32>
      %and3A_1507 = arith.constant 63 : i32
      %and3A_1508 = vector.broadcast %and3A_1507 : i32 to vector<16xi32>
      %and3A_1509 = arith.andi %add3A_1506, %and3A_1508 : vector<16xi32>
      %add3A_1510 = arith.addi %mul3A_744, %and3A_1509 : vector<16xi32>
      %gather3A_1511 = tpu.vector_load_idx %arg17[%add3A_737, %add3A_1510] : memref<256x128xf32, #tpu.memory_space<vmem>>[vector<16xi32>, vector<16xi32>], vector<16xf32>,
      %add3A_1512 = arith.addi %mul3A_752, %and3A_1509 : vector<16xi32>
      %gather3A_1513 = tpu.vector_load_idx %arg18[%add3A_737, %add3A_1512] : memref<256x128xf32, #tpu.memory_space<vmem>>[vector<16xi32>, vector<16xi32>], vector<16xf32>,
      %add3A_1514 = arith.addi %mul3A_760, %and3A_1509 : vector<16xi32>
      %gather3A_1515 = tpu.vector_load_idx %arg19[%add3A_737, %add3A_1514] : memref<256x128xf32, #tpu.memory_space<vmem>>[vector<16xi32>, vector<16xi32>], vector<16xf32>,
      %mul3A_1516 = arith.mulf %gather3A_1511, %gather3A_1513 : vector<16xf32>
      %add3A_1517 = arith.addf %add3A_1501, %mul3A_1516 : vector<16xf32>
      %mul3A_1518 = arith.mulf %gather3A_1511, %gather3A_1515 : vector<16xf32>
      %add3A_1519 = arith.addf %add3A_1503, %mul3A_1518 : vector<16xf32>
      %add3A_1520 = arith.constant 47 : i32
      %add3A_1521 = vector.broadcast %add3A_1520 : i32 to vector<16xi32>
      %add3A_1522 = arith.addi %iota3A, %add3A_1521 : vector<16xi32>
      %and3A_1523 = arith.constant 63 : i32
      %and3A_1524 = vector.broadcast %and3A_1523 : i32 to vector<16xi32>
      %and3A_1525 = arith.andi %add3A_1522, %and3A_1524 : vector<16xi32>
      %add3A_1526 = arith.addi %mul3A_744, %and3A_1525 : vector<16xi32>
      %gather3A_1527 = tpu.vector_load_idx %arg17[%add3A_737, %add3A_1526] : memref<256x128xf32, #tpu.memory_space<vmem>>[vector<16xi32>, vector<16xi32>], vector<16xf32>,
      %add3A_1528 = arith.addi %mul3A_752, %and3A_1525 : vector<16xi32>
      %gather3A_1529 = tpu.vector_load_idx %arg18[%add3A_737, %add3A_1528] : memref<256x128xf32, #tpu.memory_space<vmem>>[vector<16xi32>, vector<16xi32>], vector<16xf32>,
      %add3A_1530 = arith.addi %mul3A_760, %and3A_1525 : vector<16xi32>
      %gather3A_1531 = tpu.vector_load_idx %arg19[%add3A_737, %add3A_1530] : memref<256x128xf32, #tpu.memory_space<vmem>>[vector<16xi32>, vector<16xi32>], vector<16xf32>,
      %mul3A_1532 = arith.mulf %gather3A_1527, %gather3A_1529 : vector<16xf32>
      %add3A_1533 = arith.addf %add3A_1517, %mul3A_1532 : vector<16xf32>
      %mul3A_1534 = arith.mulf %gather3A_1527, %gather3A_1531 : vector<16xf32>
      %add3A_1535 = arith.addf %add3A_1519, %mul3A_1534 : vector<16xf32>
      %add3A_1536 = arith.constant 48 : i32
      %add3A_1537 = vector.broadcast %add3A_1536 : i32 to vector<16xi32>
      %add3A_1538 = arith.addi %iota3A, %add3A_1537 : vector<16xi32>
      %and3A_1539 = arith.constant 63 : i32
      %and3A_1540 = vector.broadcast %and3A_1539 : i32 to vector<16xi32>
      %and3A_1541 = arith.andi %add3A_1538, %and3A_1540 : vector<16xi32>
      %add3A_1542 = arith.addi %mul3A_744, %and3A_1541 : vector<16xi32>
      %gather3A_1543 = tpu.vector_load_idx %arg17[%add3A_737, %add3A_1542] : memref<256x128xf32, #tpu.memory_space<vmem>>[vector<16xi32>, vector<16xi32>], vector<16xf32>,
      %add3A_1544 = arith.addi %mul3A_752, %and3A_1541 : vector<16xi32>
      %gather3A_1545 = tpu.vector_load_idx %arg18[%add3A_737, %add3A_1544] : memref<256x128xf32, #tpu.memory_space<vmem>>[vector<16xi32>, vector<16xi32>], vector<16xf32>,
      %add3A_1546 = arith.addi %mul3A_760, %and3A_1541 : vector<16xi32>
      %gather3A_1547 = tpu.vector_load_idx %arg19[%add3A_737, %add3A_1546] : memref<256x128xf32, #tpu.memory_space<vmem>>[vector<16xi32>, vector<16xi32>], vector<16xf32>,
      %mul3A_1548 = arith.mulf %gather3A_1543, %gather3A_1545 : vector<16xf32>
      %add3A_1549 = arith.addf %add3A_1533, %mul3A_1548 : vector<16xf32>
      %mul3A_1550 = arith.mulf %gather3A_1543, %gather3A_1547 : vector<16xf32>
      %add3A_1551 = arith.addf %add3A_1535, %mul3A_1550 : vector<16xf32>
      %add3A_1552 = arith.constant 49 : i32
      %add3A_1553 = vector.broadcast %add3A_1552 : i32 to vector<16xi32>
      %add3A_1554 = arith.addi %iota3A, %add3A_1553 : vector<16xi32>
      %and3A_1555 = arith.constant 63 : i32
      %and3A_1556 = vector.broadcast %and3A_1555 : i32 to vector<16xi32>
      %and3A_1557 = arith.andi %add3A_1554, %and3A_1556 : vector<16xi32>
      %add3A_1558 = arith.addi %mul3A_744, %and3A_1557 : vector<16xi32>
      %gather3A_1559 = tpu.vector_load_idx %arg17[%add3A_737, %add3A_1558] : memref<256x128xf32, #tpu.memory_space<vmem>>[vector<16xi32>, vector<16xi32>], vector<16xf32>,
      %add3A_1560 = arith.addi %mul3A_752, %and3A_1557 : vector<16xi32>
      %gather3A_1561 = tpu.vector_load_idx %arg18[%add3A_737, %add3A_1560] : memref<256x128xf32, #tpu.memory_space<vmem>>[vector<16xi32>, vector<16xi32>], vector<16xf32>,
      %add3A_1562 = arith.addi %mul3A_760, %and3A_1557 : vector<16xi32>
      %gather3A_1563 = tpu.vector_load_idx %arg19[%add3A_737, %add3A_1562] : memref<256x128xf32, #tpu.memory_space<vmem>>[vector<16xi32>, vector<16xi32>], vector<16xf32>,
      %mul3A_1564 = arith.mulf %gather3A_1559, %gather3A_1561 : vector<16xf32>
      %add3A_1565 = arith.addf %add3A_1549, %mul3A_1564 : vector<16xf32>
      %mul3A_1566 = arith.mulf %gather3A_1559, %gather3A_1563 : vector<16xf32>
      %add3A_1567 = arith.addf %add3A_1551, %mul3A_1566 : vector<16xf32>
      %add3A_1568 = arith.constant 50 : i32
      %add3A_1569 = vector.broadcast %add3A_1568 : i32 to vector<16xi32>
      %add3A_1570 = arith.addi %iota3A, %add3A_1569 : vector<16xi32>
      %and3A_1571 = arith.constant 63 : i32
      %and3A_1572 = vector.broadcast %and3A_1571 : i32 to vector<16xi32>
      %and3A_1573 = arith.andi %add3A_1570, %and3A_1572 : vector<16xi32>
      %add3A_1574 = arith.addi %mul3A_744, %and3A_1573 : vector<16xi32>
      %gather3A_1575 = tpu.vector_load_idx %arg17[%add3A_737, %add3A_1574] : memref<256x128xf32, #tpu.memory_space<vmem>>[vector<16xi32>, vector<16xi32>], vector<16xf32>,
      %add3A_1576 = arith.addi %mul3A_752, %and3A_1573 : vector<16xi32>
      %gather3A_1577 = tpu.vector_load_idx %arg18[%add3A_737, %add3A_1576] : memref<256x128xf32, #tpu.memory_space<vmem>>[vector<16xi32>, vector<16xi32>], vector<16xf32>,
      %add3A_1578 = arith.addi %mul3A_760, %and3A_1573 : vector<16xi32>
      %gather3A_1579 = tpu.vector_load_idx %arg19[%add3A_737, %add3A_1578] : memref<256x128xf32, #tpu.memory_space<vmem>>[vector<16xi32>, vector<16xi32>], vector<16xf32>,
      %mul3A_1580 = arith.mulf %gather3A_1575, %gather3A_1577 : vector<16xf32>
      %add3A_1581 = arith.addf %add3A_1565, %mul3A_1580 : vector<16xf32>
      %mul3A_1582 = arith.mulf %gather3A_1575, %gather3A_1579 : vector<16xf32>
      %add3A_1583 = arith.addf %add3A_1567, %mul3A_1582 : vector<16xf32>
      %add3A_1584 = arith.constant 51 : i32
      %add3A_1585 = vector.broadcast %add3A_1584 : i32 to vector<16xi32>
      %add3A_1586 = arith.addi %iota3A, %add3A_1585 : vector<16xi32>
      %and3A_1587 = arith.constant 63 : i32
      %and3A_1588 = vector.broadcast %and3A_1587 : i32 to vector<16xi32>
      %and3A_1589 = arith.andi %add3A_1586, %and3A_1588 : vector<16xi32>
      %add3A_1590 = arith.addi %mul3A_744, %and3A_1589 : vector<16xi32>
      %gather3A_1591 = tpu.vector_load_idx %arg17[%add3A_737, %add3A_1590] : memref<256x128xf32, #tpu.memory_space<vmem>>[vector<16xi32>, vector<16xi32>], vector<16xf32>,
      %add3A_1592 = arith.addi %mul3A_752, %and3A_1589 : vector<16xi32>
      %gather3A_1593 = tpu.vector_load_idx %arg18[%add3A_737, %add3A_1592] : memref<256x128xf32, #tpu.memory_space<vmem>>[vector<16xi32>, vector<16xi32>], vector<16xf32>,
      %add3A_1594 = arith.addi %mul3A_760, %and3A_1589 : vector<16xi32>
      %gather3A_1595 = tpu.vector_load_idx %arg19[%add3A_737, %add3A_1594] : memref<256x128xf32, #tpu.memory_space<vmem>>[vector<16xi32>, vector<16xi32>], vector<16xf32>,
      %mul3A_1596 = arith.mulf %gather3A_1591, %gather3A_1593 : vector<16xf32>
      %add3A_1597 = arith.addf %add3A_1581, %mul3A_1596 : vector<16xf32>
      %mul3A_1598 = arith.mulf %gather3A_1591, %gather3A_1595 : vector<16xf32>
      %add3A_1599 = arith.addf %add3A_1583, %mul3A_1598 : vector<16xf32>
      %add3A_1600 = arith.constant 52 : i32
      %add3A_1601 = vector.broadcast %add3A_1600 : i32 to vector<16xi32>
      %add3A_1602 = arith.addi %iota3A, %add3A_1601 : vector<16xi32>
      %and3A_1603 = arith.constant 63 : i32
      %and3A_1604 = vector.broadcast %and3A_1603 : i32 to vector<16xi32>
      %and3A_1605 = arith.andi %add3A_1602, %and3A_1604 : vector<16xi32>
      %add3A_1606 = arith.addi %mul3A_744, %and3A_1605 : vector<16xi32>
      %gather3A_1607 = tpu.vector_load_idx %arg17[%add3A_737, %add3A_1606] : memref<256x128xf32, #tpu.memory_space<vmem>>[vector<16xi32>, vector<16xi32>], vector<16xf32>,
      %add3A_1608 = arith.addi %mul3A_752, %and3A_1605 : vector<16xi32>
      %gather3A_1609 = tpu.vector_load_idx %arg18[%add3A_737, %add3A_1608] : memref<256x128xf32, #tpu.memory_space<vmem>>[vector<16xi32>, vector<16xi32>], vector<16xf32>,
      %add3A_1610 = arith.addi %mul3A_760, %and3A_1605 : vector<16xi32>
      %gather3A_1611 = tpu.vector_load_idx %arg19[%add3A_737, %add3A_1610] : memref<256x128xf32, #tpu.memory_space<vmem>>[vector<16xi32>, vector<16xi32>], vector<16xf32>,
      %mul3A_1612 = arith.mulf %gather3A_1607, %gather3A_1609 : vector<16xf32>
      %add3A_1613 = arith.addf %add3A_1597, %mul3A_1612 : vector<16xf32>
      %mul3A_1614 = arith.mulf %gather3A_1607, %gather3A_1611 : vector<16xf32>
      %add3A_1615 = arith.addf %add3A_1599, %mul3A_1614 : vector<16xf32>
      %add3A_1616 = arith.constant 53 : i32
      %add3A_1617 = vector.broadcast %add3A_1616 : i32 to vector<16xi32>
      %add3A_1618 = arith.addi %iota3A, %add3A_1617 : vector<16xi32>
      %and3A_1619 = arith.constant 63 : i32
      %and3A_1620 = vector.broadcast %and3A_1619 : i32 to vector<16xi32>
      %and3A_1621 = arith.andi %add3A_1618, %and3A_1620 : vector<16xi32>
      %add3A_1622 = arith.addi %mul3A_744, %and3A_1621 : vector<16xi32>
      %gather3A_1623 = tpu.vector_load_idx %arg17[%add3A_737, %add3A_1622] : memref<256x128xf32, #tpu.memory_space<vmem>>[vector<16xi32>, vector<16xi32>], vector<16xf32>,
      %add3A_1624 = arith.addi %mul3A_752, %and3A_1621 : vector<16xi32>
      %gather3A_1625 = tpu.vector_load_idx %arg18[%add3A_737, %add3A_1624] : memref<256x128xf32, #tpu.memory_space<vmem>>[vector<16xi32>, vector<16xi32>], vector<16xf32>,
      %add3A_1626 = arith.addi %mul3A_760, %and3A_1621 : vector<16xi32>
      %gather3A_1627 = tpu.vector_load_idx %arg19[%add3A_737, %add3A_1626] : memref<256x128xf32, #tpu.memory_space<vmem>>[vector<16xi32>, vector<16xi32>], vector<16xf32>,
      %mul3A_1628 = arith.mulf %gather3A_1623, %gather3A_1625 : vector<16xf32>
      %add3A_1629 = arith.addf %add3A_1613, %mul3A_1628 : vector<16xf32>
      %mul3A_1630 = arith.mulf %gather3A_1623, %gather3A_1627 : vector<16xf32>
      %add3A_1631 = arith.addf %add3A_1615, %mul3A_1630 : vector<16xf32>
      %add3A_1632 = arith.constant 54 : i32
      %add3A_1633 = vector.broadcast %add3A_1632 : i32 to vector<16xi32>
      %add3A_1634 = arith.addi %iota3A, %add3A_1633 : vector<16xi32>
      %and3A_1635 = arith.constant 63 : i32
      %and3A_1636 = vector.broadcast %and3A_1635 : i32 to vector<16xi32>
      %and3A_1637 = arith.andi %add3A_1634, %and3A_1636 : vector<16xi32>
      %add3A_1638 = arith.addi %mul3A_744, %and3A_1637 : vector<16xi32>
      %gather3A_1639 = tpu.vector_load_idx %arg17[%add3A_737, %add3A_1638] : memref<256x128xf32, #tpu.memory_space<vmem>>[vector<16xi32>, vector<16xi32>], vector<16xf32>,
      %add3A_1640 = arith.addi %mul3A_752, %and3A_1637 : vector<16xi32>
      %gather3A_1641 = tpu.vector_load_idx %arg18[%add3A_737, %add3A_1640] : memref<256x128xf32, #tpu.memory_space<vmem>>[vector<16xi32>, vector<16xi32>], vector<16xf32>,
      %add3A_1642 = arith.addi %mul3A_760, %and3A_1637 : vector<16xi32>
      %gather3A_1643 = tpu.vector_load_idx %arg19[%add3A_737, %add3A_1642] : memref<256x128xf32, #tpu.memory_space<vmem>>[vector<16xi32>, vector<16xi32>], vector<16xf32>,
      %mul3A_1644 = arith.mulf %gather3A_1639, %gather3A_1641 : vector<16xf32>
      %add3A_1645 = arith.addf %add3A_1629, %mul3A_1644 : vector<16xf32>
      %mul3A_1646 = arith.mulf %gather3A_1639, %gather3A_1643 : vector<16xf32>
      %add3A_1647 = arith.addf %add3A_1631, %mul3A_1646 : vector<16xf32>
      %add3A_1648 = arith.constant 55 : i32
      %add3A_1649 = vector.broadcast %add3A_1648 : i32 to vector<16xi32>
      %add3A_1650 = arith.addi %iota3A, %add3A_1649 : vector<16xi32>
      %and3A_1651 = arith.constant 63 : i32
      %and3A_1652 = vector.broadcast %and3A_1651 : i32 to vector<16xi32>
      %and3A_1653 = arith.andi %add3A_1650, %and3A_1652 : vector<16xi32>
      %add3A_1654 = arith.addi %mul3A_744, %and3A_1653 : vector<16xi32>
      %gather3A_1655 = tpu.vector_load_idx %arg17[%add3A_737, %add3A_1654] : memref<256x128xf32, #tpu.memory_space<vmem>>[vector<16xi32>, vector<16xi32>], vector<16xf32>,
      %add3A_1656 = arith.addi %mul3A_752, %and3A_1653 : vector<16xi32>
      %gather3A_1657 = tpu.vector_load_idx %arg18[%add3A_737, %add3A_1656] : memref<256x128xf32, #tpu.memory_space<vmem>>[vector<16xi32>, vector<16xi32>], vector<16xf32>,
      %add3A_1658 = arith.addi %mul3A_760, %and3A_1653 : vector<16xi32>
      %gather3A_1659 = tpu.vector_load_idx %arg19[%add3A_737, %add3A_1658] : memref<256x128xf32, #tpu.memory_space<vmem>>[vector<16xi32>, vector<16xi32>], vector<16xf32>,
      %mul3A_1660 = arith.mulf %gather3A_1655, %gather3A_1657 : vector<16xf32>
      %add3A_1661 = arith.addf %add3A_1645, %mul3A_1660 : vector<16xf32>
      %mul3A_1662 = arith.mulf %gather3A_1655, %gather3A_1659 : vector<16xf32>
      %add3A_1663 = arith.addf %add3A_1647, %mul3A_1662 : vector<16xf32>
      %add3A_1664 = arith.constant 56 : i32
      %add3A_1665 = vector.broadcast %add3A_1664 : i32 to vector<16xi32>
      %add3A_1666 = arith.addi %iota3A, %add3A_1665 : vector<16xi32>
      %and3A_1667 = arith.constant 63 : i32
      %and3A_1668 = vector.broadcast %and3A_1667 : i32 to vector<16xi32>
      %and3A_1669 = arith.andi %add3A_1666, %and3A_1668 : vector<16xi32>
      %add3A_1670 = arith.addi %mul3A_744, %and3A_1669 : vector<16xi32>
      %gather3A_1671 = tpu.vector_load_idx %arg17[%add3A_737, %add3A_1670] : memref<256x128xf32, #tpu.memory_space<vmem>>[vector<16xi32>, vector<16xi32>], vector<16xf32>,
      %add3A_1672 = arith.addi %mul3A_752, %and3A_1669 : vector<16xi32>
      %gather3A_1673 = tpu.vector_load_idx %arg18[%add3A_737, %add3A_1672] : memref<256x128xf32, #tpu.memory_space<vmem>>[vector<16xi32>, vector<16xi32>], vector<16xf32>,
      %add3A_1674 = arith.addi %mul3A_760, %and3A_1669 : vector<16xi32>
      %gather3A_1675 = tpu.vector_load_idx %arg19[%add3A_737, %add3A_1674] : memref<256x128xf32, #tpu.memory_space<vmem>>[vector<16xi32>, vector<16xi32>], vector<16xf32>,
      %mul3A_1676 = arith.mulf %gather3A_1671, %gather3A_1673 : vector<16xf32>
      %add3A_1677 = arith.addf %add3A_1661, %mul3A_1676 : vector<16xf32>
      %mul3A_1678 = arith.mulf %gather3A_1671, %gather3A_1675 : vector<16xf32>
      %add3A_1679 = arith.addf %add3A_1663, %mul3A_1678 : vector<16xf32>
      %add3A_1680 = arith.constant 57 : i32
      %add3A_1681 = vector.broadcast %add3A_1680 : i32 to vector<16xi32>
      %add3A_1682 = arith.addi %iota3A, %add3A_1681 : vector<16xi32>
      %and3A_1683 = arith.constant 63 : i32
      %and3A_1684 = vector.broadcast %and3A_1683 : i32 to vector<16xi32>
      %and3A_1685 = arith.andi %add3A_1682, %and3A_1684 : vector<16xi32>
      %add3A_1686 = arith.addi %mul3A_744, %and3A_1685 : vector<16xi32>
      %gather3A_1687 = tpu.vector_load_idx %arg17[%add3A_737, %add3A_1686] : memref<256x128xf32, #tpu.memory_space<vmem>>[vector<16xi32>, vector<16xi32>], vector<16xf32>,
      %add3A_1688 = arith.addi %mul3A_752, %and3A_1685 : vector<16xi32>
      %gather3A_1689 = tpu.vector_load_idx %arg18[%add3A_737, %add3A_1688] : memref<256x128xf32, #tpu.memory_space<vmem>>[vector<16xi32>, vector<16xi32>], vector<16xf32>,
      %add3A_1690 = arith.addi %mul3A_760, %and3A_1685 : vector<16xi32>
      %gather3A_1691 = tpu.vector_load_idx %arg19[%add3A_737, %add3A_1690] : memref<256x128xf32, #tpu.memory_space<vmem>>[vector<16xi32>, vector<16xi32>], vector<16xf32>,
      %mul3A_1692 = arith.mulf %gather3A_1687, %gather3A_1689 : vector<16xf32>
      %add3A_1693 = arith.addf %add3A_1677, %mul3A_1692 : vector<16xf32>
      %mul3A_1694 = arith.mulf %gather3A_1687, %gather3A_1691 : vector<16xf32>
      %add3A_1695 = arith.addf %add3A_1679, %mul3A_1694 : vector<16xf32>
      %add3A_1696 = arith.constant 58 : i32
      %add3A_1697 = vector.broadcast %add3A_1696 : i32 to vector<16xi32>
      %add3A_1698 = arith.addi %iota3A, %add3A_1697 : vector<16xi32>
      %and3A_1699 = arith.constant 63 : i32
      %and3A_1700 = vector.broadcast %and3A_1699 : i32 to vector<16xi32>
      %and3A_1701 = arith.andi %add3A_1698, %and3A_1700 : vector<16xi32>
      %add3A_1702 = arith.addi %mul3A_744, %and3A_1701 : vector<16xi32>
      %gather3A_1703 = tpu.vector_load_idx %arg17[%add3A_737, %add3A_1702] : memref<256x128xf32, #tpu.memory_space<vmem>>[vector<16xi32>, vector<16xi32>], vector<16xf32>,
      %add3A_1704 = arith.addi %mul3A_752, %and3A_1701 : vector<16xi32>
      %gather3A_1705 = tpu.vector_load_idx %arg18[%add3A_737, %add3A_1704] : memref<256x128xf32, #tpu.memory_space<vmem>>[vector<16xi32>, vector<16xi32>], vector<16xf32>,
      %add3A_1706 = arith.addi %mul3A_760, %and3A_1701 : vector<16xi32>
      %gather3A_1707 = tpu.vector_load_idx %arg19[%add3A_737, %add3A_1706] : memref<256x128xf32, #tpu.memory_space<vmem>>[vector<16xi32>, vector<16xi32>], vector<16xf32>,
      %mul3A_1708 = arith.mulf %gather3A_1703, %gather3A_1705 : vector<16xf32>
      %add3A_1709 = arith.addf %add3A_1693, %mul3A_1708 : vector<16xf32>
      %mul3A_1710 = arith.mulf %gather3A_1703, %gather3A_1707 : vector<16xf32>
      %add3A_1711 = arith.addf %add3A_1695, %mul3A_1710 : vector<16xf32>
      %add3A_1712 = arith.constant 59 : i32
      %add3A_1713 = vector.broadcast %add3A_1712 : i32 to vector<16xi32>
      %add3A_1714 = arith.addi %iota3A, %add3A_1713 : vector<16xi32>
      %and3A_1715 = arith.constant 63 : i32
      %and3A_1716 = vector.broadcast %and3A_1715 : i32 to vector<16xi32>
      %and3A_1717 = arith.andi %add3A_1714, %and3A_1716 : vector<16xi32>
      %add3A_1718 = arith.addi %mul3A_744, %and3A_1717 : vector<16xi32>
      %gather3A_1719 = tpu.vector_load_idx %arg17[%add3A_737, %add3A_1718] : memref<256x128xf32, #tpu.memory_space<vmem>>[vector<16xi32>, vector<16xi32>], vector<16xf32>,
      %add3A_1720 = arith.addi %mul3A_752, %and3A_1717 : vector<16xi32>
      %gather3A_1721 = tpu.vector_load_idx %arg18[%add3A_737, %add3A_1720] : memref<256x128xf32, #tpu.memory_space<vmem>>[vector<16xi32>, vector<16xi32>], vector<16xf32>,
      %add3A_1722 = arith.addi %mul3A_760, %and3A_1717 : vector<16xi32>
      %gather3A_1723 = tpu.vector_load_idx %arg19[%add3A_737, %add3A_1722] : memref<256x128xf32, #tpu.memory_space<vmem>>[vector<16xi32>, vector<16xi32>], vector<16xf32>,
      %mul3A_1724 = arith.mulf %gather3A_1719, %gather3A_1721 : vector<16xf32>
      %add3A_1725 = arith.addf %add3A_1709, %mul3A_1724 : vector<16xf32>
      %mul3A_1726 = arith.mulf %gather3A_1719, %gather3A_1723 : vector<16xf32>
      %add3A_1727 = arith.addf %add3A_1711, %mul3A_1726 : vector<16xf32>
      %add3A_1728 = arith.constant 60 : i32
      %add3A_1729 = vector.broadcast %add3A_1728 : i32 to vector<16xi32>
      %add3A_1730 = arith.addi %iota3A, %add3A_1729 : vector<16xi32>
      %and3A_1731 = arith.constant 63 : i32
      %and3A_1732 = vector.broadcast %and3A_1731 : i32 to vector<16xi32>
      %and3A_1733 = arith.andi %add3A_1730, %and3A_1732 : vector<16xi32>
      %add3A_1734 = arith.addi %mul3A_744, %and3A_1733 : vector<16xi32>
      %gather3A_1735 = tpu.vector_load_idx %arg17[%add3A_737, %add3A_1734] : memref<256x128xf32, #tpu.memory_space<vmem>>[vector<16xi32>, vector<16xi32>], vector<16xf32>,
      %add3A_1736 = arith.addi %mul3A_752, %and3A_1733 : vector<16xi32>
      %gather3A_1737 = tpu.vector_load_idx %arg18[%add3A_737, %add3A_1736] : memref<256x128xf32, #tpu.memory_space<vmem>>[vector<16xi32>, vector<16xi32>], vector<16xf32>,
      %add3A_1738 = arith.addi %mul3A_760, %and3A_1733 : vector<16xi32>
      %gather3A_1739 = tpu.vector_load_idx %arg19[%add3A_737, %add3A_1738] : memref<256x128xf32, #tpu.memory_space<vmem>>[vector<16xi32>, vector<16xi32>], vector<16xf32>,
      %mul3A_1740 = arith.mulf %gather3A_1735, %gather3A_1737 : vector<16xf32>
      %add3A_1741 = arith.addf %add3A_1725, %mul3A_1740 : vector<16xf32>
      %mul3A_1742 = arith.mulf %gather3A_1735, %gather3A_1739 : vector<16xf32>
      %add3A_1743 = arith.addf %add3A_1727, %mul3A_1742 : vector<16xf32>
      %add3A_1744 = arith.constant 61 : i32
      %add3A_1745 = vector.broadcast %add3A_1744 : i32 to vector<16xi32>
      %add3A_1746 = arith.addi %iota3A, %add3A_1745 : vector<16xi32>
      %and3A_1747 = arith.constant 63 : i32
      %and3A_1748 = vector.broadcast %and3A_1747 : i32 to vector<16xi32>
      %and3A_1749 = arith.andi %add3A_1746, %and3A_1748 : vector<16xi32>
      %add3A_1750 = arith.addi %mul3A_744, %and3A_1749 : vector<16xi32>
      %gather3A_1751 = tpu.vector_load_idx %arg17[%add3A_737, %add3A_1750] : memref<256x128xf32, #tpu.memory_space<vmem>>[vector<16xi32>, vector<16xi32>], vector<16xf32>,
      %add3A_1752 = arith.addi %mul3A_752, %and3A_1749 : vector<16xi32>
      %gather3A_1753 = tpu.vector_load_idx %arg18[%add3A_737, %add3A_1752] : memref<256x128xf32, #tpu.memory_space<vmem>>[vector<16xi32>, vector<16xi32>], vector<16xf32>,
      %add3A_1754 = arith.addi %mul3A_760, %and3A_1749 : vector<16xi32>
      %gather3A_1755 = tpu.vector_load_idx %arg19[%add3A_737, %add3A_1754] : memref<256x128xf32, #tpu.memory_space<vmem>>[vector<16xi32>, vector<16xi32>], vector<16xf32>,
      %mul3A_1756 = arith.mulf %gather3A_1751, %gather3A_1753 : vector<16xf32>
      %add3A_1757 = arith.addf %add3A_1741, %mul3A_1756 : vector<16xf32>
      %mul3A_1758 = arith.mulf %gather3A_1751, %gather3A_1755 : vector<16xf32>
      %add3A_1759 = arith.addf %add3A_1743, %mul3A_1758 : vector<16xf32>
      %add3A_1760 = arith.constant 62 : i32
      %add3A_1761 = vector.broadcast %add3A_1760 : i32 to vector<16xi32>
      %add3A_1762 = arith.addi %iota3A, %add3A_1761 : vector<16xi32>
      %and3A_1763 = arith.constant 63 : i32
      %and3A_1764 = vector.broadcast %and3A_1763 : i32 to vector<16xi32>
      %and3A_1765 = arith.andi %add3A_1762, %and3A_1764 : vector<16xi32>
      %add3A_1766 = arith.addi %mul3A_744, %and3A_1765 : vector<16xi32>
      %gather3A_1767 = tpu.vector_load_idx %arg17[%add3A_737, %add3A_1766] : memref<256x128xf32, #tpu.memory_space<vmem>>[vector<16xi32>, vector<16xi32>], vector<16xf32>,
      %add3A_1768 = arith.addi %mul3A_752, %and3A_1765 : vector<16xi32>
      %gather3A_1769 = tpu.vector_load_idx %arg18[%add3A_737, %add3A_1768] : memref<256x128xf32, #tpu.memory_space<vmem>>[vector<16xi32>, vector<16xi32>], vector<16xf32>,
      %add3A_1770 = arith.addi %mul3A_760, %and3A_1765 : vector<16xi32>
      %gather3A_1771 = tpu.vector_load_idx %arg19[%add3A_737, %add3A_1770] : memref<256x128xf32, #tpu.memory_space<vmem>>[vector<16xi32>, vector<16xi32>], vector<16xf32>,
      %mul3A_1772 = arith.mulf %gather3A_1767, %gather3A_1769 : vector<16xf32>
      %add3A_1773 = arith.addf %add3A_1757, %mul3A_1772 : vector<16xf32>
      %mul3A_1774 = arith.mulf %gather3A_1767, %gather3A_1771 : vector<16xf32>
      %add3A_1775 = arith.addf %add3A_1759, %mul3A_1774 : vector<16xf32>
      %add3A_1776 = arith.constant 63 : i32
      %add3A_1777 = vector.broadcast %add3A_1776 : i32 to vector<16xi32>
      %add3A_1778 = arith.addi %iota3A, %add3A_1777 : vector<16xi32>
      %and3A_1779 = arith.constant 63 : i32
      %and3A_1780 = vector.broadcast %and3A_1779 : i32 to vector<16xi32>
      %and3A_1781 = arith.andi %add3A_1778, %and3A_1780 : vector<16xi32>
      %add3A_1782 = arith.addi %mul3A_744, %and3A_1781 : vector<16xi32>
      %gather3A_1783 = tpu.vector_load_idx %arg17[%add3A_737, %add3A_1782] : memref<256x128xf32, #tpu.memory_space<vmem>>[vector<16xi32>, vector<16xi32>], vector<16xf32>,
      %add3A_1784 = arith.addi %mul3A_752, %and3A_1781 : vector<16xi32>
      %gather3A_1785 = tpu.vector_load_idx %arg18[%add3A_737, %add3A_1784] : memref<256x128xf32, #tpu.memory_space<vmem>>[vector<16xi32>, vector<16xi32>], vector<16xf32>,
      %add3A_1786 = arith.addi %mul3A_760, %and3A_1781 : vector<16xi32>
      %gather3A_1787 = tpu.vector_load_idx %arg19[%add3A_737, %add3A_1786] : memref<256x128xf32, #tpu.memory_space<vmem>>[vector<16xi32>, vector<16xi32>], vector<16xf32>,
      %mul3A_1788 = arith.mulf %gather3A_1783, %gather3A_1785 : vector<16xf32>
      %add3A_1789 = arith.addf %add3A_1773, %mul3A_1788 : vector<16xf32>
      %mul3A_1790 = arith.mulf %gather3A_1783, %gather3A_1787 : vector<16xf32>
      %add3A_1791 = arith.addf %add3A_1775, %mul3A_1790 : vector<16xf32>
      %swap3A_1792 = arith.index_cast %add3A_733 : i32 to index
      %swap3A_1793 = tpu.vector_load %arg23[%swap3A_1792] {strides = array<i32>} : memref<512xf32, #tpu.memory_space<vmem>>, vector<16xf32>,
      tpu.vector_store %arg23[%swap3A_1792], %add3A_1789 {strides = array<i32>} : memref<512xf32, #tpu.memory_space<vmem>>, vector<16xf32>,
      %swap3A_1794 = arith.index_cast %add3A_733 : i32 to index
      %swap3A_1795 = tpu.vector_load %arg24[%swap3A_1794] {strides = array<i32>} : memref<512xf32, #tpu.memory_space<vmem>>, vector<16xf32>,
      tpu.vector_store %arg24[%swap3A_1794], %add3A_1791 {strides = array<i32>} : memref<512xf32, #tpu.memory_space<vmem>>, vector<16xf32>,
    }
    %scan3A_368 = arith.constant 16 : i32
    %get3A_369 = arith.constant 256 : index
    %get3A_370 = tpu.vector_load %arg11[%get3A_369] {strides = array<i32>} : memref<512xi32, #tpu.memory_space<vmem>>, vector<16xi32>,
    %shift_right_logical3A_371 = arith.constant 1 : i32
    %shift_right_logical3A_372 = vector.broadcast %shift_right_logical3A_371 : i32 to vector<16xi32>
    %shift_right_logical3A_373 = arith.shrui %get3A_370, %shift_right_logical3A_372 : vector<16xi32>
    %swap3A_374 = arith.constant 0 : index
    %swap3A_375 = tpu.vector_load %arg14[%swap3A_374] {strides = array<i32>} : memref<256xi32, #tpu.memory_space<vmem>>, vector<16xi32>,
    tpu.vector_store %arg14[%swap3A_374], %shift_right_logical3A_373 {strides = array<i32>} : memref<256xi32, #tpu.memory_space<vmem>>, vector<16xi32>,
    %get3A_376 = arith.constant 256 : index
    %get3A_377 = tpu.vector_load %arg12[%get3A_376] {strides = array<i32>} : memref<512xi32, #tpu.memory_space<vmem>>, vector<16xi32>,
    %shift_right_logical3A_378 = arith.constant 1 : i32
    %shift_right_logical3A_379 = vector.broadcast %shift_right_logical3A_378 : i32 to vector<16xi32>
    %shift_right_logical3A_380 = arith.shrui %get3A_377, %shift_right_logical3A_379 : vector<16xi32>
    %swap3A_381 = arith.constant 0 : index
    %swap3A_382 = tpu.vector_load %arg15[%swap3A_381] {strides = array<i32>} : memref<256xi32, #tpu.memory_space<vmem>>, vector<16xi32>,
    tpu.vector_store %arg15[%swap3A_381], %shift_right_logical3A_380 {strides = array<i32>} : memref<256xi32, #tpu.memory_space<vmem>>, vector<16xi32>,
    %get3A_383 = arith.constant 256 : index
    %get3A_384 = tpu.vector_load %arg13[%get3A_383] {strides = array<i32>} : memref<512xi32, #tpu.memory_space<vmem>>, vector<16xi32>,
    %shift_right_logical3A_385 = arith.constant 1 : i32
    %shift_right_logical3A_386 = vector.broadcast %shift_right_logical3A_385 : i32 to vector<16xi32>
    %shift_right_logical3A_387 = arith.shrui %get3A_384, %shift_right_logical3A_386 : vector<16xi32>
    %swap3A_388 = arith.constant 0 : index
    %swap3A_389 = tpu.vector_load %arg16[%swap3A_388] {strides = array<i32>} : memref<256xi32, #tpu.memory_space<vmem>>, vector<16xi32>,
    tpu.vector_store %arg16[%swap3A_388], %shift_right_logical3A_387 {strides = array<i32>} : memref<256xi32, #tpu.memory_space<vmem>>, vector<16xi32>,
    %get3A_390 = arith.constant 272 : index
    %get3A_391 = tpu.vector_load %arg11[%get3A_390] {strides = array<i32>} : memref<512xi32, #tpu.memory_space<vmem>>, vector<16xi32>,
    %shift_right_logical3A_392 = arith.constant 1 : i32
    %shift_right_logical3A_393 = vector.broadcast %shift_right_logical3A_392 : i32 to vector<16xi32>
    %shift_right_logical3A_394 = arith.shrui %get3A_391, %shift_right_logical3A_393 : vector<16xi32>
    %swap3A_395 = arith.constant 16 : index
    %swap3A_396 = tpu.vector_load %arg14[%swap3A_395] {strides = array<i32>} : memref<256xi32, #tpu.memory_space<vmem>>, vector<16xi32>,
    tpu.vector_store %arg14[%swap3A_395], %shift_right_logical3A_394 {strides = array<i32>} : memref<256xi32, #tpu.memory_space<vmem>>, vector<16xi32>,
    %get3A_397 = arith.constant 272 : index
    %get3A_398 = tpu.vector_load %arg12[%get3A_397] {strides = array<i32>} : memref<512xi32, #tpu.memory_space<vmem>>, vector<16xi32>,
    %shift_right_logical3A_399 = arith.constant 1 : i32
    %shift_right_logical3A_400 = vector.broadcast %shift_right_logical3A_399 : i32 to vector<16xi32>
    %shift_right_logical3A_401 = arith.shrui %get3A_398, %shift_right_logical3A_400 : vector<16xi32>
    %swap3A_402 = arith.constant 16 : index
    %swap3A_403 = tpu.vector_load %arg15[%swap3A_402] {strides = array<i32>} : memref<256xi32, #tpu.memory_space<vmem>>, vector<16xi32>,
    tpu.vector_store %arg15[%swap3A_402], %shift_right_logical3A_401 {strides = array<i32>} : memref<256xi32, #tpu.memory_space<vmem>>, vector<16xi32>,
    %get3A_404 = arith.constant 272 : index
    %get3A_405 = tpu.vector_load %arg13[%get3A_404] {strides = array<i32>} : memref<512xi32, #tpu.memory_space<vmem>>, vector<16xi32>,
    %shift_right_logical3A_406 = arith.constant 1 : i32
    %shift_right_logical3A_407 = vector.broadcast %shift_right_logical3A_406 : i32 to vector<16xi32>
    %shift_right_logical3A_408 = arith.shrui %get3A_405, %shift_right_logical3A_407 : vector<16xi32>
    %swap3A_409 = arith.constant 16 : index
    %swap3A_410 = tpu.vector_load %arg16[%swap3A_409] {strides = array<i32>} : memref<256xi32, #tpu.memory_space<vmem>>, vector<16xi32>,
    tpu.vector_store %arg16[%swap3A_409], %shift_right_logical3A_408 {strides = array<i32>} : memref<256xi32, #tpu.memory_space<vmem>>, vector<16xi32>,
    %get3A_411 = arith.constant 288 : index
    %get3A_412 = tpu.vector_load %arg11[%get3A_411] {strides = array<i32>} : memref<512xi32, #tpu.memory_space<vmem>>, vector<16xi32>,
    %shift_right_logical3A_413 = arith.constant 1 : i32
    %shift_right_logical3A_414 = vector.broadcast %shift_right_logical3A_413 : i32 to vector<16xi32>
    %shift_right_logical3A_415 = arith.shrui %get3A_412, %shift_right_logical3A_414 : vector<16xi32>
    %swap3A_416 = arith.constant 32 : index
    %swap3A_417 = tpu.vector_load %arg14[%swap3A_416] {strides = array<i32>} : memref<256xi32, #tpu.memory_space<vmem>>, vector<16xi32>,
    tpu.vector_store %arg14[%swap3A_416], %shift_right_logical3A_415 {strides = array<i32>} : memref<256xi32, #tpu.memory_space<vmem>>, vector<16xi32>,
    %get3A_418 = arith.constant 288 : index
    %get3A_419 = tpu.vector_load %arg12[%get3A_418] {strides = array<i32>} : memref<512xi32, #tpu.memory_space<vmem>>, vector<16xi32>,
    %shift_right_logical3A_420 = arith.constant 1 : i32
    %shift_right_logical3A_421 = vector.broadcast %shift_right_logical3A_420 : i32 to vector<16xi32>
    %shift_right_logical3A_422 = arith.shrui %get3A_419, %shift_right_logical3A_421 : vector<16xi32>
    %swap3A_423 = arith.constant 32 : index
    %swap3A_424 = tpu.vector_load %arg15[%swap3A_423] {strides = array<i32>} : memref<256xi32, #tpu.memory_space<vmem>>, vector<16xi32>,
    tpu.vector_store %arg15[%swap3A_423], %shift_right_logical3A_422 {strides = array<i32>} : memref<256xi32, #tpu.memory_space<vmem>>, vector<16xi32>,
    %get3A_425 = arith.constant 288 : index
    %get3A_426 = tpu.vector_load %arg13[%get3A_425] {strides = array<i32>} : memref<512xi32, #tpu.memory_space<vmem>>, vector<16xi32>,
    %shift_right_logical3A_427 = arith.constant 1 : i32
    %shift_right_logical3A_428 = vector.broadcast %shift_right_logical3A_427 : i32 to vector<16xi32>
    %shift_right_logical3A_429 = arith.shrui %get3A_426, %shift_right_logical3A_428 : vector<16xi32>
    %swap3A_430 = arith.constant 32 : index
    %swap3A_431 = tpu.vector_load %arg16[%swap3A_430] {strides = array<i32>} : memref<256xi32, #tpu.memory_space<vmem>>, vector<16xi32>,
    tpu.vector_store %arg16[%swap3A_430], %shift_right_logical3A_429 {strides = array<i32>} : memref<256xi32, #tpu.memory_space<vmem>>, vector<16xi32>,
    %get3A_432 = arith.constant 304 : index
    %get3A_433 = tpu.vector_load %arg11[%get3A_432] {strides = array<i32>} : memref<512xi32, #tpu.memory_space<vmem>>, vector<16xi32>,
    %shift_right_logical3A_434 = arith.constant 1 : i32
    %shift_right_logical3A_435 = vector.broadcast %shift_right_logical3A_434 : i32 to vector<16xi32>
    %shift_right_logical3A_436 = arith.shrui %get3A_433, %shift_right_logical3A_435 : vector<16xi32>
    %swap3A_437 = arith.constant 48 : index
    %swap3A_438 = tpu.vector_load %arg14[%swap3A_437] {strides = array<i32>} : memref<256xi32, #tpu.memory_space<vmem>>, vector<16xi32>,
    tpu.vector_store %arg14[%swap3A_437], %shift_right_logical3A_436 {strides = array<i32>} : memref<256xi32, #tpu.memory_space<vmem>>, vector<16xi32>,
    %get3A_439 = arith.constant 304 : index
    %get3A_440 = tpu.vector_load %arg12[%get3A_439] {strides = array<i32>} : memref<512xi32, #tpu.memory_space<vmem>>, vector<16xi32>,
    %shift_right_logical3A_441 = arith.constant 1 : i32
    %shift_right_logical3A_442 = vector.broadcast %shift_right_logical3A_441 : i32 to vector<16xi32>
    %shift_right_logical3A_443 = arith.shrui %get3A_440, %shift_right_logical3A_442 : vector<16xi32>
    %swap3A_444 = arith.constant 48 : index
    %swap3A_445 = tpu.vector_load %arg15[%swap3A_444] {strides = array<i32>} : memref<256xi32, #tpu.memory_space<vmem>>, vector<16xi32>,
    tpu.vector_store %arg15[%swap3A_444], %shift_right_logical3A_443 {strides = array<i32>} : memref<256xi32, #tpu.memory_space<vmem>>, vector<16xi32>,
    %get3A_446 = arith.constant 304 : index
    %get3A_447 = tpu.vector_load %arg13[%get3A_446] {strides = array<i32>} : memref<512xi32, #tpu.memory_space<vmem>>, vector<16xi32>,
    %shift_right_logical3A_448 = arith.constant 1 : i32
    %shift_right_logical3A_449 = vector.broadcast %shift_right_logical3A_448 : i32 to vector<16xi32>
    %shift_right_logical3A_450 = arith.shrui %get3A_447, %shift_right_logical3A_449 : vector<16xi32>
    %swap3A_451 = arith.constant 48 : index
    %swap3A_452 = tpu.vector_load %arg16[%swap3A_451] {strides = array<i32>} : memref<256xi32, #tpu.memory_space<vmem>>, vector<16xi32>,
    tpu.vector_store %arg16[%swap3A_451], %shift_right_logical3A_450 {strides = array<i32>} : memref<256xi32, #tpu.memory_space<vmem>>, vector<16xi32>,
    %get3A_453 = arith.constant 320 : index
    %get3A_454 = tpu.vector_load %arg11[%get3A_453] {strides = array<i32>} : memref<512xi32, #tpu.memory_space<vmem>>, vector<16xi32>,
    %shift_right_logical3A_455 = arith.constant 1 : i32
    %shift_right_logical3A_456 = vector.broadcast %shift_right_logical3A_455 : i32 to vector<16xi32>
    %shift_right_logical3A_457 = arith.shrui %get3A_454, %shift_right_logical3A_456 : vector<16xi32>
    %swap3A_458 = arith.constant 64 : index
    %swap3A_459 = tpu.vector_load %arg14[%swap3A_458] {strides = array<i32>} : memref<256xi32, #tpu.memory_space<vmem>>, vector<16xi32>,
    tpu.vector_store %arg14[%swap3A_458], %shift_right_logical3A_457 {strides = array<i32>} : memref<256xi32, #tpu.memory_space<vmem>>, vector<16xi32>,
    %get3A_460 = arith.constant 320 : index
    %get3A_461 = tpu.vector_load %arg12[%get3A_460] {strides = array<i32>} : memref<512xi32, #tpu.memory_space<vmem>>, vector<16xi32>,
    %shift_right_logical3A_462 = arith.constant 1 : i32
    %shift_right_logical3A_463 = vector.broadcast %shift_right_logical3A_462 : i32 to vector<16xi32>
    %shift_right_logical3A_464 = arith.shrui %get3A_461, %shift_right_logical3A_463 : vector<16xi32>
    %swap3A_465 = arith.constant 64 : index
    %swap3A_466 = tpu.vector_load %arg15[%swap3A_465] {strides = array<i32>} : memref<256xi32, #tpu.memory_space<vmem>>, vector<16xi32>,
    tpu.vector_store %arg15[%swap3A_465], %shift_right_logical3A_464 {strides = array<i32>} : memref<256xi32, #tpu.memory_space<vmem>>, vector<16xi32>,
    %get3A_467 = arith.constant 320 : index
    %get3A_468 = tpu.vector_load %arg13[%get3A_467] {strides = array<i32>} : memref<512xi32, #tpu.memory_space<vmem>>, vector<16xi32>,
    %shift_right_logical3A_469 = arith.constant 1 : i32
    %shift_right_logical3A_470 = vector.broadcast %shift_right_logical3A_469 : i32 to vector<16xi32>
    %shift_right_logical3A_471 = arith.shrui %get3A_468, %shift_right_logical3A_470 : vector<16xi32>
    %swap3A_472 = arith.constant 64 : index
    %swap3A_473 = tpu.vector_load %arg16[%swap3A_472] {strides = array<i32>} : memref<256xi32, #tpu.memory_space<vmem>>, vector<16xi32>,
    tpu.vector_store %arg16[%swap3A_472], %shift_right_logical3A_471 {strides = array<i32>} : memref<256xi32, #tpu.memory_space<vmem>>, vector<16xi32>,
    %get3A_474 = arith.constant 336 : index
    %get3A_475 = tpu.vector_load %arg11[%get3A_474] {strides = array<i32>} : memref<512xi32, #tpu.memory_space<vmem>>, vector<16xi32>,
    %shift_right_logical3A_476 = arith.constant 1 : i32
    %shift_right_logical3A_477 = vector.broadcast %shift_right_logical3A_476 : i32 to vector<16xi32>
    %shift_right_logical3A_478 = arith.shrui %get3A_475, %shift_right_logical3A_477 : vector<16xi32>
    %swap3A_479 = arith.constant 80 : index
    %swap3A_480 = tpu.vector_load %arg14[%swap3A_479] {strides = array<i32>} : memref<256xi32, #tpu.memory_space<vmem>>, vector<16xi32>,
    tpu.vector_store %arg14[%swap3A_479], %shift_right_logical3A_478 {strides = array<i32>} : memref<256xi32, #tpu.memory_space<vmem>>, vector<16xi32>,
    %get3A_481 = arith.constant 336 : index
    %get3A_482 = tpu.vector_load %arg12[%get3A_481] {strides = array<i32>} : memref<512xi32, #tpu.memory_space<vmem>>, vector<16xi32>,
    %shift_right_logical3A_483 = arith.constant 1 : i32
    %shift_right_logical3A_484 = vector.broadcast %shift_right_logical3A_483 : i32 to vector<16xi32>
    %shift_right_logical3A_485 = arith.shrui %get3A_482, %shift_right_logical3A_484 : vector<16xi32>
    %swap3A_486 = arith.constant 80 : index
    %swap3A_487 = tpu.vector_load %arg15[%swap3A_486] {strides = array<i32>} : memref<256xi32, #tpu.memory_space<vmem>>, vector<16xi32>,
    tpu.vector_store %arg15[%swap3A_486], %shift_right_logical3A_485 {strides = array<i32>} : memref<256xi32, #tpu.memory_space<vmem>>, vector<16xi32>,
    %get3A_488 = arith.constant 336 : index
    %get3A_489 = tpu.vector_load %arg13[%get3A_488] {strides = array<i32>} : memref<512xi32, #tpu.memory_space<vmem>>, vector<16xi32>,
    %shift_right_logical3A_490 = arith.constant 1 : i32
    %shift_right_logical3A_491 = vector.broadcast %shift_right_logical3A_490 : i32 to vector<16xi32>
    %shift_right_logical3A_492 = arith.shrui %get3A_489, %shift_right_logical3A_491 : vector<16xi32>
    %swap3A_493 = arith.constant 80 : index
    %swap3A_494 = tpu.vector_load %arg16[%swap3A_493] {strides = array<i32>} : memref<256xi32, #tpu.memory_space<vmem>>, vector<16xi32>,
    tpu.vector_store %arg16[%swap3A_493], %shift_right_logical3A_492 {strides = array<i32>} : memref<256xi32, #tpu.memory_space<vmem>>, vector<16xi32>,
    %get3A_495 = arith.constant 352 : index
    %get3A_496 = tpu.vector_load %arg11[%get3A_495] {strides = array<i32>} : memref<512xi32, #tpu.memory_space<vmem>>, vector<16xi32>,
    %shift_right_logical3A_497 = arith.constant 1 : i32
    %shift_right_logical3A_498 = vector.broadcast %shift_right_logical3A_497 : i32 to vector<16xi32>
    %shift_right_logical3A_499 = arith.shrui %get3A_496, %shift_right_logical3A_498 : vector<16xi32>
    %swap3A_500 = arith.constant 96 : index
    %swap3A_501 = tpu.vector_load %arg14[%swap3A_500] {strides = array<i32>} : memref<256xi32, #tpu.memory_space<vmem>>, vector<16xi32>,
    tpu.vector_store %arg14[%swap3A_500], %shift_right_logical3A_499 {strides = array<i32>} : memref<256xi32, #tpu.memory_space<vmem>>, vector<16xi32>,
    %get3A_502 = arith.constant 352 : index
    %get3A_503 = tpu.vector_load %arg12[%get3A_502] {strides = array<i32>} : memref<512xi32, #tpu.memory_space<vmem>>, vector<16xi32>,
    %shift_right_logical3A_504 = arith.constant 1 : i32
    %shift_right_logical3A_505 = vector.broadcast %shift_right_logical3A_504 : i32 to vector<16xi32>
    %shift_right_logical3A_506 = arith.shrui %get3A_503, %shift_right_logical3A_505 : vector<16xi32>
    %swap3A_507 = arith.constant 96 : index
    %swap3A_508 = tpu.vector_load %arg15[%swap3A_507] {strides = array<i32>} : memref<256xi32, #tpu.memory_space<vmem>>, vector<16xi32>,
    tpu.vector_store %arg15[%swap3A_507], %shift_right_logical3A_506 {strides = array<i32>} : memref<256xi32, #tpu.memory_space<vmem>>, vector<16xi32>,
    %get3A_509 = arith.constant 352 : index
    %get3A_510 = tpu.vector_load %arg13[%get3A_509] {strides = array<i32>} : memref<512xi32, #tpu.memory_space<vmem>>, vector<16xi32>,
    %shift_right_logical3A_511 = arith.constant 1 : i32
    %shift_right_logical3A_512 = vector.broadcast %shift_right_logical3A_511 : i32 to vector<16xi32>
    %shift_right_logical3A_513 = arith.shrui %get3A_510, %shift_right_logical3A_512 : vector<16xi32>
    %swap3A_514 = arith.constant 96 : index
    %swap3A_515 = tpu.vector_load %arg16[%swap3A_514] {strides = array<i32>} : memref<256xi32, #tpu.memory_space<vmem>>, vector<16xi32>,
    tpu.vector_store %arg16[%swap3A_514], %shift_right_logical3A_513 {strides = array<i32>} : memref<256xi32, #tpu.memory_space<vmem>>, vector<16xi32>,
    %get3A_516 = arith.constant 368 : index
    %get3A_517 = tpu.vector_load %arg11[%get3A_516] {strides = array<i32>} : memref<512xi32, #tpu.memory_space<vmem>>, vector<16xi32>,
    %shift_right_logical3A_518 = arith.constant 1 : i32
    %shift_right_logical3A_519 = vector.broadcast %shift_right_logical3A_518 : i32 to vector<16xi32>
    %shift_right_logical3A_520 = arith.shrui %get3A_517, %shift_right_logical3A_519 : vector<16xi32>
    %swap3A_521 = arith.constant 112 : index
    %swap3A_522 = tpu.vector_load %arg14[%swap3A_521] {strides = array<i32>} : memref<256xi32, #tpu.memory_space<vmem>>, vector<16xi32>,
    tpu.vector_store %arg14[%swap3A_521], %shift_right_logical3A_520 {strides = array<i32>} : memref<256xi32, #tpu.memory_space<vmem>>, vector<16xi32>,
    %get3A_523 = arith.constant 368 : index
    %get3A_524 = tpu.vector_load %arg12[%get3A_523] {strides = array<i32>} : memref<512xi32, #tpu.memory_space<vmem>>, vector<16xi32>,
    %shift_right_logical3A_525 = arith.constant 1 : i32
    %shift_right_logical3A_526 = vector.broadcast %shift_right_logical3A_525 : i32 to vector<16xi32>
    %shift_right_logical3A_527 = arith.shrui %get3A_524, %shift_right_logical3A_526 : vector<16xi32>
    %swap3A_528 = arith.constant 112 : index
    %swap3A_529 = tpu.vector_load %arg15[%swap3A_528] {strides = array<i32>} : memref<256xi32, #tpu.memory_space<vmem>>, vector<16xi32>,
    tpu.vector_store %arg15[%swap3A_528], %shift_right_logical3A_527 {strides = array<i32>} : memref<256xi32, #tpu.memory_space<vmem>>, vector<16xi32>,
    %get3A_530 = arith.constant 368 : index
    %get3A_531 = tpu.vector_load %arg13[%get3A_530] {strides = array<i32>} : memref<512xi32, #tpu.memory_space<vmem>>, vector<16xi32>,
    %shift_right_logical3A_532 = arith.constant 1 : i32
    %shift_right_logical3A_533 = vector.broadcast %shift_right_logical3A_532 : i32 to vector<16xi32>
    %shift_right_logical3A_534 = arith.shrui %get3A_531, %shift_right_logical3A_533 : vector<16xi32>
    %swap3A_535 = arith.constant 112 : index
    %swap3A_536 = tpu.vector_load %arg16[%swap3A_535] {strides = array<i32>} : memref<256xi32, #tpu.memory_space<vmem>>, vector<16xi32>,
    tpu.vector_store %arg16[%swap3A_535], %shift_right_logical3A_534 {strides = array<i32>} : memref<256xi32, #tpu.memory_space<vmem>>, vector<16xi32>,
    %get3A_537 = arith.constant 384 : index
    %get3A_538 = tpu.vector_load %arg11[%get3A_537] {strides = array<i32>} : memref<512xi32, #tpu.memory_space<vmem>>, vector<16xi32>,
    %shift_right_logical3A_539 = arith.constant 1 : i32
    %shift_right_logical3A_540 = vector.broadcast %shift_right_logical3A_539 : i32 to vector<16xi32>
    %shift_right_logical3A_541 = arith.shrui %get3A_538, %shift_right_logical3A_540 : vector<16xi32>
    %swap3A_542 = arith.constant 128 : index
    %swap3A_543 = tpu.vector_load %arg14[%swap3A_542] {strides = array<i32>} : memref<256xi32, #tpu.memory_space<vmem>>, vector<16xi32>,
    tpu.vector_store %arg14[%swap3A_542], %shift_right_logical3A_541 {strides = array<i32>} : memref<256xi32, #tpu.memory_space<vmem>>, vector<16xi32>,
    %get3A_544 = arith.constant 384 : index
    %get3A_545 = tpu.vector_load %arg12[%get3A_544] {strides = array<i32>} : memref<512xi32, #tpu.memory_space<vmem>>, vector<16xi32>,
    %shift_right_logical3A_546 = arith.constant 1 : i32
    %shift_right_logical3A_547 = vector.broadcast %shift_right_logical3A_546 : i32 to vector<16xi32>
    %shift_right_logical3A_548 = arith.shrui %get3A_545, %shift_right_logical3A_547 : vector<16xi32>
    %swap3A_549 = arith.constant 128 : index
    %swap3A_550 = tpu.vector_load %arg15[%swap3A_549] {strides = array<i32>} : memref<256xi32, #tpu.memory_space<vmem>>, vector<16xi32>,
    tpu.vector_store %arg15[%swap3A_549], %shift_right_logical3A_548 {strides = array<i32>} : memref<256xi32, #tpu.memory_space<vmem>>, vector<16xi32>,
    %get3A_551 = arith.constant 384 : index
    %get3A_552 = tpu.vector_load %arg13[%get3A_551] {strides = array<i32>} : memref<512xi32, #tpu.memory_space<vmem>>, vector<16xi32>,
    %shift_right_logical3A_553 = arith.constant 1 : i32
    %shift_right_logical3A_554 = vector.broadcast %shift_right_logical3A_553 : i32 to vector<16xi32>
    %shift_right_logical3A_555 = arith.shrui %get3A_552, %shift_right_logical3A_554 : vector<16xi32>
    %swap3A_556 = arith.constant 128 : index
    %swap3A_557 = tpu.vector_load %arg16[%swap3A_556] {strides = array<i32>} : memref<256xi32, #tpu.memory_space<vmem>>, vector<16xi32>,
    tpu.vector_store %arg16[%swap3A_556], %shift_right_logical3A_555 {strides = array<i32>} : memref<256xi32, #tpu.memory_space<vmem>>, vector<16xi32>,
    %get3A_558 = arith.constant 400 : index
    %get3A_559 = tpu.vector_load %arg11[%get3A_558] {strides = array<i32>} : memref<512xi32, #tpu.memory_space<vmem>>, vector<16xi32>,
    %shift_right_logical3A_560 = arith.constant 1 : i32
    %shift_right_logical3A_561 = vector.broadcast %shift_right_logical3A_560 : i32 to vector<16xi32>
    %shift_right_logical3A_562 = arith.shrui %get3A_559, %shift_right_logical3A_561 : vector<16xi32>
    %swap3A_563 = arith.constant 144 : index
    %swap3A_564 = tpu.vector_load %arg14[%swap3A_563] {strides = array<i32>} : memref<256xi32, #tpu.memory_space<vmem>>, vector<16xi32>,
    tpu.vector_store %arg14[%swap3A_563], %shift_right_logical3A_562 {strides = array<i32>} : memref<256xi32, #tpu.memory_space<vmem>>, vector<16xi32>,
    %get3A_565 = arith.constant 400 : index
    %get3A_566 = tpu.vector_load %arg12[%get3A_565] {strides = array<i32>} : memref<512xi32, #tpu.memory_space<vmem>>, vector<16xi32>,
    %shift_right_logical3A_567 = arith.constant 1 : i32
    %shift_right_logical3A_568 = vector.broadcast %shift_right_logical3A_567 : i32 to vector<16xi32>
    %shift_right_logical3A_569 = arith.shrui %get3A_566, %shift_right_logical3A_568 : vector<16xi32>
    %swap3A_570 = arith.constant 144 : index
    %swap3A_571 = tpu.vector_load %arg15[%swap3A_570] {strides = array<i32>} : memref<256xi32, #tpu.memory_space<vmem>>, vector<16xi32>,
    tpu.vector_store %arg15[%swap3A_570], %shift_right_logical3A_569 {strides = array<i32>} : memref<256xi32, #tpu.memory_space<vmem>>, vector<16xi32>,
    %get3A_572 = arith.constant 400 : index
    %get3A_573 = tpu.vector_load %arg13[%get3A_572] {strides = array<i32>} : memref<512xi32, #tpu.memory_space<vmem>>, vector<16xi32>,
    %shift_right_logical3A_574 = arith.constant 1 : i32
    %shift_right_logical3A_575 = vector.broadcast %shift_right_logical3A_574 : i32 to vector<16xi32>
    %shift_right_logical3A_576 = arith.shrui %get3A_573, %shift_right_logical3A_575 : vector<16xi32>
    %swap3A_577 = arith.constant 144 : index
    %swap3A_578 = tpu.vector_load %arg16[%swap3A_577] {strides = array<i32>} : memref<256xi32, #tpu.memory_space<vmem>>, vector<16xi32>,
    tpu.vector_store %arg16[%swap3A_577], %shift_right_logical3A_576 {strides = array<i32>} : memref<256xi32, #tpu.memory_space<vmem>>, vector<16xi32>,
    %get3A_579 = arith.constant 416 : index
    %get3A_580 = tpu.vector_load %arg11[%get3A_579] {strides = array<i32>} : memref<512xi32, #tpu.memory_space<vmem>>, vector<16xi32>,
    %shift_right_logical3A_581 = arith.constant 1 : i32
    %shift_right_logical3A_582 = vector.broadcast %shift_right_logical3A_581 : i32 to vector<16xi32>
    %shift_right_logical3A_583 = arith.shrui %get3A_580, %shift_right_logical3A_582 : vector<16xi32>
    %swap3A_584 = arith.constant 160 : index
    %swap3A_585 = tpu.vector_load %arg14[%swap3A_584] {strides = array<i32>} : memref<256xi32, #tpu.memory_space<vmem>>, vector<16xi32>,
    tpu.vector_store %arg14[%swap3A_584], %shift_right_logical3A_583 {strides = array<i32>} : memref<256xi32, #tpu.memory_space<vmem>>, vector<16xi32>,
    %get3A_586 = arith.constant 416 : index
    %get3A_587 = tpu.vector_load %arg12[%get3A_586] {strides = array<i32>} : memref<512xi32, #tpu.memory_space<vmem>>, vector<16xi32>,
    %shift_right_logical3A_588 = arith.constant 1 : i32
    %shift_right_logical3A_589 = vector.broadcast %shift_right_logical3A_588 : i32 to vector<16xi32>
    %shift_right_logical3A_590 = arith.shrui %get3A_587, %shift_right_logical3A_589 : vector<16xi32>
    %swap3A_591 = arith.constant 160 : index
    %swap3A_592 = tpu.vector_load %arg15[%swap3A_591] {strides = array<i32>} : memref<256xi32, #tpu.memory_space<vmem>>, vector<16xi32>,
    tpu.vector_store %arg15[%swap3A_591], %shift_right_logical3A_590 {strides = array<i32>} : memref<256xi32, #tpu.memory_space<vmem>>, vector<16xi32>,
    %get3A_593 = arith.constant 416 : index
    %get3A_594 = tpu.vector_load %arg13[%get3A_593] {strides = array<i32>} : memref<512xi32, #tpu.memory_space<vmem>>, vector<16xi32>,
    %shift_right_logical3A_595 = arith.constant 1 : i32
    %shift_right_logical3A_596 = vector.broadcast %shift_right_logical3A_595 : i32 to vector<16xi32>
    %shift_right_logical3A_597 = arith.shrui %get3A_594, %shift_right_logical3A_596 : vector<16xi32>
    %swap3A_598 = arith.constant 160 : index
    %swap3A_599 = tpu.vector_load %arg16[%swap3A_598] {strides = array<i32>} : memref<256xi32, #tpu.memory_space<vmem>>, vector<16xi32>,
    tpu.vector_store %arg16[%swap3A_598], %shift_right_logical3A_597 {strides = array<i32>} : memref<256xi32, #tpu.memory_space<vmem>>, vector<16xi32>,
    %get3A_600 = arith.constant 432 : index
    %get3A_601 = tpu.vector_load %arg11[%get3A_600] {strides = array<i32>} : memref<512xi32, #tpu.memory_space<vmem>>, vector<16xi32>,
    %shift_right_logical3A_602 = arith.constant 1 : i32
    %shift_right_logical3A_603 = vector.broadcast %shift_right_logical3A_602 : i32 to vector<16xi32>
    %shift_right_logical3A_604 = arith.shrui %get3A_601, %shift_right_logical3A_603 : vector<16xi32>
    %swap3A_605 = arith.constant 176 : index
    %swap3A_606 = tpu.vector_load %arg14[%swap3A_605] {strides = array<i32>} : memref<256xi32, #tpu.memory_space<vmem>>, vector<16xi32>,
    tpu.vector_store %arg14[%swap3A_605], %shift_right_logical3A_604 {strides = array<i32>} : memref<256xi32, #tpu.memory_space<vmem>>, vector<16xi32>,
    %get3A_607 = arith.constant 432 : index
    %get3A_608 = tpu.vector_load %arg12[%get3A_607] {strides = array<i32>} : memref<512xi32, #tpu.memory_space<vmem>>, vector<16xi32>,
    %shift_right_logical3A_609 = arith.constant 1 : i32
    %shift_right_logical3A_610 = vector.broadcast %shift_right_logical3A_609 : i32 to vector<16xi32>
    %shift_right_logical3A_611 = arith.shrui %get3A_608, %shift_right_logical3A_610 : vector<16xi32>
    %swap3A_612 = arith.constant 176 : index
    %swap3A_613 = tpu.vector_load %arg15[%swap3A_612] {strides = array<i32>} : memref<256xi32, #tpu.memory_space<vmem>>, vector<16xi32>,
    tpu.vector_store %arg15[%swap3A_612], %shift_right_logical3A_611 {strides = array<i32>} : memref<256xi32, #tpu.memory_space<vmem>>, vector<16xi32>,
    %get3A_614 = arith.constant 432 : index
    %get3A_615 = tpu.vector_load %arg13[%get3A_614] {strides = array<i32>} : memref<512xi32, #tpu.memory_space<vmem>>, vector<16xi32>,
    %shift_right_logical3A_616 = arith.constant 1 : i32
    %shift_right_logical3A_617 = vector.broadcast %shift_right_logical3A_616 : i32 to vector<16xi32>
    %shift_right_logical3A_618 = arith.shrui %get3A_615, %shift_right_logical3A_617 : vector<16xi32>
    %swap3A_619 = arith.constant 176 : index
    %swap3A_620 = tpu.vector_load %arg16[%swap3A_619] {strides = array<i32>} : memref<256xi32, #tpu.memory_space<vmem>>, vector<16xi32>,
    tpu.vector_store %arg16[%swap3A_619], %shift_right_logical3A_618 {strides = array<i32>} : memref<256xi32, #tpu.memory_space<vmem>>, vector<16xi32>,
    %get3A_621 = arith.constant 448 : index
    %get3A_622 = tpu.vector_load %arg11[%get3A_621] {strides = array<i32>} : memref<512xi32, #tpu.memory_space<vmem>>, vector<16xi32>,
    %shift_right_logical3A_623 = arith.constant 1 : i32
    %shift_right_logical3A_624 = vector.broadcast %shift_right_logical3A_623 : i32 to vector<16xi32>
    %shift_right_logical3A_625 = arith.shrui %get3A_622, %shift_right_logical3A_624 : vector<16xi32>
    %swap3A_626 = arith.constant 192 : index
    %swap3A_627 = tpu.vector_load %arg14[%swap3A_626] {strides = array<i32>} : memref<256xi32, #tpu.memory_space<vmem>>, vector<16xi32>,
    tpu.vector_store %arg14[%swap3A_626], %shift_right_logical3A_625 {strides = array<i32>} : memref<256xi32, #tpu.memory_space<vmem>>, vector<16xi32>,
    %get3A_628 = arith.constant 448 : index
    %get3A_629 = tpu.vector_load %arg12[%get3A_628] {strides = array<i32>} : memref<512xi32, #tpu.memory_space<vmem>>, vector<16xi32>,
    %shift_right_logical3A_630 = arith.constant 1 : i32
    %shift_right_logical3A_631 = vector.broadcast %shift_right_logical3A_630 : i32 to vector<16xi32>
    %shift_right_logical3A_632 = arith.shrui %get3A_629, %shift_right_logical3A_631 : vector<16xi32>
    %swap3A_633 = arith.constant 192 : index
    %swap3A_634 = tpu.vector_load %arg15[%swap3A_633] {strides = array<i32>} : memref<256xi32, #tpu.memory_space<vmem>>, vector<16xi32>,
    tpu.vector_store %arg15[%swap3A_633], %shift_right_logical3A_632 {strides = array<i32>} : memref<256xi32, #tpu.memory_space<vmem>>, vector<16xi32>,
    %get3A_635 = arith.constant 448 : index
    %get3A_636 = tpu.vector_load %arg13[%get3A_635] {strides = array<i32>} : memref<512xi32, #tpu.memory_space<vmem>>, vector<16xi32>,
    %shift_right_logical3A_637 = arith.constant 1 : i32
    %shift_right_logical3A_638 = vector.broadcast %shift_right_logical3A_637 : i32 to vector<16xi32>
    %shift_right_logical3A_639 = arith.shrui %get3A_636, %shift_right_logical3A_638 : vector<16xi32>
    %swap3A_640 = arith.constant 192 : index
    %swap3A_641 = tpu.vector_load %arg16[%swap3A_640] {strides = array<i32>} : memref<256xi32, #tpu.memory_space<vmem>>, vector<16xi32>,
    tpu.vector_store %arg16[%swap3A_640], %shift_right_logical3A_639 {strides = array<i32>} : memref<256xi32, #tpu.memory_space<vmem>>, vector<16xi32>,
    %get3A_642 = arith.constant 464 : index
    %get3A_643 = tpu.vector_load %arg11[%get3A_642] {strides = array<i32>} : memref<512xi32, #tpu.memory_space<vmem>>, vector<16xi32>,
    %shift_right_logical3A_644 = arith.constant 1 : i32
    %shift_right_logical3A_645 = vector.broadcast %shift_right_logical3A_644 : i32 to vector<16xi32>
    %shift_right_logical3A_646 = arith.shrui %get3A_643, %shift_right_logical3A_645 : vector<16xi32>
    %swap3A_647 = arith.constant 208 : index
    %swap3A_648 = tpu.vector_load %arg14[%swap3A_647] {strides = array<i32>} : memref<256xi32, #tpu.memory_space<vmem>>, vector<16xi32>,
    tpu.vector_store %arg14[%swap3A_647], %shift_right_logical3A_646 {strides = array<i32>} : memref<256xi32, #tpu.memory_space<vmem>>, vector<16xi32>,
    %get3A_649 = arith.constant 464 : index
    %get3A_650 = tpu.vector_load %arg12[%get3A_649] {strides = array<i32>} : memref<512xi32, #tpu.memory_space<vmem>>, vector<16xi32>,
    %shift_right_logical3A_651 = arith.constant 1 : i32
    %shift_right_logical3A_652 = vector.broadcast %shift_right_logical3A_651 : i32 to vector<16xi32>
    %shift_right_logical3A_653 = arith.shrui %get3A_650, %shift_right_logical3A_652 : vector<16xi32>
    %swap3A_654 = arith.constant 208 : index
    %swap3A_655 = tpu.vector_load %arg15[%swap3A_654] {strides = array<i32>} : memref<256xi32, #tpu.memory_space<vmem>>, vector<16xi32>,
    tpu.vector_store %arg15[%swap3A_654], %shift_right_logical3A_653 {strides = array<i32>} : memref<256xi32, #tpu.memory_space<vmem>>, vector<16xi32>,
    %get3A_656 = arith.constant 464 : index
    %get3A_657 = tpu.vector_load %arg13[%get3A_656] {strides = array<i32>} : memref<512xi32, #tpu.memory_space<vmem>>, vector<16xi32>,
    %shift_right_logical3A_658 = arith.constant 1 : i32
    %shift_right_logical3A_659 = vector.broadcast %shift_right_logical3A_658 : i32 to vector<16xi32>
    %shift_right_logical3A_660 = arith.shrui %get3A_657, %shift_right_logical3A_659 : vector<16xi32>
    %swap3A_661 = arith.constant 208 : index
    %swap3A_662 = tpu.vector_load %arg16[%swap3A_661] {strides = array<i32>} : memref<256xi32, #tpu.memory_space<vmem>>, vector<16xi32>,
    tpu.vector_store %arg16[%swap3A_661], %shift_right_logical3A_660 {strides = array<i32>} : memref<256xi32, #tpu.memory_space<vmem>>, vector<16xi32>,
    %get3A_663 = arith.constant 480 : index
    %get3A_664 = tpu.vector_load %arg11[%get3A_663] {strides = array<i32>} : memref<512xi32, #tpu.memory_space<vmem>>, vector<16xi32>,
    %shift_right_logical3A_665 = arith.constant 1 : i32
    %shift_right_logical3A_666 = vector.broadcast %shift_right_logical3A_665 : i32 to vector<16xi32>
    %shift_right_logical3A_667 = arith.shrui %get3A_664, %shift_right_logical3A_666 : vector<16xi32>
    %swap3A_668 = arith.constant 224 : index
    %swap3A_669 = tpu.vector_load %arg14[%swap3A_668] {strides = array<i32>} : memref<256xi32, #tpu.memory_space<vmem>>, vector<16xi32>,
    tpu.vector_store %arg14[%swap3A_668], %shift_right_logical3A_667 {strides = array<i32>} : memref<256xi32, #tpu.memory_space<vmem>>, vector<16xi32>,
    %get3A_670 = arith.constant 480 : index
    %get3A_671 = tpu.vector_load %arg12[%get3A_670] {strides = array<i32>} : memref<512xi32, #tpu.memory_space<vmem>>, vector<16xi32>,
    %shift_right_logical3A_672 = arith.constant 1 : i32
    %shift_right_logical3A_673 = vector.broadcast %shift_right_logical3A_672 : i32 to vector<16xi32>
    %shift_right_logical3A_674 = arith.shrui %get3A_671, %shift_right_logical3A_673 : vector<16xi32>
    %swap3A_675 = arith.constant 224 : index
    %swap3A_676 = tpu.vector_load %arg15[%swap3A_675] {strides = array<i32>} : memref<256xi32, #tpu.memory_space<vmem>>, vector<16xi32>,
    tpu.vector_store %arg15[%swap3A_675], %shift_right_logical3A_674 {strides = array<i32>} : memref<256xi32, #tpu.memory_space<vmem>>, vector<16xi32>,
    %get3A_677 = arith.constant 480 : index
    %get3A_678 = tpu.vector_load %arg13[%get3A_677] {strides = array<i32>} : memref<512xi32, #tpu.memory_space<vmem>>, vector<16xi32>,
    %shift_right_logical3A_679 = arith.constant 1 : i32
    %shift_right_logical3A_680 = vector.broadcast %shift_right_logical3A_679 : i32 to vector<16xi32>
    %shift_right_logical3A_681 = arith.shrui %get3A_678, %shift_right_logical3A_680 : vector<16xi32>
    %swap3A_682 = arith.constant 224 : index
    %swap3A_683 = tpu.vector_load %arg16[%swap3A_682] {strides = array<i32>} : memref<256xi32, #tpu.memory_space<vmem>>, vector<16xi32>,
    tpu.vector_store %arg16[%swap3A_682], %shift_right_logical3A_681 {strides = array<i32>} : memref<256xi32, #tpu.memory_space<vmem>>, vector<16xi32>,
    %get3A_684 = arith.constant 496 : index
    %get3A_685 = tpu.vector_load %arg11[%get3A_684] {strides = array<i32>} : memref<512xi32, #tpu.memory_space<vmem>>, vector<16xi32>,
    %shift_right_logical3A_686 = arith.constant 1 : i32
    %shift_right_logical3A_687 = vector.broadcast %shift_right_logical3A_686 : i32 to vector<16xi32>
    %shift_right_logical3A_688 = arith.shrui %get3A_685, %shift_right_logical3A_687 : vector<16xi32>
    %swap3A_689 = arith.constant 240 : index
    %swap3A_690 = tpu.vector_load %arg14[%swap3A_689] {strides = array<i32>} : memref<256xi32, #tpu.memory_space<vmem>>, vector<16xi32>,
    tpu.vector_store %arg14[%swap3A_689], %shift_right_logical3A_688 {strides = array<i32>} : memref<256xi32, #tpu.memory_space<vmem>>, vector<16xi32>,
    %get3A_691 = arith.constant 496 : index
    %get3A_692 = tpu.vector_load %arg12[%get3A_691] {strides = array<i32>} : memref<512xi32, #tpu.memory_space<vmem>>, vector<16xi32>,
    %shift_right_logical3A_693 = arith.constant 1 : i32
    %shift_right_logical3A_694 = vector.broadcast %shift_right_logical3A_693 : i32 to vector<16xi32>
    %shift_right_logical3A_695 = arith.shrui %get3A_692, %shift_right_logical3A_694 : vector<16xi32>
    %swap3A_696 = arith.constant 240 : index
    %swap3A_697 = tpu.vector_load %arg15[%swap3A_696] {strides = array<i32>} : memref<256xi32, #tpu.memory_space<vmem>>, vector<16xi32>,
    tpu.vector_store %arg15[%swap3A_696], %shift_right_logical3A_695 {strides = array<i32>} : memref<256xi32, #tpu.memory_space<vmem>>, vector<16xi32>,
    %get3A_698 = arith.constant 496 : index
    %get3A_699 = tpu.vector_load %arg13[%get3A_698] {strides = array<i32>} : memref<512xi32, #tpu.memory_space<vmem>>, vector<16xi32>,
    %shift_right_logical3A_700 = arith.constant 1 : i32
    %shift_right_logical3A_701 = vector.broadcast %shift_right_logical3A_700 : i32 to vector<16xi32>
    %shift_right_logical3A_702 = arith.shrui %get3A_699, %shift_right_logical3A_701 : vector<16xi32>
    %swap3A_703 = arith.constant 240 : index
    %swap3A_704 = tpu.vector_load %arg16[%swap3A_703] {strides = array<i32>} : memref<256xi32, #tpu.memory_space<vmem>>, vector<16xi32>,
    tpu.vector_store %arg16[%swap3A_703], %shift_right_logical3A_702 {strides = array<i32>} : memref<256xi32, #tpu.memory_space<vmem>>, vector<16xi32>,
    %dma_start3A_705 = arith.constant 0 : i32
    %dma_start3A_706 = arith.constant 0 : i32
    %dma_start3A_707 = tpu.memref_slice %arg5[%dma_start3A_705, %dma_start3A_706] : memref<500000x128xf32, #tpu.memory_space<hbm>> -> memref<500000x128xf32, #tpu.memory_space<hbm>>
    tpu.enqueue_indirect_dma source(%dma_start3A_707 : memref<500000x128xf32, #tpu.memory_space<hbm>>) target(%arg17 : memref<256x128xf32, #tpu.memory_space<vmem>>) offsets(%arg14 : memref<256xi32, #tpu.memory_space<vmem>>) semaphore(%arg25 : memref<!tpu.dma_semaphore, #tpu.memory_space<semaphore_mem>>)
    %dma_start3A_708 = arith.constant 0 : i32
    %dma_start3A_709 = arith.constant 0 : i32
    %dma_start3A_710 = tpu.memref_slice %arg6[%dma_start3A_708, %dma_start3A_709] : memref<500000x128xf32, #tpu.memory_space<hbm>> -> memref<500000x128xf32, #tpu.memory_space<hbm>>
    tpu.enqueue_indirect_dma source(%dma_start3A_710 : memref<500000x128xf32, #tpu.memory_space<hbm>>) target(%arg18 : memref<256x128xf32, #tpu.memory_space<vmem>>) offsets(%arg15 : memref<256xi32, #tpu.memory_space<vmem>>) semaphore(%arg25 : memref<!tpu.dma_semaphore, #tpu.memory_space<semaphore_mem>>)
    %dma_start3A_711 = arith.constant 0 : i32
    %dma_start3A_712 = arith.constant 0 : i32
    %dma_start3A_713 = tpu.memref_slice %arg6[%dma_start3A_711, %dma_start3A_712] : memref<500000x128xf32, #tpu.memory_space<hbm>> -> memref<500000x128xf32, #tpu.memory_space<hbm>>
    tpu.enqueue_indirect_dma source(%dma_start3A_713 : memref<500000x128xf32, #tpu.memory_space<hbm>>) target(%arg19 : memref<256x128xf32, #tpu.memory_space<vmem>>) offsets(%arg16 : memref<256xi32, #tpu.memory_space<vmem>>) semaphore(%arg25 : memref<!tpu.dma_semaphore, #tpu.memory_space<semaphore_mem>>)
    %dma_wait3A_714 = arith.constant 0 : i32
    %dma_wait3A_715 = arith.constant 0 : i32
    %dma_wait3A_716 = tpu.memref_slice %arg5[%dma_wait3A_714, %dma_wait3A_715] : memref<500000x128xf32, #tpu.memory_space<hbm>> -> memref<500000x128xf32, #tpu.memory_space<hbm>>
    tpu.wait_indirect_dma semaphore(%arg25 : memref<!tpu.dma_semaphore, #tpu.memory_space<semaphore_mem>>) src(%dma_wait3A_716 : memref<500000x128xf32, #tpu.memory_space<hbm>>) dst(%arg17 : memref<256x128xf32, #tpu.memory_space<vmem>>)
    %dma_wait3A_717 = arith.constant 0 : i32
    %dma_wait3A_718 = arith.constant 0 : i32
    %dma_wait3A_719 = tpu.memref_slice %arg6[%dma_wait3A_717, %dma_wait3A_718] : memref<500000x128xf32, #tpu.memory_space<hbm>> -> memref<500000x128xf32, #tpu.memory_space<hbm>>
    tpu.wait_indirect_dma semaphore(%arg25 : memref<!tpu.dma_semaphore, #tpu.memory_space<semaphore_mem>>) src(%dma_wait3A_719 : memref<500000x128xf32, #tpu.memory_space<hbm>>) dst(%arg18 : memref<256x128xf32, #tpu.memory_space<vmem>>)
    %dma_wait3A_720 = arith.constant 0 : i32
    %dma_wait3A_721 = arith.constant 0 : i32
    %dma_wait3A_722 = tpu.memref_slice %arg6[%dma_wait3A_720, %dma_wait3A_721] : memref<500000x128xf32, #tpu.memory_space<hbm>> -> memref<500000x128xf32, #tpu.memory_space<hbm>>
    tpu.wait_indirect_dma semaphore(%arg25 : memref<!tpu.dma_semaphore, #tpu.memory_space<semaphore_mem>>) src(%dma_wait3A_722 : memref<500000x128xf32, #tpu.memory_space<hbm>>) dst(%arg19 : memref<256x128xf32, #tpu.memory_space<vmem>>)
    %scan3A_723 = arith.constant 0 : i32
    %scan3A_724 = arith.constant 0 : i32
    %scan3A_725 = arith.constant 16 : i32
    %scan3A_726 = arith.addi %scan3A_724, %scan3A_725 : i32
    %scan3A_727 = arith.constant 1 : i32
    scf.for %scan3A_729 = %scan3A_724 to %scan3A_726 step %scan3A_727  : i32 {
      %mul3A_730 = arith.constant 16 : i32
      %mul3A_731 = arith.muli %scan3A_729, %mul3A_730 : i32
      %add3A_732 = arith.constant 256 : i32
      %add3A_733 = arith.addi %add3A_732, %mul3A_731 : i32
      %mul3A_734 = arith.constant 16 : i32
      %mul3A_735 = arith.muli %scan3A_729, %mul3A_734 : i32
      %add3A_736 = vector.broadcast %mul3A_735 : i32 to vector<16xi32>
      %add3A_737 = arith.addi %add3A_736, %iota3A : vector<16xi32>
      %get3A_738 = arith.index_cast %add3A_733 : i32 to index
      %get3A_739 = tpu.vector_load %arg11[%get3A_738] {strides = array<i32>} : memref<512xi32, #tpu.memory_space<vmem>>, vector<16xi32>,
      %and3A = arith.constant 1 : i32
      %and3A_740 = vector.broadcast %and3A : i32 to vector<16xi32>
      %and3A_741 = arith.andi %get3A_739, %and3A_740 : vector<16xi32>
      %mul3A_742 = arith.constant 64 : i32
      %mul3A_743 = vector.broadcast %mul3A_742 : i32 to vector<16xi32>
      %mul3A_744 = arith.muli %and3A_741, %mul3A_743 : vector<16xi32>
      %get3A_745 = arith.index_cast %add3A_733 : i32 to index
      %get3A_746 = tpu.vector_load %arg12[%get3A_745] {strides = array<i32>} : memref<512xi32, #tpu.memory_space<vmem>>, vector<16xi32>,
      %and3A_747 = arith.constant 1 : i32
      %and3A_748 = vector.broadcast %and3A_747 : i32 to vector<16xi32>
      %and3A_749 = arith.andi %get3A_746, %and3A_748 : vector<16xi32>
      %mul3A_750 = arith.constant 64 : i32
      %mul3A_751 = vector.broadcast %mul3A_750 : i32 to vector<16xi32>
      %mul3A_752 = arith.muli %and3A_749, %mul3A_751 : vector<16xi32>
      %get3A_753 = arith.index_cast %add3A_733 : i32 to index
      %get3A_754 = tpu.vector_load %arg13[%get3A_753] {strides = array<i32>} : memref<512xi32, #tpu.memory_space<vmem>>, vector<16xi32>,
      %and3A_755 = arith.constant 1 : i32
      %and3A_756 = vector.broadcast %and3A_755 : i32 to vector<16xi32>
      %and3A_757 = arith.andi %get3A_754, %and3A_756 : vector<16xi32>
      %mul3A_758 = arith.constant 64 : i32
      %mul3A_759 = vector.broadcast %mul3A_758 : i32 to vector<16xi32>
      %mul3A_760 = arith.muli %and3A_757, %mul3A_759 : vector<16xi32>
      %get3A_761 = arith.index_cast %add3A_733 : i32 to index
      %get3A_762 = tpu.vector_load %arg20[%get3A_761] {strides = array<i32>} : memref<512xf32, #tpu.memory_space<vmem>>, vector<16xf32>,
      %get3A_763 = arith.index_cast %add3A_733 : i32 to index
      %get3A_764 = tpu.vector_load %arg21[%get3A_763] {strides = array<i32>} : memref<512xf32, #tpu.memory_space<vmem>>, vector<16xf32>,
      %add3A_765 = arith.addf %get3A_762, %get3A_764 : vector<16xf32>
      %get3A_766 = arith.index_cast %add3A_733 : i32 to index
      %get3A_767 = tpu.vector_load %arg22[%get3A_766] {strides = array<i32>} : memref<512xf32, #tpu.memory_space<vmem>>, vector<16xf32>,
      %add3A_768 = arith.addf %get3A_762, %get3A_767 : vector<16xf32>
      %add3A_769 = arith.constant 0 : i32
      %add3A_770 = vector.broadcast %add3A_769 : i32 to vector<16xi32>
      %add3A_771 = arith.addi %iota3A, %add3A_770 : vector<16xi32>
      %and3A_772 = arith.constant 63 : i32
      %and3A_773 = vector.broadcast %and3A_772 : i32 to vector<16xi32>
      %and3A_774 = arith.andi %add3A_771, %and3A_773 : vector<16xi32>
      %add3A_775 = arith.addi %mul3A_744, %and3A_774 : vector<16xi32>
      %gather3A = tpu.vector_load_idx %arg17[%add3A_737, %add3A_775] : memref<256x128xf32, #tpu.memory_space<vmem>>[vector<16xi32>, vector<16xi32>], vector<16xf32>,
      %add3A_776 = arith.addi %mul3A_752, %and3A_774 : vector<16xi32>
      %gather3A_777 = tpu.vector_load_idx %arg18[%add3A_737, %add3A_776] : memref<256x128xf32, #tpu.memory_space<vmem>>[vector<16xi32>, vector<16xi32>], vector<16xf32>,
      %add3A_778 = arith.addi %mul3A_760, %and3A_774 : vector<16xi32>
      %gather3A_779 = tpu.vector_load_idx %arg19[%add3A_737, %add3A_778] : memref<256x128xf32, #tpu.memory_space<vmem>>[vector<16xi32>, vector<16xi32>], vector<16xf32>,
      %mul3A_780 = arith.mulf %gather3A, %gather3A_777 : vector<16xf32>
      %add3A_781 = arith.addf %add3A_765, %mul3A_780 : vector<16xf32>
      %mul3A_782 = arith.mulf %gather3A, %gather3A_779 : vector<16xf32>
      %add3A_783 = arith.addf %add3A_768, %mul3A_782 : vector<16xf32>
      %add3A_784 = arith.constant 1 : i32
      %add3A_785 = vector.broadcast %add3A_784 : i32 to vector<16xi32>
      %add3A_786 = arith.addi %iota3A, %add3A_785 : vector<16xi32>
      %and3A_787 = arith.constant 63 : i32
      %and3A_788 = vector.broadcast %and3A_787 : i32 to vector<16xi32>
      %and3A_789 = arith.andi %add3A_786, %and3A_788 : vector<16xi32>
      %add3A_790 = arith.addi %mul3A_744, %and3A_789 : vector<16xi32>
      %gather3A_791 = tpu.vector_load_idx %arg17[%add3A_737, %add3A_790] : memref<256x128xf32, #tpu.memory_space<vmem>>[vector<16xi32>, vector<16xi32>], vector<16xf32>,
      %add3A_792 = arith.addi %mul3A_752, %and3A_789 : vector<16xi32>
      %gather3A_793 = tpu.vector_load_idx %arg18[%add3A_737, %add3A_792] : memref<256x128xf32, #tpu.memory_space<vmem>>[vector<16xi32>, vector<16xi32>], vector<16xf32>,
      %add3A_794 = arith.addi %mul3A_760, %and3A_789 : vector<16xi32>
      %gather3A_795 = tpu.vector_load_idx %arg19[%add3A_737, %add3A_794] : memref<256x128xf32, #tpu.memory_space<vmem>>[vector<16xi32>, vector<16xi32>], vector<16xf32>,
      %mul3A_796 = arith.mulf %gather3A_791, %gather3A_793 : vector<16xf32>
      %add3A_797 = arith.addf %add3A_781, %mul3A_796 : vector<16xf32>
      %mul3A_798 = arith.mulf %gather3A_791, %gather3A_795 : vector<16xf32>
      %add3A_799 = arith.addf %add3A_783, %mul3A_798 : vector<16xf32>
      %add3A_800 = arith.constant 2 : i32
      %add3A_801 = vector.broadcast %add3A_800 : i32 to vector<16xi32>
      %add3A_802 = arith.addi %iota3A, %add3A_801 : vector<16xi32>
      %and3A_803 = arith.constant 63 : i32
      %and3A_804 = vector.broadcast %and3A_803 : i32 to vector<16xi32>
      %and3A_805 = arith.andi %add3A_802, %and3A_804 : vector<16xi32>
      %add3A_806 = arith.addi %mul3A_744, %and3A_805 : vector<16xi32>
      %gather3A_807 = tpu.vector_load_idx %arg17[%add3A_737, %add3A_806] : memref<256x128xf32, #tpu.memory_space<vmem>>[vector<16xi32>, vector<16xi32>], vector<16xf32>,
      %add3A_808 = arith.addi %mul3A_752, %and3A_805 : vector<16xi32>
      %gather3A_809 = tpu.vector_load_idx %arg18[%add3A_737, %add3A_808] : memref<256x128xf32, #tpu.memory_space<vmem>>[vector<16xi32>, vector<16xi32>], vector<16xf32>,
      %add3A_810 = arith.addi %mul3A_760, %and3A_805 : vector<16xi32>
      %gather3A_811 = tpu.vector_load_idx %arg19[%add3A_737, %add3A_810] : memref<256x128xf32, #tpu.memory_space<vmem>>[vector<16xi32>, vector<16xi32>], vector<16xf32>,
      %mul3A_812 = arith.mulf %gather3A_807, %gather3A_809 : vector<16xf32>
      %add3A_813 = arith.addf %add3A_797, %mul3A_812 : vector<16xf32>
      %mul3A_814 = arith.mulf %gather3A_807, %gather3A_811 : vector<16xf32>
      %add3A_815 = arith.addf %add3A_799, %mul3A_814 : vector<16xf32>
      %add3A_816 = arith.constant 3 : i32
      %add3A_817 = vector.broadcast %add3A_816 : i32 to vector<16xi32>
      %add3A_818 = arith.addi %iota3A, %add3A_817 : vector<16xi32>
      %and3A_819 = arith.constant 63 : i32
      %and3A_820 = vector.broadcast %and3A_819 : i32 to vector<16xi32>
      %and3A_821 = arith.andi %add3A_818, %and3A_820 : vector<16xi32>
      %add3A_822 = arith.addi %mul3A_744, %and3A_821 : vector<16xi32>
      %gather3A_823 = tpu.vector_load_idx %arg17[%add3A_737, %add3A_822] : memref<256x128xf32, #tpu.memory_space<vmem>>[vector<16xi32>, vector<16xi32>], vector<16xf32>,
      %add3A_824 = arith.addi %mul3A_752, %and3A_821 : vector<16xi32>
      %gather3A_825 = tpu.vector_load_idx %arg18[%add3A_737, %add3A_824] : memref<256x128xf32, #tpu.memory_space<vmem>>[vector<16xi32>, vector<16xi32>], vector<16xf32>,
      %add3A_826 = arith.addi %mul3A_760, %and3A_821 : vector<16xi32>
      %gather3A_827 = tpu.vector_load_idx %arg19[%add3A_737, %add3A_826] : memref<256x128xf32, #tpu.memory_space<vmem>>[vector<16xi32>, vector<16xi32>], vector<16xf32>,
      %mul3A_828 = arith.mulf %gather3A_823, %gather3A_825 : vector<16xf32>
      %add3A_829 = arith.addf %add3A_813, %mul3A_828 : vector<16xf32>
      %mul3A_830 = arith.mulf %gather3A_823, %gather3A_827 : vector<16xf32>
      %add3A_831 = arith.addf %add3A_815, %mul3A_830 : vector<16xf32>
      %add3A_832 = arith.constant 4 : i32
      %add3A_833 = vector.broadcast %add3A_832 : i32 to vector<16xi32>
      %add3A_834 = arith.addi %iota3A, %add3A_833 : vector<16xi32>
      %and3A_835 = arith.constant 63 : i32
      %and3A_836 = vector.broadcast %and3A_835 : i32 to vector<16xi32>
      %and3A_837 = arith.andi %add3A_834, %and3A_836 : vector<16xi32>
      %add3A_838 = arith.addi %mul3A_744, %and3A_837 : vector<16xi32>
      %gather3A_839 = tpu.vector_load_idx %arg17[%add3A_737, %add3A_838] : memref<256x128xf32, #tpu.memory_space<vmem>>[vector<16xi32>, vector<16xi32>], vector<16xf32>,
      %add3A_840 = arith.addi %mul3A_752, %and3A_837 : vector<16xi32>
      %gather3A_841 = tpu.vector_load_idx %arg18[%add3A_737, %add3A_840] : memref<256x128xf32, #tpu.memory_space<vmem>>[vector<16xi32>, vector<16xi32>], vector<16xf32>,
      %add3A_842 = arith.addi %mul3A_760, %and3A_837 : vector<16xi32>
      %gather3A_843 = tpu.vector_load_idx %arg19[%add3A_737, %add3A_842] : memref<256x128xf32, #tpu.memory_space<vmem>>[vector<16xi32>, vector<16xi32>], vector<16xf32>,
      %mul3A_844 = arith.mulf %gather3A_839, %gather3A_841 : vector<16xf32>
      %add3A_845 = arith.addf %add3A_829, %mul3A_844 : vector<16xf32>
      %mul3A_846 = arith.mulf %gather3A_839, %gather3A_843 : vector<16xf32>
      %add3A_847 = arith.addf %add3A_831, %mul3A_846 : vector<16xf32>
      %add3A_848 = arith.constant 5 : i32
      %add3A_849 = vector.broadcast %add3A_848 : i32 to vector<16xi32>
      %add3A_850 = arith.addi %iota3A, %add3A_849 : vector<16xi32>
      %and3A_851 = arith.constant 63 : i32
      %and3A_852 = vector.broadcast %and3A_851 : i32 to vector<16xi32>
      %and3A_853 = arith.andi %add3A_850, %and3A_852 : vector<16xi32>
      %add3A_854 = arith.addi %mul3A_744, %and3A_853 : vector<16xi32>
      %gather3A_855 = tpu.vector_load_idx %arg17[%add3A_737, %add3A_854] : memref<256x128xf32, #tpu.memory_space<vmem>>[vector<16xi32>, vector<16xi32>], vector<16xf32>,
      %add3A_856 = arith.addi %mul3A_752, %and3A_853 : vector<16xi32>
      %gather3A_857 = tpu.vector_load_idx %arg18[%add3A_737, %add3A_856] : memref<256x128xf32, #tpu.memory_space<vmem>>[vector<16xi32>, vector<16xi32>], vector<16xf32>,
      %add3A_858 = arith.addi %mul3A_760, %and3A_853 : vector<16xi32>
      %gather3A_859 = tpu.vector_load_idx %arg19[%add3A_737, %add3A_858] : memref<256x128xf32, #tpu.memory_space<vmem>>[vector<16xi32>, vector<16xi32>], vector<16xf32>,
      %mul3A_860 = arith.mulf %gather3A_855, %gather3A_857 : vector<16xf32>
      %add3A_861 = arith.addf %add3A_845, %mul3A_860 : vector<16xf32>
      %mul3A_862 = arith.mulf %gather3A_855, %gather3A_859 : vector<16xf32>
      %add3A_863 = arith.addf %add3A_847, %mul3A_862 : vector<16xf32>
      %add3A_864 = arith.constant 6 : i32
      %add3A_865 = vector.broadcast %add3A_864 : i32 to vector<16xi32>
      %add3A_866 = arith.addi %iota3A, %add3A_865 : vector<16xi32>
      %and3A_867 = arith.constant 63 : i32
      %and3A_868 = vector.broadcast %and3A_867 : i32 to vector<16xi32>
      %and3A_869 = arith.andi %add3A_866, %and3A_868 : vector<16xi32>
      %add3A_870 = arith.addi %mul3A_744, %and3A_869 : vector<16xi32>
      %gather3A_871 = tpu.vector_load_idx %arg17[%add3A_737, %add3A_870] : memref<256x128xf32, #tpu.memory_space<vmem>>[vector<16xi32>, vector<16xi32>], vector<16xf32>,
      %add3A_872 = arith.addi %mul3A_752, %and3A_869 : vector<16xi32>
      %gather3A_873 = tpu.vector_load_idx %arg18[%add3A_737, %add3A_872] : memref<256x128xf32, #tpu.memory_space<vmem>>[vector<16xi32>, vector<16xi32>], vector<16xf32>,
      %add3A_874 = arith.addi %mul3A_760, %and3A_869 : vector<16xi32>
      %gather3A_875 = tpu.vector_load_idx %arg19[%add3A_737, %add3A_874] : memref<256x128xf32, #tpu.memory_space<vmem>>[vector<16xi32>, vector<16xi32>], vector<16xf32>,
      %mul3A_876 = arith.mulf %gather3A_871, %gather3A_873 : vector<16xf32>
      %add3A_877 = arith.addf %add3A_861, %mul3A_876 : vector<16xf32>
      %mul3A_878 = arith.mulf %gather3A_871, %gather3A_875 : vector<16xf32>
      %add3A_879 = arith.addf %add3A_863, %mul3A_878 : vector<16xf32>
      %add3A_880 = arith.constant 7 : i32
      %add3A_881 = vector.broadcast %add3A_880 : i32 to vector<16xi32>
      %add3A_882 = arith.addi %iota3A, %add3A_881 : vector<16xi32>
      %and3A_883 = arith.constant 63 : i32
      %and3A_884 = vector.broadcast %and3A_883 : i32 to vector<16xi32>
      %and3A_885 = arith.andi %add3A_882, %and3A_884 : vector<16xi32>
      %add3A_886 = arith.addi %mul3A_744, %and3A_885 : vector<16xi32>
      %gather3A_887 = tpu.vector_load_idx %arg17[%add3A_737, %add3A_886] : memref<256x128xf32, #tpu.memory_space<vmem>>[vector<16xi32>, vector<16xi32>], vector<16xf32>,
      %add3A_888 = arith.addi %mul3A_752, %and3A_885 : vector<16xi32>
      %gather3A_889 = tpu.vector_load_idx %arg18[%add3A_737, %add3A_888] : memref<256x128xf32, #tpu.memory_space<vmem>>[vector<16xi32>, vector<16xi32>], vector<16xf32>,
      %add3A_890 = arith.addi %mul3A_760, %and3A_885 : vector<16xi32>
      %gather3A_891 = tpu.vector_load_idx %arg19[%add3A_737, %add3A_890] : memref<256x128xf32, #tpu.memory_space<vmem>>[vector<16xi32>, vector<16xi32>], vector<16xf32>,
      %mul3A_892 = arith.mulf %gather3A_887, %gather3A_889 : vector<16xf32>
      %add3A_893 = arith.addf %add3A_877, %mul3A_892 : vector<16xf32>
      %mul3A_894 = arith.mulf %gather3A_887, %gather3A_891 : vector<16xf32>
      %add3A_895 = arith.addf %add3A_879, %mul3A_894 : vector<16xf32>
      %add3A_896 = arith.constant 8 : i32
      %add3A_897 = vector.broadcast %add3A_896 : i32 to vector<16xi32>
      %add3A_898 = arith.addi %iota3A, %add3A_897 : vector<16xi32>
      %and3A_899 = arith.constant 63 : i32
      %and3A_900 = vector.broadcast %and3A_899 : i32 to vector<16xi32>
      %and3A_901 = arith.andi %add3A_898, %and3A_900 : vector<16xi32>
      %add3A_902 = arith.addi %mul3A_744, %and3A_901 : vector<16xi32>
      %gather3A_903 = tpu.vector_load_idx %arg17[%add3A_737, %add3A_902] : memref<256x128xf32, #tpu.memory_space<vmem>>[vector<16xi32>, vector<16xi32>], vector<16xf32>,
      %add3A_904 = arith.addi %mul3A_752, %and3A_901 : vector<16xi32>
      %gather3A_905 = tpu.vector_load_idx %arg18[%add3A_737, %add3A_904] : memref<256x128xf32, #tpu.memory_space<vmem>>[vector<16xi32>, vector<16xi32>], vector<16xf32>,
      %add3A_906 = arith.addi %mul3A_760, %and3A_901 : vector<16xi32>
      %gather3A_907 = tpu.vector_load_idx %arg19[%add3A_737, %add3A_906] : memref<256x128xf32, #tpu.memory_space<vmem>>[vector<16xi32>, vector<16xi32>], vector<16xf32>,
      %mul3A_908 = arith.mulf %gather3A_903, %gather3A_905 : vector<16xf32>
      %add3A_909 = arith.addf %add3A_893, %mul3A_908 : vector<16xf32>
      %mul3A_910 = arith.mulf %gather3A_903, %gather3A_907 : vector<16xf32>
      %add3A_911 = arith.addf %add3A_895, %mul3A_910 : vector<16xf32>
      %add3A_912 = arith.constant 9 : i32
      %add3A_913 = vector.broadcast %add3A_912 : i32 to vector<16xi32>
      %add3A_914 = arith.addi %iota3A, %add3A_913 : vector<16xi32>
      %and3A_915 = arith.constant 63 : i32
      %and3A_916 = vector.broadcast %and3A_915 : i32 to vector<16xi32>
      %and3A_917 = arith.andi %add3A_914, %and3A_916 : vector<16xi32>
      %add3A_918 = arith.addi %mul3A_744, %and3A_917 : vector<16xi32>
      %gather3A_919 = tpu.vector_load_idx %arg17[%add3A_737, %add3A_918] : memref<256x128xf32, #tpu.memory_space<vmem>>[vector<16xi32>, vector<16xi32>], vector<16xf32>,
      %add3A_920 = arith.addi %mul3A_752, %and3A_917 : vector<16xi32>
      %gather3A_921 = tpu.vector_load_idx %arg18[%add3A_737, %add3A_920] : memref<256x128xf32, #tpu.memory_space<vmem>>[vector<16xi32>, vector<16xi32>], vector<16xf32>,
      %add3A_922 = arith.addi %mul3A_760, %and3A_917 : vector<16xi32>
      %gather3A_923 = tpu.vector_load_idx %arg19[%add3A_737, %add3A_922] : memref<256x128xf32, #tpu.memory_space<vmem>>[vector<16xi32>, vector<16xi32>], vector<16xf32>,
      %mul3A_924 = arith.mulf %gather3A_919, %gather3A_921 : vector<16xf32>
      %add3A_925 = arith.addf %add3A_909, %mul3A_924 : vector<16xf32>
      %mul3A_926 = arith.mulf %gather3A_919, %gather3A_923 : vector<16xf32>
      %add3A_927 = arith.addf %add3A_911, %mul3A_926 : vector<16xf32>
      %add3A_928 = arith.constant 10 : i32
      %add3A_929 = vector.broadcast %add3A_928 : i32 to vector<16xi32>
      %add3A_930 = arith.addi %iota3A, %add3A_929 : vector<16xi32>
      %and3A_931 = arith.constant 63 : i32
      %and3A_932 = vector.broadcast %and3A_931 : i32 to vector<16xi32>
      %and3A_933 = arith.andi %add3A_930, %and3A_932 : vector<16xi32>
      %add3A_934 = arith.addi %mul3A_744, %and3A_933 : vector<16xi32>
      %gather3A_935 = tpu.vector_load_idx %arg17[%add3A_737, %add3A_934] : memref<256x128xf32, #tpu.memory_space<vmem>>[vector<16xi32>, vector<16xi32>], vector<16xf32>,
      %add3A_936 = arith.addi %mul3A_752, %and3A_933 : vector<16xi32>
      %gather3A_937 = tpu.vector_load_idx %arg18[%add3A_737, %add3A_936] : memref<256x128xf32, #tpu.memory_space<vmem>>[vector<16xi32>, vector<16xi32>], vector<16xf32>,
      %add3A_938 = arith.addi %mul3A_760, %and3A_933 : vector<16xi32>
      %gather3A_939 = tpu.vector_load_idx %arg19[%add3A_737, %add3A_938] : memref<256x128xf32, #tpu.memory_space<vmem>>[vector<16xi32>, vector<16xi32>], vector<16xf32>,
      %mul3A_940 = arith.mulf %gather3A_935, %gather3A_937 : vector<16xf32>
      %add3A_941 = arith.addf %add3A_925, %mul3A_940 : vector<16xf32>
      %mul3A_942 = arith.mulf %gather3A_935, %gather3A_939 : vector<16xf32>
      %add3A_943 = arith.addf %add3A_927, %mul3A_942 : vector<16xf32>
      %add3A_944 = arith.constant 11 : i32
      %add3A_945 = vector.broadcast %add3A_944 : i32 to vector<16xi32>
      %add3A_946 = arith.addi %iota3A, %add3A_945 : vector<16xi32>
      %and3A_947 = arith.constant 63 : i32
      %and3A_948 = vector.broadcast %and3A_947 : i32 to vector<16xi32>
      %and3A_949 = arith.andi %add3A_946, %and3A_948 : vector<16xi32>
      %add3A_950 = arith.addi %mul3A_744, %and3A_949 : vector<16xi32>
      %gather3A_951 = tpu.vector_load_idx %arg17[%add3A_737, %add3A_950] : memref<256x128xf32, #tpu.memory_space<vmem>>[vector<16xi32>, vector<16xi32>], vector<16xf32>,
      %add3A_952 = arith.addi %mul3A_752, %and3A_949 : vector<16xi32>
      %gather3A_953 = tpu.vector_load_idx %arg18[%add3A_737, %add3A_952] : memref<256x128xf32, #tpu.memory_space<vmem>>[vector<16xi32>, vector<16xi32>], vector<16xf32>,
      %add3A_954 = arith.addi %mul3A_760, %and3A_949 : vector<16xi32>
      %gather3A_955 = tpu.vector_load_idx %arg19[%add3A_737, %add3A_954] : memref<256x128xf32, #tpu.memory_space<vmem>>[vector<16xi32>, vector<16xi32>], vector<16xf32>,
      %mul3A_956 = arith.mulf %gather3A_951, %gather3A_953 : vector<16xf32>
      %add3A_957 = arith.addf %add3A_941, %mul3A_956 : vector<16xf32>
      %mul3A_958 = arith.mulf %gather3A_951, %gather3A_955 : vector<16xf32>
      %add3A_959 = arith.addf %add3A_943, %mul3A_958 : vector<16xf32>
      %add3A_960 = arith.constant 12 : i32
      %add3A_961 = vector.broadcast %add3A_960 : i32 to vector<16xi32>
      %add3A_962 = arith.addi %iota3A, %add3A_961 : vector<16xi32>
      %and3A_963 = arith.constant 63 : i32
      %and3A_964 = vector.broadcast %and3A_963 : i32 to vector<16xi32>
      %and3A_965 = arith.andi %add3A_962, %and3A_964 : vector<16xi32>
      %add3A_966 = arith.addi %mul3A_744, %and3A_965 : vector<16xi32>
      %gather3A_967 = tpu.vector_load_idx %arg17[%add3A_737, %add3A_966] : memref<256x128xf32, #tpu.memory_space<vmem>>[vector<16xi32>, vector<16xi32>], vector<16xf32>,
      %add3A_968 = arith.addi %mul3A_752, %and3A_965 : vector<16xi32>
      %gather3A_969 = tpu.vector_load_idx %arg18[%add3A_737, %add3A_968] : memref<256x128xf32, #tpu.memory_space<vmem>>[vector<16xi32>, vector<16xi32>], vector<16xf32>,
      %add3A_970 = arith.addi %mul3A_760, %and3A_965 : vector<16xi32>
      %gather3A_971 = tpu.vector_load_idx %arg19[%add3A_737, %add3A_970] : memref<256x128xf32, #tpu.memory_space<vmem>>[vector<16xi32>, vector<16xi32>], vector<16xf32>,
      %mul3A_972 = arith.mulf %gather3A_967, %gather3A_969 : vector<16xf32>
      %add3A_973 = arith.addf %add3A_957, %mul3A_972 : vector<16xf32>
      %mul3A_974 = arith.mulf %gather3A_967, %gather3A_971 : vector<16xf32>
      %add3A_975 = arith.addf %add3A_959, %mul3A_974 : vector<16xf32>
      %add3A_976 = arith.constant 13 : i32
      %add3A_977 = vector.broadcast %add3A_976 : i32 to vector<16xi32>
      %add3A_978 = arith.addi %iota3A, %add3A_977 : vector<16xi32>
      %and3A_979 = arith.constant 63 : i32
      %and3A_980 = vector.broadcast %and3A_979 : i32 to vector<16xi32>
      %and3A_981 = arith.andi %add3A_978, %and3A_980 : vector<16xi32>
      %add3A_982 = arith.addi %mul3A_744, %and3A_981 : vector<16xi32>
      %gather3A_983 = tpu.vector_load_idx %arg17[%add3A_737, %add3A_982] : memref<256x128xf32, #tpu.memory_space<vmem>>[vector<16xi32>, vector<16xi32>], vector<16xf32>,
      %add3A_984 = arith.addi %mul3A_752, %and3A_981 : vector<16xi32>
      %gather3A_985 = tpu.vector_load_idx %arg18[%add3A_737, %add3A_984] : memref<256x128xf32, #tpu.memory_space<vmem>>[vector<16xi32>, vector<16xi32>], vector<16xf32>,
      %add3A_986 = arith.addi %mul3A_760, %and3A_981 : vector<16xi32>
      %gather3A_987 = tpu.vector_load_idx %arg19[%add3A_737, %add3A_986] : memref<256x128xf32, #tpu.memory_space<vmem>>[vector<16xi32>, vector<16xi32>], vector<16xf32>,
      %mul3A_988 = arith.mulf %gather3A_983, %gather3A_985 : vector<16xf32>
      %add3A_989 = arith.addf %add3A_973, %mul3A_988 : vector<16xf32>
      %mul3A_990 = arith.mulf %gather3A_983, %gather3A_987 : vector<16xf32>
      %add3A_991 = arith.addf %add3A_975, %mul3A_990 : vector<16xf32>
      %add3A_992 = arith.constant 14 : i32
      %add3A_993 = vector.broadcast %add3A_992 : i32 to vector<16xi32>
      %add3A_994 = arith.addi %iota3A, %add3A_993 : vector<16xi32>
      %and3A_995 = arith.constant 63 : i32
      %and3A_996 = vector.broadcast %and3A_995 : i32 to vector<16xi32>
      %and3A_997 = arith.andi %add3A_994, %and3A_996 : vector<16xi32>
      %add3A_998 = arith.addi %mul3A_744, %and3A_997 : vector<16xi32>
      %gather3A_999 = tpu.vector_load_idx %arg17[%add3A_737, %add3A_998] : memref<256x128xf32, #tpu.memory_space<vmem>>[vector<16xi32>, vector<16xi32>], vector<16xf32>,
      %add3A_1000 = arith.addi %mul3A_752, %and3A_997 : vector<16xi32>
      %gather3A_1001 = tpu.vector_load_idx %arg18[%add3A_737, %add3A_1000] : memref<256x128xf32, #tpu.memory_space<vmem>>[vector<16xi32>, vector<16xi32>], vector<16xf32>,
      %add3A_1002 = arith.addi %mul3A_760, %and3A_997 : vector<16xi32>
      %gather3A_1003 = tpu.vector_load_idx %arg19[%add3A_737, %add3A_1002] : memref<256x128xf32, #tpu.memory_space<vmem>>[vector<16xi32>, vector<16xi32>], vector<16xf32>,
      %mul3A_1004 = arith.mulf %gather3A_999, %gather3A_1001 : vector<16xf32>
      %add3A_1005 = arith.addf %add3A_989, %mul3A_1004 : vector<16xf32>
      %mul3A_1006 = arith.mulf %gather3A_999, %gather3A_1003 : vector<16xf32>
      %add3A_1007 = arith.addf %add3A_991, %mul3A_1006 : vector<16xf32>
      %add3A_1008 = arith.constant 15 : i32
      %add3A_1009 = vector.broadcast %add3A_1008 : i32 to vector<16xi32>
      %add3A_1010 = arith.addi %iota3A, %add3A_1009 : vector<16xi32>
      %and3A_1011 = arith.constant 63 : i32
      %and3A_1012 = vector.broadcast %and3A_1011 : i32 to vector<16xi32>
      %and3A_1013 = arith.andi %add3A_1010, %and3A_1012 : vector<16xi32>
      %add3A_1014 = arith.addi %mul3A_744, %and3A_1013 : vector<16xi32>
      %gather3A_1015 = tpu.vector_load_idx %arg17[%add3A_737, %add3A_1014] : memref<256x128xf32, #tpu.memory_space<vmem>>[vector<16xi32>, vector<16xi32>], vector<16xf32>,
      %add3A_1016 = arith.addi %mul3A_752, %and3A_1013 : vector<16xi32>
      %gather3A_1017 = tpu.vector_load_idx %arg18[%add3A_737, %add3A_1016] : memref<256x128xf32, #tpu.memory_space<vmem>>[vector<16xi32>, vector<16xi32>], vector<16xf32>,
      %add3A_1018 = arith.addi %mul3A_760, %and3A_1013 : vector<16xi32>
      %gather3A_1019 = tpu.vector_load_idx %arg19[%add3A_737, %add3A_1018] : memref<256x128xf32, #tpu.memory_space<vmem>>[vector<16xi32>, vector<16xi32>], vector<16xf32>,
      %mul3A_1020 = arith.mulf %gather3A_1015, %gather3A_1017 : vector<16xf32>
      %add3A_1021 = arith.addf %add3A_1005, %mul3A_1020 : vector<16xf32>
      %mul3A_1022 = arith.mulf %gather3A_1015, %gather3A_1019 : vector<16xf32>
      %add3A_1023 = arith.addf %add3A_1007, %mul3A_1022 : vector<16xf32>
      %add3A_1024 = arith.constant 16 : i32
      %add3A_1025 = vector.broadcast %add3A_1024 : i32 to vector<16xi32>
      %add3A_1026 = arith.addi %iota3A, %add3A_1025 : vector<16xi32>
      %and3A_1027 = arith.constant 63 : i32
      %and3A_1028 = vector.broadcast %and3A_1027 : i32 to vector<16xi32>
      %and3A_1029 = arith.andi %add3A_1026, %and3A_1028 : vector<16xi32>
      %add3A_1030 = arith.addi %mul3A_744, %and3A_1029 : vector<16xi32>
      %gather3A_1031 = tpu.vector_load_idx %arg17[%add3A_737, %add3A_1030] : memref<256x128xf32, #tpu.memory_space<vmem>>[vector<16xi32>, vector<16xi32>], vector<16xf32>,
      %add3A_1032 = arith.addi %mul3A_752, %and3A_1029 : vector<16xi32>
      %gather3A_1033 = tpu.vector_load_idx %arg18[%add3A_737, %add3A_1032] : memref<256x128xf32, #tpu.memory_space<vmem>>[vector<16xi32>, vector<16xi32>], vector<16xf32>,
      %add3A_1034 = arith.addi %mul3A_760, %and3A_1029 : vector<16xi32>
      %gather3A_1035 = tpu.vector_load_idx %arg19[%add3A_737, %add3A_1034] : memref<256x128xf32, #tpu.memory_space<vmem>>[vector<16xi32>, vector<16xi32>], vector<16xf32>,
      %mul3A_1036 = arith.mulf %gather3A_1031, %gather3A_1033 : vector<16xf32>
      %add3A_1037 = arith.addf %add3A_1021, %mul3A_1036 : vector<16xf32>
      %mul3A_1038 = arith.mulf %gather3A_1031, %gather3A_1035 : vector<16xf32>
      %add3A_1039 = arith.addf %add3A_1023, %mul3A_1038 : vector<16xf32>
      %add3A_1040 = arith.constant 17 : i32
      %add3A_1041 = vector.broadcast %add3A_1040 : i32 to vector<16xi32>
      %add3A_1042 = arith.addi %iota3A, %add3A_1041 : vector<16xi32>
      %and3A_1043 = arith.constant 63 : i32
      %and3A_1044 = vector.broadcast %and3A_1043 : i32 to vector<16xi32>
      %and3A_1045 = arith.andi %add3A_1042, %and3A_1044 : vector<16xi32>
      %add3A_1046 = arith.addi %mul3A_744, %and3A_1045 : vector<16xi32>
      %gather3A_1047 = tpu.vector_load_idx %arg17[%add3A_737, %add3A_1046] : memref<256x128xf32, #tpu.memory_space<vmem>>[vector<16xi32>, vector<16xi32>], vector<16xf32>,
      %add3A_1048 = arith.addi %mul3A_752, %and3A_1045 : vector<16xi32>
      %gather3A_1049 = tpu.vector_load_idx %arg18[%add3A_737, %add3A_1048] : memref<256x128xf32, #tpu.memory_space<vmem>>[vector<16xi32>, vector<16xi32>], vector<16xf32>,
      %add3A_1050 = arith.addi %mul3A_760, %and3A_1045 : vector<16xi32>
      %gather3A_1051 = tpu.vector_load_idx %arg19[%add3A_737, %add3A_1050] : memref<256x128xf32, #tpu.memory_space<vmem>>[vector<16xi32>, vector<16xi32>], vector<16xf32>,
      %mul3A_1052 = arith.mulf %gather3A_1047, %gather3A_1049 : vector<16xf32>
      %add3A_1053 = arith.addf %add3A_1037, %mul3A_1052 : vector<16xf32>
      %mul3A_1054 = arith.mulf %gather3A_1047, %gather3A_1051 : vector<16xf32>
      %add3A_1055 = arith.addf %add3A_1039, %mul3A_1054 : vector<16xf32>
      %add3A_1056 = arith.constant 18 : i32
      %add3A_1057 = vector.broadcast %add3A_1056 : i32 to vector<16xi32>
      %add3A_1058 = arith.addi %iota3A, %add3A_1057 : vector<16xi32>
      %and3A_1059 = arith.constant 63 : i32
      %and3A_1060 = vector.broadcast %and3A_1059 : i32 to vector<16xi32>
      %and3A_1061 = arith.andi %add3A_1058, %and3A_1060 : vector<16xi32>
      %add3A_1062 = arith.addi %mul3A_744, %and3A_1061 : vector<16xi32>
      %gather3A_1063 = tpu.vector_load_idx %arg17[%add3A_737, %add3A_1062] : memref<256x128xf32, #tpu.memory_space<vmem>>[vector<16xi32>, vector<16xi32>], vector<16xf32>,
      %add3A_1064 = arith.addi %mul3A_752, %and3A_1061 : vector<16xi32>
      %gather3A_1065 = tpu.vector_load_idx %arg18[%add3A_737, %add3A_1064] : memref<256x128xf32, #tpu.memory_space<vmem>>[vector<16xi32>, vector<16xi32>], vector<16xf32>,
      %add3A_1066 = arith.addi %mul3A_760, %and3A_1061 : vector<16xi32>
      %gather3A_1067 = tpu.vector_load_idx %arg19[%add3A_737, %add3A_1066] : memref<256x128xf32, #tpu.memory_space<vmem>>[vector<16xi32>, vector<16xi32>], vector<16xf32>,
      %mul3A_1068 = arith.mulf %gather3A_1063, %gather3A_1065 : vector<16xf32>
      %add3A_1069 = arith.addf %add3A_1053, %mul3A_1068 : vector<16xf32>
      %mul3A_1070 = arith.mulf %gather3A_1063, %gather3A_1067 : vector<16xf32>
      %add3A_1071 = arith.addf %add3A_1055, %mul3A_1070 : vector<16xf32>
      %add3A_1072 = arith.constant 19 : i32
      %add3A_1073 = vector.broadcast %add3A_1072 : i32 to vector<16xi32>
      %add3A_1074 = arith.addi %iota3A, %add3A_1073 : vector<16xi32>
      %and3A_1075 = arith.constant 63 : i32
      %and3A_1076 = vector.broadcast %and3A_1075 : i32 to vector<16xi32>
      %and3A_1077 = arith.andi %add3A_1074, %and3A_1076 : vector<16xi32>
      %add3A_1078 = arith.addi %mul3A_744, %and3A_1077 : vector<16xi32>
      %gather3A_1079 = tpu.vector_load_idx %arg17[%add3A_737, %add3A_1078] : memref<256x128xf32, #tpu.memory_space<vmem>>[vector<16xi32>, vector<16xi32>], vector<16xf32>,
      %add3A_1080 = arith.addi %mul3A_752, %and3A_1077 : vector<16xi32>
      %gather3A_1081 = tpu.vector_load_idx %arg18[%add3A_737, %add3A_1080] : memref<256x128xf32, #tpu.memory_space<vmem>>[vector<16xi32>, vector<16xi32>], vector<16xf32>,
      %add3A_1082 = arith.addi %mul3A_760, %and3A_1077 : vector<16xi32>
      %gather3A_1083 = tpu.vector_load_idx %arg19[%add3A_737, %add3A_1082] : memref<256x128xf32, #tpu.memory_space<vmem>>[vector<16xi32>, vector<16xi32>], vector<16xf32>,
      %mul3A_1084 = arith.mulf %gather3A_1079, %gather3A_1081 : vector<16xf32>
      %add3A_1085 = arith.addf %add3A_1069, %mul3A_1084 : vector<16xf32>
      %mul3A_1086 = arith.mulf %gather3A_1079, %gather3A_1083 : vector<16xf32>
      %add3A_1087 = arith.addf %add3A_1071, %mul3A_1086 : vector<16xf32>
      %add3A_1088 = arith.constant 20 : i32
      %add3A_1089 = vector.broadcast %add3A_1088 : i32 to vector<16xi32>
      %add3A_1090 = arith.addi %iota3A, %add3A_1089 : vector<16xi32>
      %and3A_1091 = arith.constant 63 : i32
      %and3A_1092 = vector.broadcast %and3A_1091 : i32 to vector<16xi32>
      %and3A_1093 = arith.andi %add3A_1090, %and3A_1092 : vector<16xi32>
      %add3A_1094 = arith.addi %mul3A_744, %and3A_1093 : vector<16xi32>
      %gather3A_1095 = tpu.vector_load_idx %arg17[%add3A_737, %add3A_1094] : memref<256x128xf32, #tpu.memory_space<vmem>>[vector<16xi32>, vector<16xi32>], vector<16xf32>,
      %add3A_1096 = arith.addi %mul3A_752, %and3A_1093 : vector<16xi32>
      %gather3A_1097 = tpu.vector_load_idx %arg18[%add3A_737, %add3A_1096] : memref<256x128xf32, #tpu.memory_space<vmem>>[vector<16xi32>, vector<16xi32>], vector<16xf32>,
      %add3A_1098 = arith.addi %mul3A_760, %and3A_1093 : vector<16xi32>
      %gather3A_1099 = tpu.vector_load_idx %arg19[%add3A_737, %add3A_1098] : memref<256x128xf32, #tpu.memory_space<vmem>>[vector<16xi32>, vector<16xi32>], vector<16xf32>,
      %mul3A_1100 = arith.mulf %gather3A_1095, %gather3A_1097 : vector<16xf32>
      %add3A_1101 = arith.addf %add3A_1085, %mul3A_1100 : vector<16xf32>
      %mul3A_1102 = arith.mulf %gather3A_1095, %gather3A_1099 : vector<16xf32>
      %add3A_1103 = arith.addf %add3A_1087, %mul3A_1102 : vector<16xf32>
      %add3A_1104 = arith.constant 21 : i32
      %add3A_1105 = vector.broadcast %add3A_1104 : i32 to vector<16xi32>
      %add3A_1106 = arith.addi %iota3A, %add3A_1105 : vector<16xi32>
      %and3A_1107 = arith.constant 63 : i32
      %and3A_1108 = vector.broadcast %and3A_1107 : i32 to vector<16xi32>
      %and3A_1109 = arith.andi %add3A_1106, %and3A_1108 : vector<16xi32>
      %add3A_1110 = arith.addi %mul3A_744, %and3A_1109 : vector<16xi32>
      %gather3A_1111 = tpu.vector_load_idx %arg17[%add3A_737, %add3A_1110] : memref<256x128xf32, #tpu.memory_space<vmem>>[vector<16xi32>, vector<16xi32>], vector<16xf32>,
      %add3A_1112 = arith.addi %mul3A_752, %and3A_1109 : vector<16xi32>
      %gather3A_1113 = tpu.vector_load_idx %arg18[%add3A_737, %add3A_1112] : memref<256x128xf32, #tpu.memory_space<vmem>>[vector<16xi32>, vector<16xi32>], vector<16xf32>,
      %add3A_1114 = arith.addi %mul3A_760, %and3A_1109 : vector<16xi32>
      %gather3A_1115 = tpu.vector_load_idx %arg19[%add3A_737, %add3A_1114] : memref<256x128xf32, #tpu.memory_space<vmem>>[vector<16xi32>, vector<16xi32>], vector<16xf32>,
      %mul3A_1116 = arith.mulf %gather3A_1111, %gather3A_1113 : vector<16xf32>
      %add3A_1117 = arith.addf %add3A_1101, %mul3A_1116 : vector<16xf32>
      %mul3A_1118 = arith.mulf %gather3A_1111, %gather3A_1115 : vector<16xf32>
      %add3A_1119 = arith.addf %add3A_1103, %mul3A_1118 : vector<16xf32>
      %add3A_1120 = arith.constant 22 : i32
      %add3A_1121 = vector.broadcast %add3A_1120 : i32 to vector<16xi32>
      %add3A_1122 = arith.addi %iota3A, %add3A_1121 : vector<16xi32>
      %and3A_1123 = arith.constant 63 : i32
      %and3A_1124 = vector.broadcast %and3A_1123 : i32 to vector<16xi32>
      %and3A_1125 = arith.andi %add3A_1122, %and3A_1124 : vector<16xi32>
      %add3A_1126 = arith.addi %mul3A_744, %and3A_1125 : vector<16xi32>
      %gather3A_1127 = tpu.vector_load_idx %arg17[%add3A_737, %add3A_1126] : memref<256x128xf32, #tpu.memory_space<vmem>>[vector<16xi32>, vector<16xi32>], vector<16xf32>,
      %add3A_1128 = arith.addi %mul3A_752, %and3A_1125 : vector<16xi32>
      %gather3A_1129 = tpu.vector_load_idx %arg18[%add3A_737, %add3A_1128] : memref<256x128xf32, #tpu.memory_space<vmem>>[vector<16xi32>, vector<16xi32>], vector<16xf32>,
      %add3A_1130 = arith.addi %mul3A_760, %and3A_1125 : vector<16xi32>
      %gather3A_1131 = tpu.vector_load_idx %arg19[%add3A_737, %add3A_1130] : memref<256x128xf32, #tpu.memory_space<vmem>>[vector<16xi32>, vector<16xi32>], vector<16xf32>,
      %mul3A_1132 = arith.mulf %gather3A_1127, %gather3A_1129 : vector<16xf32>
      %add3A_1133 = arith.addf %add3A_1117, %mul3A_1132 : vector<16xf32>
      %mul3A_1134 = arith.mulf %gather3A_1127, %gather3A_1131 : vector<16xf32>
      %add3A_1135 = arith.addf %add3A_1119, %mul3A_1134 : vector<16xf32>
      %add3A_1136 = arith.constant 23 : i32
      %add3A_1137 = vector.broadcast %add3A_1136 : i32 to vector<16xi32>
      %add3A_1138 = arith.addi %iota3A, %add3A_1137 : vector<16xi32>
      %and3A_1139 = arith.constant 63 : i32
      %and3A_1140 = vector.broadcast %and3A_1139 : i32 to vector<16xi32>
      %and3A_1141 = arith.andi %add3A_1138, %and3A_1140 : vector<16xi32>
      %add3A_1142 = arith.addi %mul3A_744, %and3A_1141 : vector<16xi32>
      %gather3A_1143 = tpu.vector_load_idx %arg17[%add3A_737, %add3A_1142] : memref<256x128xf32, #tpu.memory_space<vmem>>[vector<16xi32>, vector<16xi32>], vector<16xf32>,
      %add3A_1144 = arith.addi %mul3A_752, %and3A_1141 : vector<16xi32>
      %gather3A_1145 = tpu.vector_load_idx %arg18[%add3A_737, %add3A_1144] : memref<256x128xf32, #tpu.memory_space<vmem>>[vector<16xi32>, vector<16xi32>], vector<16xf32>,
      %add3A_1146 = arith.addi %mul3A_760, %and3A_1141 : vector<16xi32>
      %gather3A_1147 = tpu.vector_load_idx %arg19[%add3A_737, %add3A_1146] : memref<256x128xf32, #tpu.memory_space<vmem>>[vector<16xi32>, vector<16xi32>], vector<16xf32>,
      %mul3A_1148 = arith.mulf %gather3A_1143, %gather3A_1145 : vector<16xf32>
      %add3A_1149 = arith.addf %add3A_1133, %mul3A_1148 : vector<16xf32>
      %mul3A_1150 = arith.mulf %gather3A_1143, %gather3A_1147 : vector<16xf32>
      %add3A_1151 = arith.addf %add3A_1135, %mul3A_1150 : vector<16xf32>
      %add3A_1152 = arith.constant 24 : i32
      %add3A_1153 = vector.broadcast %add3A_1152 : i32 to vector<16xi32>
      %add3A_1154 = arith.addi %iota3A, %add3A_1153 : vector<16xi32>
      %and3A_1155 = arith.constant 63 : i32
      %and3A_1156 = vector.broadcast %and3A_1155 : i32 to vector<16xi32>
      %and3A_1157 = arith.andi %add3A_1154, %and3A_1156 : vector<16xi32>
      %add3A_1158 = arith.addi %mul3A_744, %and3A_1157 : vector<16xi32>
      %gather3A_1159 = tpu.vector_load_idx %arg17[%add3A_737, %add3A_1158] : memref<256x128xf32, #tpu.memory_space<vmem>>[vector<16xi32>, vector<16xi32>], vector<16xf32>,
      %add3A_1160 = arith.addi %mul3A_752, %and3A_1157 : vector<16xi32>
      %gather3A_1161 = tpu.vector_load_idx %arg18[%add3A_737, %add3A_1160] : memref<256x128xf32, #tpu.memory_space<vmem>>[vector<16xi32>, vector<16xi32>], vector<16xf32>,
      %add3A_1162 = arith.addi %mul3A_760, %and3A_1157 : vector<16xi32>
      %gather3A_1163 = tpu.vector_load_idx %arg19[%add3A_737, %add3A_1162] : memref<256x128xf32, #tpu.memory_space<vmem>>[vector<16xi32>, vector<16xi32>], vector<16xf32>,
      %mul3A_1164 = arith.mulf %gather3A_1159, %gather3A_1161 : vector<16xf32>
      %add3A_1165 = arith.addf %add3A_1149, %mul3A_1164 : vector<16xf32>
      %mul3A_1166 = arith.mulf %gather3A_1159, %gather3A_1163 : vector<16xf32>
      %add3A_1167 = arith.addf %add3A_1151, %mul3A_1166 : vector<16xf32>
      %add3A_1168 = arith.constant 25 : i32
      %add3A_1169 = vector.broadcast %add3A_1168 : i32 to vector<16xi32>
      %add3A_1170 = arith.addi %iota3A, %add3A_1169 : vector<16xi32>
      %and3A_1171 = arith.constant 63 : i32
      %and3A_1172 = vector.broadcast %and3A_1171 : i32 to vector<16xi32>
      %and3A_1173 = arith.andi %add3A_1170, %and3A_1172 : vector<16xi32>
      %add3A_1174 = arith.addi %mul3A_744, %and3A_1173 : vector<16xi32>
      %gather3A_1175 = tpu.vector_load_idx %arg17[%add3A_737, %add3A_1174] : memref<256x128xf32, #tpu.memory_space<vmem>>[vector<16xi32>, vector<16xi32>], vector<16xf32>,
      %add3A_1176 = arith.addi %mul3A_752, %and3A_1173 : vector<16xi32>
      %gather3A_1177 = tpu.vector_load_idx %arg18[%add3A_737, %add3A_1176] : memref<256x128xf32, #tpu.memory_space<vmem>>[vector<16xi32>, vector<16xi32>], vector<16xf32>,
      %add3A_1178 = arith.addi %mul3A_760, %and3A_1173 : vector<16xi32>
      %gather3A_1179 = tpu.vector_load_idx %arg19[%add3A_737, %add3A_1178] : memref<256x128xf32, #tpu.memory_space<vmem>>[vector<16xi32>, vector<16xi32>], vector<16xf32>,
      %mul3A_1180 = arith.mulf %gather3A_1175, %gather3A_1177 : vector<16xf32>
      %add3A_1181 = arith.addf %add3A_1165, %mul3A_1180 : vector<16xf32>
      %mul3A_1182 = arith.mulf %gather3A_1175, %gather3A_1179 : vector<16xf32>
      %add3A_1183 = arith.addf %add3A_1167, %mul3A_1182 : vector<16xf32>
      %add3A_1184 = arith.constant 26 : i32
      %add3A_1185 = vector.broadcast %add3A_1184 : i32 to vector<16xi32>
      %add3A_1186 = arith.addi %iota3A, %add3A_1185 : vector<16xi32>
      %and3A_1187 = arith.constant 63 : i32
      %and3A_1188 = vector.broadcast %and3A_1187 : i32 to vector<16xi32>
      %and3A_1189 = arith.andi %add3A_1186, %and3A_1188 : vector<16xi32>
      %add3A_1190 = arith.addi %mul3A_744, %and3A_1189 : vector<16xi32>
      %gather3A_1191 = tpu.vector_load_idx %arg17[%add3A_737, %add3A_1190] : memref<256x128xf32, #tpu.memory_space<vmem>>[vector<16xi32>, vector<16xi32>], vector<16xf32>,
      %add3A_1192 = arith.addi %mul3A_752, %and3A_1189 : vector<16xi32>
      %gather3A_1193 = tpu.vector_load_idx %arg18[%add3A_737, %add3A_1192] : memref<256x128xf32, #tpu.memory_space<vmem>>[vector<16xi32>, vector<16xi32>], vector<16xf32>,
      %add3A_1194 = arith.addi %mul3A_760, %and3A_1189 : vector<16xi32>
      %gather3A_1195 = tpu.vector_load_idx %arg19[%add3A_737, %add3A_1194] : memref<256x128xf32, #tpu.memory_space<vmem>>[vector<16xi32>, vector<16xi32>], vector<16xf32>,
      %mul3A_1196 = arith.mulf %gather3A_1191, %gather3A_1193 : vector<16xf32>
      %add3A_1197 = arith.addf %add3A_1181, %mul3A_1196 : vector<16xf32>
      %mul3A_1198 = arith.mulf %gather3A_1191, %gather3A_1195 : vector<16xf32>
      %add3A_1199 = arith.addf %add3A_1183, %mul3A_1198 : vector<16xf32>
      %add3A_1200 = arith.constant 27 : i32
      %add3A_1201 = vector.broadcast %add3A_1200 : i32 to vector<16xi32>
      %add3A_1202 = arith.addi %iota3A, %add3A_1201 : vector<16xi32>
      %and3A_1203 = arith.constant 63 : i32
      %and3A_1204 = vector.broadcast %and3A_1203 : i32 to vector<16xi32>
      %and3A_1205 = arith.andi %add3A_1202, %and3A_1204 : vector<16xi32>
      %add3A_1206 = arith.addi %mul3A_744, %and3A_1205 : vector<16xi32>
      %gather3A_1207 = tpu.vector_load_idx %arg17[%add3A_737, %add3A_1206] : memref<256x128xf32, #tpu.memory_space<vmem>>[vector<16xi32>, vector<16xi32>], vector<16xf32>,
      %add3A_1208 = arith.addi %mul3A_752, %and3A_1205 : vector<16xi32>
      %gather3A_1209 = tpu.vector_load_idx %arg18[%add3A_737, %add3A_1208] : memref<256x128xf32, #tpu.memory_space<vmem>>[vector<16xi32>, vector<16xi32>], vector<16xf32>,
      %add3A_1210 = arith.addi %mul3A_760, %and3A_1205 : vector<16xi32>
      %gather3A_1211 = tpu.vector_load_idx %arg19[%add3A_737, %add3A_1210] : memref<256x128xf32, #tpu.memory_space<vmem>>[vector<16xi32>, vector<16xi32>], vector<16xf32>,
      %mul3A_1212 = arith.mulf %gather3A_1207, %gather3A_1209 : vector<16xf32>
      %add3A_1213 = arith.addf %add3A_1197, %mul3A_1212 : vector<16xf32>
      %mul3A_1214 = arith.mulf %gather3A_1207, %gather3A_1211 : vector<16xf32>
      %add3A_1215 = arith.addf %add3A_1199, %mul3A_1214 : vector<16xf32>
      %add3A_1216 = arith.constant 28 : i32
      %add3A_1217 = vector.broadcast %add3A_1216 : i32 to vector<16xi32>
      %add3A_1218 = arith.addi %iota3A, %add3A_1217 : vector<16xi32>
      %and3A_1219 = arith.constant 63 : i32
      %and3A_1220 = vector.broadcast %and3A_1219 : i32 to vector<16xi32>
      %and3A_1221 = arith.andi %add3A_1218, %and3A_1220 : vector<16xi32>
      %add3A_1222 = arith.addi %mul3A_744, %and3A_1221 : vector<16xi32>
      %gather3A_1223 = tpu.vector_load_idx %arg17[%add3A_737, %add3A_1222] : memref<256x128xf32, #tpu.memory_space<vmem>>[vector<16xi32>, vector<16xi32>], vector<16xf32>,
      %add3A_1224 = arith.addi %mul3A_752, %and3A_1221 : vector<16xi32>
      %gather3A_1225 = tpu.vector_load_idx %arg18[%add3A_737, %add3A_1224] : memref<256x128xf32, #tpu.memory_space<vmem>>[vector<16xi32>, vector<16xi32>], vector<16xf32>,
      %add3A_1226 = arith.addi %mul3A_760, %and3A_1221 : vector<16xi32>
      %gather3A_1227 = tpu.vector_load_idx %arg19[%add3A_737, %add3A_1226] : memref<256x128xf32, #tpu.memory_space<vmem>>[vector<16xi32>, vector<16xi32>], vector<16xf32>,
      %mul3A_1228 = arith.mulf %gather3A_1223, %gather3A_1225 : vector<16xf32>
      %add3A_1229 = arith.addf %add3A_1213, %mul3A_1228 : vector<16xf32>
      %mul3A_1230 = arith.mulf %gather3A_1223, %gather3A_1227 : vector<16xf32>
      %add3A_1231 = arith.addf %add3A_1215, %mul3A_1230 : vector<16xf32>
      %add3A_1232 = arith.constant 29 : i32
      %add3A_1233 = vector.broadcast %add3A_1232 : i32 to vector<16xi32>
      %add3A_1234 = arith.addi %iota3A, %add3A_1233 : vector<16xi32>
      %and3A_1235 = arith.constant 63 : i32
      %and3A_1236 = vector.broadcast %and3A_1235 : i32 to vector<16xi32>
      %and3A_1237 = arith.andi %add3A_1234, %and3A_1236 : vector<16xi32>
      %add3A_1238 = arith.addi %mul3A_744, %and3A_1237 : vector<16xi32>
      %gather3A_1239 = tpu.vector_load_idx %arg17[%add3A_737, %add3A_1238] : memref<256x128xf32, #tpu.memory_space<vmem>>[vector<16xi32>, vector<16xi32>], vector<16xf32>,
      %add3A_1240 = arith.addi %mul3A_752, %and3A_1237 : vector<16xi32>
      %gather3A_1241 = tpu.vector_load_idx %arg18[%add3A_737, %add3A_1240] : memref<256x128xf32, #tpu.memory_space<vmem>>[vector<16xi32>, vector<16xi32>], vector<16xf32>,
      %add3A_1242 = arith.addi %mul3A_760, %and3A_1237 : vector<16xi32>
      %gather3A_1243 = tpu.vector_load_idx %arg19[%add3A_737, %add3A_1242] : memref<256x128xf32, #tpu.memory_space<vmem>>[vector<16xi32>, vector<16xi32>], vector<16xf32>,
      %mul3A_1244 = arith.mulf %gather3A_1239, %gather3A_1241 : vector<16xf32>
      %add3A_1245 = arith.addf %add3A_1229, %mul3A_1244 : vector<16xf32>
      %mul3A_1246 = arith.mulf %gather3A_1239, %gather3A_1243 : vector<16xf32>
      %add3A_1247 = arith.addf %add3A_1231, %mul3A_1246 : vector<16xf32>
      %add3A_1248 = arith.constant 30 : i32
      %add3A_1249 = vector.broadcast %add3A_1248 : i32 to vector<16xi32>
      %add3A_1250 = arith.addi %iota3A, %add3A_1249 : vector<16xi32>
      %and3A_1251 = arith.constant 63 : i32
      %and3A_1252 = vector.broadcast %and3A_1251 : i32 to vector<16xi32>
      %and3A_1253 = arith.andi %add3A_1250, %and3A_1252 : vector<16xi32>
      %add3A_1254 = arith.addi %mul3A_744, %and3A_1253 : vector<16xi32>
      %gather3A_1255 = tpu.vector_load_idx %arg17[%add3A_737, %add3A_1254] : memref<256x128xf32, #tpu.memory_space<vmem>>[vector<16xi32>, vector<16xi32>], vector<16xf32>,
      %add3A_1256 = arith.addi %mul3A_752, %and3A_1253 : vector<16xi32>
      %gather3A_1257 = tpu.vector_load_idx %arg18[%add3A_737, %add3A_1256] : memref<256x128xf32, #tpu.memory_space<vmem>>[vector<16xi32>, vector<16xi32>], vector<16xf32>,
      %add3A_1258 = arith.addi %mul3A_760, %and3A_1253 : vector<16xi32>
      %gather3A_1259 = tpu.vector_load_idx %arg19[%add3A_737, %add3A_1258] : memref<256x128xf32, #tpu.memory_space<vmem>>[vector<16xi32>, vector<16xi32>], vector<16xf32>,
      %mul3A_1260 = arith.mulf %gather3A_1255, %gather3A_1257 : vector<16xf32>
      %add3A_1261 = arith.addf %add3A_1245, %mul3A_1260 : vector<16xf32>
      %mul3A_1262 = arith.mulf %gather3A_1255, %gather3A_1259 : vector<16xf32>
      %add3A_1263 = arith.addf %add3A_1247, %mul3A_1262 : vector<16xf32>
      %add3A_1264 = arith.constant 31 : i32
      %add3A_1265 = vector.broadcast %add3A_1264 : i32 to vector<16xi32>
      %add3A_1266 = arith.addi %iota3A, %add3A_1265 : vector<16xi32>
      %and3A_1267 = arith.constant 63 : i32
      %and3A_1268 = vector.broadcast %and3A_1267 : i32 to vector<16xi32>
      %and3A_1269 = arith.andi %add3A_1266, %and3A_1268 : vector<16xi32>
      %add3A_1270 = arith.addi %mul3A_744, %and3A_1269 : vector<16xi32>
      %gather3A_1271 = tpu.vector_load_idx %arg17[%add3A_737, %add3A_1270] : memref<256x128xf32, #tpu.memory_space<vmem>>[vector<16xi32>, vector<16xi32>], vector<16xf32>,
      %add3A_1272 = arith.addi %mul3A_752, %and3A_1269 : vector<16xi32>
      %gather3A_1273 = tpu.vector_load_idx %arg18[%add3A_737, %add3A_1272] : memref<256x128xf32, #tpu.memory_space<vmem>>[vector<16xi32>, vector<16xi32>], vector<16xf32>,
      %add3A_1274 = arith.addi %mul3A_760, %and3A_1269 : vector<16xi32>
      %gather3A_1275 = tpu.vector_load_idx %arg19[%add3A_737, %add3A_1274] : memref<256x128xf32, #tpu.memory_space<vmem>>[vector<16xi32>, vector<16xi32>], vector<16xf32>,
      %mul3A_1276 = arith.mulf %gather3A_1271, %gather3A_1273 : vector<16xf32>
      %add3A_1277 = arith.addf %add3A_1261, %mul3A_1276 : vector<16xf32>
      %mul3A_1278 = arith.mulf %gather3A_1271, %gather3A_1275 : vector<16xf32>
      %add3A_1279 = arith.addf %add3A_1263, %mul3A_1278 : vector<16xf32>
      %add3A_1280 = arith.constant 32 : i32
      %add3A_1281 = vector.broadcast %add3A_1280 : i32 to vector<16xi32>
      %add3A_1282 = arith.addi %iota3A, %add3A_1281 : vector<16xi32>
      %and3A_1283 = arith.constant 63 : i32
      %and3A_1284 = vector.broadcast %and3A_1283 : i32 to vector<16xi32>
      %and3A_1285 = arith.andi %add3A_1282, %and3A_1284 : vector<16xi32>
      %add3A_1286 = arith.addi %mul3A_744, %and3A_1285 : vector<16xi32>
      %gather3A_1287 = tpu.vector_load_idx %arg17[%add3A_737, %add3A_1286] : memref<256x128xf32, #tpu.memory_space<vmem>>[vector<16xi32>, vector<16xi32>], vector<16xf32>,
      %add3A_1288 = arith.addi %mul3A_752, %and3A_1285 : vector<16xi32>
      %gather3A_1289 = tpu.vector_load_idx %arg18[%add3A_737, %add3A_1288] : memref<256x128xf32, #tpu.memory_space<vmem>>[vector<16xi32>, vector<16xi32>], vector<16xf32>,
      %add3A_1290 = arith.addi %mul3A_760, %and3A_1285 : vector<16xi32>
      %gather3A_1291 = tpu.vector_load_idx %arg19[%add3A_737, %add3A_1290] : memref<256x128xf32, #tpu.memory_space<vmem>>[vector<16xi32>, vector<16xi32>], vector<16xf32>,
      %mul3A_1292 = arith.mulf %gather3A_1287, %gather3A_1289 : vector<16xf32>
      %add3A_1293 = arith.addf %add3A_1277, %mul3A_1292 : vector<16xf32>
      %mul3A_1294 = arith.mulf %gather3A_1287, %gather3A_1291 : vector<16xf32>
      %add3A_1295 = arith.addf %add3A_1279, %mul3A_1294 : vector<16xf32>
      %add3A_1296 = arith.constant 33 : i32
      %add3A_1297 = vector.broadcast %add3A_1296 : i32 to vector<16xi32>
      %add3A_1298 = arith.addi %iota3A, %add3A_1297 : vector<16xi32>
      %and3A_1299 = arith.constant 63 : i32
      %and3A_1300 = vector.broadcast %and3A_1299 : i32 to vector<16xi32>
      %and3A_1301 = arith.andi %add3A_1298, %and3A_1300 : vector<16xi32>
      %add3A_1302 = arith.addi %mul3A_744, %and3A_1301 : vector<16xi32>
      %gather3A_1303 = tpu.vector_load_idx %arg17[%add3A_737, %add3A_1302] : memref<256x128xf32, #tpu.memory_space<vmem>>[vector<16xi32>, vector<16xi32>], vector<16xf32>,
      %add3A_1304 = arith.addi %mul3A_752, %and3A_1301 : vector<16xi32>
      %gather3A_1305 = tpu.vector_load_idx %arg18[%add3A_737, %add3A_1304] : memref<256x128xf32, #tpu.memory_space<vmem>>[vector<16xi32>, vector<16xi32>], vector<16xf32>,
      %add3A_1306 = arith.addi %mul3A_760, %and3A_1301 : vector<16xi32>
      %gather3A_1307 = tpu.vector_load_idx %arg19[%add3A_737, %add3A_1306] : memref<256x128xf32, #tpu.memory_space<vmem>>[vector<16xi32>, vector<16xi32>], vector<16xf32>,
      %mul3A_1308 = arith.mulf %gather3A_1303, %gather3A_1305 : vector<16xf32>
      %add3A_1309 = arith.addf %add3A_1293, %mul3A_1308 : vector<16xf32>
      %mul3A_1310 = arith.mulf %gather3A_1303, %gather3A_1307 : vector<16xf32>
      %add3A_1311 = arith.addf %add3A_1295, %mul3A_1310 : vector<16xf32>
      %add3A_1312 = arith.constant 34 : i32
      %add3A_1313 = vector.broadcast %add3A_1312 : i32 to vector<16xi32>
      %add3A_1314 = arith.addi %iota3A, %add3A_1313 : vector<16xi32>
      %and3A_1315 = arith.constant 63 : i32
      %and3A_1316 = vector.broadcast %and3A_1315 : i32 to vector<16xi32>
      %and3A_1317 = arith.andi %add3A_1314, %and3A_1316 : vector<16xi32>
      %add3A_1318 = arith.addi %mul3A_744, %and3A_1317 : vector<16xi32>
      %gather3A_1319 = tpu.vector_load_idx %arg17[%add3A_737, %add3A_1318] : memref<256x128xf32, #tpu.memory_space<vmem>>[vector<16xi32>, vector<16xi32>], vector<16xf32>,
      %add3A_1320 = arith.addi %mul3A_752, %and3A_1317 : vector<16xi32>
      %gather3A_1321 = tpu.vector_load_idx %arg18[%add3A_737, %add3A_1320] : memref<256x128xf32, #tpu.memory_space<vmem>>[vector<16xi32>, vector<16xi32>], vector<16xf32>,
      %add3A_1322 = arith.addi %mul3A_760, %and3A_1317 : vector<16xi32>
      %gather3A_1323 = tpu.vector_load_idx %arg19[%add3A_737, %add3A_1322] : memref<256x128xf32, #tpu.memory_space<vmem>>[vector<16xi32>, vector<16xi32>], vector<16xf32>,
      %mul3A_1324 = arith.mulf %gather3A_1319, %gather3A_1321 : vector<16xf32>
      %add3A_1325 = arith.addf %add3A_1309, %mul3A_1324 : vector<16xf32>
      %mul3A_1326 = arith.mulf %gather3A_1319, %gather3A_1323 : vector<16xf32>
      %add3A_1327 = arith.addf %add3A_1311, %mul3A_1326 : vector<16xf32>
      %add3A_1328 = arith.constant 35 : i32
      %add3A_1329 = vector.broadcast %add3A_1328 : i32 to vector<16xi32>
      %add3A_1330 = arith.addi %iota3A, %add3A_1329 : vector<16xi32>
      %and3A_1331 = arith.constant 63 : i32
      %and3A_1332 = vector.broadcast %and3A_1331 : i32 to vector<16xi32>
      %and3A_1333 = arith.andi %add3A_1330, %and3A_1332 : vector<16xi32>
      %add3A_1334 = arith.addi %mul3A_744, %and3A_1333 : vector<16xi32>
      %gather3A_1335 = tpu.vector_load_idx %arg17[%add3A_737, %add3A_1334] : memref<256x128xf32, #tpu.memory_space<vmem>>[vector<16xi32>, vector<16xi32>], vector<16xf32>,
      %add3A_1336 = arith.addi %mul3A_752, %and3A_1333 : vector<16xi32>
      %gather3A_1337 = tpu.vector_load_idx %arg18[%add3A_737, %add3A_1336] : memref<256x128xf32, #tpu.memory_space<vmem>>[vector<16xi32>, vector<16xi32>], vector<16xf32>,
      %add3A_1338 = arith.addi %mul3A_760, %and3A_1333 : vector<16xi32>
      %gather3A_1339 = tpu.vector_load_idx %arg19[%add3A_737, %add3A_1338] : memref<256x128xf32, #tpu.memory_space<vmem>>[vector<16xi32>, vector<16xi32>], vector<16xf32>,
      %mul3A_1340 = arith.mulf %gather3A_1335, %gather3A_1337 : vector<16xf32>
      %add3A_1341 = arith.addf %add3A_1325, %mul3A_1340 : vector<16xf32>
      %mul3A_1342 = arith.mulf %gather3A_1335, %gather3A_1339 : vector<16xf32>
      %add3A_1343 = arith.addf %add3A_1327, %mul3A_1342 : vector<16xf32>
      %add3A_1344 = arith.constant 36 : i32
      %add3A_1345 = vector.broadcast %add3A_1344 : i32 to vector<16xi32>
      %add3A_1346 = arith.addi %iota3A, %add3A_1345 : vector<16xi32>
      %and3A_1347 = arith.constant 63 : i32
      %and3A_1348 = vector.broadcast %and3A_1347 : i32 to vector<16xi32>
      %and3A_1349 = arith.andi %add3A_1346, %and3A_1348 : vector<16xi32>
      %add3A_1350 = arith.addi %mul3A_744, %and3A_1349 : vector<16xi32>
      %gather3A_1351 = tpu.vector_load_idx %arg17[%add3A_737, %add3A_1350] : memref<256x128xf32, #tpu.memory_space<vmem>>[vector<16xi32>, vector<16xi32>], vector<16xf32>,
      %add3A_1352 = arith.addi %mul3A_752, %and3A_1349 : vector<16xi32>
      %gather3A_1353 = tpu.vector_load_idx %arg18[%add3A_737, %add3A_1352] : memref<256x128xf32, #tpu.memory_space<vmem>>[vector<16xi32>, vector<16xi32>], vector<16xf32>,
      %add3A_1354 = arith.addi %mul3A_760, %and3A_1349 : vector<16xi32>
      %gather3A_1355 = tpu.vector_load_idx %arg19[%add3A_737, %add3A_1354] : memref<256x128xf32, #tpu.memory_space<vmem>>[vector<16xi32>, vector<16xi32>], vector<16xf32>,
      %mul3A_1356 = arith.mulf %gather3A_1351, %gather3A_1353 : vector<16xf32>
      %add3A_1357 = arith.addf %add3A_1341, %mul3A_1356 : vector<16xf32>
      %mul3A_1358 = arith.mulf %gather3A_1351, %gather3A_1355 : vector<16xf32>
      %add3A_1359 = arith.addf %add3A_1343, %mul3A_1358 : vector<16xf32>
      %add3A_1360 = arith.constant 37 : i32
      %add3A_1361 = vector.broadcast %add3A_1360 : i32 to vector<16xi32>
      %add3A_1362 = arith.addi %iota3A, %add3A_1361 : vector<16xi32>
      %and3A_1363 = arith.constant 63 : i32
      %and3A_1364 = vector.broadcast %and3A_1363 : i32 to vector<16xi32>
      %and3A_1365 = arith.andi %add3A_1362, %and3A_1364 : vector<16xi32>
      %add3A_1366 = arith.addi %mul3A_744, %and3A_1365 : vector<16xi32>
      %gather3A_1367 = tpu.vector_load_idx %arg17[%add3A_737, %add3A_1366] : memref<256x128xf32, #tpu.memory_space<vmem>>[vector<16xi32>, vector<16xi32>], vector<16xf32>,
      %add3A_1368 = arith.addi %mul3A_752, %and3A_1365 : vector<16xi32>
      %gather3A_1369 = tpu.vector_load_idx %arg18[%add3A_737, %add3A_1368] : memref<256x128xf32, #tpu.memory_space<vmem>>[vector<16xi32>, vector<16xi32>], vector<16xf32>,
      %add3A_1370 = arith.addi %mul3A_760, %and3A_1365 : vector<16xi32>
      %gather3A_1371 = tpu.vector_load_idx %arg19[%add3A_737, %add3A_1370] : memref<256x128xf32, #tpu.memory_space<vmem>>[vector<16xi32>, vector<16xi32>], vector<16xf32>,
      %mul3A_1372 = arith.mulf %gather3A_1367, %gather3A_1369 : vector<16xf32>
      %add3A_1373 = arith.addf %add3A_1357, %mul3A_1372 : vector<16xf32>
      %mul3A_1374 = arith.mulf %gather3A_1367, %gather3A_1371 : vector<16xf32>
      %add3A_1375 = arith.addf %add3A_1359, %mul3A_1374 : vector<16xf32>
      %add3A_1376 = arith.constant 38 : i32
      %add3A_1377 = vector.broadcast %add3A_1376 : i32 to vector<16xi32>
      %add3A_1378 = arith.addi %iota3A, %add3A_1377 : vector<16xi32>
      %and3A_1379 = arith.constant 63 : i32
      %and3A_1380 = vector.broadcast %and3A_1379 : i32 to vector<16xi32>
      %and3A_1381 = arith.andi %add3A_1378, %and3A_1380 : vector<16xi32>
      %add3A_1382 = arith.addi %mul3A_744, %and3A_1381 : vector<16xi32>
      %gather3A_1383 = tpu.vector_load_idx %arg17[%add3A_737, %add3A_1382] : memref<256x128xf32, #tpu.memory_space<vmem>>[vector<16xi32>, vector<16xi32>], vector<16xf32>,
      %add3A_1384 = arith.addi %mul3A_752, %and3A_1381 : vector<16xi32>
      %gather3A_1385 = tpu.vector_load_idx %arg18[%add3A_737, %add3A_1384] : memref<256x128xf32, #tpu.memory_space<vmem>>[vector<16xi32>, vector<16xi32>], vector<16xf32>,
      %add3A_1386 = arith.addi %mul3A_760, %and3A_1381 : vector<16xi32>
      %gather3A_1387 = tpu.vector_load_idx %arg19[%add3A_737, %add3A_1386] : memref<256x128xf32, #tpu.memory_space<vmem>>[vector<16xi32>, vector<16xi32>], vector<16xf32>,
      %mul3A_1388 = arith.mulf %gather3A_1383, %gather3A_1385 : vector<16xf32>
      %add3A_1389 = arith.addf %add3A_1373, %mul3A_1388 : vector<16xf32>
      %mul3A_1390 = arith.mulf %gather3A_1383, %gather3A_1387 : vector<16xf32>
      %add3A_1391 = arith.addf %add3A_1375, %mul3A_1390 : vector<16xf32>
      %add3A_1392 = arith.constant 39 : i32
      %add3A_1393 = vector.broadcast %add3A_1392 : i32 to vector<16xi32>
      %add3A_1394 = arith.addi %iota3A, %add3A_1393 : vector<16xi32>
      %and3A_1395 = arith.constant 63 : i32
      %and3A_1396 = vector.broadcast %and3A_1395 : i32 to vector<16xi32>
      %and3A_1397 = arith.andi %add3A_1394, %and3A_1396 : vector<16xi32>
      %add3A_1398 = arith.addi %mul3A_744, %and3A_1397 : vector<16xi32>
      %gather3A_1399 = tpu.vector_load_idx %arg17[%add3A_737, %add3A_1398] : memref<256x128xf32, #tpu.memory_space<vmem>>[vector<16xi32>, vector<16xi32>], vector<16xf32>,
      %add3A_1400 = arith.addi %mul3A_752, %and3A_1397 : vector<16xi32>
      %gather3A_1401 = tpu.vector_load_idx %arg18[%add3A_737, %add3A_1400] : memref<256x128xf32, #tpu.memory_space<vmem>>[vector<16xi32>, vector<16xi32>], vector<16xf32>,
      %add3A_1402 = arith.addi %mul3A_760, %and3A_1397 : vector<16xi32>
      %gather3A_1403 = tpu.vector_load_idx %arg19[%add3A_737, %add3A_1402] : memref<256x128xf32, #tpu.memory_space<vmem>>[vector<16xi32>, vector<16xi32>], vector<16xf32>,
      %mul3A_1404 = arith.mulf %gather3A_1399, %gather3A_1401 : vector<16xf32>
      %add3A_1405 = arith.addf %add3A_1389, %mul3A_1404 : vector<16xf32>
      %mul3A_1406 = arith.mulf %gather3A_1399, %gather3A_1403 : vector<16xf32>
      %add3A_1407 = arith.addf %add3A_1391, %mul3A_1406 : vector<16xf32>
      %add3A_1408 = arith.constant 40 : i32
      %add3A_1409 = vector.broadcast %add3A_1408 : i32 to vector<16xi32>
      %add3A_1410 = arith.addi %iota3A, %add3A_1409 : vector<16xi32>
      %and3A_1411 = arith.constant 63 : i32
      %and3A_1412 = vector.broadcast %and3A_1411 : i32 to vector<16xi32>
      %and3A_1413 = arith.andi %add3A_1410, %and3A_1412 : vector<16xi32>
      %add3A_1414 = arith.addi %mul3A_744, %and3A_1413 : vector<16xi32>
      %gather3A_1415 = tpu.vector_load_idx %arg17[%add3A_737, %add3A_1414] : memref<256x128xf32, #tpu.memory_space<vmem>>[vector<16xi32>, vector<16xi32>], vector<16xf32>,
      %add3A_1416 = arith.addi %mul3A_752, %and3A_1413 : vector<16xi32>
      %gather3A_1417 = tpu.vector_load_idx %arg18[%add3A_737, %add3A_1416] : memref<256x128xf32, #tpu.memory_space<vmem>>[vector<16xi32>, vector<16xi32>], vector<16xf32>,
      %add3A_1418 = arith.addi %mul3A_760, %and3A_1413 : vector<16xi32>
      %gather3A_1419 = tpu.vector_load_idx %arg19[%add3A_737, %add3A_1418] : memref<256x128xf32, #tpu.memory_space<vmem>>[vector<16xi32>, vector<16xi32>], vector<16xf32>,
      %mul3A_1420 = arith.mulf %gather3A_1415, %gather3A_1417 : vector<16xf32>
      %add3A_1421 = arith.addf %add3A_1405, %mul3A_1420 : vector<16xf32>
      %mul3A_1422 = arith.mulf %gather3A_1415, %gather3A_1419 : vector<16xf32>
      %add3A_1423 = arith.addf %add3A_1407, %mul3A_1422 : vector<16xf32>
      %add3A_1424 = arith.constant 41 : i32
      %add3A_1425 = vector.broadcast %add3A_1424 : i32 to vector<16xi32>
      %add3A_1426 = arith.addi %iota3A, %add3A_1425 : vector<16xi32>
      %and3A_1427 = arith.constant 63 : i32
      %and3A_1428 = vector.broadcast %and3A_1427 : i32 to vector<16xi32>
      %and3A_1429 = arith.andi %add3A_1426, %and3A_1428 : vector<16xi32>
      %add3A_1430 = arith.addi %mul3A_744, %and3A_1429 : vector<16xi32>
      %gather3A_1431 = tpu.vector_load_idx %arg17[%add3A_737, %add3A_1430] : memref<256x128xf32, #tpu.memory_space<vmem>>[vector<16xi32>, vector<16xi32>], vector<16xf32>,
      %add3A_1432 = arith.addi %mul3A_752, %and3A_1429 : vector<16xi32>
      %gather3A_1433 = tpu.vector_load_idx %arg18[%add3A_737, %add3A_1432] : memref<256x128xf32, #tpu.memory_space<vmem>>[vector<16xi32>, vector<16xi32>], vector<16xf32>,
      %add3A_1434 = arith.addi %mul3A_760, %and3A_1429 : vector<16xi32>
      %gather3A_1435 = tpu.vector_load_idx %arg19[%add3A_737, %add3A_1434] : memref<256x128xf32, #tpu.memory_space<vmem>>[vector<16xi32>, vector<16xi32>], vector<16xf32>,
      %mul3A_1436 = arith.mulf %gather3A_1431, %gather3A_1433 : vector<16xf32>
      %add3A_1437 = arith.addf %add3A_1421, %mul3A_1436 : vector<16xf32>
      %mul3A_1438 = arith.mulf %gather3A_1431, %gather3A_1435 : vector<16xf32>
      %add3A_1439 = arith.addf %add3A_1423, %mul3A_1438 : vector<16xf32>
      %add3A_1440 = arith.constant 42 : i32
      %add3A_1441 = vector.broadcast %add3A_1440 : i32 to vector<16xi32>
      %add3A_1442 = arith.addi %iota3A, %add3A_1441 : vector<16xi32>
      %and3A_1443 = arith.constant 63 : i32
      %and3A_1444 = vector.broadcast %and3A_1443 : i32 to vector<16xi32>
      %and3A_1445 = arith.andi %add3A_1442, %and3A_1444 : vector<16xi32>
      %add3A_1446 = arith.addi %mul3A_744, %and3A_1445 : vector<16xi32>
      %gather3A_1447 = tpu.vector_load_idx %arg17[%add3A_737, %add3A_1446] : memref<256x128xf32, #tpu.memory_space<vmem>>[vector<16xi32>, vector<16xi32>], vector<16xf32>,
      %add3A_1448 = arith.addi %mul3A_752, %and3A_1445 : vector<16xi32>
      %gather3A_1449 = tpu.vector_load_idx %arg18[%add3A_737, %add3A_1448] : memref<256x128xf32, #tpu.memory_space<vmem>>[vector<16xi32>, vector<16xi32>], vector<16xf32>,
      %add3A_1450 = arith.addi %mul3A_760, %and3A_1445 : vector<16xi32>
      %gather3A_1451 = tpu.vector_load_idx %arg19[%add3A_737, %add3A_1450] : memref<256x128xf32, #tpu.memory_space<vmem>>[vector<16xi32>, vector<16xi32>], vector<16xf32>,
      %mul3A_1452 = arith.mulf %gather3A_1447, %gather3A_1449 : vector<16xf32>
      %add3A_1453 = arith.addf %add3A_1437, %mul3A_1452 : vector<16xf32>
      %mul3A_1454 = arith.mulf %gather3A_1447, %gather3A_1451 : vector<16xf32>
      %add3A_1455 = arith.addf %add3A_1439, %mul3A_1454 : vector<16xf32>
      %add3A_1456 = arith.constant 43 : i32
      %add3A_1457 = vector.broadcast %add3A_1456 : i32 to vector<16xi32>
      %add3A_1458 = arith.addi %iota3A, %add3A_1457 : vector<16xi32>
      %and3A_1459 = arith.constant 63 : i32
      %and3A_1460 = vector.broadcast %and3A_1459 : i32 to vector<16xi32>
      %and3A_1461 = arith.andi %add3A_1458, %and3A_1460 : vector<16xi32>
      %add3A_1462 = arith.addi %mul3A_744, %and3A_1461 : vector<16xi32>
      %gather3A_1463 = tpu.vector_load_idx %arg17[%add3A_737, %add3A_1462] : memref<256x128xf32, #tpu.memory_space<vmem>>[vector<16xi32>, vector<16xi32>], vector<16xf32>,
      %add3A_1464 = arith.addi %mul3A_752, %and3A_1461 : vector<16xi32>
      %gather3A_1465 = tpu.vector_load_idx %arg18[%add3A_737, %add3A_1464] : memref<256x128xf32, #tpu.memory_space<vmem>>[vector<16xi32>, vector<16xi32>], vector<16xf32>,
      %add3A_1466 = arith.addi %mul3A_760, %and3A_1461 : vector<16xi32>
      %gather3A_1467 = tpu.vector_load_idx %arg19[%add3A_737, %add3A_1466] : memref<256x128xf32, #tpu.memory_space<vmem>>[vector<16xi32>, vector<16xi32>], vector<16xf32>,
      %mul3A_1468 = arith.mulf %gather3A_1463, %gather3A_1465 : vector<16xf32>
      %add3A_1469 = arith.addf %add3A_1453, %mul3A_1468 : vector<16xf32>
      %mul3A_1470 = arith.mulf %gather3A_1463, %gather3A_1467 : vector<16xf32>
      %add3A_1471 = arith.addf %add3A_1455, %mul3A_1470 : vector<16xf32>
      %add3A_1472 = arith.constant 44 : i32
      %add3A_1473 = vector.broadcast %add3A_1472 : i32 to vector<16xi32>
      %add3A_1474 = arith.addi %iota3A, %add3A_1473 : vector<16xi32>
      %and3A_1475 = arith.constant 63 : i32
      %and3A_1476 = vector.broadcast %and3A_1475 : i32 to vector<16xi32>
      %and3A_1477 = arith.andi %add3A_1474, %and3A_1476 : vector<16xi32>
      %add3A_1478 = arith.addi %mul3A_744, %and3A_1477 : vector<16xi32>
      %gather3A_1479 = tpu.vector_load_idx %arg17[%add3A_737, %add3A_1478] : memref<256x128xf32, #tpu.memory_space<vmem>>[vector<16xi32>, vector<16xi32>], vector<16xf32>,
      %add3A_1480 = arith.addi %mul3A_752, %and3A_1477 : vector<16xi32>
      %gather3A_1481 = tpu.vector_load_idx %arg18[%add3A_737, %add3A_1480] : memref<256x128xf32, #tpu.memory_space<vmem>>[vector<16xi32>, vector<16xi32>], vector<16xf32>,
      %add3A_1482 = arith.addi %mul3A_760, %and3A_1477 : vector<16xi32>
      %gather3A_1483 = tpu.vector_load_idx %arg19[%add3A_737, %add3A_1482] : memref<256x128xf32, #tpu.memory_space<vmem>>[vector<16xi32>, vector<16xi32>], vector<16xf32>,
      %mul3A_1484 = arith.mulf %gather3A_1479, %gather3A_1481 : vector<16xf32>
      %add3A_1485 = arith.addf %add3A_1469, %mul3A_1484 : vector<16xf32>
      %mul3A_1486 = arith.mulf %gather3A_1479, %gather3A_1483 : vector<16xf32>
      %add3A_1487 = arith.addf %add3A_1471, %mul3A_1486 : vector<16xf32>
      %add3A_1488 = arith.constant 45 : i32
      %add3A_1489 = vector.broadcast %add3A_1488 : i32 to vector<16xi32>
      %add3A_1490 = arith.addi %iota3A, %add3A_1489 : vector<16xi32>
      %and3A_1491 = arith.constant 63 : i32
      %and3A_1492 = vector.broadcast %and3A_1491 : i32 to vector<16xi32>
      %and3A_1493 = arith.andi %add3A_1490, %and3A_1492 : vector<16xi32>
      %add3A_1494 = arith.addi %mul3A_744, %and3A_1493 : vector<16xi32>
      %gather3A_1495 = tpu.vector_load_idx %arg17[%add3A_737, %add3A_1494] : memref<256x128xf32, #tpu.memory_space<vmem>>[vector<16xi32>, vector<16xi32>], vector<16xf32>,
      %add3A_1496 = arith.addi %mul3A_752, %and3A_1493 : vector<16xi32>
      %gather3A_1497 = tpu.vector_load_idx %arg18[%add3A_737, %add3A_1496] : memref<256x128xf32, #tpu.memory_space<vmem>>[vector<16xi32>, vector<16xi32>], vector<16xf32>,
      %add3A_1498 = arith.addi %mul3A_760, %and3A_1493 : vector<16xi32>
      %gather3A_1499 = tpu.vector_load_idx %arg19[%add3A_737, %add3A_1498] : memref<256x128xf32, #tpu.memory_space<vmem>>[vector<16xi32>, vector<16xi32>], vector<16xf32>,
      %mul3A_1500 = arith.mulf %gather3A_1495, %gather3A_1497 : vector<16xf32>
      %add3A_1501 = arith.addf %add3A_1485, %mul3A_1500 : vector<16xf32>
      %mul3A_1502 = arith.mulf %gather3A_1495, %gather3A_1499 : vector<16xf32>
      %add3A_1503 = arith.addf %add3A_1487, %mul3A_1502 : vector<16xf32>
      %add3A_1504 = arith.constant 46 : i32
      %add3A_1505 = vector.broadcast %add3A_1504 : i32 to vector<16xi32>
      %add3A_1506 = arith.addi %iota3A, %add3A_1505 : vector<16xi32>
      %and3A_1507 = arith.constant 63 : i32
      %and3A_1508 = vector.broadcast %and3A_1507 : i32 to vector<16xi32>
      %and3A_1509 = arith.andi %add3A_1506, %and3A_1508 : vector<16xi32>
      %add3A_1510 = arith.addi %mul3A_744, %and3A_1509 : vector<16xi32>
      %gather3A_1511 = tpu.vector_load_idx %arg17[%add3A_737, %add3A_1510] : memref<256x128xf32, #tpu.memory_space<vmem>>[vector<16xi32>, vector<16xi32>], vector<16xf32>,
      %add3A_1512 = arith.addi %mul3A_752, %and3A_1509 : vector<16xi32>
      %gather3A_1513 = tpu.vector_load_idx %arg18[%add3A_737, %add3A_1512] : memref<256x128xf32, #tpu.memory_space<vmem>>[vector<16xi32>, vector<16xi32>], vector<16xf32>,
      %add3A_1514 = arith.addi %mul3A_760, %and3A_1509 : vector<16xi32>
      %gather3A_1515 = tpu.vector_load_idx %arg19[%add3A_737, %add3A_1514] : memref<256x128xf32, #tpu.memory_space<vmem>>[vector<16xi32>, vector<16xi32>], vector<16xf32>,
      %mul3A_1516 = arith.mulf %gather3A_1511, %gather3A_1513 : vector<16xf32>
      %add3A_1517 = arith.addf %add3A_1501, %mul3A_1516 : vector<16xf32>
      %mul3A_1518 = arith.mulf %gather3A_1511, %gather3A_1515 : vector<16xf32>
      %add3A_1519 = arith.addf %add3A_1503, %mul3A_1518 : vector<16xf32>
      %add3A_1520 = arith.constant 47 : i32
      %add3A_1521 = vector.broadcast %add3A_1520 : i32 to vector<16xi32>
      %add3A_1522 = arith.addi %iota3A, %add3A_1521 : vector<16xi32>
      %and3A_1523 = arith.constant 63 : i32
      %and3A_1524 = vector.broadcast %and3A_1523 : i32 to vector<16xi32>
      %and3A_1525 = arith.andi %add3A_1522, %and3A_1524 : vector<16xi32>
      %add3A_1526 = arith.addi %mul3A_744, %and3A_1525 : vector<16xi32>
      %gather3A_1527 = tpu.vector_load_idx %arg17[%add3A_737, %add3A_1526] : memref<256x128xf32, #tpu.memory_space<vmem>>[vector<16xi32>, vector<16xi32>], vector<16xf32>,
      %add3A_1528 = arith.addi %mul3A_752, %and3A_1525 : vector<16xi32>
      %gather3A_1529 = tpu.vector_load_idx %arg18[%add3A_737, %add3A_1528] : memref<256x128xf32, #tpu.memory_space<vmem>>[vector<16xi32>, vector<16xi32>], vector<16xf32>,
      %add3A_1530 = arith.addi %mul3A_760, %and3A_1525 : vector<16xi32>
      %gather3A_1531 = tpu.vector_load_idx %arg19[%add3A_737, %add3A_1530] : memref<256x128xf32, #tpu.memory_space<vmem>>[vector<16xi32>, vector<16xi32>], vector<16xf32>,
      %mul3A_1532 = arith.mulf %gather3A_1527, %gather3A_1529 : vector<16xf32>
      %add3A_1533 = arith.addf %add3A_1517, %mul3A_1532 : vector<16xf32>
      %mul3A_1534 = arith.mulf %gather3A_1527, %gather3A_1531 : vector<16xf32>
      %add3A_1535 = arith.addf %add3A_1519, %mul3A_1534 : vector<16xf32>
      %add3A_1536 = arith.constant 48 : i32
      %add3A_1537 = vector.broadcast %add3A_1536 : i32 to vector<16xi32>
      %add3A_1538 = arith.addi %iota3A, %add3A_1537 : vector<16xi32>
      %and3A_1539 = arith.constant 63 : i32
      %and3A_1540 = vector.broadcast %and3A_1539 : i32 to vector<16xi32>
      %and3A_1541 = arith.andi %add3A_1538, %and3A_1540 : vector<16xi32>
      %add3A_1542 = arith.addi %mul3A_744, %and3A_1541 : vector<16xi32>
      %gather3A_1543 = tpu.vector_load_idx %arg17[%add3A_737, %add3A_1542] : memref<256x128xf32, #tpu.memory_space<vmem>>[vector<16xi32>, vector<16xi32>], vector<16xf32>,
      %add3A_1544 = arith.addi %mul3A_752, %and3A_1541 : vector<16xi32>
      %gather3A_1545 = tpu.vector_load_idx %arg18[%add3A_737, %add3A_1544] : memref<256x128xf32, #tpu.memory_space<vmem>>[vector<16xi32>, vector<16xi32>], vector<16xf32>,
      %add3A_1546 = arith.addi %mul3A_760, %and3A_1541 : vector<16xi32>
      %gather3A_1547 = tpu.vector_load_idx %arg19[%add3A_737, %add3A_1546] : memref<256x128xf32, #tpu.memory_space<vmem>>[vector<16xi32>, vector<16xi32>], vector<16xf32>,
      %mul3A_1548 = arith.mulf %gather3A_1543, %gather3A_1545 : vector<16xf32>
      %add3A_1549 = arith.addf %add3A_1533, %mul3A_1548 : vector<16xf32>
      %mul3A_1550 = arith.mulf %gather3A_1543, %gather3A_1547 : vector<16xf32>
      %add3A_1551 = arith.addf %add3A_1535, %mul3A_1550 : vector<16xf32>
      %add3A_1552 = arith.constant 49 : i32
      %add3A_1553 = vector.broadcast %add3A_1552 : i32 to vector<16xi32>
      %add3A_1554 = arith.addi %iota3A, %add3A_1553 : vector<16xi32>
      %and3A_1555 = arith.constant 63 : i32
      %and3A_1556 = vector.broadcast %and3A_1555 : i32 to vector<16xi32>
      %and3A_1557 = arith.andi %add3A_1554, %and3A_1556 : vector<16xi32>
      %add3A_1558 = arith.addi %mul3A_744, %and3A_1557 : vector<16xi32>
      %gather3A_1559 = tpu.vector_load_idx %arg17[%add3A_737, %add3A_1558] : memref<256x128xf32, #tpu.memory_space<vmem>>[vector<16xi32>, vector<16xi32>], vector<16xf32>,
      %add3A_1560 = arith.addi %mul3A_752, %and3A_1557 : vector<16xi32>
      %gather3A_1561 = tpu.vector_load_idx %arg18[%add3A_737, %add3A_1560] : memref<256x128xf32, #tpu.memory_space<vmem>>[vector<16xi32>, vector<16xi32>], vector<16xf32>,
      %add3A_1562 = arith.addi %mul3A_760, %and3A_1557 : vector<16xi32>
      %gather3A_1563 = tpu.vector_load_idx %arg19[%add3A_737, %add3A_1562] : memref<256x128xf32, #tpu.memory_space<vmem>>[vector<16xi32>, vector<16xi32>], vector<16xf32>,
      %mul3A_1564 = arith.mulf %gather3A_1559, %gather3A_1561 : vector<16xf32>
      %add3A_1565 = arith.addf %add3A_1549, %mul3A_1564 : vector<16xf32>
      %mul3A_1566 = arith.mulf %gather3A_1559, %gather3A_1563 : vector<16xf32>
      %add3A_1567 = arith.addf %add3A_1551, %mul3A_1566 : vector<16xf32>
      %add3A_1568 = arith.constant 50 : i32
      %add3A_1569 = vector.broadcast %add3A_1568 : i32 to vector<16xi32>
      %add3A_1570 = arith.addi %iota3A, %add3A_1569 : vector<16xi32>
      %and3A_1571 = arith.constant 63 : i32
      %and3A_1572 = vector.broadcast %and3A_1571 : i32 to vector<16xi32>
      %and3A_1573 = arith.andi %add3A_1570, %and3A_1572 : vector<16xi32>
      %add3A_1574 = arith.addi %mul3A_744, %and3A_1573 : vector<16xi32>
      %gather3A_1575 = tpu.vector_load_idx %arg17[%add3A_737, %add3A_1574] : memref<256x128xf32, #tpu.memory_space<vmem>>[vector<16xi32>, vector<16xi32>], vector<16xf32>,
      %add3A_1576 = arith.addi %mul3A_752, %and3A_1573 : vector<16xi32>
      %gather3A_1577 = tpu.vector_load_idx %arg18[%add3A_737, %add3A_1576] : memref<256x128xf32, #tpu.memory_space<vmem>>[vector<16xi32>, vector<16xi32>], vector<16xf32>,
      %add3A_1578 = arith.addi %mul3A_760, %and3A_1573 : vector<16xi32>
      %gather3A_1579 = tpu.vector_load_idx %arg19[%add3A_737, %add3A_1578] : memref<256x128xf32, #tpu.memory_space<vmem>>[vector<16xi32>, vector<16xi32>], vector<16xf32>,
      %mul3A_1580 = arith.mulf %gather3A_1575, %gather3A_1577 : vector<16xf32>
      %add3A_1581 = arith.addf %add3A_1565, %mul3A_1580 : vector<16xf32>
      %mul3A_1582 = arith.mulf %gather3A_1575, %gather3A_1579 : vector<16xf32>
      %add3A_1583 = arith.addf %add3A_1567, %mul3A_1582 : vector<16xf32>
      %add3A_1584 = arith.constant 51 : i32
      %add3A_1585 = vector.broadcast %add3A_1584 : i32 to vector<16xi32>
      %add3A_1586 = arith.addi %iota3A, %add3A_1585 : vector<16xi32>
      %and3A_1587 = arith.constant 63 : i32
      %and3A_1588 = vector.broadcast %and3A_1587 : i32 to vector<16xi32>
      %and3A_1589 = arith.andi %add3A_1586, %and3A_1588 : vector<16xi32>
      %add3A_1590 = arith.addi %mul3A_744, %and3A_1589 : vector<16xi32>
      %gather3A_1591 = tpu.vector_load_idx %arg17[%add3A_737, %add3A_1590] : memref<256x128xf32, #tpu.memory_space<vmem>>[vector<16xi32>, vector<16xi32>], vector<16xf32>,
      %add3A_1592 = arith.addi %mul3A_752, %and3A_1589 : vector<16xi32>
      %gather3A_1593 = tpu.vector_load_idx %arg18[%add3A_737, %add3A_1592] : memref<256x128xf32, #tpu.memory_space<vmem>>[vector<16xi32>, vector<16xi32>], vector<16xf32>,
      %add3A_1594 = arith.addi %mul3A_760, %and3A_1589 : vector<16xi32>
      %gather3A_1595 = tpu.vector_load_idx %arg19[%add3A_737, %add3A_1594] : memref<256x128xf32, #tpu.memory_space<vmem>>[vector<16xi32>, vector<16xi32>], vector<16xf32>,
      %mul3A_1596 = arith.mulf %gather3A_1591, %gather3A_1593 : vector<16xf32>
      %add3A_1597 = arith.addf %add3A_1581, %mul3A_1596 : vector<16xf32>
      %mul3A_1598 = arith.mulf %gather3A_1591, %gather3A_1595 : vector<16xf32>
      %add3A_1599 = arith.addf %add3A_1583, %mul3A_1598 : vector<16xf32>
      %add3A_1600 = arith.constant 52 : i32
      %add3A_1601 = vector.broadcast %add3A_1600 : i32 to vector<16xi32>
      %add3A_1602 = arith.addi %iota3A, %add3A_1601 : vector<16xi32>
      %and3A_1603 = arith.constant 63 : i32
      %and3A_1604 = vector.broadcast %and3A_1603 : i32 to vector<16xi32>
      %and3A_1605 = arith.andi %add3A_1602, %and3A_1604 : vector<16xi32>
      %add3A_1606 = arith.addi %mul3A_744, %and3A_1605 : vector<16xi32>
      %gather3A_1607 = tpu.vector_load_idx %arg17[%add3A_737, %add3A_1606] : memref<256x128xf32, #tpu.memory_space<vmem>>[vector<16xi32>, vector<16xi32>], vector<16xf32>,
      %add3A_1608 = arith.addi %mul3A_752, %and3A_1605 : vector<16xi32>
      %gather3A_1609 = tpu.vector_load_idx %arg18[%add3A_737, %add3A_1608] : memref<256x128xf32, #tpu.memory_space<vmem>>[vector<16xi32>, vector<16xi32>], vector<16xf32>,
      %add3A_1610 = arith.addi %mul3A_760, %and3A_1605 : vector<16xi32>
      %gather3A_1611 = tpu.vector_load_idx %arg19[%add3A_737, %add3A_1610] : memref<256x128xf32, #tpu.memory_space<vmem>>[vector<16xi32>, vector<16xi32>], vector<16xf32>,
      %mul3A_1612 = arith.mulf %gather3A_1607, %gather3A_1609 : vector<16xf32>
      %add3A_1613 = arith.addf %add3A_1597, %mul3A_1612 : vector<16xf32>
      %mul3A_1614 = arith.mulf %gather3A_1607, %gather3A_1611 : vector<16xf32>
      %add3A_1615 = arith.addf %add3A_1599, %mul3A_1614 : vector<16xf32>
      %add3A_1616 = arith.constant 53 : i32
      %add3A_1617 = vector.broadcast %add3A_1616 : i32 to vector<16xi32>
      %add3A_1618 = arith.addi %iota3A, %add3A_1617 : vector<16xi32>
      %and3A_1619 = arith.constant 63 : i32
      %and3A_1620 = vector.broadcast %and3A_1619 : i32 to vector<16xi32>
      %and3A_1621 = arith.andi %add3A_1618, %and3A_1620 : vector<16xi32>
      %add3A_1622 = arith.addi %mul3A_744, %and3A_1621 : vector<16xi32>
      %gather3A_1623 = tpu.vector_load_idx %arg17[%add3A_737, %add3A_1622] : memref<256x128xf32, #tpu.memory_space<vmem>>[vector<16xi32>, vector<16xi32>], vector<16xf32>,
      %add3A_1624 = arith.addi %mul3A_752, %and3A_1621 : vector<16xi32>
      %gather3A_1625 = tpu.vector_load_idx %arg18[%add3A_737, %add3A_1624] : memref<256x128xf32, #tpu.memory_space<vmem>>[vector<16xi32>, vector<16xi32>], vector<16xf32>,
      %add3A_1626 = arith.addi %mul3A_760, %and3A_1621 : vector<16xi32>
      %gather3A_1627 = tpu.vector_load_idx %arg19[%add3A_737, %add3A_1626] : memref<256x128xf32, #tpu.memory_space<vmem>>[vector<16xi32>, vector<16xi32>], vector<16xf32>,
      %mul3A_1628 = arith.mulf %gather3A_1623, %gather3A_1625 : vector<16xf32>
      %add3A_1629 = arith.addf %add3A_1613, %mul3A_1628 : vector<16xf32>
      %mul3A_1630 = arith.mulf %gather3A_1623, %gather3A_1627 : vector<16xf32>
      %add3A_1631 = arith.addf %add3A_1615, %mul3A_1630 : vector<16xf32>
      %add3A_1632 = arith.constant 54 : i32
      %add3A_1633 = vector.broadcast %add3A_1632 : i32 to vector<16xi32>
      %add3A_1634 = arith.addi %iota3A, %add3A_1633 : vector<16xi32>
      %and3A_1635 = arith.constant 63 : i32
      %and3A_1636 = vector.broadcast %and3A_1635 : i32 to vector<16xi32>
      %and3A_1637 = arith.andi %add3A_1634, %and3A_1636 : vector<16xi32>
      %add3A_1638 = arith.addi %mul3A_744, %and3A_1637 : vector<16xi32>
      %gather3A_1639 = tpu.vector_load_idx %arg17[%add3A_737, %add3A_1638] : memref<256x128xf32, #tpu.memory_space<vmem>>[vector<16xi32>, vector<16xi32>], vector<16xf32>,
      %add3A_1640 = arith.addi %mul3A_752, %and3A_1637 : vector<16xi32>
      %gather3A_1641 = tpu.vector_load_idx %arg18[%add3A_737, %add3A_1640] : memref<256x128xf32, #tpu.memory_space<vmem>>[vector<16xi32>, vector<16xi32>], vector<16xf32>,
      %add3A_1642 = arith.addi %mul3A_760, %and3A_1637 : vector<16xi32>
      %gather3A_1643 = tpu.vector_load_idx %arg19[%add3A_737, %add3A_1642] : memref<256x128xf32, #tpu.memory_space<vmem>>[vector<16xi32>, vector<16xi32>], vector<16xf32>,
      %mul3A_1644 = arith.mulf %gather3A_1639, %gather3A_1641 : vector<16xf32>
      %add3A_1645 = arith.addf %add3A_1629, %mul3A_1644 : vector<16xf32>
      %mul3A_1646 = arith.mulf %gather3A_1639, %gather3A_1643 : vector<16xf32>
      %add3A_1647 = arith.addf %add3A_1631, %mul3A_1646 : vector<16xf32>
      %add3A_1648 = arith.constant 55 : i32
      %add3A_1649 = vector.broadcast %add3A_1648 : i32 to vector<16xi32>
      %add3A_1650 = arith.addi %iota3A, %add3A_1649 : vector<16xi32>
      %and3A_1651 = arith.constant 63 : i32
      %and3A_1652 = vector.broadcast %and3A_1651 : i32 to vector<16xi32>
      %and3A_1653 = arith.andi %add3A_1650, %and3A_1652 : vector<16xi32>
      %add3A_1654 = arith.addi %mul3A_744, %and3A_1653 : vector<16xi32>
      %gather3A_1655 = tpu.vector_load_idx %arg17[%add3A_737, %add3A_1654] : memref<256x128xf32, #tpu.memory_space<vmem>>[vector<16xi32>, vector<16xi32>], vector<16xf32>,
      %add3A_1656 = arith.addi %mul3A_752, %and3A_1653 : vector<16xi32>
      %gather3A_1657 = tpu.vector_load_idx %arg18[%add3A_737, %add3A_1656] : memref<256x128xf32, #tpu.memory_space<vmem>>[vector<16xi32>, vector<16xi32>], vector<16xf32>,
      %add3A_1658 = arith.addi %mul3A_760, %and3A_1653 : vector<16xi32>
      %gather3A_1659 = tpu.vector_load_idx %arg19[%add3A_737, %add3A_1658] : memref<256x128xf32, #tpu.memory_space<vmem>>[vector<16xi32>, vector<16xi32>], vector<16xf32>,
      %mul3A_1660 = arith.mulf %gather3A_1655, %gather3A_1657 : vector<16xf32>
      %add3A_1661 = arith.addf %add3A_1645, %mul3A_1660 : vector<16xf32>
      %mul3A_1662 = arith.mulf %gather3A_1655, %gather3A_1659 : vector<16xf32>
      %add3A_1663 = arith.addf %add3A_1647, %mul3A_1662 : vector<16xf32>
      %add3A_1664 = arith.constant 56 : i32
      %add3A_1665 = vector.broadcast %add3A_1664 : i32 to vector<16xi32>
      %add3A_1666 = arith.addi %iota3A, %add3A_1665 : vector<16xi32>
      %and3A_1667 = arith.constant 63 : i32
      %and3A_1668 = vector.broadcast %and3A_1667 : i32 to vector<16xi32>
      %and3A_1669 = arith.andi %add3A_1666, %and3A_1668 : vector<16xi32>
      %add3A_1670 = arith.addi %mul3A_744, %and3A_1669 : vector<16xi32>
      %gather3A_1671 = tpu.vector_load_idx %arg17[%add3A_737, %add3A_1670] : memref<256x128xf32, #tpu.memory_space<vmem>>[vector<16xi32>, vector<16xi32>], vector<16xf32>,
      %add3A_1672 = arith.addi %mul3A_752, %and3A_1669 : vector<16xi32>
      %gather3A_1673 = tpu.vector_load_idx %arg18[%add3A_737, %add3A_1672] : memref<256x128xf32, #tpu.memory_space<vmem>>[vector<16xi32>, vector<16xi32>], vector<16xf32>,
      %add3A_1674 = arith.addi %mul3A_760, %and3A_1669 : vector<16xi32>
      %gather3A_1675 = tpu.vector_load_idx %arg19[%add3A_737, %add3A_1674] : memref<256x128xf32, #tpu.memory_space<vmem>>[vector<16xi32>, vector<16xi32>], vector<16xf32>,
      %mul3A_1676 = arith.mulf %gather3A_1671, %gather3A_1673 : vector<16xf32>
      %add3A_1677 = arith.addf %add3A_1661, %mul3A_1676 : vector<16xf32>
      %mul3A_1678 = arith.mulf %gather3A_1671, %gather3A_1675 : vector<16xf32>
      %add3A_1679 = arith.addf %add3A_1663, %mul3A_1678 : vector<16xf32>
      %add3A_1680 = arith.constant 57 : i32
      %add3A_1681 = vector.broadcast %add3A_1680 : i32 to vector<16xi32>
      %add3A_1682 = arith.addi %iota3A, %add3A_1681 : vector<16xi32>
      %and3A_1683 = arith.constant 63 : i32
      %and3A_1684 = vector.broadcast %and3A_1683 : i32 to vector<16xi32>
      %and3A_1685 = arith.andi %add3A_1682, %and3A_1684 : vector<16xi32>
      %add3A_1686 = arith.addi %mul3A_744, %and3A_1685 : vector<16xi32>
      %gather3A_1687 = tpu.vector_load_idx %arg17[%add3A_737, %add3A_1686] : memref<256x128xf32, #tpu.memory_space<vmem>>[vector<16xi32>, vector<16xi32>], vector<16xf32>,
      %add3A_1688 = arith.addi %mul3A_752, %and3A_1685 : vector<16xi32>
      %gather3A_1689 = tpu.vector_load_idx %arg18[%add3A_737, %add3A_1688] : memref<256x128xf32, #tpu.memory_space<vmem>>[vector<16xi32>, vector<16xi32>], vector<16xf32>,
      %add3A_1690 = arith.addi %mul3A_760, %and3A_1685 : vector<16xi32>
      %gather3A_1691 = tpu.vector_load_idx %arg19[%add3A_737, %add3A_1690] : memref<256x128xf32, #tpu.memory_space<vmem>>[vector<16xi32>, vector<16xi32>], vector<16xf32>,
      %mul3A_1692 = arith.mulf %gather3A_1687, %gather3A_1689 : vector<16xf32>
      %add3A_1693 = arith.addf %add3A_1677, %mul3A_1692 : vector<16xf32>
      %mul3A_1694 = arith.mulf %gather3A_1687, %gather3A_1691 : vector<16xf32>
      %add3A_1695 = arith.addf %add3A_1679, %mul3A_1694 : vector<16xf32>
      %add3A_1696 = arith.constant 58 : i32
      %add3A_1697 = vector.broadcast %add3A_1696 : i32 to vector<16xi32>
      %add3A_1698 = arith.addi %iota3A, %add3A_1697 : vector<16xi32>
      %and3A_1699 = arith.constant 63 : i32
      %and3A_1700 = vector.broadcast %and3A_1699 : i32 to vector<16xi32>
      %and3A_1701 = arith.andi %add3A_1698, %and3A_1700 : vector<16xi32>
      %add3A_1702 = arith.addi %mul3A_744, %and3A_1701 : vector<16xi32>
      %gather3A_1703 = tpu.vector_load_idx %arg17[%add3A_737, %add3A_1702] : memref<256x128xf32, #tpu.memory_space<vmem>>[vector<16xi32>, vector<16xi32>], vector<16xf32>,
      %add3A_1704 = arith.addi %mul3A_752, %and3A_1701 : vector<16xi32>
      %gather3A_1705 = tpu.vector_load_idx %arg18[%add3A_737, %add3A_1704] : memref<256x128xf32, #tpu.memory_space<vmem>>[vector<16xi32>, vector<16xi32>], vector<16xf32>,
      %add3A_1706 = arith.addi %mul3A_760, %and3A_1701 : vector<16xi32>
      %gather3A_1707 = tpu.vector_load_idx %arg19[%add3A_737, %add3A_1706] : memref<256x128xf32, #tpu.memory_space<vmem>>[vector<16xi32>, vector<16xi32>], vector<16xf32>,
      %mul3A_1708 = arith.mulf %gather3A_1703, %gather3A_1705 : vector<16xf32>
      %add3A_1709 = arith.addf %add3A_1693, %mul3A_1708 : vector<16xf32>
      %mul3A_1710 = arith.mulf %gather3A_1703, %gather3A_1707 : vector<16xf32>
      %add3A_1711 = arith.addf %add3A_1695, %mul3A_1710 : vector<16xf32>
      %add3A_1712 = arith.constant 59 : i32
      %add3A_1713 = vector.broadcast %add3A_1712 : i32 to vector<16xi32>
      %add3A_1714 = arith.addi %iota3A, %add3A_1713 : vector<16xi32>
      %and3A_1715 = arith.constant 63 : i32
      %and3A_1716 = vector.broadcast %and3A_1715 : i32 to vector<16xi32>
      %and3A_1717 = arith.andi %add3A_1714, %and3A_1716 : vector<16xi32>
      %add3A_1718 = arith.addi %mul3A_744, %and3A_1717 : vector<16xi32>
      %gather3A_1719 = tpu.vector_load_idx %arg17[%add3A_737, %add3A_1718] : memref<256x128xf32, #tpu.memory_space<vmem>>[vector<16xi32>, vector<16xi32>], vector<16xf32>,
      %add3A_1720 = arith.addi %mul3A_752, %and3A_1717 : vector<16xi32>
      %gather3A_1721 = tpu.vector_load_idx %arg18[%add3A_737, %add3A_1720] : memref<256x128xf32, #tpu.memory_space<vmem>>[vector<16xi32>, vector<16xi32>], vector<16xf32>,
      %add3A_1722 = arith.addi %mul3A_760, %and3A_1717 : vector<16xi32>
      %gather3A_1723 = tpu.vector_load_idx %arg19[%add3A_737, %add3A_1722] : memref<256x128xf32, #tpu.memory_space<vmem>>[vector<16xi32>, vector<16xi32>], vector<16xf32>,
      %mul3A_1724 = arith.mulf %gather3A_1719, %gather3A_1721 : vector<16xf32>
      %add3A_1725 = arith.addf %add3A_1709, %mul3A_1724 : vector<16xf32>
      %mul3A_1726 = arith.mulf %gather3A_1719, %gather3A_1723 : vector<16xf32>
      %add3A_1727 = arith.addf %add3A_1711, %mul3A_1726 : vector<16xf32>
      %add3A_1728 = arith.constant 60 : i32
      %add3A_1729 = vector.broadcast %add3A_1728 : i32 to vector<16xi32>
      %add3A_1730 = arith.addi %iota3A, %add3A_1729 : vector<16xi32>
      %and3A_1731 = arith.constant 63 : i32
      %and3A_1732 = vector.broadcast %and3A_1731 : i32 to vector<16xi32>
      %and3A_1733 = arith.andi %add3A_1730, %and3A_1732 : vector<16xi32>
      %add3A_1734 = arith.addi %mul3A_744, %and3A_1733 : vector<16xi32>
      %gather3A_1735 = tpu.vector_load_idx %arg17[%add3A_737, %add3A_1734] : memref<256x128xf32, #tpu.memory_space<vmem>>[vector<16xi32>, vector<16xi32>], vector<16xf32>,
      %add3A_1736 = arith.addi %mul3A_752, %and3A_1733 : vector<16xi32>
      %gather3A_1737 = tpu.vector_load_idx %arg18[%add3A_737, %add3A_1736] : memref<256x128xf32, #tpu.memory_space<vmem>>[vector<16xi32>, vector<16xi32>], vector<16xf32>,
      %add3A_1738 = arith.addi %mul3A_760, %and3A_1733 : vector<16xi32>
      %gather3A_1739 = tpu.vector_load_idx %arg19[%add3A_737, %add3A_1738] : memref<256x128xf32, #tpu.memory_space<vmem>>[vector<16xi32>, vector<16xi32>], vector<16xf32>,
      %mul3A_1740 = arith.mulf %gather3A_1735, %gather3A_1737 : vector<16xf32>
      %add3A_1741 = arith.addf %add3A_1725, %mul3A_1740 : vector<16xf32>
      %mul3A_1742 = arith.mulf %gather3A_1735, %gather3A_1739 : vector<16xf32>
      %add3A_1743 = arith.addf %add3A_1727, %mul3A_1742 : vector<16xf32>
      %add3A_1744 = arith.constant 61 : i32
      %add3A_1745 = vector.broadcast %add3A_1744 : i32 to vector<16xi32>
      %add3A_1746 = arith.addi %iota3A, %add3A_1745 : vector<16xi32>
      %and3A_1747 = arith.constant 63 : i32
      %and3A_1748 = vector.broadcast %and3A_1747 : i32 to vector<16xi32>
      %and3A_1749 = arith.andi %add3A_1746, %and3A_1748 : vector<16xi32>
      %add3A_1750 = arith.addi %mul3A_744, %and3A_1749 : vector<16xi32>
      %gather3A_1751 = tpu.vector_load_idx %arg17[%add3A_737, %add3A_1750] : memref<256x128xf32, #tpu.memory_space<vmem>>[vector<16xi32>, vector<16xi32>], vector<16xf32>,
      %add3A_1752 = arith.addi %mul3A_752, %and3A_1749 : vector<16xi32>
      %gather3A_1753 = tpu.vector_load_idx %arg18[%add3A_737, %add3A_1752] : memref<256x128xf32, #tpu.memory_space<vmem>>[vector<16xi32>, vector<16xi32>], vector<16xf32>,
      %add3A_1754 = arith.addi %mul3A_760, %and3A_1749 : vector<16xi32>
      %gather3A_1755 = tpu.vector_load_idx %arg19[%add3A_737, %add3A_1754] : memref<256x128xf32, #tpu.memory_space<vmem>>[vector<16xi32>, vector<16xi32>], vector<16xf32>,
      %mul3A_1756 = arith.mulf %gather3A_1751, %gather3A_1753 : vector<16xf32>
      %add3A_1757 = arith.addf %add3A_1741, %mul3A_1756 : vector<16xf32>
      %mul3A_1758 = arith.mulf %gather3A_1751, %gather3A_1755 : vector<16xf32>
      %add3A_1759 = arith.addf %add3A_1743, %mul3A_1758 : vector<16xf32>
      %add3A_1760 = arith.constant 62 : i32
      %add3A_1761 = vector.broadcast %add3A_1760 : i32 to vector<16xi32>
      %add3A_1762 = arith.addi %iota3A, %add3A_1761 : vector<16xi32>
      %and3A_1763 = arith.constant 63 : i32
      %and3A_1764 = vector.broadcast %and3A_1763 : i32 to vector<16xi32>
      %and3A_1765 = arith.andi %add3A_1762, %and3A_1764 : vector<16xi32>
      %add3A_1766 = arith.addi %mul3A_744, %and3A_1765 : vector<16xi32>
      %gather3A_1767 = tpu.vector_load_idx %arg17[%add3A_737, %add3A_1766] : memref<256x128xf32, #tpu.memory_space<vmem>>[vector<16xi32>, vector<16xi32>], vector<16xf32>,
      %add3A_1768 = arith.addi %mul3A_752, %and3A_1765 : vector<16xi32>
      %gather3A_1769 = tpu.vector_load_idx %arg18[%add3A_737, %add3A_1768] : memref<256x128xf32, #tpu.memory_space<vmem>>[vector<16xi32>, vector<16xi32>], vector<16xf32>,
      %add3A_1770 = arith.addi %mul3A_760, %and3A_1765 : vector<16xi32>
      %gather3A_1771 = tpu.vector_load_idx %arg19[%add3A_737, %add3A_1770] : memref<256x128xf32, #tpu.memory_space<vmem>>[vector<16xi32>, vector<16xi32>], vector<16xf32>,
      %mul3A_1772 = arith.mulf %gather3A_1767, %gather3A_1769 : vector<16xf32>
      %add3A_1773 = arith.addf %add3A_1757, %mul3A_1772 : vector<16xf32>
      %mul3A_1774 = arith.mulf %gather3A_1767, %gather3A_1771 : vector<16xf32>
      %add3A_1775 = arith.addf %add3A_1759, %mul3A_1774 : vector<16xf32>
      %add3A_1776 = arith.constant 63 : i32
      %add3A_1777 = vector.broadcast %add3A_1776 : i32 to vector<16xi32>
      %add3A_1778 = arith.addi %iota3A, %add3A_1777 : vector<16xi32>
      %and3A_1779 = arith.constant 63 : i32
      %and3A_1780 = vector.broadcast %and3A_1779 : i32 to vector<16xi32>
      %and3A_1781 = arith.andi %add3A_1778, %and3A_1780 : vector<16xi32>
      %add3A_1782 = arith.addi %mul3A_744, %and3A_1781 : vector<16xi32>
      %gather3A_1783 = tpu.vector_load_idx %arg17[%add3A_737, %add3A_1782] : memref<256x128xf32, #tpu.memory_space<vmem>>[vector<16xi32>, vector<16xi32>], vector<16xf32>,
      %add3A_1784 = arith.addi %mul3A_752, %and3A_1781 : vector<16xi32>
      %gather3A_1785 = tpu.vector_load_idx %arg18[%add3A_737, %add3A_1784] : memref<256x128xf32, #tpu.memory_space<vmem>>[vector<16xi32>, vector<16xi32>], vector<16xf32>,
      %add3A_1786 = arith.addi %mul3A_760, %and3A_1781 : vector<16xi32>
      %gather3A_1787 = tpu.vector_load_idx %arg19[%add3A_737, %add3A_1786] : memref<256x128xf32, #tpu.memory_space<vmem>>[vector<16xi32>, vector<16xi32>], vector<16xf32>,
      %mul3A_1788 = arith.mulf %gather3A_1783, %gather3A_1785 : vector<16xf32>
      %add3A_1789 = arith.addf %add3A_1773, %mul3A_1788 : vector<16xf32>
      %mul3A_1790 = arith.mulf %gather3A_1783, %gather3A_1787 : vector<16xf32>
      %add3A_1791 = arith.addf %add3A_1775, %mul3A_1790 : vector<16xf32>
      %swap3A_1792 = arith.index_cast %add3A_733 : i32 to index
      %swap3A_1793 = tpu.vector_load %arg23[%swap3A_1792] {strides = array<i32>} : memref<512xf32, #tpu.memory_space<vmem>>, vector<16xf32>,
      tpu.vector_store %arg23[%swap3A_1792], %add3A_1789 {strides = array<i32>} : memref<512xf32, #tpu.memory_space<vmem>>, vector<16xf32>,
      %swap3A_1794 = arith.index_cast %add3A_733 : i32 to index
      %swap3A_1795 = tpu.vector_load %arg24[%swap3A_1794] {strides = array<i32>} : memref<512xf32, #tpu.memory_space<vmem>>, vector<16xf32>,
      tpu.vector_store %arg24[%swap3A_1794], %add3A_1791 {strides = array<i32>} : memref<512xf32, #tpu.memory_space<vmem>>, vector<16xf32>,
    }
    %scan3A_728 = arith.constant 16 : i32
    "tpu.region"() ({
      %run_scoped3A = tpu.sem_alloc : memref<!tpu.dma_semaphore, #tpu.memory_space<semaphore_mem>>
      %dma_start3A_729 = tpu.memref_slice %arg9[%mul3A_2] : memref<16384xf32, #tpu.memory_space<hbm>> -> memref<512xf32, #tpu.memory_space<hbm>>
      %dma_start3A_730 = tpu.memref_slice %arg9[%mul3A_2] : memref<16384xf32, #tpu.memory_space<hbm>> -> memref<512xf32, #tpu.memory_space<hbm>>
      tpu.enqueue_dma source(%arg23 : memref<512xf32, #tpu.memory_space<vmem>>) target(%dma_start3A_730 : memref<512xf32, #tpu.memory_space<hbm>>) target_semaphore(%run_scoped3A : memref<!tpu.dma_semaphore, #tpu.memory_space<semaphore_mem>>)
      %dma_wait3A_731 = tpu.memref_slice %arg9[%mul3A_2] : memref<16384xf32, #tpu.memory_space<hbm>> -> memref<512xf32, #tpu.memory_space<hbm>>
      %dma_wait3A_732 = tpu.memref_slice %arg9[%mul3A_2] : memref<16384xf32, #tpu.memory_space<hbm>> -> memref<512xf32, #tpu.memory_space<hbm>>
      tpu.wait_dma2 semaphore(%run_scoped3A : memref<!tpu.dma_semaphore, #tpu.memory_space<semaphore_mem>>) src(%arg23 : memref<512xf32, #tpu.memory_space<vmem>>) dst(%dma_wait3A_732 : memref<512xf32, #tpu.memory_space<hbm>>)
      tpu.yield
    }) : () -> ()
    "tpu.region"() ({
      %run_scoped3A = tpu.sem_alloc : memref<!tpu.dma_semaphore, #tpu.memory_space<semaphore_mem>>
      %dma_start3A_729 = tpu.memref_slice %arg10[%mul3A_2] : memref<16384xf32, #tpu.memory_space<hbm>> -> memref<512xf32, #tpu.memory_space<hbm>>
      %dma_start3A_730 = tpu.memref_slice %arg10[%mul3A_2] : memref<16384xf32, #tpu.memory_space<hbm>> -> memref<512xf32, #tpu.memory_space<hbm>>
      tpu.enqueue_dma source(%arg24 : memref<512xf32, #tpu.memory_space<vmem>>) target(%dma_start3A_730 : memref<512xf32, #tpu.memory_space<hbm>>) target_semaphore(%run_scoped3A : memref<!tpu.dma_semaphore, #tpu.memory_space<semaphore_mem>>)
      %dma_wait3A_731 = tpu.memref_slice %arg10[%mul3A_2] : memref<16384xf32, #tpu.memory_space<hbm>> -> memref<512xf32, #tpu.memory_space<hbm>>
      %dma_wait3A_732 = tpu.memref_slice %arg10[%mul3A_2] : memref<16384xf32, #tpu.memory_space<hbm>> -> memref<512xf32, #tpu.memory_space<hbm>>
      tpu.wait_dma2 semaphore(%run_scoped3A : memref<!tpu.dma_semaphore, #tpu.memory_space<semaphore_mem>>) src(%arg24 : memref<512xf32, #tpu.memory_space<vmem>>) dst(%dma_wait3A_732 : memref<512xf32, #tpu.memory_space<hbm>>)
      tpu.yield
    }) : () -> ()
    return
  }
}

module attributes {stable_mosaic.version = 14 : i64} {
  func.func @_loss_body(%arg0: memref<128x128xf32, #tpu.memory_space<vmem>>, %arg1: memref<128x128xf32, #tpu.memory_space<vmem>>, %arg2: memref<1x1xf32, #tpu.memory_space<smem>>) attributes {dimension_semantics = [], scalar_prefetch = 0 : i64, scratch_operands = 0 : i64, tpu.core_type = #tpu.core_type<tc>} {
    %get3A = arith.constant 0 : index
    %get3A_0 = arith.constant 0 : index
    %get3A_1 = vector.load %arg0[%get3A, %get3A_0] : memref<128x128xf32, #tpu.memory_space<vmem>>, vector<128x128xf32>
    %get3A_2 = arith.constant 0 : index
    %get3A_3 = arith.constant 0 : index
    %get3A_4 = vector.load %arg1[%get3A_2, %get3A_3] : memref<128x128xf32, #tpu.memory_space<vmem>>, vector<128x128xf32>
    %sub3A = arith.subf %get3A_1, %get3A_4 : vector<128x128xf32>
    %min3A = arith.constant 0.000000e+00 : f32
    %min3A_5 = vector.broadcast %min3A : f32 to vector<128x128xf32>
    %min3A_6 = arith.minimumf %sub3A, %min3A_5 : vector<128x128xf32>
    %abs3A = math.absf %sub3A : vector<128x128xf32>
    %neg3A = arith.constant 0.000000e+00 : f32
    %neg3A_7 = vector.broadcast %neg3A : f32 to vector<128x128xf32>
    %neg3A_8 = arith.subf %neg3A_7, %abs3A : vector<128x128xf32>
    %exp3A = math.exp %neg3A_8 : vector<128x128xf32>
    %log1p3A = math.log1p %exp3A : vector<128x128xf32>
    %sub3A_9 = arith.subf %min3A_6, %log1p3A : vector<128x128xf32>
    %reduce_sum3A = vector.shape_cast %sub3A_9 : vector<128x128xf32> to vector<1x128x128xf32>
    %reduce_sum3A_10 = arith.constant dense<0.000000e+00> : vector<1xf32>
    %reduce_sum3A_11 = vector.multi_reduction <add>, %reduce_sum3A, %reduce_sum3A_10 [1, 2] : vector<1x128x128xf32> to vector<1xf32>
    %reduce_sum3A_12 = vector.shape_cast %reduce_sum3A_11 : vector<1xf32> to vector<1x1x1xf32>
    %reduce_sum3A_13 = vector.extract %reduce_sum3A_12[0, 0, 0] : f32 from vector<1x1x1xf32>
    %neg3A_14 = arith.constant 0.000000e+00 : f32
    %neg3A_15 = arith.subf %neg3A_14, %reduce_sum3A_13 : f32
    %div3A = arith.constant 1.638400e+04 : f32
    %div3A_16 = arith.divf %neg3A_15, %div3A : f32
    %swap3A = arith.constant 0 : index
    %swap3A_17 = arith.constant 0 : index
    %swap3A_18 = memref.load %arg2[%swap3A, %swap3A_17] : memref<1x1xf32, #tpu.memory_space<smem>>
    memref.store %div3A_16, %arg2[%swap3A, %swap3A_17] : memref<1x1xf32, #tpu.memory_space<smem>>
    return
  }
}

</mosaic_0001>

<sc_bundles>
// kernel: kernel.4.cloned.1.call-start
scs
__scs_entry_jumppad:
0x0: {  	(pc) =	sbr.rel $0x88, $3  }
0x1: {  	(tag) =	ssettag $0x0;
	lr =	simm.s32 $0x1  }
0x2: {  	[smem:$0x3F9A] =	sst lr;
	_ =	strace $0xD0000000  }
0x3: {  	_ = 	snop  }
0x4: {  	_ = 	snop  }
0x5: {  	_ = 	snop  }
0x6: {  	_ = 	snop  }
0x7: {  	_ = 	snop  }
__scs_overlays_trampoline_lowered:
0x8: {  	[smem:$0x3FA9] =	sst s0  }
0x9: {  	[smem:$0x3FAA] =	sst s1  }
0xa: {  	[smem:$0x3FAB] =	sst s2  }
0xb: {  	[smem:$0x3FAC] =	sst s3  }
0xc: {  	[smem:$0x3FAD] =	sst s4  }
0xd: {  	[smem:$0x3FAE] =	sst s5  }
0xe: {  	[smem:$0x3FAF] =	sst s6  }
0xf: {  	[smem:$0x3FB0] =	sst s7  }
0x10: {  	[smem:$0x3FB1] =	sst s8  }
0x11: {  	[smem:$0x3FB2] =	sst s9;
	s0 =	simm.s32 @!p0 $0x0  }
0x12: {  	s1 =	sld [smem:$0x3F98];
	s0 =	simm.s32 @p0 $0x1  }
0x13: {  	[smem:$0x3FB3] =	sst s0;
	s0 =	simm.s32 @!p1 $0x0  }
0x14: {  	s2 =	sld [smem:$0x3F97];
	s0 =	simm.s32 @p1 $0x1  }
0x15: {  	[smem:$0x3FB4] =	sst s0;
	s0 =	simm.s32 @!p2 $0x0  }
0x16: {  	s3 =	sld [smem:$0x3FDB];
	s0 =	simm.s32 @p2 $0x1  }
0x17: {  	s4 =	simm.s32 $0x1BF5;
	[smem:$0x3FB6] =	sst s0  }
0x18: {  	s0 =	sld [smem:$0x3F99];
	_ =	swait.ge [sflag:s4], $0x0  }
0x19: {  	s7 =	sld [smem:$0x3F9A]  }
0x1a: {  	s8 =	sadd.s32 $0xFFFFE003, lr  }
0x1b: {  	s9 =	sadd.s32 $0xFFFFFEF7, lr;
	s5 =	simm.s32 $0xFFFFFFFF;
	p2 =	slt.u32 s8, $0xFFFFF086  }
0x1c: {  	p1 =	slt.u32 s9, $0xF7A;
	s5 =	simm.s32 @!p2 $0x0  }
0x1d: {  	s5 =	simm.s32 @p1 $0x1;
	p0 =	seq.s32 s7, s2  }
0x1e: {  	s7 =	smul.u32 @!p0 $0xF7A, s2;
	p2 =	seq.s32 @!p0 s5, $0x0  }
0x1f: {  	s9 =	smul.u32 $0xF7A, s1;
	s8 =	simm.s32 @!p0 $0x1BF5;
	p2 =	por !p2, p0  }
0x20: {  	[sflag:s8] =	ssyncset.s32 @!p0 $0xFFFFF086;
	s6 =	sadd.s32 @!p0 s3, s7;
	s7 =	simm.s32 @!p0 $0x108  }
0x21: {  	s3 =	sadd.s32 s3, s9;
	s6 =	sadd.s32 @!p0 $0x88, s6;
	s7 =	simm.s32 @p2 $0x1082  }
0x22: {  	[simem:s7], [sflag:s8] =	dma.local @!p0 [hbm:s6], $0xF7A  }
0x23: {  	s9 =	sor.u32 $0xD0000000, s2;
	s6 =	simm.s32 $0x108;
	_ =	swait.ge @!p0 [sflag:s8], $0x0  }
0x24: {  	s3 =	sadd.s32 $0x88, s3;
	s6 =	simm.s32 @!p1 $0x1082;
	[sflag:s4] =	ssyncset.s32 $0xFFFFF086  }
0x25: {  	[simem:s6], [sflag:s4] =	dma.local [hbm:s3], $0xF7A  }
0x26: {  	[smem:$0x3F9A] =	sst s1;
	(tag) =	ssettag s2;
	_ =	strace s9  }
0x27: {  	s1 =	sld [smem:$0x3FAA]  }
0x28: {  	s2 =	sld [smem:$0x3FAB]  }
0x29: {  	s4 =	sld [smem:$0x3FAD]  }
0x2a: {  	p0 =	seq.s32 s5, $0x0;
	s5 =	sld [smem:$0x3FAE]  }
0x2b: {  	s6 =	sld [smem:$0x3FAF]  }
0x2c: {  	s7 =	sld [smem:$0x3FB0]  }
0x2d: {  	s3 =	simm.s32 $0x108;
	s8 =	sld [smem:$0x3FB1]  }
0x2e: {  	s3 =	simm.s32 @!p0 $0x1082;
	s9 =	sld [smem:$0x3FB2]  }
0x2f: {  	lr =	sadd.s32 s0, s3;
	s0 =	sld [smem:$0x3FA9]  }
0x30: {  	s3 =	sld [smem:$0x3FAC]  }
0x31: {  	[smem:$0x3FB5] =	sst s10  }
0x32: {  	s10 =	sld [smem:$0x3FB3];
	_ =	sdelay $0x3  }
0x33: {  	p0 =	seq.s32 s10, $0x1;
	s10 =	sld [smem:$0x3FB5];
	_ =	sdelay $0x3  }
0x34: {  	[smem:$0x3FB5] =	sst s10  }
0x35: {  	s10 =	sld [smem:$0x3FB4];
	_ =	sdelay $0x3  }
0x36: {  	p1 =	seq.s32 s10, $0x1;
	s10 =	sld [smem:$0x3FB5];
	_ =	sdelay $0x3  }
0x37: {  	[smem:$0x3FB5] =	sst s10  }
0x38: {  	s10 =	sld [smem:$0x3FB6]  }
0x39: {  	_ = 	snop;
	(pc) =	sbr.ind lr, $3  }
0x3a: {  	_ = 	snop  }
0x3b: {  	_ = 	snop  }
0x3c: {  	p2 =	seq.s32 s10, $0x1;
	s10 =	sld [smem:$0x3FB5]  }
0x3d: {  	_ =	shalt  }
0x3e: {  	_ =	shalt  }
0x3f: {  	_ =	shalt  }
0x40: {  	_ =	shalt  }
0x41: {  	_ =	shalt  }
0x42: {  	_ =	shalt  }
0x43: {  	_ =	shalt  }
0x44: {  	_ =	shalt  }
0x45: {  	_ =	shalt  }
0x46: {  	_ =	shalt  }
0x47: {  	_ =	shalt  }
0x48: {  	_ =	shalt  }
0x49: {  	_ =	shalt  }
0x4a: {  	_ =	shalt  }
0x4b: {  	_ =	shalt  }
0x4c: {  	_ =	shalt  }
0x4d: {  	_ =	shalt  }
0x4e: {  	_ =	shalt  }
0x4f: {  	_ =	shalt  }
0x50: {  	_ =	shalt  }
0x51: {  	_ =	shalt  }
0x52: {  	_ =	shalt  }
0x53: {  	_ =	shalt  }
0x54: {  	_ =	shalt  }
0x55: {  	_ =	shalt  }
0x56: {  	_ =	shalt  }
0x57: {  	_ =	shalt  }
0x58: {  	_ =	shalt  }
0x59: {  	_ =	shalt  }
0x5a: {  	_ =	shalt  }
0x5b: {  	_ =	shalt  }
0x5c: {  	_ =	shalt  }
0x5d: {  	_ =	shalt  }
0x5e: {  	_ =	shalt  }
0x5f: {  	_ =	shalt  }
0x60: {  	_ =	shalt  }
0x61: {  	_ =	shalt  }
0x62: {  	_ =	shalt  }
0x63: {  	_ =	shalt  }
0x64: {  	_ =	shalt  }
0x65: {  	_ =	shalt  }
0x66: {  	_ =	shalt  }
0x67: {  	_ =	shalt  }
0x68: {  	_ =	shalt  }
0x69: {  	_ =	shalt  }
0x6a: {  	_ =	shalt  }
0x6b: {  	_ =	shalt  }
0x6c: {  	_ =	shalt  }
0x6d: {  	_ =	shalt  }
0x6e: {  	_ =	shalt  }
0x6f: {  	_ =	shalt  }
0x70: {  	_ =	shalt  }
0x71: {  	_ =	shalt  }
0x72: {  	_ =	shalt  }
0x73: {  	_ =	shalt  }
0x74: {  	_ =	shalt  }
0x75: {  	_ =	shalt  }
0x76: {  	_ =	shalt  }
0x77: {  	_ =	shalt  }
0x78: {  	_ =	shalt  }
0x79: {  	_ =	shalt  }
0x7a: {  	_ =	shalt  }
0x7b: {  	_ =	shalt  }
0x7c: {  	_ =	shalt  }
0x7d: {  	_ =	shalt  }
0x7e: {  	_ =	shalt  }
0x7f: {  	_ =	shalt  }
0x80: {  	_ =	shalt  }
0x81: {  	_ =	shalt  }
0x82: {  	_ =	shalt  }
0x83: {  	_ =	shalt  }
0x84: {  	_ =	shalt  }
0x85: {  	_ =	shalt  }
0x86: {  	_ =	shalt  }
0x87: {  	_ =	shalt  }
.Lfunc_end0:
.L_simem_size_0:
called_computation_lowered:
.L_overlay_start_0:
0x88: {  	s2 =	sld [smem:$0x3FD9]  }
0x89: {  	s3 =	sld [smem:$0x3FFE];
	_ =	sdelay $0x1  }
0x8a: {  	s1 =	srdreg.scid  }
0x8b: {  	s0 =	sand.u32 $0x1, s1  }
0x8c: {  	s14 =	sshll.u32 s0, $0xA;
	s2 =	sadd.s32 s3, s2  }
0x8d: {  	s2 =	sadd.s32 s2, s14  }
0x8e: {  	[smem:$0x3FC1] =	sst s2  }
0x8f: {  	_ = 	snop  }
0x90: {  	s2 =	sld [smem:$0x3FD0]  }
0x91: {  	s15 =	sld [smem:$0x3FC9]  }
0x92: {  	s4 =	sld [smem:$0x3FC8]  }
0x93: {  	s6 =	simm.s32 $0xA;
	s7 =	simm.s32 $0x10;
	s5 =	sld [smem:$0x3FC7]  }
0x94: {  	[smem:s7], [sflag:s6] =	dma.local [hbm:s2], $0x1  }
0x95: {  	_ =	swait.eq [sflag:s6], $0x1  }
0x96: {  	[sflag:s6] =	ssyncset.done $0x0  }
0x97: {  	s16 =	sld [smem:$0x10];
	[sflag:s6] =	ssyncadd.s32 $0xFFFFFFFF  }
0x98: {  	s17 =	sld [smem:$0x11];
	(tm) =	ssettm $0x1  }
0x99: {  	s18 =	sld [smem:$0x3FFB];
	_ =	sdelay $0x3  }
0x9a: {  	_ =	strace s18  }
0x9b: {  	s7 =	sld [smem:$0x3FFC];
	_ =	sdelay $0x3  }
0x9c: {  	_ =	strace s7  }
0x9d: {  	s7 =	sld [smem:$0x3FFD];
	_ =	sdelay $0x3  }
0x9e: {  	_ =	strace s7  }
0x9f: {  	_ =	strace $0x8FFFFFFF  }
0xa0: {  	s19 =	sld [smem:$0x3FDB];
	_ =	sdelay $0x1  }
0xa1: {  	s8 =	simm.s32 $_scs_section_size  }
0xa2: {  	s9 =	simm.s32 $_size__tile_overlayer_lowered;
	s10 =	simm.s32 $_tile_overlayer_lowered  }
0xa3: {  	s22 =	simm.s32 $0x1BFF;
	s21 =	sshll.u32 s10, $0x1;
	s7 =	sadd.s32 s8, s19  }
0xa4: {  	s11 =	simm.s32 $0x0;
	s20 =	sshll.u32 s9, $0x1;
	s9 =	sadd.s32 s21, s7  }
0xa5: {  	[timem:s11], [sflag:s22] =	dma.local [hbm:s9], s20  }
0xa6: {  	_ =	swait.ge [sflag:s22], s20  }
0xa7: {  	s8 =	ssub.s32 $0x0, s20;
	[sflag:s22] =	ssyncset.done $0x0  }
0xa8: {  	[sflag:s22] =	ssyncadd.s32 s8;
	_ =	sdelay $0x1  }
0xa9: {  	s23 =	simm.s32 $0x1B8B  }
0xaa: {  	_ =	swait.ge [sflag:s23], $0x1  }
0xab: {  	[sflag:s23] =	ssyncset.done $0x0  }
0xac: {  	s25 =	simm.s32 $0x1B8E;
	s24 =	sld [smem:$0x3FFE];
	[sflag:s23] =	ssyncadd.s32 $0xFFFFFFFF  }
0xad: {  	s26 =	simm.s32 $execute0_lowered;
	[smem:$0x3FD2] =	sst s25  }
0xae: {  	s9 =	sshll.u32 s26, $0x1;
	_ =	strace $0x80000046;
	[dreg:$0x1] =	wrdreg $0xFFFFFFFF  }
0xaf: {  	s28 =	simm.s32 $_size_execute0_lowered;
	s7 =	sadd.s32 s7, s9;
	[dreg:$0x0] =	wrdreg $0x0  }
0xb0: {  	s9 =	sshll.u32 s28, $0x1;
	[dreg:$0x2] =	wrdreg s7  }
0xb1: {  	[dreg:$0x3] =	wrdreg s9  }
0xb2: {  	[dreg:$0x4] =	wrdreg $0xC0  }
0xb3: {  	_ =	task [dreg:s11], $0x5FFFF  }
0xb4: {  	[dreg:$0x1] =	wrdreg $0xFFFFFFFF  }
0xb5: {  	[dreg:$0x0] =	wrdreg $0x60  }
0xb6: {  	[dreg:$0x2] =	wrdreg s15  }
0xb7: {  	[dreg:$0x3] =	wrdreg s4  }
0xb8: {  	[dreg:$0x4] =	wrdreg s5  }
0xb9: {  	[dreg:$0x5] =	wrdreg s24  }
0xba: {  	[dreg:$0x6] =	wrdreg s16  }
0xbb: {  	[dreg:$0x7] =	wrdreg s17  }
0xbc: {  	[dreg:$0x8] =	wrdreg $0x9  }
0xbd: {  	_ =	task.clear_ibuf [dreg:s11], $0x9FFFF;
	_ =	strace $0x90000046  }
0xbe: {  	s29 =	simm.s32 $0x9;
	_ =	strace $0x80000048  }
0xbf: {  	_ =	swait.ge [sflag:s29], $0x1  }
0xc0: {  	[sflag:s29] =	ssyncadd.s32 $0xFFFFFFFF  }
0xc1: {  	_ =	strace $0x90000048  }
0xc2: {  	_ =	sfence  }
0xc3: {  	s30 =	sld [smem:$0x0];
	_ =	sdelay $0x2  }
0xc4: {  	s31 =	sshll.u32 s1, $0xD;
	s1 =	sshrl.u32 s1, $0x2  }
0xc5: {  	s3 =	sand.u32 $0x4000, s31;
	s1 =	sadd.s32 s1, s30  }
0xc6: {  	s0 =	sor.u32 s3, s0;
	s1 =	sshll.u32 s1, $0x11  }
0xc7: {  	s0 =	sor.u32 s1, s0  }
0xc8: {  	s0 =	sadd.s32 $0x8F2B, s0  }
0xc9: {  	[sflag:s0] =	ssyncadd.remote.s32 $0x1  }
0xca: {  	_ =	sfence.sel $0xFFFF  }
0xcb: {  	[dreg:$0x0] =	wrdreg $0xFFFFFFFF;
	(pc) =	sbr.abs _section_cstart, $3  }
0xcc: {  	[dreg:$0x1] =	wrdreg $0xFFFFFFFF  }
0xcd: {  	_ =	task.clear_ibuf [dreg:s11], $0x2FFFF;
	_ =	strace $0x9FFFFFFF  }
0xce: {  	(tm) =	ssettm $0x7FFFFFFF  }
0xcf: {  	_ =	shalt  }
tec
execute0_lowered:
.L_overlay_start_1:
0x0: {  	(tag) =	ssettag $0x1  }
0x1: {  	v35 =	vlaneseq.u32  }
0x2: {  	v11 =	vadd.s32 $0xC, v35  }
0x3: {  	v12 =	vadd.s32 $0xD, v35;
	[tilespmem:$0x1FB80] =	vst v11  }
0x4: {  	v13 =	vadd.s32 $0x1C, v35;
	[tilespmem:$0x1FB90] =	vst v12  }
0x5: {  	v19 =	vimm.s32 $0x34333231;
	v14 =	vadd.s32 $0x1D, v35;
	[tilespmem:$0x1FBA0] =	vst v13  }
0x6: {  	v21 =	vimm.s32 $0x38373635;
	v2 =	vimm.s32 $0x3C3B3A39;
	v15 =	vadd.s32 $0x1E, v35;
	[tilespmem:$0x1FBB0] =	vst v14  }
0x7: {  	v3 =	vimm.s32 $0x3F3E3D;
	vm0 =	vcmask $0x1F10;
	v16 =	vadd.s32 $0x1F, v35;
	[tilespmem:$0x1FBC0] =	vst v15  }
0x8: {  	v23 =	vimm.s32 $0x35343332;
	v24 =	vimm.s32 $0x39383736;
	v17 =	vor.u32 $0x20, v35;
	[tilespmem:$0x1FBD0] =	vst v16  }
0x9: {  	v25 =	vimm.s32 $0x3D3C3B3A;
	v6 =	vimm.s32 $0x1003F3E;
	v18 =	vadd.s32 $0x21, v35;
	[tilespmem:$0x1FBE0] =	vst v17  }
0xa: {  	v32 =	vimm.s32 $0x36353433;
	v34 =	vimm.s32 $0x3020100;
	v1 =	vadd.s32 $0x22, v35;
	[tilespmem:$0x1FBF0] =	vst v18  }
0xb: {  	v36 =	vimm.s32 $0x3A393837;
	v52 =	vimm.s32 $0x201003F;
	v20 =	vadd.s32 $0x23, v35;
	[tilespmem:$0x1FC00] =	vst v1  }
0xc: {  	v8 =	vimm.s32 $0x3F3E3D3C;
	v9 =	vimm.s32 $0x37363534;
	v22 =	vadd.s32 $0x24, v35;
	[tilespmem:$0x1FC10] =	vst v20  }
0xd: {  	v10 =	vimm.s32 $0x3B3A3938;
	v0 =	vmul.u32 $0x80, v35;
	v26 =	vadd.s32 $0x25, v35;
	[tilespmem:$0x1FC20] =	vst v22  }
0xe: {  	v4 =	vunpack.c.0.s8.s32 v21;
	v5 =	vunpack.c.0.s8.s32 v2;
	v27 =	vadd.s32 $0x26, v35;
	[tilespmem:$0x1FC50] =	vst v26  }
0xf: {  	v2 =	vunpack.c.0.s8.s32 v23;
	v7 =	vunpack.c.0.s8.s32 v24;
	v1 =	vunpack.c.0.s8.s32 v3;
	[tilespmem:$0x1FC60] =	vst v27  }
0x10: {  	v54 =	vunpack.c.0.s8.s32 v9;
	v63 =	vunpack.c.0.s8.s32 v10;
	[tilespmem:$0x1FB70] =	vst v0;
	v0 =	vunpack.c.0.s8.s32 v19  }
0x11: {  	v10 =	vunpack.c.0.s8.s32 v36;
	v11 =	vunpack.c.0.s8.s32 v8;
	[tilespmem:$0x1FC30] =	vst v4;
	v3 =	vsel vm0, v1, v5  }
0x12: {  	[tilespmem:$0x1FC40] =	vst v5;
	v5 =	vunpack.c.0.s8.s32 v25;
	v0 =	vsel vm0, v4, v0;
	v4 =	vunpack.c.0.s8.s32 v6  }
0x13: {  	v15 =	vimm.s32 $0x87654321;
	v17 =	vimm.s32 $0x4030201;
	v18 =	vimm.s32 $0x32107654  }
0x14: {  	v20 =	vimm.s32 $0x98765432;
	[tilespmem:$0x1FC90] =	vst v5;
	v29 =	vsel vm0, v4, v5;
	v5 =	vunpack.c.0.s8.s32 v34  }
0x15: {  	[tilespmem:$0x1FC80] =	vst v7;
	v28 =	vsel vm0, v7, v2;
	v16 =	vsel vm0, v63, v54;
	v19 =	vimm.s32 $0x5040302  }
0x16: {  	[tilespmem:$0x1FCB0] =	vst v63;
	v6 =	vunpack.c.l.s4.s8 v15;
	v0 =	vcombine.low v0, v3;
	v5 =	vsel vm0, v5, v11  }
0x17: {  	s0 =	rddreg [dreg:$0x0];
	v7 =	vunpack.c.l.s4.s8 v18;
	v9 =	vunpack.c.l.s4.s8 v20;
	[tilespmem:$0x1FCF0] =	vst v11;
	v5 =	vcombine.low v16, v5  }
0x18: {  	s4 =	rddreg [dreg:$0x1];
	v8 =	vunpack.c.0.s8.s32 v19;
	v6 =	vunpack.c.0.s8.s32 v6;
	[tilespmem:$0x1FC70] =	vst v0;
	v0 =	vcombine.low v28, v29  }
0x19: {  	s9 =	rddreg [dreg:$0x2];
	v54 =	vimm.s32 $0x6050403;
	v22 =	vunpack.c.0.s8.s32 v9;
	[tilespmem:$0x1FCC0] =	vst v5;
	v5 =	vunpack.c.0.s8.s32 v17  }
0x1a: {  	s6 =	rddreg [dreg:$0x3];
	s1 =	simm.s32 $0x0;
	v21 =	vsel vm0, v8, v4;
	v6 =	vand.u32 $0xF, v6;
	[tilespmem:$0x1FCA0] =	vst v0;
	v0 =	vunpack.c.0.s8.s32 v32  }
0x1b: {  	[smem:$0x7FF] =	sst s1;
	[tilespmem:$0x1FCE0] =	vst v21;
	v32 =	vcombine.low v3, v6;
	v3 =	vand.u32 $0xF, v22;
	v5 =	vsel vm0, v5, v1  }
0x1c: {  	s10 =	rddreg [dreg:$0x4];
	v63 =	vimm.s32 $0xA9876543;
	v34 =	vcombine.low v29, v3;
	v17 =	vimm.s32 $0x3E3D3C3B;
	[tilespmem:$0x1FCD0] =	vst v5  }
0x1d: {  	s11 =	rddreg [dreg:$0x5];
	v3 =	vunpack.c.l.s4.s8 v63;
	v0 =	vsel vm0, v10, v0;
	v18 =	vunpack.c.0.s8.s32 v17;
	_ =	strace $0x80000047;
	[tilespmem:$0x1FD00] =	vst v10  }
0x1e: {  	v12 =	vunpack.c.0.s8.s32 v52;
	v15 =	vunpack.c.0.s8.s32 v54;
	[tilespmem:$0x1FD10] =	vst v0  }
0x1f: {  	v7 =	vunpack.c.0.s8.s32 v7;
	v3 =	vunpack.c.0.s8.s32 v3;
	[tilespmem:$0x1FD20] =	vst v18  }
0x20: {  	vm1 =	vcmask $0x2F10;
	v19 =	vsel vm0, v15, v12;
	[tilespmem:$0x1FD30] =	vst v12  }
0x21: {  	v24 =	vimm.s32 $0x43218765;
	v23 =	vand.u32 $0xF, v7;
	v21 =	vand.u32 $0xF, v3;
	[tilespmem:$0x1FD40] =	vst v19  }
0x22: {  	v6 =	vunpack.c.l.s4.s8 v24;
	v5 =	vsel vm1, v23, v11;
	v23 =	vadd.s32 $0x27, v35;
	[tilespmem:$0x1FD60] =	vst v21  }
0x23: {  	v26 =	vimm.s32 $0x54329876;
	v24 =	vadd.s32 $0x28, v35;
	[tilespmem:$0x1FD70] =	vst v23  }
0x24: {  	v30 =	vunpack.c.l.s4.s8 v26;
	v26 =	vadd.s32 $0x29, v35;
	v6 =	vunpack.c.0.s8.s32 v6;
	[tilespmem:$0x1FD80] =	vst v24  }
0x25: {  	v28 =	vadd.s32 $0x2A, v35;
	[tilespmem:$0x1FD90] =	vst v26  }
0x26: {  	v2 =	vunpack.c.0.s8.s32 v30;
	v30 =	vadd.s32 $0x2B, v35;
	v31 =	vand.u32 $0xF, v6;
	[tilespmem:$0x1FDA0] =	vst v28  }
0x27: {  	v52 =	vimm.s32 $0x6543A987;
	v1 =	vsel vm1, v31, v1;
	v31 =	vadd.s32 $0x2C, v35;
	[tilespmem:$0x1FDB0] =	vst v30  }
0x28: {  	v6 =	vunpack.c.l.s4.s8 v52;
	v52 =	vadd.s32 $0x2E, v35;
	[tilespmem:$0x1FDC0] =	vst v31  }
0x29: {  	v54 =	vadd.s32 $0x2F, v35;
	[tilespmem:$0x1FDE0] =	vst v52  }
0x2a: {  	v63 =	vor.u32 $0x30, v35;
	[tilespmem:$0x1FDF0] =	vst v54  }
0x2b: {  	v37 =	vadd.s32 $0x1, v35;
	[tilespmem:$0x1FE00] =	vst v63  }
0x2c: {  	v38 =	vadd.s32 $0x2, v35;
	[tilespmem:$0x1FE10] =	vst v37  }
0x2d: {  	v39 =	vadd.s32 $0x3, v35;
	[tilespmem:$0x1FE20] =	vst v38  }
0x2e: {  	v40 =	vadd.s32 $0x4, v35;
	[tilespmem:$0x1FE30] =	vst v39  }
0x2f: {  	v41 =	vadd.s32 $0x5, v35;
	[tilespmem:$0x1FE40] =	vst v40  }
0x30: {  	v44 =	vadd.s32 $0x6, v35;
	[tilespmem:$0x1FE50] =	vst v41  }
0x31: {  	v45 =	vadd.s32 $0x7, v35;
	[tilespmem:$0x1FE60] =	vst v44  }
0x32: {  	v46 =	vadd.s32 $0x8, v35;
	[tilespmem:$0x1FE70] =	vst v45  }
0x33: {  	v47 =	vadd.s32 $0x9, v35;
	[tilespmem:$0x1FE80] =	vst v46  }
0x34: {  	v50 =	vadd.s32 $0xA, v35;
	[tilespmem:$0x1FE90] =	vst v47  }
0x35: {  	v55 =	vadd.s32 $0xB, v35;
	[tilespmem:$0x1FEA0] =	vst v50  }
0x36: {  	[tilespmem:$0x1FEB0] =	vst v55  }
0x37: {  	[tilespmem:$0x1FEC0] =	vst v32  }
0x38: {  	v33 =	vadd.s32 $0xE, v35;
	[tilespmem:$0x1FED0] =	vst v34  }
0x39: {  	v43 =	vadd.s32 $0xF, v35;
	[tilespmem:$0x1FF20] =	vst v33  }
0x3a: {  	v48 =	vor.u32 $0x10, v35;
	[tilespmem:$0x1FF30] =	vst v43  }
0x3b: {  	v49 =	vadd.s32 $0x11, v35;
	[tilespmem:$0x1FF40] =	vst v48  }
0x3c: {  	v51 =	vadd.s32 $0x12, v35;
	[tilespmem:$0x1FF50] =	vst v49  }
0x3d: {  	v53 =	vadd.s32 $0x13, v35;
	[tilespmem:$0x1FF60] =	vst v51  }
0x3e: {  	v56 =	vadd.s32 $0x14, v35;
	[tilespmem:$0x1FF70] =	vst v53  }
0x3f: {  	v57 =	vadd.s32 $0x15, v35;
	[tilespmem:$0x1FF80] =	vst v56  }
0x40: {  	vm2 =	vcmask $0x3F30;
	s14 =	simm.s32 $0x200;
	s15 =	simm.s32 $0x400;
	v58 =	vadd.s32 $0x16, v35;
	[tilespmem:$0x1FF90] =	vst v57  }
0x41: {  	s16 =	simm.s32 $0x18900;
	s17 =	simm.s32 $0x18B00;
	v59 =	vadd.s32 $0x17, v35;
	v25 =	vimm.s32 $0xB0A0908;
	[tilespmem:$0x1FFA0] =	vst v58  }
0x42: {  	s18 =	simm.s32 $0x18D00;
	s20 =	simm.s32 $0x600;
	s21 =	simm.s32 $0x900;
	v60 =	vadd.s32 $0x18, v35;
	v61 =	vadd.s32 $0x19, v35;
	v7 =	vunpack.c.0.s8.s32 v25;
	[tilespmem:$0x1FFB0] =	vst v59  }
0x43: {  	s7 =	srdreg.scid;
	s22 =	simm.s32 $0x700;
	v62 =	vadd.s32 $0x1A, v35;
	v42 =	vadd.s32 $0x1B, v35;
	v36 =	vimm.s32 $0xC0B0A09;
	[tilespmem:$0x1FFC0] =	vst v60  }
0x44: {  	s12 =	stileid.u32;
	s23 =	simm.s32 $0x8900;
	s24 =	simm.s32 $0x800;
	v13 =	vimm.s32 $0xD0C0B0A;
	v29 =	vsel vm2, v7, v5;
	v5 =	vunpack.c.0.s8.s32 v36;
	[tilespmem:$0x1FFD0] =	vst v61  }
0x45: {  	s25 =	simm.s32 $0x10900;
	s28 =	simm.s32 $0x18F00;
	s29 =	simm.s32 $0x19100;
	v9 =	vand.u32 $0xF, v2;
	v11 =	vunpack.c.0.s8.s32 v6;
	v36 =	vadd.s32 $0x2D, v35;
	[tilespmem:$0x1FFE0] =	vst v62  }
0x46: {  	s19 =	simm.s32 $0x100;
	s2 =	sadd.s32 $0xF42A00, s6;
	s3 =	sadd.s32 $0x16E3C00, s6;
	[tilespmem:$0x1FFF0] =	vst v42;
	v27 =	vsel vm2, v5, v1;
	v1 =	vsel vm1, v9, v4;
	v4 =	vunpack.c.0.s8.s32 v13  }
0x47: {  	s26 =	simm.s32 $0x1;
	s30 =	simm.s32 $0x0;
	s7 =	sand.u32 $0x1, s7;
	v14 =	vimm.s32 $0xE0D0C0B;
	v16 =	vimm.s32 $0x76543210;
	[tilespmem:$0x1FDD0] =	vst v36;
	v2 =	vand.u32 $0xF, v11  }
0x48: {  	s12 =	sshll.u32 s12, $0x7;
	s8 =	ssub.s32 $0x2, s7;
	s7 =	sshll.u32 s7, $0x6;
	[tilespmem:$0x1FEE0] =	vst v29;
	v5 =	vunpack.c.0.s8.s32 v14;
	v25 =	vsel vm2, v4, v1;
	v1 =	vunpack.c.l.s4.s8 v16  }
0x49: {  	s5 =	sadd.s32 $0x600, s6;
	s13 =	sshrl.u32 s8, $0x1;
	s12 =	sor.u32 s7, s12;
	v2 =	vsel vm1, v2, v12;
	[tilespmem:$0x1FEF0] =	vst v27  }
0x4a: {  	s6 =	sadd.s32 $0x1F000, s6;
	s13 =	ssub.s32 s8, s13;
	s7 =	sadd.s32 s0, s12;
	v22 =	vsel vm2, v5, v2;
	[tilespmem:$0x1FF00] =	vst v25;
	v20 =	vunpack.c.0.s8.s32 v1  }
0x4b: {  	s8 =	sadd.s32 s4, s12;
	s9 =	sadd.s32 s9, s12;
	s10 =	sadd.s32 s10, s12;
	[tilespmem:$0x1FF10] =	vst v22  }
0x4c: {  	s11 =	sadd.s32 s11, s12;
	s12 =	smax.u32 s13, $0x1;
	s13 =	simm.s32 $0x2;
	[tilespmem:$0x1FD50] =	vst v20  }
.LBB2_1:
0x4d: {  	[tilespmem:s1], [sflag:$0x2] =	stream.linear.gather [hbm4b:s7+s1], $0x200, $0x38;
	[tilespmem:$0x19300] =	vst v63  }
0x4e: {  	_ =	swait.ge [sflag:s13], $0x200  }
0x4f: {  	[sflag:s13] =	ssyncset.done $0x0  }
0x50: {  	[sflag:s13] =	ssyncadd.s32 $0xFFFFFE00  }
0x51: {  	[tilespmem:s14], [sflag:$0x2] =	stream.linear.gather [hbm4b:s8+s1], $0x200, $0x38;
	[tilespmem:$0x19300] =	vst v63  }
0x52: {  	_ =	swait.ge [sflag:s13], $0x200  }
0x53: {  	[sflag:s13] =	ssyncset.done $0x0  }
0x54: {  	[sflag:s13] =	ssyncadd.s32 $0xFFFFFE00  }
0x55: {  	[tilespmem:s15], [sflag:$0x2] =	stream.linear.gather [hbm4b:s9+s1], $0x200, $0x38;
	[tilespmem:$0x19300] =	vst v63  }
0x56: {  	_ =	swait.ge [sflag:s13], $0x200  }
0x57: {  	[sflag:s13] =	ssyncset.done $0x0  }
0x58: {  	[sflag:s13] =	ssyncadd.s32 $0xFFFFFE00  }
0x59: {  	[tilespmem:s16], [sflag:$0x1] =	stream.indirect.gather [hbm4b:s5+s14], $0x1, s1, s14, $0xb8;
	[tilespmem:$0x19300] =	vst v63  }
0x5a: {  	_ = 	snop  }
0x5b: {  	[tilespmem:s17], [sflag:$0x1] =	stream.indirect.gather [hbm4b:s6+s14], $0x1, s14, s14, $0xb8;
	[tilespmem:$0x19300] =	vst v63  }
0x5c: {  	_ = 	snop  }
0x5d: {  	[tilespmem:s18], [sflag:$0x1] =	stream.indirect.gather [hbm4b:s6+s14], $0x1, s15, s14, $0xb8;
	[tilespmem:$0x19300] =	vst v63  }
0x5e: {  	v0 =	vld [tilespmem:$0x0]  }
0x5f: {  	v1 =	vld [tilespmem:$0x200]  }
0x60: {  	v2 =	vld [tilespmem:$0x400]  }
0x61: {  	v3 =	vld [tilespmem:$0x10]  }
0x62: {  	v4 =	vld [tilespmem:$0x210]  }
0x63: {  	v5 =	vld [tilespmem:$0x410];
	v0 =	vshrl.u32 v0, $0x1  }
0x64: {  	v10 =	vld [tilespmem:$0x20];
	v9 =	vshrl.u32 v1, $0x1;
	[tilespmem:$0x600] =	vst v0  }
0x65: {  	v12 =	vld [tilespmem:$0x220];
	v11 =	vshrl.u32 v2, $0x1;
	[tilespmem:$0x700] =	vst v9  }
0x66: {  	v14 =	vld [tilespmem:$0x420];
	v13 =	vshrl.u32 v3, $0x1;
	[tilespmem:$0x800] =	vst v11  }
0x67: {  	v16 =	vld [tilespmem:$0x30];
	v15 =	vshrl.u32 v4, $0x1;
	[tilespmem:$0x610] =	vst v13  }
0x68: {  	v18 =	vld [tilespmem:$0x230];
	v17 =	vshrl.u32 v5, $0x1;
	[tilespmem:$0x710] =	vst v15  }
0x69: {  	v20 =	vld [tilespmem:$0x430];
	v19 =	vshrl.u32 v10, $0x1;
	[tilespmem:$0x810] =	vst v17  }
0x6a: {  	v22 =	vld [tilespmem:$0x40];
	v21 =	vshrl.u32 v12, $0x1;
	[tilespmem:$0x620] =	vst v19  }
0x6b: {  	v24 =	vld [tilespmem:$0x240];
	v23 =	vshrl.u32 v14, $0x1;
	[tilespmem:$0x720] =	vst v21  }
0x6c: {  	v26 =	vld [tilespmem:$0x440];
	v25 =	vshrl.u32 v16, $0x1;
	[tilespmem:$0x820] =	vst v23  }
0x6d: {  	v28 =	vld [tilespmem:$0x50];
	v27 =	vshrl.u32 v18, $0x1;
	[tilespmem:$0x630] =	vst v25  }
0x6e: {  	v30 =	vld [tilespmem:$0x250];
	v29 =	vshrl.u32 v20, $0x1;
	[tilespmem:$0x730] =	vst v27  }
0x6f: {  	v32 =	vld [tilespmem:$0x450];
	v31 =	vshrl.u32 v22, $0x1;
	[tilespmem:$0x830] =	vst v29  }
0x70: {  	v36 =	vld [tilespmem:$0x60];
	v34 =	vshrl.u32 v24, $0x1;
	[tilespmem:$0x640] =	vst v31  }
0x71: {  	v54 =	vld [tilespmem:$0x260];
	v52 =	vshrl.u32 v26, $0x1;
	[tilespmem:$0x740] =	vst v34  }
0x72: {  	v8 =	vld [tilespmem:$0x460];
	v63 =	vshrl.u32 v28, $0x1;
	[tilespmem:$0x840] =	vst v52  }
0x73: {  	v10 =	vld [tilespmem:$0x70];
	[tilespmem:$0x650] =	vst v63;
	v9 =	vshrl.u32 v30, $0x1  }
0x74: {  	v12 =	vld [tilespmem:$0x270];
	v11 =	vshrl.u32 v32, $0x1;
	[tilespmem:$0x750] =	vst v9  }
0x75: {  	v14 =	vld [tilespmem:$0x470];
	v13 =	vshrl.u32 v36, $0x1;
	[tilespmem:$0x850] =	vst v11  }
0x76: {  	v16 =	vld [tilespmem:$0x80];
	v15 =	vshrl.u32 v54, $0x1;
	[tilespmem:$0x660] =	vst v13  }
0x77: {  	v18 =	vld [tilespmem:$0x280];
	v17 =	vshrl.u32 v8, $0x1;
	[tilespmem:$0x760] =	vst v15  }
0x78: {  	v20 =	vld [tilespmem:$0x480];
	[tilespmem:$0x860] =	vst v17;
	v19 =	vshrl.u32 v10, $0x1  }
0x79: {  	v22 =	vld [tilespmem:$0x90];
	v21 =	vshrl.u32 v12, $0x1;
	[tilespmem:$0x670] =	vst v19  }
0x7a: {  	v24 =	vld [tilespmem:$0x290];
	v23 =	vshrl.u32 v14, $0x1;
	[tilespmem:$0x770] =	vst v21  }
0x7b: {  	v26 =	vld [tilespmem:$0x490];
	v25 =	vshrl.u32 v16, $0x1;
	[tilespmem:$0x870] =	vst v23  }
0x7c: {  	v28 =	vld [tilespmem:$0xA0];
	v27 =	vshrl.u32 v18, $0x1;
	[tilespmem:$0x680] =	vst v25  }
0x7d: {  	v30 =	vld [tilespmem:$0x2A0];
	v29 =	vshrl.u32 v20, $0x1;
	[tilespmem:$0x780] =	vst v27  }
0x7e: {  	v32 =	vld [tilespmem:$0x4A0];
	v31 =	vshrl.u32 v22, $0x1;
	[tilespmem:$0x880] =	vst v29  }
0x7f: {  	v36 =	vld [tilespmem:$0xB0];
	v34 =	vshrl.u32 v24, $0x1;
	[tilespmem:$0x690] =	vst v31  }
0x80: {  	v54 =	vld [tilespmem:$0x2B0];
	v52 =	vshrl.u32 v26, $0x1;
	[tilespmem:$0x790] =	vst v34  }
0x81: {  	v8 =	vld [tilespmem:$0x4B0];
	v63 =	vshrl.u32 v28, $0x1;
	[tilespmem:$0x890] =	vst v52  }
0x82: {  	v10 =	vld [tilespmem:$0xC0];
	[tilespmem:$0x6A0] =	vst v63;
	v9 =	vshrl.u32 v30, $0x1  }
0x83: {  	v12 =	vld [tilespmem:$0x2C0];
	v11 =	vshrl.u32 v32, $0x1;
	[tilespmem:$0x7A0] =	vst v9  }
0x84: {  	v14 =	vld [tilespmem:$0x4C0];
	v13 =	vshrl.u32 v36, $0x1;
	[tilespmem:$0x8A0] =	vst v11  }
0x85: {  	v16 =	vld [tilespmem:$0xD0];
	v15 =	vshrl.u32 v54, $0x1;
	[tilespmem:$0x6B0] =	vst v13  }
0x86: {  	v18 =	vld [tilespmem:$0x2D0];
	v17 =	vshrl.u32 v8, $0x1;
	[tilespmem:$0x7B0] =	vst v15  }
0x87: {  	v20 =	vld [tilespmem:$0x4D0];
	[tilespmem:$0x8B0] =	vst v17;
	v19 =	vshrl.u32 v10, $0x1  }
0x88: {  	v22 =	vld [tilespmem:$0xE0];
	v21 =	vshrl.u32 v12, $0x1;
	[tilespmem:$0x6C0] =	vst v19  }
0x89: {  	v24 =	vld [tilespmem:$0x2E0];
	v23 =	vshrl.u32 v14, $0x1;
	[tilespmem:$0x7C0] =	vst v21  }
0x8a: {  	v26 =	vld [tilespmem:$0x4E0];
	v25 =	vshrl.u32 v16, $0x1;
	[tilespmem:$0x8C0] =	vst v23  }
0x8b: {  	v28 =	vld [tilespmem:$0xF0];
	v27 =	vshrl.u32 v18, $0x1;
	[tilespmem:$0x6D0] =	vst v25  }
0x8c: {  	v30 =	vld [tilespmem:$0x2F0];
	v29 =	vshrl.u32 v20, $0x1;
	[tilespmem:$0x7D0] =	vst v27  }
0x8d: {  	v32 =	vld [tilespmem:$0x4F0];
	v31 =	vshrl.u32 v22, $0x1;
	[tilespmem:$0x8D0] =	vst v29  }
0x8e: {  	v34 =	vshrl.u32 v24, $0x1;
	[tilespmem:$0x6E0] =	vst v31  }
0x8f: {  	v36 =	vshrl.u32 v26, $0x1;
	[tilespmem:$0x7E0] =	vst v34  }
0x90: {  	v52 =	vshrl.u32 v28, $0x1;
	[tilespmem:$0x8E0] =	vst v36  }
0x91: {  	[tilespmem:$0x6F0] =	vst v52;
	v54 =	vshrl.u32 v30, $0x1  }
0x92: {  	v63 =	vshrl.u32 v32, $0x1;
	[tilespmem:$0x7F0] =	vst v54  }
0x93: {  	[tilespmem:$0x8F0] =	vst v63  }
0x94: {  	[tilespmem:s21], [sflag:$0x1] =	stream.indirect.gather [hbm4b:s2+s19], $0x80, s20, s19, $0xb8;
	[tilespmem:$0x19300] =	vst v63  }
0x95: {  	_ = 	snop  }
0x96: {  	[tilespmem:s23], [sflag:$0x1] =	stream.indirect.gather [hbm4b:s3+s19], $0x80, s22, s19, $0xb8;
	[tilespmem:$0x19300] =	vst v63  }
0x97: {  	_ = 	snop  }
0x98: {  	[tilespmem:s25], [sflag:$0x1] =	stream.indirect.gather [hbm4b:s3+s19], $0x80, s24, s19, $0xb8;
	[tilespmem:$0x19300] =	vst v63  }
0x99: {  	_ =	swait.ge [sflag:s26], $0x200  }
0x9a: {  	[sflag:s26] =	ssyncset.done $0x0  }
0x9b: {  	[sflag:s26] =	ssyncadd.s32 $0xFFFFFE00  }
0x9c: {  	_ =	swait.ge [sflag:s26], $0x200  }
0x9d: {  	[sflag:s26] =	ssyncset.done $0x0  }
0x9e: {  	[sflag:s26] =	ssyncadd.s32 $0xFFFFFE00  }
0x9f: {  	_ =	swait.ge [sflag:s26], $0x200  }
0xa0: {  	[sflag:s26] =	ssyncset.done $0x0  }
0xa1: {  	[sflag:s26] =	ssyncadd.s32 $0xFFFFFE00  }
0xa2: {  	_ =	swait.ge [sflag:s26], $0x8000  }
0xa3: {  	[sflag:s26] =	ssyncset.done $0x0  }
0xa4: {  	[sflag:s26] =	ssyncadd.s32 $0xFFFF8000  }
0xa5: {  	_ =	swait.ge [sflag:s26], $0x8000  }
0xa6: {  	[sflag:s26] =	ssyncset.done $0x0  }
0xa7: {  	[sflag:s26] =	ssyncadd.s32 $0xFFFF8000  }
0xa8: {  	_ =	swait.ge [sflag:s26], $0x8000  }
0xa9: {  	[sflag:s26] =	ssyncset.done $0x0  }
0xaa: {  	s31 =	simm.s32 $0x0;
	s0 =	simm.s32 $0x0;
	[sflag:s26] =	ssyncadd.s32 $0xFFFF8000  }
.LBB2_2:
0xab: {  	s4 =	sshra.s32 s0, $0x2;
	v4 =	vld [tilespmem:$0x1FB70]  }
0xac: {  	v0 =	vld [tilespmem:s4+$0x0]  }
0xad: {  	v1 =	vld [tilespmem:s4+$0x200]  }
0xae: {  	v2 =	vld [tilespmem:s4+$0x400];
	_ =	sdelay $0x1  }
0xaf: {  	v3 =	vmov s31  }
0xb0: {  	v3 =	vshll.u32 v3, $0x7;
	v0 =	vshll.u32 v0, $0x6  }
0xb1: {  	v4 =	vor.u32 v4, v3;
	v1 =	vshll.u32 v1, $0x6;
	v0 =	vand.u32 $0x40, v0  }
0xb2: {  	v2 =	vshll.u32 v2, $0x6;
	v1 =	vand.u32 $0x40, v1;
	v3 =	vor.u32 v4, v0  }
0xb3: {  	v34 =	vand.u32 $0x40, v2;
	v2 =	vor.u32 v4, v1;
	v5 =	vor.u32 v35, v3  }
0xb4: {  	v36 =	vld [tilespmem:s4+$0x18900];
	v0 =	vor.u32 v4, v34;
	v1 =	vor.u32 v35, v2  }
0xb5: {  	v7 =	vld [tilespmem:s4+$0x18B00];
	v6 =	vor.u32 v35, v0  }
0xb6: {  	v9 =	vld [tilespmem:s4+$0x18D00];
	v8 =	vor.u32 v37, v3  }
0xb7: {  	v34 =	vld [tilespmem:$0x1FB80];
	v10 =	vor.u32 v37, v2  }
0xb8: {  	v11 =	vor.u32 v37, v0;
	v5 =	vld.idx.msk [tilespmem:v5+s21+$0x0], $0xffff  }
0xb9: {  	v12 =	vor.u32 v38, v3;
	v1 =	vld.idx.msk [tilespmem:v1+s23+$0x0], $0xffff  }
0xba: {  	v13 =	vor.u32 v38, v2;
	v6 =	vld.idx.msk [tilespmem:v6+s25+$0x0], $0xffff  }
0xbb: {  	v14 =	vor.u32 v38, v0;
	v8 =	vld.idx.msk [tilespmem:v8+s21+$0x0], $0xffff  }
0xbc: {  	v15 =	vor.u32 v39, v3;
	v10 =	vld.idx.msk [tilespmem:v10+s23+$0x0], $0xffff  }
0xbd: {  	v16 =	vor.u32 v39, v2;
	v11 =	vld.idx.msk [tilespmem:v11+s25+$0x0], $0xffff  }
0xbe: {  	v17 =	vor.u32 v39, v0;
	v12 =	vld.idx.msk [tilespmem:v12+s21+$0x0], $0xffff  }
0xbf: {  	v18 =	vor.u32 v40, v3;
	v13 =	vld.idx.msk [tilespmem:v13+s23+$0x0], $0xffff  }
0xc0: {  	v19 =	vor.u32 v40, v2;
	v14 =	vld.idx.msk [tilespmem:v14+s25+$0x0], $0xffff  }
0xc1: {  	v20 =	vor.u32 v40, v0;
	v15 =	vld.idx.msk [tilespmem:v15+s21+$0x0], $0xffff  }
0xc2: {  	v21 =	vor.u32 v41, v3;
	v16 =	vld.idx.msk [tilespmem:v16+s23+$0x0], $0xffff  }
0xc3: {  	v22 =	vor.u32 v41, v2;
	v17 =	vld.idx.msk [tilespmem:v17+s25+$0x0], $0xffff  }
0xc4: {  	v23 =	vor.u32 v41, v0;
	v18 =	vld.idx.msk [tilespmem:v18+s21+$0x0], $0xffff  }
0xc5: {  	v24 =	vor.u32 v44, v3;
	v19 =	vld.idx.msk [tilespmem:v19+s23+$0x0], $0xffff  }
0xc6: {  	v25 =	vor.u32 v44, v2;
	v20 =	vld.idx.msk [tilespmem:v20+s25+$0x0], $0xffff  }
0xc7: {  	v26 =	vor.u32 v44, v0;
	v21 =	vld.idx.msk [tilespmem:v21+s21+$0x0], $0xffff  }
0xc8: {  	v27 =	vor.u32 v45, v3;
	v22 =	vld.idx.msk [tilespmem:v22+s23+$0x0], $0xffff  }
0xc9: {  	v29 =	vor.u32 v45, v0;
	v23 =	vld.idx.msk [tilespmem:v23+s25+$0x0], $0xffff  }
0xca: {  	v52 =	vor.u32 v46, v0;
	v24 =	vld.idx.msk [tilespmem:v24+s21+$0x0], $0xffff  }
0xcb: {  	v28 =	vor.u32 v45, v2;
	v25 =	vld.idx.msk [tilespmem:v25+s23+$0x0], $0xffff  }
0xcc: {  	v31 =	vor.u32 v46, v2;
	v26 =	vld.idx.msk [tilespmem:v26+s25+$0x0], $0xffff  }
0xcd: {  	v4 =	vadd.f32 v9, v36;
	v32 =	vor.u32 v47, v2;
	v9 =	vld.idx.msk [tilespmem:v27+s21+$0x0], $0xffff  }
0xce: {  	v7 =	vadd.f32 v7, v36;
	v36 =	vor.u32 v55, v2;
	v29 =	vld.idx.msk [tilespmem:v29+s25+$0x0], $0xffff  }
0xcf: {  	v30 =	vor.u32 v46, v3;
	v27 =	vld.idx.msk [tilespmem:v52+s25+$0x0], $0xffff  }
0xd0: {  	v54 =	vor.u32 v47, v0;
	v1 =	vmul.f32 v1, v5;
	v5 =	vmul.f32 v6, v5;
	v6 =	vld.idx.msk [tilespmem:v28+s23+$0x0], $0xffff  }
0xd1: {  	v63 =	vor.u32 v50, v0;
	v10 =	vmul.f32 v10, v8;
	v8 =	vmul.f32 v11, v8;
	v11 =	vld.idx.msk [tilespmem:v31+s23+$0x0], $0xffff  }
0xd2: {  	v13 =	vmul.f32 v13, v12;
	v12 =	vmul.f32 v14, v12;
	v14 =	vld.idx.msk [tilespmem:v32+s23+$0x0], $0xffff  }
0xd3: {  	v28 =	vor.u32 v47, v3;
	v19 =	vmul.f32 v19, v18;
	v18 =	vmul.f32 v20, v18;
	v20 =	vld.idx.msk [tilespmem:v36+s23+$0x0], $0xffff  }
0xd4: {  	v31 =	vor.u32 v50, v2;
	v1 =	vadd.f32 v1, v7;
	v4 =	vadd.f32 v5, v4;
	v5 =	vld.idx.msk [tilespmem:v30+s21+$0x0], $0xffff  }
0xd5: {  	v30 =	vor.u32 v50, v3;
	v7 =	vld.idx.msk [tilespmem:v54+s25+$0x0], $0xffff  }
0xd6: {  	v54 =	vor.u32 v34, v0;
	v1 =	vadd.f32 v10, v1;
	v10 =	vld.idx.msk [tilespmem:v63+s25+$0x0], $0xffff  }
0xd7: {  	v52 =	vor.u32 v55, v0;
	v63 =	vld [tilespmem:$0x1FB90]  }
0xd8: {  	v16 =	vmul.f32 v16, v15;
	v4 =	vadd.f32 v8, v4;
	v8 =	vld.idx.msk [tilespmem:v28+s21+$0x0], $0xffff;
	v28 =	vor.u32 v55, v3  }
0xd9: {  	v15 =	vmul.f32 v17, v15;
	v17 =	vld.idx.msk [tilespmem:v31+s23+$0x0], $0xffff;
	v31 =	vor.u32 v34, v2;
	v1 =	vadd.f32 v13, v1  }
0xda: {  	v4 =	vadd.f32 v12, v4;
	v12 =	vld.idx.msk [tilespmem:v30+s21+$0x0], $0xffff;
	v30 =	vor.u32 v34, v3  }
0xdb: {  	v1 =	vadd.f32 v16, v1;
	v16 =	vld.idx.msk [tilespmem:v54+s25+$0x0], $0xffff;
	v54 =	vor.u32 v33, v0  }
0xdc: {  	v13 =	vld.idx.msk [tilespmem:v52+s25+$0x0], $0xffff;
	v36 =	vor.u32 v63, v2  }
0xdd: {  	v22 =	vmul.f32 v22, v21;
	v4 =	vadd.f32 v15, v4;
	v52 =	vor.u32 v63, v0;
	v15 =	vld.idx.msk [tilespmem:v28+s21+$0x0], $0xffff  }
0xde: {  	v21 =	vmul.f32 v23, v21;
	v34 =	vor.u32 v43, v0;
	v1 =	vadd.f32 v19, v1;
	v23 =	vld.idx.msk [tilespmem:v31+s23+$0x0], $0xffff  }
0xdf: {  	v28 =	vor.u32 v63, v3;
	v4 =	vadd.f32 v18, v4;
	v18 =	vld.idx.msk [tilespmem:v30+s21+$0x0], $0xffff  }
0xe0: {  	v31 =	vor.u32 v33, v2;
	v1 =	vadd.f32 v22, v1;
	v22 =	vld.idx.msk [tilespmem:v54+s25+$0x0], $0xffff  }
0xe1: {  	v25 =	vmul.f32 v25, v24;
	v24 =	vmul.f32 v26, v24;
	v63 =	vor.u32 v43, v2;
	v26 =	vld.idx.msk [tilespmem:v36+s23+$0x0], $0xffff  }
0xe2: {  	v30 =	vor.u32 v33, v3;
	v19 =	vld.idx.msk [tilespmem:v52+s25+$0x0], $0xffff  }
0xe3: {  	v54 =	vor.u32 v49, v0;
	v1 =	vadd.f32 v25, v1;
	v25 =	vld.idx.msk [tilespmem:v34+s25+$0x0], $0xffff  }
0xe4: {  	v6 =	vmul.f32 v6, v9;
	v4 =	vadd.f32 v21, v4;
	v36 =	vor.u32 v48, v0;
	v21 =	vld.idx.msk [tilespmem:v28+s21+$0x0], $0xffff  }
0xe5: {  	v9 =	vmul.f32 v29, v9;
	v11 =	vmul.f32 v11, v5;
	v28 =	vor.u32 v43, v3;
	v29 =	vld.idx.msk [tilespmem:v31+s23+$0x0], $0xffff  }
0xe6: {  	v5 =	vmul.f32 v27, v5;
	v52 =	vor.u32 v49, v2;
	v27 =	vld.idx.msk [tilespmem:v63+s23+$0x0], $0xffff;
	v1 =	vadd.f32 v6, v1  }
0xe7: {  	v4 =	vadd.f32 v24, v4;
	v31 =	vor.u32 v48, v2;
	v24 =	vld.idx.msk [tilespmem:v30+s21+$0x0], $0xffff  }
0xe8: {  	v30 =	vor.u32 v48, v3;
	v1 =	vadd.f32 v11, v1;
	v11 =	vld.idx.msk [tilespmem:v54+s25+$0x0], $0xffff  }
0xe9: {  	v63 =	vor.u32 v51, v0;
	v4 =	vadd.f32 v9, v4;
	v9 =	vld.idx.msk [tilespmem:v36+s25+$0x0], $0xffff  }
0xea: {  	v6 =	vld.idx.msk [tilespmem:v28+s21+$0x0], $0xffff;
	v28 =	vor.u32 v49, v3  }
0xeb: {  	v17 =	vmul.f32 v17, v12;
	v10 =	vmul.f32 v10, v12;
	v12 =	vld.idx.msk [tilespmem:v52+s23+$0x0], $0xffff;
	v36 =	vor.u32 v53, v2  }
0xec: {  	v14 =	vmul.f32 v14, v8;
	v7 =	vmul.f32 v7, v8;
	v8 =	vld.idx.msk [tilespmem:v31+s23+$0x0], $0xffff;
	v31 =	vor.u32 v51, v2  }
0xed: {  	v4 =	vadd.f32 v5, v4;
	v5 =	vld.idx.msk [tilespmem:v30+s21+$0x0], $0xffff;
	v30 =	vor.u32 v51, v3  }
0xee: {  	v52 =	vor.u32 v53, v0;
	v1 =	vadd.f32 v14, v1;
	v14 =	vld.idx.msk [tilespmem:v63+s25+$0x0], $0xffff  }
0xef: {  	v4 =	vadd.f32 v7, v4;
	v7 =	vld.idx.msk [tilespmem:v28+s21+$0x0], $0xffff;
	v28 =	vor.u32 v53, v3  }
0xf0: {  	v23 =	vmul.f32 v23, v18;
	v16 =	vmul.f32 v16, v18;
	v54 =	vor.u32 v56, v0;
	v18 =	vld.idx.msk [tilespmem:v36+s23+$0x0], $0xffff  }
0xf1: {  	v20 =	vmul.f32 v20, v15;
	v13 =	vmul.f32 v13, v15;
	v15 =	vld.idx.msk [tilespmem:v31+s23+$0x0], $0xffff;
	v31 =	vor.u32 v56, v2  }
0xf2: {  	v1 =	vadd.f32 v17, v1;
	v4 =	vadd.f32 v10, v4;
	v10 =	vld.idx.msk [tilespmem:v30+s21+$0x0], $0xffff;
	v30 =	vor.u32 v56, v3  }
0xf3: {  	v17 =	vld.idx.msk [tilespmem:v52+s25+$0x0], $0xffff;
	v36 =	vor.u32 v58, v0  }
0xf4: {  	v1 =	vadd.f32 v20, v1;
	v4 =	vadd.f32 v13, v4;
	v13 =	vld.idx.msk [tilespmem:v28+s21+$0x0], $0xffff;
	v28 =	vor.u32 v57, v3  }
0xf5: {  	v26 =	vmul.f32 v26, v21;
	v20 =	vld.idx.msk [tilespmem:v54+s25+$0x0], $0xffff;
	v52 =	vor.u32 v59, v2  }
0xf6: {  	v19 =	vmul.f32 v19, v21;
	v1 =	vadd.f32 v23, v1;
	v21 =	vld.idx.msk [tilespmem:v31+s23+$0x0], $0xffff;
	v31 =	vor.u32 v58, v2  }
0xf7: {  	v4 =	vadd.f32 v16, v4;
	v16 =	vld.idx.msk [tilespmem:v30+s21+$0x0], $0xffff;
	v30 =	vor.u32 v58, v3  }
0xf8: {  	v22 =	vmul.f32 v22, v24;
	v54 =	vor.u32 v60, v0;
	v1 =	vadd.f32 v26, v1;
	v26 =	vld.idx.msk [tilespmem:v36+s25+$0x0], $0xffff  }
0xf9: {  	v27 =	vmul.f32 v27, v6;
	v4 =	vadd.f32 v19, v4;
	v19 =	vld.idx.msk [tilespmem:v28+s21+$0x0], $0xffff;
	v28 =	vmul.f32 v29, v24  }
0xfa: {  	v8 =	vmul.f32 v8, v5;
	v5 =	vmul.f32 v9, v5;
	v9 =	vld.idx.msk [tilespmem:v52+s23+$0x0], $0xffff  }
0xfb: {  	v6 =	vmul.f32 v25, v6;
	v29 =	vor.u32 v59, v3;
	v25 =	vld.idx.msk [tilespmem:v31+s23+$0x0], $0xffff;
	v1 =	vadd.f32 v28, v1  }
0xfc: {  	v4 =	vadd.f32 v22, v4;
	v31 =	vor.u32 v60, v2;
	v22 =	vld.idx.msk [tilespmem:v30+s21+$0x0], $0xffff  }
0xfd: {  	v30 =	vor.u32 v60, v3;
	v1 =	vadd.f32 v27, v1;
	v27 =	vld.idx.msk [tilespmem:v54+s25+$0x0], $0xffff  }
0xfe: {  	v36 =	vor.u32 v42, v0;
	v54 =	vld [tilespmem:$0x1FBB0]  }
0xff: {  	v52 =	vld [tilespmem:$0x1FBA0];
	v12 =	vmul.f32 v12, v7;
	v1 =	vadd.f32 v8, v1  }
0x100: {  	v7 =	vmul.f32 v11, v7;
	v4 =	vadd.f32 v6, v4;
	v6 =	vld.idx.msk [tilespmem:v29+s21+$0x0], $0xffff;
	v29 =	vor.u32 v61, v3  }
0x101: {  	v15 =	vmul.f32 v15, v10;
	v11 =	vld.idx.msk [tilespmem:v31+s23+$0x0], $0xffff;
	v31 =	vor.u32 v62, v2;
	v1 =	vadd.f32 v12, v1  }
0x102: {  	v4 =	vadd.f32 v5, v4;
	v5 =	vld.idx.msk [tilespmem:v30+s21+$0x0], $0xffff;
	v30 =	vor.u32 v62, v3  }
0x103: {  	v1 =	vadd.f32 v15, v1;
	v15 =	vld.idx.msk [tilespmem:v36+s25+$0x0], $0xffff;
	v36 =	vor.u32 v54, v2;
	_ =	sdelay $0x1  }
0x104: {  	v34 =	vor.u32 v57, v0;
	v10 =	vmul.f32 v14, v10;
	v4 =	vadd.f32 v7, v4;
	v7 =	vld.idx.msk [tilespmem:v29+s21+$0x0], $0xffff  }
0x105: {  	v63 =	vor.u32 v57, v2;
	v18 =	vmul.f32 v18, v13;
	v13 =	vmul.f32 v17, v13;
	v17 =	vld.idx.msk [tilespmem:v31+s23+$0x0], $0xffff  }
0x106: {  	v4 =	vadd.f32 v10, v4;
	v25 =	vmul.f32 v25, v22;
	v29 =	vor.u32 v42, v3;
	v10 =	vld.idx.msk [tilespmem:v30+s21+$0x0], $0xffff  }
0x107: {  	v22 =	vmul.f32 v26, v22;
	v31 =	vor.u32 v52, v2;
	v30 =	vor.u32 v52, v3;
	v26 =	vld.idx.msk [tilespmem:v36+s23+$0x0], $0xffff  }
0x108: {  	v1 =	vadd.f32 v18, v1;
	v18 =	vor.u32 v52, v0;
	v52 =	vor.u32 v54, v0;
	v36 =	vld [tilespmem:$0x1FBD0]  }
0x109: {  	v23 =	vld.idx.msk [tilespmem:v34+s25+$0x0], $0xffff  }
0x10a: {  	v24 =	vld.idx.msk [tilespmem:v63+s23+$0x0], $0xffff  }
0x10b: {  	v21 =	vmul.f32 v21, v16;
	v4 =	vadd.f32 v13, v4;
	v13 =	vld.idx.msk [tilespmem:v29+s21+$0x0], $0xffff  }
0x10c: {  	v29 =	vor.u32 v54, v3;
	v54 =	vld [tilespmem:$0x1FBC0]  }
0x10d: {  	v1 =	vadd.f32 v21, v1;
	v21 =	vld.idx.msk [tilespmem:v52+s25+$0x0], $0xffff;
	v52 =	vor.u32 v36, v2;
	_ =	sdelay $0x1  }
0x10e: {  	v28 =	vor.u32 v59, v0;
	v16 =	vmul.f32 v20, v16  }
0x10f: {  	v24 =	vmul.f32 v24, v19;
	v19 =	vmul.f32 v23, v19;
	v12 =	vor.u32 v62, v0;
	v23 =	vld.idx.msk [tilespmem:v31+s23+$0x0], $0xffff  }
0x110: {  	v4 =	vadd.f32 v16, v4;
	v11 =	vmul.f32 v11, v5;
	v16 =	vld.idx.msk [tilespmem:v30+s21+$0x0], $0xffff  }
0x111: {  	v5 =	vmul.f32 v27, v5;
	v1 =	vadd.f32 v24, v1;
	v30 =	vor.u32 v54, v3;
	v27 =	vld.idx.msk [tilespmem:v52+s23+$0x0], $0xffff  }
0x112: {  	v31 =	vor.u32 v54, v2;
	v24 =	vor.u32 v54, v0;
	v54 =	vor.u32 v36, v0;
	v52 =	vld [tilespmem:$0x1FBF0]  }
0x113: {  	v28 =	vld.idx.msk [tilespmem:v28+s25+$0x0], $0xffff  }
0x114: {  	v63 =	vor.u32 v61, v2;
	v12 =	vld.idx.msk [tilespmem:v12+s25+$0x0], $0xffff  }
0x115: {  	v4 =	vadd.f32 v19, v4;
	v19 =	vld.idx.msk [tilespmem:v29+s21+$0x0], $0xffff  }
0x116: {  	v29 =	vor.u32 v36, v3;
	v36 =	vld [tilespmem:$0x1FBE0]  }
0x117: {  	v1 =	vadd.f32 v25, v1;
	v25 =	vld.idx.msk [tilespmem:v54+s25+$0x0], $0xffff;
	v54 =	vor.u32 v52, v2;
	_ =	sdelay $0x1  }
0x118: {  	v34 =	vor.u32 v61, v0;
	v14 =	vld.idx.msk [tilespmem:v63+s23+$0x0], $0xffff  }
0x119: {  	v9 =	vmul.f32 v9, v6;
	v4 =	vadd.f32 v22, v4;
	v22 =	vld.idx.msk [tilespmem:v30+s21+$0x0], $0xffff  }
0x11a: {  	v6 =	vmul.f32 v28, v6;
	v17 =	vmul.f32 v17, v10;
	v28 =	vld.idx.msk [tilespmem:v31+s23+$0x0], $0xffff  }
0x11b: {  	v10 =	vmul.f32 v12, v10;
	v1 =	vadd.f32 v9, v1;
	v30 =	vor.u32 v36, v3;
	v12 =	vld.idx.msk [tilespmem:v54+s23+$0x0], $0xffff  }
0x11c: {  	v31 =	vor.u32 v36, v2;
	v9 =	vor.u32 v36, v0;
	v36 =	vor.u32 v52, v0;
	v54 =	vld [tilespmem:$0x1FC10]  }
0x11d: {  	v8 =	vld.idx.msk [tilespmem:v34+s25+$0x0], $0xffff  }
0x11e: {  	v18 =	vld.idx.msk [tilespmem:v18+s25+$0x0], $0xffff  }
0x11f: {  	v4 =	vadd.f32 v6, v4;
	v6 =	vld.idx.msk [tilespmem:v29+s21+$0x0], $0xffff  }
0x120: {  	v29 =	vor.u32 v52, v3;
	v52 =	vld [tilespmem:$0x1FC00]  }
0x121: {  	v1 =	vadd.f32 v11, v1;
	v11 =	vld.idx.msk [tilespmem:v36+s25+$0x0], $0xffff;
	v36 =	vor.u32 v54, v2;
	_ =	sdelay $0x1  }
0x122: {  	v32 =	vor.u32 v42, v2  }
0x123: {  	v14 =	vmul.f32 v14, v7;
	v4 =	vadd.f32 v5, v4;
	v5 =	vld.idx.msk [tilespmem:v30+s21+$0x0], $0xffff  }
0x124: {  	v7 =	vmul.f32 v8, v7;
	v23 =	vmul.f32 v23, v16;
	v8 =	vld.idx.msk [tilespmem:v31+s23+$0x0], $0xffff  }
0x125: {  	v16 =	vmul.f32 v18, v16;
	v1 =	vadd.f32 v14, v1;
	v30 =	vor.u32 v52, v3;
	v18 =	vld.idx.msk [tilespmem:v36+s23+$0x0], $0xffff  }
0x126: {  	v31 =	vor.u32 v52, v2;
	v14 =	vor.u32 v52, v0;
	v52 =	vor.u32 v54, v0;
	v36 =	vld [tilespmem:$0x1FC50]  }
0x127: {  	v20 =	vld.idx.msk [tilespmem:v32+s23+$0x0], $0xffff  }
0x128: {  	v24 =	vld.idx.msk [tilespmem:v24+s25+$0x0], $0xffff  }
0x129: {  	v4 =	vadd.f32 v7, v4;
	v7 =	vld.idx.msk [tilespmem:v29+s21+$0x0], $0xffff  }
0x12a: {  	v29 =	vor.u32 v54, v3;
	v54 =	vld [tilespmem:$0x1FC20]  }
0x12b: {  	v1 =	vadd.f32 v17, v1;
	v17 =	vld.idx.msk [tilespmem:v52+s25+$0x0], $0xffff;
	v52 =	vor.u32 v36, v2  }
0x12c: {  	v4 =	vadd.f32 v10, v4;
	v20 =	vmul.f32 v20, v13;
	v13 =	vmul.f32 v15, v13  }
0x12d: {  	v10 =	vld.idx.msk [tilespmem:v30+s21+$0x0], $0xffff  }
0x12e: {  	v4 =	vadd.f32 v13, v4;
	v1 =	vadd.f32 v20, v1;
	v28 =	vmul.f32 v28, v22;
	v15 =	vld.idx.msk [tilespmem:v31+s23+$0x0], $0xffff  }
0x12f: {  	v22 =	vmul.f32 v24, v22;
	v30 =	vor.u32 v54, v3;
	v13 =	vld.idx.msk [tilespmem:v29+s21+$0x0], $0xffff;
	v29 =	vor.u32 v36, v3  }
0x130: {  	v31 =	vor.u32 v54, v2;
	v20 =	vor.u32 v54, v0;
	v54 =	vor.u32 v36, v0;
	v24 =	vld.idx.msk [tilespmem:v52+s23+$0x0], $0xffff  }
0x131: {  	v26 =	vmul.f32 v26, v19;
	v1 =	vadd.f32 v23, v1;
	v52 =	vld [tilespmem:$0x1FD70]  }
0x132: {  	v4 =	vadd.f32 v16, v4;
	v19 =	vmul.f32 v21, v19;
	v9 =	vld.idx.msk [tilespmem:v9+s25+$0x0], $0xffff  }
0x133: {  	v1 =	vadd.f32 v26, v1;
	v36 =	vld [tilespmem:$0x1FC60]  }
0x134: {  	v4 =	vadd.f32 v19, v4;
	v19 =	vld.idx.msk [tilespmem:v29+s21+$0x0], $0xffff  }
0x135: {  	v1 =	vadd.f32 v28, v1;
	v23 =	vld.idx.msk [tilespmem:v54+s25+$0x0], $0xffff  }
0x136: {  	v29 =	vor.u32 v52, v3;
	v54 =	vor.u32 v52, v2;
	v28 =	vor.u32 v52, v0;
	v52 =	vld [tilespmem:$0x1FD90]  }
0x137: {  	v14 =	vld.idx.msk [tilespmem:v14+s25+$0x0], $0xffff  }
0x138: {  	v16 =	vld.idx.msk [tilespmem:v30+s21+$0x0], $0xffff  }
0x139: {  	v21 =	vld.idx.msk [tilespmem:v31+s23+$0x0], $0xffff;
	v30 =	vor.u32 v36, v3  }
0x13a: {  	v31 =	vor.u32 v36, v2;
	v26 =	vor.u32 v36, v0;
	v36 =	vld [tilespmem:$0x1FD80]  }
0x13b: {  	v8 =	vmul.f32 v8, v5;
	v5 =	vmul.f32 v9, v5;
	v9 =	vld.idx.msk [tilespmem:v54+s23+$0x0], $0xffff;
	v54 =	vor.u32 v52, v2;
	_ =	sdelay $0x1  }
0x13c: {  	v27 =	vmul.f32 v27, v6  }
0x13d: {  	v4 =	vadd.f32 v22, v4;
	v22 =	vld.idx.msk [tilespmem:v30+s21+$0x0], $0xffff  }
0x13e: {  	v6 =	vmul.f32 v25, v6;
	v1 =	vadd.f32 v27, v1;
	v25 =	vld.idx.msk [tilespmem:v31+s23+$0x0], $0xffff  }
0x13f: {  	v15 =	vmul.f32 v15, v10;
	v10 =	vmul.f32 v14, v10;
	v30 =	vor.u32 v36, v3;
	v14 =	vld.idx.msk [tilespmem:v54+s23+$0x0], $0xffff  }
0x140: {  	v31 =	vor.u32 v36, v2;
	v27 =	vor.u32 v36, v0;
	v36 =	vor.u32 v52, v0;
	v54 =	vld [tilespmem:$0x1FDB0];
	_ =	sdelay $0x1  }
0x141: {  	v20 =	vld.idx.msk [tilespmem:v20+s25+$0x0], $0xffff  }
0x142: {  	v4 =	vadd.f32 v6, v4;
	v6 =	vld.idx.msk [tilespmem:v29+s21+$0x0], $0xffff  }
0x143: {  	v29 =	vor.u32 v52, v3;
	v52 =	vld [tilespmem:$0x1FDA0]  }
0x144: {  	v1 =	vadd.f32 v8, v1;
	v8 =	vld.idx.msk [tilespmem:v36+s25+$0x0], $0xffff;
	v36 =	vor.u32 v54, v2;
	_ =	sdelay $0x1  }
0x145: {  	v12 =	vmul.f32 v12, v7  }
0x146: {  	v4 =	vadd.f32 v5, v4;
	v5 =	vld.idx.msk [tilespmem:v30+s21+$0x0], $0xffff  }
0x147: {  	v7 =	vmul.f32 v11, v7;
	v1 =	vadd.f32 v12, v1;
	v11 =	vld.idx.msk [tilespmem:v31+s23+$0x0], $0xffff  }
0x148: {  	v21 =	vmul.f32 v21, v16;
	v16 =	vmul.f32 v20, v16;
	v30 =	vor.u32 v52, v3;
	v20 =	vld.idx.msk [tilespmem:v36+s23+$0x0], $0xffff  }
0x149: {  	v31 =	vor.u32 v52, v2;
	v12 =	vor.u32 v52, v0;
	v52 =	vor.u32 v54, v0;
	v36 =	vld [tilespmem:$0x1FDD0]  }
0x14a: {  	v34 =	vld [tilespmem:$0x1FCA0]  }
0x14b: {  	v4 =	vadd.f32 v7, v4;
	v7 =	vld.idx.msk [tilespmem:v29+s21+$0x0], $0xffff  }
0x14c: {  	v29 =	vor.u32 v54, v3;
	v54 =	vld [tilespmem:$0x1FDC0]  }
0x14d: {  	v26 =	vld.idx.msk [tilespmem:v26+s25+$0x0], $0xffff  }
0x14e: {  	v1 =	vadd.f32 v15, v1;
	v18 =	vmul.f32 v18, v13;
	v15 =	vld.idx.msk [tilespmem:v52+s25+$0x0], $0xffff;
	v52 =	vor.u32 v36, v2  }
0x14f: {  	v4 =	vadd.f32 v10, v4;
	v13 =	vmul.f32 v17, v13;
	v10 =	vld.idx.msk [tilespmem:v30+s21+$0x0], $0xffff  }
0x150: {  	v1 =	vadd.f32 v18, v1;
	v17 =	vld.idx.msk [tilespmem:v31+s23+$0x0], $0xffff  }
0x151: {  	v4 =	vadd.f32 v13, v4;
	v30 =	vor.u32 v54, v3;
	v31 =	vor.u32 v54, v2;
	v13 =	vld.idx.msk [tilespmem:v29+s21+$0x0], $0xffff  }
0x152: {  	v18 =	vor.u32 v54, v0;
	v29 =	vor.u32 v36, v3;
	v54 =	vor.u32 v36, v0;
	v36 =	vld [tilespmem:$0x1FDE0]  }
0x153: {  	v25 =	vmul.f32 v25, v22;
	v22 =	vmul.f32 v26, v22;
	v26 =	vld.idx.msk [tilespmem:v52+s23+$0x0], $0xffff  }
0x154: {  	v52 =	vld [tilespmem:$0x1FDF0]  }
0x155: {  	v28 =	vld.idx.msk [tilespmem:v28+s25+$0x0], $0xffff  }
0x156: {  	v27 =	vld.idx.msk [tilespmem:v27+s25+$0x0], $0xffff  }
0x157: {  	v1 =	vadd.f32 v21, v1;
	v4 =	vadd.f32 v16, v4;
	v16 =	vld.idx.msk [tilespmem:v30+s21+$0x0], $0xffff  }
0x158: {  	v24 =	vmul.f32 v24, v19;
	v19 =	vmul.f32 v23, v19;
	v23 =	vld.idx.msk [tilespmem:v31+s23+$0x0], $0xffff;
	v30 =	vor.u32 v36, v3  }
0x159: {  	v21 =	vld.idx.msk [tilespmem:v54+s25+$0x0], $0xffff;
	v54 =	vor.u32 v52, v2  }
0x15a: {  	v1 =	vadd.f32 v24, v1;
	v4 =	vadd.f32 v19, v4;
	v31 =	vor.u32 v36, v2;
	v19 =	vld.idx.msk [tilespmem:v29+s21+$0x0], $0xffff  }
0x15b: {  	v24 =	vor.u32 v36, v0;
	v29 =	vor.u32 v52, v3;
	v36 =	vor.u32 v52, v0;
	v52 =	vld [tilespmem:$0x1FE00]  }
0x15c: {  	v1 =	vadd.f32 v25, v1;
	v9 =	vmul.f32 v9, v6;
	v12 =	vld.idx.msk [tilespmem:v12+s25+$0x0], $0xffff  }
0x15d: {  	v4 =	vadd.f32 v22, v4;
	v22 =	vld.idx.msk [tilespmem:v30+s21+$0x0], $0xffff  }
0x15e: {  	v11 =	vmul.f32 v11, v5;
	v5 =	vmul.f32 v27, v5;
	v1 =	vadd.f32 v9, v1;
	v27 =	vld.idx.msk [tilespmem:v54+s23+$0x0], $0xffff  }
0x15f: {  	v6 =	vmul.f32 v28, v6;
	v54 =	vld [tilespmem:$0x1FC70]  }
0x160: {  	v1 =	vadd.f32 v11, v1;
	v14 =	vmul.f32 v14, v7;
	v28 =	vld.idx.msk [tilespmem:v31+s23+$0x0], $0xffff;
	v30 =	vor.u32 v52, v3  }
0x161: {  	v4 =	vadd.f32 v6, v4;
	v31 =	vor.u32 v52, v2;
	v6 =	vld.idx.msk [tilespmem:v29+s21+$0x0], $0xffff  }
0x162: {  	v1 =	vadd.f32 v14, v1;
	v9 =	vor.u32 v52, v0;
	v25 =	vld.idx.msk [tilespmem:v36+s25+$0x0], $0xffff;
	v52 =	vmul.f32 v17, v10  }
0x163: {  	v36 =	vld [tilespmem:$0x1FD30]  }
0x164: {  	v1 =	vadd.f32 v52, v1;
	v52 =	vld [tilespmem:$0x1FC40];
	v29 =	vor.u32 v54, v3  }
0x165: {  	v4 =	vadd.f32 v5, v4;
	v32 =	vor.u32 v54, v2;
	v5 =	vld.idx.msk [tilespmem:v30+s21+$0x0], $0xffff  }
0x166: {  	v30 =	vld.idx.msk [tilespmem:v31+s23+$0x0], $0xffff  }
0x167: {  	v11 =	vor.u32 v54, v0;
	v54 =	vld [tilespmem:$0x1FD20]  }
0x168: {  	v7 =	vmul.f32 v8, v7;
	v8 =	vld.idx.msk [tilespmem:v9+s25+$0x0], $0xffff  }
0x169: {  	v31 =	vor.u32 v34, v3;
	v17 =	vld.idx.msk [tilespmem:v29+s21+$0x0], $0xffff  }
0x16a: {  	v9 =	vor.u32 v34, v2;
	v29 =	vor.u32 v34, v0;
	v34 =	vmul.f32 v12, v10;
	v10 =	vld.idx.msk [tilespmem:v32+s23+$0x0], $0xffff  }
0x16b: {  	v63 =	vmovc v62;
	v62 =	vmov v61;
	v61 =	vmov v60;
	v60 =	vmov v59;
	v32 =	vld [tilespmem:$0x1FC30]  }
0x16c: {  	v59 =	vmovc v58;
	v58 =	vmovc v57;
	v57 =	vmov v56;
	v56 =	vmov v53;
	v53 =	vmov v51  }
0x16d: {  	v51 =	vmovc v49;
	v49 =	vmovc v48;
	v48 =	vmov v43;
	v43 =	vmov v33;
	v33 =	vsel vm0, v36, v54;
	v36 =	vld [tilespmem:$0x1FD10];
	_ =	sdelay $0x2  }
0x16e: {  	v32 =	vsel vm0, v52, v32;
	v52 =	vld [tilespmem:$0x1FCD0];
	_ =	sdelay $0x1  }
0x16f: {  	v36 =	vcombine.low v36, v33;
	_ =	sdelay $0x1  }
0x170: {  	v4 =	vadd.f32 v7, v4;
	v7 =	vmul.f32 v20, v13;
	v20 =	vld.idx.msk [tilespmem:v31+s21+$0x0], $0xffff;
	v12 =	vor.u32 v36, v3  }
0x171: {  	v14 =	vor.u32 v36, v2;
	[tilespmem:$0x1FB50] =	vst v36;
	v31 =	vor.u32 v36, v0;
	v36 =	vcombine.low v32, v52;
	v32 =	vld [tilespmem:$0x1FC80]  }
0x172: {  	v52 =	vld [tilespmem:$0x1FC90];
	_ =	sdelay $0x4  }
0x173: {  	v32 =	vsel vm0, v52, v32;
	v52 =	vld [tilespmem:$0x1FCE0];
	_ =	sdelay $0x2  }
0x174: {  	v4 =	vadd.f32 v34, v4;
	v34 =	vld [tilespmem:$0x1FCC0]  }
0x175: {  	v18 =	vld.idx.msk [tilespmem:v18+s25+$0x0], $0xffff  }
0x176: {  	v13 =	vmul.f32 v15, v13;
	v52 =	vcombine.low v32, v52;
	v32 =	vld [tilespmem:$0x1FD00];
	_ =	sdelay $0x1  }
0x177: {  	v1 =	vadd.f32 v7, v1;
	v4 =	vadd.f32 v13, v4;
	v13 =	vmul.f32 v23, v16  }
0x178: {  	v7 =	vld.idx.msk [tilespmem:v29+s25+$0x0], $0xffff;
	v29 =	vor.u32 v34, v2  }
0x179: {  	v16 =	vmul.f32 v18, v16;
	v1 =	vadd.f32 v13, v1;
	v18 =	vor.u32 v36, v3;
	v13 =	vld.idx.msk [tilespmem:v31+s25+$0x0], $0xffff  }
0x17a: {  	v31 =	vor.u32 v36, v2;
	v32 =	vsel vm0, v54, v32;
	v54 =	vld [tilespmem:$0x1FD40];
	_ =	sdelay $0x1  }
0x17b: {  	v4 =	vadd.f32 v16, v4;
	v16 =	vmul.f32 v26, v19  }
0x17c: {  	v19 =	vmul.f32 v21, v19;
	v21 =	vld.idx.msk [tilespmem:v29+s23+$0x0], $0xffff  }
0x17d: {  	v15 =	vor.u32 v34, v3;
	v1 =	vadd.f32 v16, v1;
	v16 =	vld.idx.msk [tilespmem:v18+s21+$0x0], $0xffff  }
0x17e: {  	v4 =	vadd.f32 v19, v4;
	v19 =	vmul.f32 v28, v22;
	v28 =	vld.idx.msk [tilespmem:v31+s23+$0x0], $0xffff;
	v32 =	vcombine.low v32, v54  }
0x17f: {  	v23 =	vor.u32 v34, v0;
	v31 =	vld [tilespmem:$0x1FCF0];
	v29 =	vor.u32 v52, v3;
	v34 =	vor.u32 v52, v2  }
0x180: {  	[tilespmem:$0x1FB60] =	vst v52;
	v18 =	vor.u32 v52, v0;
	v52 =	vmov v32;
	v54 =	vor.u32 v32, v3;
	v32 =	vld [tilespmem:$0x1FCB0];
	_ =	sdelay $0x3  }
0x181: {  	v24 =	vld.idx.msk [tilespmem:v24+s25+$0x0], $0xffff  }
0x182: {  	v32 =	vsel vm0, v31, v32;
	v31 =	vld [tilespmem:$0x1FD50]  }
0x183: {  	v11 =	vld.idx.msk [tilespmem:v11+s25+$0x0], $0xffff  }
0x184: {  	v9 =	vld.idx.msk [tilespmem:v9+s23+$0x0], $0xffff;
	v26 =	vor.u32 v36, v0  }
0x185: {  	v12 =	vld.idx.msk [tilespmem:v12+s21+$0x0], $0xffff  }
0x186: {  	v14 =	vld.idx.msk [tilespmem:v14+s23+$0x0], $0xffff  }
0x187: {  	v1 =	vadd.f32 v19, v1;
	v19 =	vmul.f32 v27, v6;
	v15 =	vld.idx.msk [tilespmem:v15+s21+$0x0], $0xffff;
	v31 =	vcombine.low v32, v31  }
0x188: {  	v22 =	vmul.f32 v24, v22;
	v23 =	vld.idx.msk [tilespmem:v23+s25+$0x0], $0xffff  }
0x189: {  	v1 =	vadd.f32 v19, v1;
	v19 =	vmul.f32 v30, v5;
	v24 =	vld.idx.msk [tilespmem:v26+s25+$0x0], $0xffff;
	v30 =	vor.u32 v31, v2  }
0x18a: {  	v4 =	vadd.f32 v22, v4;
	v6 =	vmul.f32 v25, v6;
	v27 =	vld.idx.msk [tilespmem:v29+s21+$0x0], $0xffff  }
0x18b: {  	v22 =	vld.idx.msk [tilespmem:v34+s23+$0x0], $0xffff  }
0x18c: {  	v4 =	vadd.f32 v6, v4;
	v5 =	vmul.f32 v8, v5;
	v26 =	vor.u32 v52, v2;
	v32 =	vld [tilespmem:$0x1FEC0]  }
0x18d: {  	v10 =	vmul.f32 v10, v17;
	v34 =	vld [tilespmem:$0x1FED0];
	v29 =	vor.u32 v52, v0  }
0x18e: {  	v1 =	vadd.f32 v19, v1;
	v4 =	vadd.f32 v5, v4;
	v5 =	vmul.f32 v9, v20;
	v9 =	vld.idx.msk [tilespmem:v30+s23+$0x0], $0xffff  }
0x18f: {  	v30 =	vld [tilespmem:$0x1FD60]  }
0x190: {  	v1 =	vadd.f32 v10, v1;
	v6 =	vld.idx.msk [tilespmem:v54+s21+$0x0], $0xffff;
	v25 =	vor.u32 v31, v3  }
0x191: {  	v7 =	vmul.f32 v7, v20;
	v54 =	vmul.f32 v11, v17;
	v19 =	vld.idx.msk [tilespmem:v26+s23+$0x0], $0xffff;
	v26 =	vor.u32 v32, v3  }
0x192: {  	v1 =	vadd.f32 v5, v1;
	v20 =	vor.u32 v34, v2;
	v11 =	vld.idx.msk [tilespmem:v29+s25+$0x0], $0xffff;
	v29 =	vor.u32 v34, v3  }
0x193: {  	v4 =	vadd.f32 v54, v4;
	v8 =	vor.u32 v31, v0;
	v17 =	vor.u32 v32, v2  }
0x194: {  	v18 =	vld.idx.msk [tilespmem:v18+s25+$0x0], $0xffff;
	v30 =	vcombine.low v33, v30;
	v33 =	vmovc v43;
	v43 =	vmovc v48;
	v48 =	vmov v49;
	v49 =	vmov v51  }
0x195: {  	v10 =	vld.idx.msk [tilespmem:v25+s21+$0x0], $0xffff;
	v51 =	vmovc v53;
	v53 =	vmovc v56;
	v56 =	vmov v57;
	v57 =	vmov v58;
	v58 =	vmov v59  }
0x196: {  	v59 =	vmovc v60;
	v60 =	vmovc v61;
	v61 =	vmov v62;
	v62 =	vmov v63;
	v63 =	vmul.f32 v14, v12;
	v14 =	vld.idx.msk [tilespmem:v26+s21+$0x0], $0xffff  }
0x197: {  	v54 =	vmul.f32 v23, v15;
	v26 =	vor.u32 v34, v0;
	v34 =	vmul.f32 v21, v15;
	v15 =	vld.idx.msk [tilespmem:v29+s21+$0x0], $0xffff  }
0x198: {  	v25 =	vor.u32 v32, v0;
	v29 =	vld [tilespmem:$0x1FEE0];
	v1 =	vadd.f32 v63, v1  }
0x199: {  	v20 =	vld.idx.msk [tilespmem:v20+s23+$0x0], $0xffff;
	v4 =	vadd.f32 v7, v4;
	v32 =	vmul.f32 v13, v12  }
0x19a: {  	v8 =	vld.idx.msk [tilespmem:v8+s25+$0x0], $0xffff;
	v21 =	vor.u32 v30, v2;
	v63 =	vmul.f32 v28, v16;
	v1 =	vadd.f32 v34, v1  }
0x19b: {  	v4 =	vadd.f32 v32, v4;
	v12 =	vld.idx.msk [tilespmem:v17+s23+$0x0], $0xffff  }
0x19c: {  	v32 =	vmul.f32 v24, v16;
	v23 =	vor.u32 v30, v0;
	v1 =	vadd.f32 v63, v1;
	v63 =	vld [tilespmem:$0x1FEF0]  }
0x19d: {  	v4 =	vadd.f32 v54, v4;
	v17 =	vld.idx.msk [tilespmem:v25+s25+$0x0], $0xffff;
	v34 =	vmul.f32 v22, v27;
	v22 =	vor.u32 v29, v0  }
0x19e: {  	v16 =	vld.idx.msk [tilespmem:v26+s25+$0x0], $0xffff  }
0x19f: {  	v54 =	vmul.f32 v18, v27;
	v4 =	vadd.f32 v32, v4;
	v13 =	vor.u32 v30, v3;
	v18 =	vld.idx.msk [tilespmem:v21+s23+$0x0], $0xffff  }
0x1a0: {  	v32 =	vmul.f32 v19, v6;
	v24 =	vor.u32 v29, v2;
	v1 =	vadd.f32 v34, v1;
	v34 =	vld [tilespmem:$0x1FF00]  }
0x1a1: {  	v6 =	vmul.f32 v11, v6;
	v25 =	vor.u32 v29, v3;
	v19 =	vld.idx.msk [tilespmem:v23+s25+$0x0], $0xffff;
	v21 =	vor.u32 v63, v3  }
0x1a2: {  	v23 =	vor.u32 v63, v2;
	v11 =	vor.u32 v63, v0;
	v63 =	vmul.f32 v8, v10;
	v8 =	vld.idx.msk [tilespmem:v22+s25+$0x0], $0xffff  }
0x1a3: {  	v22 =	vld [tilespmem:$0x1FF10]  }
0x1a4: {  	v4 =	vadd.f32 v54, v4;
	v13 =	vld.idx.msk [tilespmem:v13+s21+$0x0], $0xffff  }
0x1a5: {  	v54 =	vmul.f32 v9, v10;
	v1 =	vadd.f32 v32, v1;
	v9 =	vld.idx.msk [tilespmem:v24+s23+$0x0], $0xffff;
	v24 =	vor.u32 v34, v3  }
0x1a6: {  	v4 =	vadd.f32 v6, v4;
	v7 =	vld.idx.msk [tilespmem:v25+s21+$0x0], $0xffff;
	v10 =	vor.u32 v34, v2  }
0x1a7: {  	v26 =	vmul.f32 v12, v14;
	v1 =	vadd.f32 v54, v1;
	v27 =	vor.u32 v34, v0;
	v12 =	vld.idx.msk [tilespmem:v21+s21+$0x0], $0xffff  }
0x1a8: {  	v32 =	vmul.f32 v17, v14;
	v4 =	vadd.f32 v63, v4;
	v34 =	vld.idx.msk [tilespmem:v23+s23+$0x0], $0xffff;
	v3 =	vor.u32 v22, v3  }
0x1a9: {  	v54 =	vmul.f32 v20, v15;
	v1 =	vadd.f32 v26, v1;
	v11 =	vld.idx.msk [tilespmem:v11+s25+$0x0], $0xffff;
	v2 =	vor.u32 v22, v2  }
0x1aa: {  	v63 =	vmul.f32 v16, v15;
	v4 =	vadd.f32 v32, v4;
	v0 =	vor.u32 v22, v0;
	v20 =	vld.idx.msk [tilespmem:v24+s21+$0x0], $0xffff  }
0x1ab: {  	v1 =	vadd.f32 v54, v1;
	v23 =	vmul.f32 v18, v13;
	v10 =	vld.idx.msk [tilespmem:v10+s23+$0x0], $0xffff  }
0x1ac: {  	v4 =	vadd.f32 v63, v4;
	v24 =	vmul.f32 v19, v13;
	v25 =	vld.idx.msk [tilespmem:v27+s25+$0x0], $0xffff  }
0x1ad: {  	v26 =	vmul.f32 v9, v7;
	v1 =	vadd.f32 v23, v1;
	v3 =	vld.idx.msk [tilespmem:v3+s21+$0x0], $0xffff  }
0x1ae: {  	v27 =	vmul.f32 v8, v7;
	v4 =	vadd.f32 v24, v4;
	v2 =	vld.idx.msk [tilespmem:v2+s23+$0x0], $0xffff  }
0x1af: {  	v1 =	vadd.f32 v26, v1;
	v32 =	vmul.f32 v34, v12;
	v0 =	vld.idx.msk [tilespmem:v0+s25+$0x0], $0xffff  }
0x1b0: {  	v34 =	vmul.f32 v11, v12;
	v4 =	vadd.f32 v27, v4  }
0x1b1: {  	v1 =	vadd.f32 v32, v1;
	v54 =	vmul.f32 v10, v20  }
0x1b2: {  	v63 =	vmul.f32 v25, v20;
	v4 =	vadd.f32 v34, v4  }
0x1b3: {  	p0 =	sne.s32 s0, $0x3C0;
	v1 =	vadd.f32 v54, v1;
	v2 =	vmul.f32 v2, v3  }
.Ltmp0:
0x1b4: {  	v4 =	vadd.f32 v63, v4;
	v0 =	vmul.f32 v0, v3;
	(pc) =	sbr.rel @p0 .LBB2_2-.Ltmp0, $4  }
0x1b5: {  	v1 =	vadd.f32 v2, v1  }
0x1b6: {  	v0 =	vadd.f32 v0, v4  }
0x1b7: {  	[tilespmem:s4+$0x18F00] =	vst v1  }
0x1b8: {  	s31 =	sadd.s32 $0x10, s31;
	s0 =	sadd.s32 $0x40, s0;
	[tilespmem:s4+$0x19100] =	vst v0  }
0x1b9: {  	v0 =	vld [tilespmem:$0x100]  }
0x1ba: {  	v1 =	vld [tilespmem:$0x300]  }
0x1bb: {  	v2 =	vld [tilespmem:$0x500]  }
0x1bc: {  	v3 =	vld [tilespmem:$0x110]  }
0x1bd: {  	v4 =	vld [tilespmem:$0x310]  }
0x1be: {  	v5 =	vld [tilespmem:$0x510];
	v0 =	vshrl.u32 v0, $0x1  }
0x1bf: {  	v56 =	vld [tilespmem:$0x120];
	v54 =	vshrl.u32 v1, $0x1;
	[tilespmem:$0x600] =	vst v0  }
0x1c0: {  	v58 =	vld [tilespmem:$0x320];
	v57 =	vshrl.u32 v2, $0x1;
	[tilespmem:$0x700] =	vst v54  }
0x1c1: {  	v60 =	vld [tilespmem:$0x520];
	v59 =	vshrl.u32 v3, $0x1;
	[tilespmem:$0x800] =	vst v57  }
0x1c2: {  	v62 =	vld [tilespmem:$0x130];
	v61 =	vshrl.u32 v4, $0x1;
	[tilespmem:$0x610] =	vst v59  }
0x1c3: {  	v8 =	vld [tilespmem:$0x330];
	v63 =	vshrl.u32 v5, $0x1;
	[tilespmem:$0x710] =	vst v61  }
0x1c4: {  	v10 =	vld [tilespmem:$0x530];
	v9 =	vshrl.u32 v56, $0x1;
	[tilespmem:$0x810] =	vst v63  }
0x1c5: {  	v12 =	vld [tilespmem:$0x140];
	v11 =	vshrl.u32 v58, $0x1;
	[tilespmem:$0x620] =	vst v9  }
0x1c6: {  	v14 =	vld [tilespmem:$0x340];
	v13 =	vshrl.u32 v60, $0x1;
	[tilespmem:$0x720] =	vst v11  }
0x1c7: {  	v16 =	vld [tilespmem:$0x540];
	v15 =	vshrl.u32 v62, $0x1;
	[tilespmem:$0x820] =	vst v13  }
0x1c8: {  	v18 =	vld [tilespmem:$0x150];
	v17 =	vshrl.u32 v8, $0x1;
	[tilespmem:$0x630] =	vst v15  }
0x1c9: {  	v20 =	vld [tilespmem:$0x350];
	v19 =	vshrl.u32 v10, $0x1;
	[tilespmem:$0x730] =	vst v17  }
0x1ca: {  	v22 =	vld [tilespmem:$0x550];
	v21 =	vshrl.u32 v12, $0x1;
	[tilespmem:$0x830] =	vst v19  }
0x1cb: {  	v24 =	vld [tilespmem:$0x160];
	v23 =	vshrl.u32 v14, $0x1;
	[tilespmem:$0x640] =	vst v21  }
0x1cc: {  	v26 =	vld [tilespmem:$0x360];
	v25 =	vshrl.u32 v16, $0x1;
	[tilespmem:$0x740] =	vst v23  }
0x1cd: {  	v28 =	vld [tilespmem:$0x560];
	v27 =	vshrl.u32 v18, $0x1;
	[tilespmem:$0x840] =	vst v25  }
0x1ce: {  	v32 =	vld [tilespmem:$0x170];
	v29 =	vshrl.u32 v20, $0x1;
	[tilespmem:$0x650] =	vst v27  }
0x1cf: {  	v34 =	vld [tilespmem:$0x370];
	v33 =	vshrl.u32 v22, $0x1;
	[tilespmem:$0x750] =	vst v29  }
0x1d0: {  	v43 =	vld [tilespmem:$0x570];
	v42 =	vshrl.u32 v24, $0x1;
	[tilespmem:$0x850] =	vst v33  }
0x1d1: {  	v49 =	vld [tilespmem:$0x180];
	v48 =	vshrl.u32 v26, $0x1;
	[tilespmem:$0x660] =	vst v42  }
0x1d2: {  	v53 =	vld [tilespmem:$0x380];
	v51 =	vshrl.u32 v28, $0x1;
	[tilespmem:$0x760] =	vst v48  }
0x1d3: {  	v56 =	vld [tilespmem:$0x580];
	[tilespmem:$0x860] =	vst v51;
	v54 =	vshrl.u32 v32, $0x1  }
0x1d4: {  	v58 =	vld [tilespmem:$0x190];
	v57 =	vshrl.u32 v34, $0x1;
	[tilespmem:$0x670] =	vst v54  }
0x1d5: {  	v60 =	vld [tilespmem:$0x390];
	v59 =	vshrl.u32 v43, $0x1;
	[tilespmem:$0x770] =	vst v57  }
0x1d6: {  	v62 =	vld [tilespmem:$0x590];
	v61 =	vshrl.u32 v49, $0x1;
	[tilespmem:$0x870] =	vst v59  }
0x1d7: {  	v8 =	vld [tilespmem:$0x1A0];
	v63 =	vshrl.u32 v53, $0x1;
	[tilespmem:$0x680] =	vst v61  }
0x1d8: {  	v10 =	vld [tilespmem:$0x3A0];
	[tilespmem:$0x780] =	vst v63;
	v9 =	vshrl.u32 v56, $0x1  }
0x1d9: {  	v12 =	vld [tilespmem:$0x5A0];
	v11 =	vshrl.u32 v58, $0x1;
	[tilespmem:$0x880] =	vst v9  }
0x1da: {  	v14 =	vld [tilespmem:$0x1B0];
	v13 =	vshrl.u32 v60, $0x1;
	[tilespmem:$0x690] =	vst v11  }
0x1db: {  	v16 =	vld [tilespmem:$0x3B0];
	v15 =	vshrl.u32 v62, $0x1;
	[tilespmem:$0x790] =	vst v13  }
0x1dc: {  	v18 =	vld [tilespmem:$0x5B0];
	v17 =	vshrl.u32 v8, $0x1;
	[tilespmem:$0x890] =	vst v15  }
0x1dd: {  	v20 =	vld [tilespmem:$0x1C0];
	v19 =	vshrl.u32 v10, $0x1;
	[tilespmem:$0x6A0] =	vst v17  }
0x1de: {  	v22 =	vld [tilespmem:$0x3C0];
	v21 =	vshrl.u32 v12, $0x1;
	[tilespmem:$0x7A0] =	vst v19  }
0x1df: {  	v24 =	vld [tilespmem:$0x5C0];
	v23 =	vshrl.u32 v14, $0x1;
	[tilespmem:$0x8A0] =	vst v21  }
0x1e0: {  	v26 =	vld [tilespmem:$0x1D0];
	v25 =	vshrl.u32 v16, $0x1;
	[tilespmem:$0x6B0] =	vst v23  }
0x1e1: {  	v28 =	vld [tilespmem:$0x3D0];
	v27 =	vshrl.u32 v18, $0x1;
	[tilespmem:$0x7B0] =	vst v25  }
0x1e2: {  	v32 =	vld [tilespmem:$0x5D0];
	v29 =	vshrl.u32 v20, $0x1;
	[tilespmem:$0x8B0] =	vst v27  }
0x1e3: {  	v34 =	vld [tilespmem:$0x1E0];
	v33 =	vshrl.u32 v22, $0x1;
	[tilespmem:$0x6C0] =	vst v29  }
0x1e4: {  	v43 =	vld [tilespmem:$0x3E0];
	v42 =	vshrl.u32 v24, $0x1;
	[tilespmem:$0x7C0] =	vst v33  }
0x1e5: {  	v49 =	vld [tilespmem:$0x5E0];
	v48 =	vshrl.u32 v26, $0x1;
	[tilespmem:$0x8C0] =	vst v42  }
0x1e6: {  	v53 =	vld [tilespmem:$0x1F0];
	v51 =	vshrl.u32 v28, $0x1;
	[tilespmem:$0x6D0] =	vst v48  }
0x1e7: {  	v56 =	vld [tilespmem:$0x3F0];
	[tilespmem:$0x7D0] =	vst v51;
	v54 =	vshrl.u32 v32, $0x1  }
0x1e8: {  	v58 =	vld [tilespmem:$0x5F0];
	v57 =	vshrl.u32 v34, $0x1;
	[tilespmem:$0x8D0] =	vst v54  }
0x1e9: {  	v59 =	vshrl.u32 v43, $0x1;
	[tilespmem:$0x6E0] =	vst v57  }
0x1ea: {  	v60 =	vshrl.u32 v49, $0x1;
	[tilespmem:$0x7E0] =	vst v59  }
0x1eb: {  	v61 =	vshrl.u32 v53, $0x1;
	[tilespmem:$0x8E0] =	vst v60  }
0x1ec: {  	[tilespmem:$0x6F0] =	vst v61;
	v62 =	vshrl.u32 v56, $0x1  }
0x1ed: {  	v63 =	vshrl.u32 v58, $0x1;
	[tilespmem:$0x7F0] =	vst v62  }
0x1ee: {  	[tilespmem:$0x8F0] =	vst v63  }
0x1ef: {  	[tilespmem:s21], [sflag:$0x1] =	stream.indirect.gather [hbm4b:s2+s19], $0x80, s20, s19, $0xb8;
	[tilespmem:$0x19300] =	vst v63  }
0x1f0: {  	_ = 	snop  }
0x1f1: {  	[tilespmem:s23], [sflag:$0x1] =	stream.indirect.gather [hbm4b:s3+s19], $0x80, s22, s19, $0xb8;
	[tilespmem:$0x19300] =	vst v63  }
0x1f2: {  	_ = 	snop  }
0x1f3: {  	[tilespmem:s25], [sflag:$0x1] =	stream.indirect.gather [hbm4b:s3+s19], $0x80, s24, s19, $0xb8;
	[tilespmem:$0x19300] =	vst v63  }
0x1f4: {  	_ =	swait.ge [sflag:s26], $0x8000  }
0x1f5: {  	[sflag:s26] =	ssyncset.done $0x0  }
0x1f6: {  	[sflag:s26] =	ssyncadd.s32 $0xFFFF8000  }
0x1f7: {  	_ =	swait.ge [sflag:s26], $0x8000  }
0x1f8: {  	[sflag:s26] =	ssyncset.done $0x0  }
0x1f9: {  	[sflag:s26] =	ssyncadd.s32 $0xFFFF8000  }
0x1fa: {  	_ =	swait.ge [sflag:s26], $0x8000  }
0x1fb: {  	[tilespmem:$0x1FB20] =	vst v36  }
0x1fc: {  	[sflag:s26] =	ssyncset.done $0x0;
	[tilespmem:$0x1FB30] =	vst v31  }
0x1fd: {  	s0 =	simm.s32 $0x400;
	s4 =	simm.s32 $0x0;
	[tilespmem:$0x1FB40] =	vst v30;
	[sflag:s26] =	ssyncadd.s32 $0xFFFF8000  }
.LBB2_4:
0x1fe: {  	v4 =	vld [tilespmem:$0x1FB70];
	s31 =	sshra.s32 s0, $0x2  }
0x1ff: {  	v0 =	vld [tilespmem:s31+$0x0]  }
0x200: {  	v1 =	vld [tilespmem:s31+$0x200]  }
0x201: {  	v2 =	vld [tilespmem:s31+$0x400];
	_ =	sdelay $0x1  }
0x202: {  	v3 =	vmov s4  }
0x203: {  	v3 =	vshll.u32 v3, $0x7  }
0x204: {  	v4 =	vor.u32 v4, v3;
	v1 =	vshll.u32 v1, $0x6  }
0x205: {  	v0 =	vshll.u32 v0, $0x6;
	v2 =	vshll.u32 v2, $0x6;
	v1 =	vand.u32 $0x40, v1  }
0x206: {  	v0 =	vand.u32 $0x40, v0;
	v49 =	vand.u32 $0x40, v2;
	v2 =	vor.u32 v4, v1  }
0x207: {  	v3 =	vor.u32 v4, v0;
	v0 =	vor.u32 v4, v49;
	v1 =	vor.u32 v35, v2  }
0x208: {  	v4 =	vor.u32 v35, v0  }
0x209: {  	v51 =	vor.u32 v38, v3  }
0x20a: {  	v53 =	vor.u32 v38, v2  }
0x20b: {  	v11 =	vld [tilespmem:$0x1FF70];
	v54 =	vor.u32 v38, v0  }
0x20c: {  	v56 =	vor.u32 v39, v3;
	v20 =	vld.idx.msk [tilespmem:v1+s23+$0x0], $0xffff  }
0x20d: {  	v57 =	vor.u32 v39, v0;
	v26 =	vld.idx.msk [tilespmem:v4+s25+$0x0], $0xffff  }
0x20e: {  	v59 =	vor.u32 v40, v2;
	v21 =	vld.idx.msk [tilespmem:v51+s21+$0x0], $0xffff  }
0x20f: {  	v60 =	vor.u32 v40, v0;
	v29 =	vld.idx.msk [tilespmem:v53+s23+$0x0], $0xffff  }
0x210: {  	v61 =	vor.u32 v41, v3;
	v33 =	vld.idx.msk [tilespmem:v54+s25+$0x0], $0xffff  }
0x211: {  	v10 =	vor.u32 v39, v2;
	v63 =	vor.u32 v41, v0;
	v39 =	vld.idx.msk [tilespmem:v56+s21+$0x0], $0xffff  }
0x212: {  	v16 =	vor.u32 v44, v3;
	v42 =	vld.idx.msk [tilespmem:v57+s25+$0x0], $0xffff  }
0x213: {  	v5 =	vor.u32 v35, v3;
	v17 =	vor.u32 v44, v2;
	v35 =	vld.idx.msk [tilespmem:v59+s23+$0x0], $0xffff  }
0x214: {  	v18 =	vor.u32 v44, v0;
	v56 =	vld.idx.msk [tilespmem:v60+s25+$0x0], $0xffff  }
0x215: {  	v22 =	vor.u32 v45, v2;
	v43 =	vld.idx.msk [tilespmem:v61+s21+$0x0], $0xffff  }
0x216: {  	v23 =	vor.u32 v45, v0;
	v57 =	vld.idx.msk [tilespmem:v63+s25+$0x0], $0xffff  }
0x217: {  	v12 =	vld.idx.msk [tilespmem:v16+s21+$0x0], $0xffff  }
0x218: {  	v24 =	vor.u32 v46, v3;
	v38 =	vld.idx.msk [tilespmem:v17+s23+$0x0], $0xffff  }
0x219: {  	v25 =	vor.u32 v46, v2;
	v48 =	vld.idx.msk [tilespmem:v18+s25+$0x0], $0xffff  }
0x21a: {  	v31 =	vor.u32 v46, v0;
	v49 =	vld.idx.msk [tilespmem:v22+s23+$0x0], $0xffff  }
0x21b: {  	v34 =	vor.u32 v47, v3;
	v63 =	vld.idx.msk [tilespmem:v23+s25+$0x0], $0xffff  }
0x21c: {  	v23 =	vld [tilespmem:$0x1FB80]  }
0x21d: {  	v51 =	vld.idx.msk [tilespmem:v24+s21+$0x0], $0xffff;
	v54 =	vor.u32 v47, v0  }
0x21e: {  	v58 =	vor.u32 v40, v3;
	v40 =	vld.idx.msk [tilespmem:v25+s23+$0x0], $0xffff;
	v16 =	vor.u32 v50, v0  }
0x21f: {  	v14 =	vor.u32 v45, v3;
	v45 =	vld.idx.msk [tilespmem:v31+s25+$0x0], $0xffff;
	v17 =	vor.u32 v55, v3  }
0x220: {  	v62 =	vor.u32 v41, v2;
	v41 =	vld.idx.msk [tilespmem:v34+s21+$0x0], $0xffff  }
0x221: {  	v34 =	vld [tilespmem:$0x1FB90];
	v25 =	vor.u32 v23, v2  }
0x222: {  	v6 =	vor.u32 v37, v3;
	v8 =	vor.u32 v37, v2;
	v61 =	vld.idx.msk [tilespmem:v54+s25+$0x0], $0xffff  }
0x223: {  	v9 =	vor.u32 v37, v0;
	v37 =	vor.u32 v47, v2;
	v54 =	vmov v52;
	v52 =	vld.idx.msk [tilespmem:v16+s25+$0x0], $0xffff  }
0x224: {  	v59 =	vor.u32 v50, v3;
	v53 =	vld.idx.msk [tilespmem:v17+s21+$0x0], $0xffff  }
0x225: {  	v18 =	vor.u32 v55, v2;
	v17 =	vld [tilespmem:$0x1FF20]  }
0x226: {  	v24 =	vor.u32 v23, v3;
	v47 =	vld.idx.msk [tilespmem:v25+s23+$0x0], $0xffff  }
0x227: {  	v16 =	vor.u32 v34, v0;
	v25 =	vld [tilespmem:$0x1FF30]  }
0x228: {  	v60 =	vld.idx.msk [tilespmem:v37+s23+$0x0], $0xffff  }
0x229: {  	v22 =	vor.u32 v55, v0;
	v37 =	vld.idx.msk [tilespmem:v59+s21+$0x0], $0xffff  }
0x22a: {  	v31 =	vor.u32 v23, v0;
	v59 =	vld.idx.msk [tilespmem:v18+s23+$0x0], $0xffff  }
0x22b: {  	v1 =	vor.u32 v50, v2;
	v50 =	vor.u32 v34, v3;
	v44 =	vld.idx.msk [tilespmem:v24+s21+$0x0], $0xffff;
	v18 =	vor.u32 v17, v3  }
0x22c: {  	v23 =	vor.u32 v17, v2;
	v24 =	vor.u32 v17, v0;
	v16 =	vld.idx.msk [tilespmem:v16+s25+$0x0], $0xffff;
	v17 =	vor.u32 v25, v2  }
0x22d: {  	v27 =	vld.idx.msk [tilespmem:v8+s23+$0x0], $0xffff  }
0x22e: {  	v46 =	vld.idx.msk [tilespmem:v22+s25+$0x0], $0xffff;
	v4 =	vor.u32 v25, v0  }
0x22f: {  	v22 =	vld.idx.msk [tilespmem:v31+s25+$0x0], $0xffff  }
0x230: {  	v55 =	vor.u32 v34, v2;
	v34 =	vld.idx.msk [tilespmem:v50+s21+$0x0], $0xffff  }
0x231: {  	[tilespmem:$0x1FA00] =	vst v16;
	v16 =	vld.idx.msk [tilespmem:v17+s23+$0x0], $0xffff  }
0x232: {  	v17 =	vld [tilespmem:$0x1FF50]  }
0x233: {  	v4 =	vld.idx.msk [tilespmem:v4+s25+$0x0], $0xffff  }
0x234: {  	[tilespmem:$0x1F9F0] =	vst v22;
	v22 =	vld [tilespmem:$0x1FF40]  }
0x235: {  	v50 =	vld.idx.msk [tilespmem:v55+s23+$0x0], $0xffff  }
0x236: {  	v55 =	vor.u32 v25, v3;
	v25 =	vld.idx.msk [tilespmem:v24+s25+$0x0], $0xffff  }
0x237: {  	v24 =	vld [tilespmem:$0x1FF60]  }
0x238: {  	v31 =	vld.idx.msk [tilespmem:v18+s21+$0x0], $0xffff;
	[tilespmem:$0x1FA40] =	vst v4;
	v4 =	vor.u32 v17, v2  }
0x239: {  	v18 =	vld.idx.msk [tilespmem:v23+s23+$0x0], $0xffff;
	v23 =	vor.u32 v22, v3  }
0x23a: {  	v28 =	vld.idx.msk [tilespmem:v9+s25+$0x0], $0xffff;
	v8 =	vor.u32 v22, v2  }
0x23b: {  	[tilespmem:$0x1FA20] =	vst v25;
	v25 =	vld.idx.msk [tilespmem:v55+s21+$0x0], $0xffff;
	v55 =	vor.u32 v22, v0  }
0x23c: {  	v32 =	vld.idx.msk [tilespmem:v10+s23+$0x0], $0xffff;
	v10 =	vor.u32 v24, v2  }
0x23d: {  	v9 =	vld.idx.msk [tilespmem:v4+s23+$0x0], $0xffff  }
0x23e: {  	v22 =	vld.idx.msk [tilespmem:v23+s21+$0x0], $0xffff  }
0x23f: {  	v23 =	vld.idx.msk [tilespmem:v8+s23+$0x0], $0xffff  }
0x240: {  	v55 =	vld.idx.msk [tilespmem:v55+s25+$0x0], $0xffff  }
0x241: {  	v7 =	vld.idx.msk [tilespmem:v10+s23+$0x0], $0xffff  }
0x242: {  	[tilespmem:$0x1FA70] =	vst v9;
	v9 =	vld [tilespmem:$0x1FF80];
	_ =	sdelay $0x2  }
0x243: {  	v8 =	vor.u32 v24, v3;
	v24 =	vor.u32 v24, v0;
	[tilespmem:$0x1FA50] =	vst v23  }
0x244: {  	v19 =	vld.idx.msk [tilespmem:v5+s21+$0x0], $0xffff;
	[tilespmem:$0x1FA60] =	vst v55;
	v23 =	vor.u32 v11, v2;
	v55 =	vor.u32 v11, v0  }
0x245: {  	[tilespmem:$0x1FA90] =	vst v7;
	v7 =	vor.u32 v9, v3;
	v5 =	vor.u32 v9, v2;
	v4 =	vor.u32 v9, v0;
	v9 =	vld [tilespmem:$0x1FF90]  }
0x246: {  	v13 =	vld.idx.msk [tilespmem:v6+s21+$0x0], $0xffff  }
0x247: {  	v30 =	vld.idx.msk [tilespmem:v58+s21+$0x0], $0xffff  }
0x248: {  	v10 =	vld.idx.msk [tilespmem:v24+s25+$0x0], $0xffff  }
0x249: {  	[tilespmem:$0x1FA10] =	vst v18;
	v18 =	vor.u32 v17, v3;
	v24 =	vld.idx.msk [tilespmem:v23+s23+$0x0], $0xffff  }
0x24a: {  	v6 =	vor.u32 v17, v0;
	v17 =	vor.u32 v11, v3;
	v23 =	vld.idx.msk [tilespmem:v55+s25+$0x0], $0xffff;
	v11 =	vor.u32 v9, v3  }
0x24b: {  	v36 =	vld.idx.msk [tilespmem:v62+s23+$0x0], $0xffff  }
0x24c: {  	v58 =	vld.idx.msk [tilespmem:v14+s21+$0x0], $0xffff  }
0x24d: {  	v62 =	vld.idx.msk [tilespmem:v1+s23+$0x0], $0xffff  }
0x24e: {  	[tilespmem:$0x1FA30] =	vst v16;
	v16 =	vld.idx.msk [tilespmem:v18+s21+$0x0], $0xffff  }
0x24f: {  	[tilespmem:$0x1FAB0] =	vst v23;
	v55 =	vor.u32 v9, v2;
	v23 =	vld.idx.msk [tilespmem:v11+s21+$0x0], $0xffff  }
0x250: {  	v11 =	vld [tilespmem:$0x1FFA0]  }
0x251: {  	v18 =	vld.idx.msk [tilespmem:v6+s25+$0x0], $0xffff  }
0x252: {  	v14 =	vld.idx.msk [tilespmem:v8+s21+$0x0], $0xffff  }
0x253: {  	v4 =	vld.idx.msk [tilespmem:v4+s25+$0x0], $0xffff  }
0x254: {  	v1 =	vld.idx.msk [tilespmem:v55+s23+$0x0], $0xffff  }
0x255: {  	v15 =	vld.idx.msk [tilespmem:v17+s21+$0x0], $0xffff;
	v55 =	vor.u32 v11, v2  }
0x256: {  	v6 =	vld [tilespmem:s31+$0x18B00]  }
0x257: {  	[tilespmem:$0x1FAA0] =	vst v10;
	v17 =	vld.idx.msk [tilespmem:v7+s21+$0x0], $0xffff  }
0x258: {  	v10 =	vor.u32 v9, v0;
	v5 =	vld.idx.msk [tilespmem:v5+s23+$0x0], $0xffff;
	[tilespmem:$0x1FAD0] =	vst v4  }
0x259: {  	[tilespmem:$0x1FAE0] =	vst v1;
	v1 =	vor.u32 v11, v3;
	v4 =	vor.u32 v11, v0;
	v11 =	vld [tilespmem:$0x1FFB0]  }
0x25a: {  	v55 =	vld.idx.msk [tilespmem:v55+s23+$0x0], $0xffff  }
0x25b: {  	v7 =	vld [tilespmem:s31+$0x18900]  }
0x25c: {  	v9 =	vld [tilespmem:s31+$0x18D00]  }
0x25d: {  	[tilespmem:$0x1FA80] =	vst v18;
	v18 =	vld.idx.msk [tilespmem:v10+s25+$0x0], $0xffff  }
0x25e: {  	v8 =	vor.u32 v11, v3;
	v4 =	vld.idx.msk [tilespmem:v4+s25+$0x0], $0xffff  }
0x25f: {  	[tilespmem:$0x1FB00] =	vst v55;
	v55 =	vld [tilespmem:$0x1FFC0];
	_ =	sdelay $0x1  }
0x260: {  	[tilespmem:$0x1FAC0] =	vst v5  }
0x261: {  	v6 =	vadd.f32 v6, v7;
	v7 =	vadd.f32 v9, v7;
	[tilespmem:$0x1FAF0] =	vst v18;
	v18 =	vld.idx.msk [tilespmem:v1+s21+$0x0], $0xffff  }
0x262: {  	v10 =	vor.u32 v11, v2;
	v11 =	vor.u32 v11, v0;
	v1 =	vmul.f32 v20, v19;
	v20 =	vld.idx.msk [tilespmem:v8+s21+$0x0], $0xffff  }
0x263: {  	[tilespmem:$0x1FB10] =	vst v4;
	v5 =	vor.u32 v55, v3;
	v4 =	vor.u32 v55, v2;
	v8 =	vor.u32 v55, v0;
	v55 =	vld [tilespmem:$0x1FFD0]  }
0x264: {  	v9 =	vmul.f32 v26, v19;
	v26 =	vmul.f32 v27, v13;
	v6 =	vadd.f32 v1, v6;
	_ =	sdelay $0x1  }
0x265: {  	v27 =	vld [tilespmem:$0x1FFE0];
	v6 =	vadd.f32 v26, v6;
	v26 =	vmul.f32 v29, v21  }
0x266: {  	v7 =	vadd.f32 v9, v7;
	v9 =	vmul.f32 v28, v13;
	v19 =	vld.idx.msk [tilespmem:v10+s23+$0x0], $0xffff  }
0x267: {  	v1 =	vld.idx.msk [tilespmem:v11+s25+$0x0], $0xffff;
	v6 =	vadd.f32 v26, v6;
	v10 =	vor.u32 v55, v3;
	v11 =	vor.u32 v55, v2  }
0x268: {  	v13 =	vld.idx.msk [tilespmem:v5+s21+$0x0], $0xffff;
	v5 =	vor.u32 v55, v0;
	v55 =	vmul.f32 v33, v21;
	v33 =	vmul.f32 v32, v39  }
0x269: {  	v7 =	vadd.f32 v9, v7;
	v28 =	vld.idx.msk [tilespmem:v4+s23+$0x0], $0xffff  }
0x26a: {  	v29 =	vld.idx.msk [tilespmem:v8+s25+$0x0], $0xffff;
	v6 =	vadd.f32 v33, v6;
	v33 =	vmul.f32 v35, v30  }
0x26b: {  	v4 =	vor.u32 v27, v3;
	v7 =	vadd.f32 v55, v7;
	v55 =	vld [tilespmem:$0x1FFF0]  }
0x26c: {  	v8 =	vor.u32 v27, v2;
	v6 =	vadd.f32 v33, v6;
	v33 =	vld [tilespmem:$0x1FBA0]  }
0x26d: {  	v32 =	vmul.f32 v42, v39;
	v21 =	vld.idx.msk [tilespmem:v10+s21+$0x0], $0xffff  }
0x26e: {  	v39 =	vld.idx.msk [tilespmem:v11+s23+$0x0], $0xffff  }
0x26f: {  	v7 =	vadd.f32 v32, v7;
	v32 =	vmul.f32 v36, v43;
	v10 =	vor.u32 v27, v0;
	v42 =	vld.idx.msk [tilespmem:v5+s25+$0x0], $0xffff  }
0x270: {  	v35 =	vmul.f32 v56, v30;
	v30 =	vld.idx.msk [tilespmem:v4+s21+$0x0], $0xffff;
	v11 =	vor.u32 v55, v3  }
0x271: {  	v36 =	vmul.f32 v38, v12;
	v56 =	vld.idx.msk [tilespmem:v8+s23+$0x0], $0xffff;
	v6 =	vadd.f32 v32, v6;
	v5 =	vor.u32 v55, v2  }
0x272: {  	v4 =	vor.u32 v55, v0;
	v55 =	vld [tilespmem:$0x1FBB0]  }
0x273: {  	v6 =	vadd.f32 v36, v6;
	v36 =	vld [tilespmem:$0x1FBC0];
	v8 =	vor.u32 v33, v3  }
0x274: {  	v7 =	vadd.f32 v35, v7;
	v35 =	vmul.f32 v57, v43;
	v57 =	vld.idx.msk [tilespmem:v10+s25+$0x0], $0xffff  }
0x275: {  	v32 =	vmul.f32 v49, v58;
	v43 =	vld.idx.msk [tilespmem:v11+s21+$0x0], $0xffff  }
0x276: {  	v38 =	vmul.f32 v48, v12;
	v7 =	vadd.f32 v35, v7;
	v10 =	vor.u32 v33, v2;
	v48 =	vld.idx.msk [tilespmem:v5+s23+$0x0], $0xffff  }
0x277: {  	v35 =	vmul.f32 v40, v51;
	v6 =	vadd.f32 v32, v6;
	v11 =	vor.u32 v33, v0;
	v49 =	vld.idx.msk [tilespmem:v4+s25+$0x0], $0xffff  }
0x278: {  	v5 =	vor.u32 v55, v3;
	v4 =	vor.u32 v55, v2;
	v33 =	vmul.f32 v63, v58;
	v58 =	vld.idx.msk [tilespmem:v8+s21+$0x0], $0xffff  }
0x279: {  	v8 =	vor.u32 v55, v0;
	v55 =	vmul.f32 v60, v41;
	v60 =	vmul.f32 v61, v41;
	v61 =	vld [tilespmem:$0x1FBD0]  }
0x27a: {  	v6 =	vadd.f32 v35, v6;
	v41 =	vmul.f32 v62, v37;
	v62 =	vmul.f32 v47, v44;
	v47 =	vld [tilespmem:$0x1F9F0]  }
0x27b: {  	v7 =	vadd.f32 v38, v7;
	v38 =	vor.u32 v36, v3;
	v63 =	vld.idx.msk [tilespmem:v10+s23+$0x0], $0xffff  }
0x27c: {  	v27 =	vor.u32 v36, v0;
	v40 =	vadd.f32 v55, v6;
	v55 =	vmul.f32 v59, v53;
	v59 =	vld [tilespmem:$0x1FBE0]  }
0x27d: {  	v9 =	vadd.f32 v33, v7;
	v7 =	vld.idx.msk [tilespmem:v11+s25+$0x0], $0xffff  }
0x27e: {  	v45 =	vmul.f32 v45, v51;
	v51 =	vld.idx.msk [tilespmem:v5+s21+$0x0], $0xffff  }
0x27f: {  	v5 =	vld.idx.msk [tilespmem:v4+s23+$0x0], $0xffff  }
0x280: {  	v52 =	vmul.f32 v52, v37;
	v26 =	vadd.f32 v45, v9;
	v37 =	vld.idx.msk [tilespmem:v38+s21+$0x0], $0xffff  }
0x281: {  	v11 =	vor.u32 v36, v2;
	v38 =	vmul.f32 v46, v53;
	v46 =	vld.idx.msk [tilespmem:v27+s25+$0x0], $0xffff  }
0x282: {  	v45 =	vadd.f32 v60, v26;
	v6 =	vadd.f32 v41, v40;
	v53 =	vld [tilespmem:$0x1FBF0]  }
0x283: {  	v33 =	vor.u32 v61, v3;
	v9 =	vld.idx.msk [tilespmem:v8+s25+$0x0], $0xffff;
	v8 =	vor.u32 v61, v2;
	v10 =	vor.u32 v61, v0  }
0x284: {  	v12 =	vadd.f32 v52, v45;
	v61 =	vadd.f32 v55, v6;
	v55 =	vmul.f32 v50, v34;
	v50 =	vld [tilespmem:$0x1FA20]  }
0x285: {  	v60 =	vor.u32 v59, v3;
	v45 =	vor.u32 v59, v2;
	v40 =	vor.u32 v59, v0;
	v59 =	vld [tilespmem:$0x1FA00]  }
0x286: {  	v4 =	vld.idx.msk [tilespmem:v11+s23+$0x0], $0xffff  }
0x287: {  	v32 =	vadd.f32 v62, v61;
	v62 =	vld [tilespmem:$0x1FC00]  }
0x288: {  	v41 =	vld.idx.msk [tilespmem:v33+s21+$0x0], $0xffff  }
0x289: {  	v52 =	vmul.f32 v47, v44;
	v12 =	vadd.f32 v38, v12;
	v6 =	vld.idx.msk [tilespmem:v8+s23+$0x0], $0xffff  }
0x28a: {  	v27 =	vld.idx.msk [tilespmem:v10+s25+$0x0], $0xffff  }
0x28b: {  	v12 =	vadd.f32 v52, v12;
	v52 =	vld [tilespmem:$0x1FA30]  }
0x28c: {  	v32 =	vadd.f32 v55, v32;
	v55 =	vld [tilespmem:$0x1FA40]  }
0x28d: {  	v38 =	vor.u32 v53, v0;
	v26 =	vmul.f32 v59, v34;
	v34 =	vld.idx.msk [tilespmem:v60+s21+$0x0], $0xffff  }
0x28e: {  	v60 =	vld [tilespmem:$0x1FA10]  }
0x28f: {  	v8 =	vor.u32 v53, v3;
	v11 =	vld.idx.msk [tilespmem:v45+s23+$0x0], $0xffff  }
0x290: {  	v33 =	vld.idx.msk [tilespmem:v40+s25+$0x0], $0xffff  }
0x291: {  	v12 =	vadd.f32 v26, v12;
	v26 =	vmul.f32 v50, v31;
	v50 =	vld [tilespmem:$0x1FA60]  }
0x292: {  	v10 =	vor.u32 v53, v2;
	v53 =	vmul.f32 v52, v25;
	v59 =	vmul.f32 v55, v25;
	v25 =	vld.idx.msk [tilespmem:v38+s25+$0x0], $0xffff  }
0x293: {  	v52 =	vld [tilespmem:$0x1FA70]  }
0x294: {  	v61 =	vmul.f32 v60, v31;
	v31 =	vld.idx.msk [tilespmem:v8+s21+$0x0], $0xffff  }
0x295: {  	v8 =	vor.u32 v62, v0;
	v60 =	vld [tilespmem:$0x1FC10]  }
0x296: {  	v35 =	vor.u32 v62, v3;
	v26 =	vadd.f32 v26, v12;
	v32 =	vadd.f32 v61, v32;
	v61 =	vld [tilespmem:$0x1FA50]  }
0x297: {  	v55 =	vld [tilespmem:$0x1FC20]  }
0x298: {  	v40 =	vor.u32 v62, v2;
	v26 =	vadd.f32 v59, v26;
	v59 =	vld [tilespmem:$0x1FA80];
	v44 =	vmul.f32 v50, v22  }
0x299: {  	v12 =	vld.idx.msk [tilespmem:v10+s23+$0x0], $0xffff  }
0x29a: {  	v44 =	vadd.f32 v44, v26;
	v26 =	vld.idx.msk [tilespmem:v8+s25+$0x0], $0xffff  }
0x29b: {  	v32 =	vadd.f32 v53, v32;
	v10 =	vor.u32 v60, v3;
	v62 =	vmul.f32 v61, v22;
	v22 =	vld.idx.msk [tilespmem:v35+s21+$0x0], $0xffff  }
0x29c: {  	v38 =	vor.u32 v60, v2;
	v8 =	vor.u32 v55, v2;
	v61 =	vld [tilespmem:$0x1FA90]  }
0x29d: {  	v35 =	vor.u32 v60, v0;
	v60 =	vmul.f32 v59, v16;
	v36 =	vadd.f32 v62, v32;
	v32 =	vld.idx.msk [tilespmem:v40+s23+$0x0], $0xffff  }
0x29e: {  	v50 =	vor.u32 v55, v0;
	v40 =	vor.u32 v55, v3;
	v55 =	vld [tilespmem:$0x1FC50]  }
0x29f: {  	v53 =	vmul.f32 v52, v16;
	v52 =	vadd.f32 v60, v44;
	v60 =	vld [tilespmem:$0x1FAB0]  }
0x2a0: {  	v16 =	vld.idx.msk [tilespmem:v10+s21+$0x0], $0xffff  }
0x2a1: {  	v47 =	vld.idx.msk [tilespmem:v8+s23+$0x0], $0xffff  }
0x2a2: {  	v36 =	vadd.f32 v53, v36;
	v53 =	vld [tilespmem:$0x1FAA0]  }
0x2a3: {  	v59 =	vmul.f32 v24, v15;
	v24 =	vld.idx.msk [tilespmem:v35+s25+$0x0], $0xffff  }
0x2a4: {  	v62 =	vmul.f32 v61, v14;
	v61 =	vld [tilespmem:$0x1FAC0]  }
0x2a5: {  	v10 =	vld.idx.msk [tilespmem:v40+s21+$0x0], $0xffff  }
0x2a6: {  	v36 =	vadd.f32 v62, v36;
	v62 =	vld [tilespmem:$0x1FC60]  }
0x2a7: {  	v44 =	vmul.f32 v53, v14;
	v14 =	vld.idx.msk [tilespmem:v38+s23+$0x0], $0xffff;
	v38 =	vor.u32 v55, v3  }
0x2a8: {  	v35 =	vor.u32 v55, v2;
	v40 =	vor.u32 v55, v0;
	v55 =	vld [tilespmem:$0x1FAD0]  }
0x2a9: {  	v15 =	vmul.f32 v60, v15;
	v36 =	vadd.f32 v59, v36;
	v59 =	vld [tilespmem:$0x1FAE0];
	v44 =	vadd.f32 v44, v52  }
0x2aa: {  	v45 =	vmul.f32 v61, v17;
	v61 =	vld [tilespmem:$0x1FAF0]  }
0x2ab: {  	v15 =	vadd.f32 v15, v44;
	v44 =	vld.idx.msk [tilespmem:v50+s25+$0x0], $0xffff  }
0x2ac: {  	v8 =	vld.idx.msk [tilespmem:v38+s21+$0x0], $0xffff  }
0x2ad: {  	v52 =	vor.u32 v62, v3;
	v50 =	vor.u32 v62, v2;
	v38 =	vor.u32 v62, v0;
	v62 =	vld [tilespmem:$0x1FD70]  }
0x2ae: {  	v36 =	vadd.f32 v45, v36;
	v17 =	vmul.f32 v55, v17;
	v60 =	vmul.f32 v59, v23;
	v55 =	vld [tilespmem:$0x1FB00]  }
0x2af: {  	v59 =	vld [tilespmem:$0x1FD90]  }
0x2b0: {  	v36 =	vadd.f32 v60, v36;
	v60 =	vld [tilespmem:$0x1FB10]  }
0x2b1: {  	v15 =	vadd.f32 v17, v15;
	v17 =	vmul.f32 v61, v23;
	v61 =	vld [tilespmem:$0x1FD80];
	_ =	sdelay $0x1  }
0x2b2: {  	v28 =	vmul.f32 v28, v13;
	v40 =	vld.idx.msk [tilespmem:v40+s25+$0x0], $0xffff  }
0x2b3: {  	v13 =	vmul.f32 v29, v13;
	v23 =	vld.idx.msk [tilespmem:v35+s23+$0x0], $0xffff;
	v15 =	vadd.f32 v17, v15;
	v35 =	vor.u32 v62, v3  }
0x2b4: {  	v45 =	vmul.f32 v55, v18;
	v53 =	vor.u32 v62, v2;
	v29 =	vor.u32 v59, v3;
	v55 =	vld [tilespmem:$0x1FEB0]  }
0x2b5: {  	v17 =	vmul.f32 v60, v18;
	v18 =	vld.idx.msk [tilespmem:v52+s21+$0x0], $0xffff;
	v52 =	vor.u32 v62, v0;
	v62 =	vor.u32 v61, v3  }
0x2b6: {  	v19 =	vmul.f32 v19, v20;
	v36 =	vadd.f32 v45, v36;
	v45 =	vld.idx.msk [tilespmem:v50+s23+$0x0], $0xffff  }
0x2b7: {  	v15 =	vadd.f32 v17, v15;
	v17 =	vld.idx.msk [tilespmem:v38+s25+$0x0], $0xffff  }
0x2b8: {  	v19 =	vadd.f32 v19, v36;
	v35 =	vld.idx.msk [tilespmem:v35+s21+$0x0], $0xffff  }
0x2b9: {  	v1 =	vmul.f32 v1, v20;
	v20 =	vor.u32 v61, v2;
	v60 =	vmul.f32 v39, v21;
	v29 =	vld.idx.msk [tilespmem:v29+s21+$0x0], $0xffff  }
0x2ba: {  	v36 =	vor.u32 v61, v0;
	v61 =	vmul.f32 v42, v21;
	v19 =	vadd.f32 v28, v19;
	v21 =	vld.idx.msk [tilespmem:v62+s21+$0x0], $0xffff  }
0x2bb: {  	v39 =	vor.u32 v59, v2;
	v1 =	vadd.f32 v1, v15;
	v62 =	vmul.f32 v56, v30;
	v56 =	vld [tilespmem:$0x1FDA0]  }
0x2bc: {  	v15 =	vld.idx.msk [tilespmem:v53+s23+$0x0], $0xffff;
	v19 =	vadd.f32 v60, v19  }
0x2bd: {  	v42 =	vor.u32 v59, v0;
	v38 =	vld.idx.msk [tilespmem:v52+s25+$0x0], $0xffff;
	v1 =	vadd.f32 v13, v1  }
0x2be: {  	v19 =	vadd.f32 v62, v19;
	v62 =	vld [tilespmem:$0x1FDB0]  }
0x2bf: {  	v59 =	vmul.f32 v57, v30;
	v20 =	vld.idx.msk [tilespmem:v20+s23+$0x0], $0xffff;
	v1 =	vadd.f32 v61, v1  }
0x2c0: {  	v39 =	vld.idx.msk [tilespmem:v39+s23+$0x0], $0xffff;
	v60 =	vmul.f32 v48, v43;
	v50 =	vor.u32 v56, v3  }
0x2c1: {  	v30 =	vld.idx.msk [tilespmem:v36+s25+$0x0], $0xffff;
	v61 =	vmul.f32 v49, v43;
	v36 =	vor.u32 v56, v2;
	v1 =	vadd.f32 v59, v1  }
0x2c2: {  	v57 =	vmul.f32 v63, v58;
	v42 =	vld.idx.msk [tilespmem:v42+s25+$0x0], $0xffff;
	v48 =	vor.u32 v56, v0;
	v19 =	vadd.f32 v60, v19  }
0x2c3: {  	v1 =	vadd.f32 v61, v1;
	v61 =	vld [tilespmem:$0x1FDC0];
	v56 =	vor.u32 v62, v3  }
0x2c4: {  	v19 =	vadd.f32 v57, v19;
	v57 =	vld [tilespmem:$0x1FDD0];
	v59 =	vor.u32 v62, v2  }
0x2c5: {  	v5 =	vmul.f32 v5, v51;
	v60 =	vor.u32 v62, v0;
	v13 =	vld.idx.msk [tilespmem:v50+s21+$0x0], $0xffff  }
0x2c6: {  	v28 =	vld.idx.msk [tilespmem:v36+s23+$0x0], $0xffff  }
0x2c7: {  	v4 =	vmul.f32 v4, v37;
	v62 =	vmul.f32 v9, v51;
	v5 =	vadd.f32 v5, v19;
	v9 =	vld.idx.msk [tilespmem:v48+s25+$0x0], $0xffff  }
0x2c8: {  	v7 =	vmul.f32 v7, v58;
	v63 =	vor.u32 v61, v2;
	v19 =	vld.idx.msk [tilespmem:v56+s21+$0x0], $0xffff  }
0x2c9: {  	v4 =	vadd.f32 v4, v5;
	v56 =	vmul.f32 v46, v37;
	v37 =	vld.idx.msk [tilespmem:v59+s23+$0x0], $0xffff;
	v59 =	vmul.f32 v6, v41  }
0x2ca: {  	v58 =	vor.u32 v57, v3;
	v6 =	vld.idx.msk [tilespmem:v60+s25+$0x0], $0xffff  }
0x2cb: {  	v1 =	vadd.f32 v7, v1;
	v60 =	vor.u32 v57, v2;
	v4 =	vadd.f32 v59, v4;
	v59 =	vld [tilespmem:$0x1FDF0]  }
0x2cc: {  	v50 =	vld [tilespmem:$0x1FEA0]  }
0x2cd: {  	v1 =	vadd.f32 v62, v1;
	v62 =	vmul.f32 v11, v34;
	v36 =	vor.u32 v61, v3;
	v11 =	vld.idx.msk [tilespmem:v63+s23+$0x0], $0xffff  }
0x2ce: {  	v43 =	vor.u32 v61, v0;
	v63 =	vld [tilespmem:$0x1FDE0]  }
0x2cf: {  	v61 =	vmul.f32 v27, v41;
	v1 =	vadd.f32 v56, v1;
	v56 =	vmul.f32 v12, v31;
	v12 =	vld.idx.msk [tilespmem:v58+s21+$0x0], $0xffff  }
0x2d0: {  	v51 =	vmul.f32 v33, v34;
	v58 =	vmul.f32 v25, v31;
	v25 =	vld.idx.msk [tilespmem:v60+s23+$0x0], $0xffff;
	v60 =	vor.u32 v59, v3  }
0x2d1: {  	v34 =	vld [tilespmem:$0x1FED0];
	v1 =	vadd.f32 v61, v1;
	v4 =	vadd.f32 v62, v4;
	v62 =	vor.u32 v59, v2  }
0x2d2: {  	v49 =	vmul.f32 v14, v16;
	v27 =	vld.idx.msk [tilespmem:v36+s21+$0x0], $0xffff;
	v61 =	vmul.f32 v32, v22  }
0x2d3: {  	v1 =	vadd.f32 v51, v1;
	v4 =	vadd.f32 v56, v4;
	v51 =	vld [tilespmem:$0x1FE00];
	v53 =	vor.u32 v63, v2  }
0x2d4: {  	v36 =	vor.u32 v57, v0;
	v33 =	vld.idx.msk [tilespmem:v43+s25+$0x0], $0xffff;
	v48 =	vor.u32 v59, v0;
	v59 =	vmul.f32 v44, v10  }
0x2d5: {  	v1 =	vadd.f32 v58, v1;
	v4 =	vadd.f32 v61, v4;
	v57 =	vor.u32 v63, v0;
	v31 =	vld.idx.msk [tilespmem:v60+s21+$0x0], $0xffff  }
0x2d6: {  	v58 =	vmul.f32 v47, v10;
	v41 =	vor.u32 v63, v3;
	v63 =	vmul.f32 v26, v22;
	v10 =	vld.idx.msk [tilespmem:v62+s23+$0x0], $0xffff  }
0x2d7: {  	v4 =	vadd.f32 v49, v4;
	v60 =	vld [tilespmem:$0x1FC70]  }
0x2d8: {  	v56 =	vmul.f32 v24, v16;
	v1 =	vadd.f32 v63, v1;
	v14 =	vld.idx.msk [tilespmem:v53+s23+$0x0], $0xffff;
	v53 =	vor.u32 v51, v3  }
0x2d9: {  	v4 =	vadd.f32 v58, v4;
	v62 =	vmul.f32 v23, v8;
	v23 =	vld.idx.msk [tilespmem:v48+s25+$0x0], $0xffff  }
0x2da: {  	v1 =	vadd.f32 v56, v1;
	v16 =	vld.idx.msk [tilespmem:v57+s25+$0x0], $0xffff;
	v57 =	vor.u32 v51, v2  }
0x2db: {  	v22 =	vld.idx.msk [tilespmem:v41+s21+$0x0], $0xffff;
	v41 =	vor.u32 v51, v0;
	v4 =	vadd.f32 v62, v4;
	v51 =	vmul.f32 v45, v18  }
0x2dc: {  	v48 =	vmul.f32 v40, v8;
	v62 =	vld [tilespmem:$0x1FB50];
	v1 =	vadd.f32 v59, v1  }
0x2dd: {  	v59 =	vmul.f32 v15, v35;
	v4 =	vadd.f32 v51, v4;
	v63 =	vor.u32 v60, v2;
	v8 =	vld.idx.msk [tilespmem:v53+s21+$0x0], $0xffff  }
0x2de: {  	v49 =	vor.u32 v60, v0;
	v53 =	vld [tilespmem:$0x1FCA0]  }
0x2df: {  	v32 =	vld.idx.msk [tilespmem:v36+s25+$0x0], $0xffff;
	v1 =	vadd.f32 v48, v1;
	v48 =	vmul.f32 v20, v21;
	v4 =	vadd.f32 v59, v4  }
0x2e0: {  	v61 =	vor.u32 v60, v3;
	v24 =	vld.idx.msk [tilespmem:v57+s23+$0x0], $0xffff  }
0x2e1: {  	v57 =	vmul.f32 v17, v18;
	v4 =	vadd.f32 v48, v4;
	v48 =	vld [tilespmem:$0x1FB20]  }
0x2e2: {  	v26 =	vld.idx.msk [tilespmem:v63+s23+$0x0], $0xffff;
	v63 =	vor.u32 v62, v3  }
0x2e3: {  	v1 =	vadd.f32 v57, v1;
	v57 =	vld [tilespmem:$0x1FCC0];
	v58 =	vor.u32 v53, v2  }
0x2e4: {  	v20 =	vld.idx.msk [tilespmem:v49+s25+$0x0], $0xffff;
	v49 =	vor.u32 v62, v2  }
0x2e5: {  	v15 =	vld.idx.msk [tilespmem:v61+s21+$0x0], $0xffff;
	v61 =	vmul.f32 v38, v35;
	v56 =	vor.u32 v53, v3  }
0x2e6: {  	v17 =	vld.idx.msk [tilespmem:v41+s25+$0x0], $0xffff;
	v60 =	vor.u32 v53, v0  }
0x2e7: {  	v1 =	vadd.f32 v61, v1;
	v53 =	vor.u32 v62, v0;
	v61 =	vmul.f32 v28, v13;
	v28 =	vld.idx.msk [tilespmem:v63+s21+$0x0], $0xffff  }
0x2e8: {  	v18 =	vld.idx.msk [tilespmem:v58+s23+$0x0], $0xffff;
	v58 =	vor.u32 v57, v3  }
0x2e9: {  	v63 =	vmul.f32 v9, v13;
	v9 =	vld.idx.msk [tilespmem:v49+s23+$0x0], $0xffff  }
0x2ea: {  	v51 =	vmul.f32 v30, v21;
	v49 =	vor.u32 v48, v3;
	v21 =	vld.idx.msk [tilespmem:v56+s21+$0x0], $0xffff  }
0x2eb: {  	v59 =	vmul.f32 v42, v29;
	v56 =	vmul.f32 v39, v29;
	v29 =	vld.idx.msk [tilespmem:v60+s25+$0x0], $0xffff;
	v60 =	vor.u32 v57, v2  }
0x2ec: {  	v1 =	vadd.f32 v51, v1;
	v62 =	vor.u32 v57, v0;
	v30 =	vld.idx.msk [tilespmem:v53+s25+$0x0], $0xffff  }
0x2ed: {  	v53 =	vor.u32 v48, v2;
	v4 =	vadd.f32 v56, v4;
	v7 =	vld.idx.msk [tilespmem:v58+s21+$0x0], $0xffff  }
0x2ee: {  	v1 =	vadd.f32 v59, v1;
	v56 =	vor.u32 v48, v0;
	v58 =	vld [tilespmem:$0x1FB60]  }
0x2ef: {  	v43 =	vor.u32 v54, v3;
	v51 =	vmul.f32 v37, v19;
	v13 =	vld.idx.msk [tilespmem:v49+s21+$0x0], $0xffff;
	v4 =	vadd.f32 v61, v4  }
0x2f0: {  	v6 =	vmul.f32 v6, v19;
	v57 =	vmul.f32 v11, v27;
	v1 =	vadd.f32 v63, v1;
	v11 =	vld.idx.msk [tilespmem:v60+s23+$0x0], $0xffff  }
0x2f1: {  	v42 =	vmul.f32 v32, v12;
	v60 =	vmul.f32 v33, v27;
	v27 =	vld.idx.msk [tilespmem:v62+s25+$0x0], $0xffff;
	v4 =	vadd.f32 v51, v4  }
0x2f2: {  	v1 =	vadd.f32 v6, v1;
	v62 =	vmul.f32 v25, v12;
	v12 =	vld.idx.msk [tilespmem:v53+s23+$0x0], $0xffff;
	v53 =	vor.u32 v54, v0  }
0x2f3: {  	v48 =	vmul.f32 v14, v22;
	v14 =	vld.idx.msk [tilespmem:v56+s25+$0x0], $0xffff;
	v4 =	vadd.f32 v57, v4;
	v61 =	vor.u32 v58, v2  }
0x2f4: {  	v1 =	vadd.f32 v60, v1;
	v56 =	vld [tilespmem:$0x1FB30];
	v63 =	vor.u32 v58, v0  }
0x2f5: {  	v52 =	vmovc v54;
	v49 =	vor.u32 v54, v2;
	v33 =	vld [tilespmem:$0x1FEF0];
	v51 =	vmul.f32 v16, v22;
	v4 =	vadd.f32 v62, v4  }
0x2f6: {  	v60 =	vmul.f32 v24, v8;
	v24 =	vld.idx.msk [tilespmem:v43+s21+$0x0], $0xffff;
	v1 =	vadd.f32 v42, v1;
	v59 =	vor.u32 v58, v3  }
0x2f7: {  	v54 =	vmul.f32 v10, v31;
	v42 =	vmul.f32 v26, v15;
	v19 =	vld.idx.msk [tilespmem:v53+s25+$0x0], $0xffff;
	v4 =	vadd.f32 v48, v4  }
0x2f8: {  	v58 =	vmul.f32 v23, v31;
	v53 =	vor.u32 v34, v3;
	v1 =	vadd.f32 v51, v1;
	v10 =	vld.idx.msk [tilespmem:v61+s23+$0x0], $0xffff  }
0x2f9: {  	v32 =	vmul.f32 v27, v7;
	v57 =	vor.u32 v56, v3;
	v4 =	vadd.f32 v54, v4;
	v23 =	vld.idx.msk [tilespmem:v63+s25+$0x0], $0xffff  }
0x2fa: {  	v62 =	vor.u32 v56, v0;
	v1 =	vadd.f32 v58, v1;
	v61 =	vld [tilespmem:$0x1FEC0];
	v63 =	vmul.f32 v17, v8  }
0x2fb: {  	v51 =	vmul.f32 v18, v21;
	v16 =	vld.idx.msk [tilespmem:v59+s21+$0x0], $0xffff;
	v59 =	vor.u32 v56, v2;
	v4 =	vadd.f32 v60, v4  }
0x2fc: {  	v48 =	vmul.f32 v20, v15;
	v58 =	vmul.f32 v9, v28;
	v56 =	vld [tilespmem:$0x1FEE0];
	v1 =	vadd.f32 v63, v1  }
0x2fd: {  	v54 =	vmul.f32 v29, v21;
	v8 =	vld.idx.msk [tilespmem:v49+s23+$0x0], $0xffff;
	v60 =	vmul.f32 v30, v28;
	v4 =	vadd.f32 v42, v4  }
0x2fe: {  	v15 =	vld.idx.msk [tilespmem:v57+s21+$0x0], $0xffff;
	v57 =	vor.u32 v34, v2;
	v63 =	vmul.f32 v11, v7;
	v1 =	vadd.f32 v48, v1  }
0x2ff: {  	v21 =	vld.idx.msk [tilespmem:v62+s25+$0x0], $0xffff;
	v36 =	vor.u32 v61, v3;
	v43 =	vor.u32 v61, v2;
	v4 =	vadd.f32 v51, v4  }
0x300: {  	v49 =	vor.u32 v61, v0;
	v18 =	vld.idx.msk [tilespmem:v59+s23+$0x0], $0xffff;
	v59 =	vor.u32 v34, v0;
	v1 =	vadd.f32 v54, v1  }
0x301: {  	v7 =	vld.idx.msk [tilespmem:v53+s21+$0x0], $0xffff;
	v42 =	vor.u32 v56, v3;
	v48 =	vor.u32 v56, v2;
	v4 =	vadd.f32 v58, v4  }
0x302: {  	v61 =	vld [tilespmem:$0x1FB40];
	v51 =	vor.u32 v56, v0;
	v56 =	vor.u32 v33, v3;
	v1 =	vadd.f32 v60, v1  }
0x303: {  	v60 =	vor.u32 v33, v2;
	v4 =	vadd.f32 v63, v4;
	v63 =	vor.u32 v33, v0;
	v33 =	vld [tilespmem:$0x1FF10]  }
0x304: {  	v9 =	vld.idx.msk [tilespmem:v36+s21+$0x0], $0xffff  }
0x305: {  	v22 =	vld.idx.msk [tilespmem:v43+s23+$0x0], $0xffff  }
0x306: {  	v11 =	vld.idx.msk [tilespmem:v49+s25+$0x0], $0xffff  }
0x307: {  	v36 =	vmul.f32 v12, v13;
	v12 =	vld.idx.msk [tilespmem:v57+s23+$0x0], $0xffff  }
0x308: {  	v43 =	vmul.f32 v14, v13;
	v13 =	vld.idx.msk [tilespmem:v59+s25+$0x0], $0xffff  }
0x309: {  	v62 =	vor.u32 v61, v3;
	v1 =	vadd.f32 v32, v1;
	v59 =	vld [tilespmem:$0x1FF00]  }
0x30a: {  	v31 =	vor.u32 v61, v2;
	v49 =	vmul.f32 v10, v16;
	v14 =	vld.idx.msk [tilespmem:v48+s23+$0x0], $0xffff;
	v4 =	vadd.f32 v36, v4  }
0x30b: {  	v53 =	vmul.f32 v23, v16;
	v34 =	vor.u32 v61, v0;
	v30 =	vld.idx.msk [tilespmem:v51+s25+$0x0], $0xffff;
	v1 =	vadd.f32 v43, v1  }
0x30c: {  	v57 =	vmul.f32 v8, v24;
	v20 =	vld.idx.msk [tilespmem:v56+s21+$0x0], $0xffff;
	v4 =	vadd.f32 v49, v4  }
0x30d: {  	v61 =	vmul.f32 v19, v24;
	v1 =	vadd.f32 v53, v1;
	v48 =	vld.idx.msk [tilespmem:v63+s25+$0x0], $0xffff  }
0x30e: {  	v27 =	vmul.f32 v18, v15;
	v10 =	vld.idx.msk [tilespmem:v62+s21+$0x0], $0xffff;
	v28 =	vor.u32 v59, v3;
	v4 =	vadd.f32 v57, v4  }
0x30f: {  	v29 =	vmul.f32 v21, v15;
	v54 =	vld.idx.msk [tilespmem:v31+s23+$0x0], $0xffff;
	v31 =	vor.u32 v59, v2;
	v1 =	vadd.f32 v61, v1  }
0x310: {  	v58 =	vld.idx.msk [tilespmem:v34+s25+$0x0], $0xffff;
	v32 =	vmul.f32 v22, v9;
	v34 =	vor.u32 v59, v0;
	v4 =	vadd.f32 v27, v4  }
0x311: {  	v62 =	vld.idx.msk [tilespmem:v42+s21+$0x0], $0xffff;
	v36 =	vmul.f32 v11, v9;
	v3 =	vor.u32 v33, v3;
	v1 =	vadd.f32 v29, v1  }
0x312: {  	v42 =	vld.idx.msk [tilespmem:v60+s23+$0x0], $0xffff;
	v43 =	vmul.f32 v12, v7;
	v2 =	vor.u32 v33, v2;
	v4 =	vadd.f32 v32, v4  }
0x313: {  	v49 =	vmul.f32 v13, v7;
	v0 =	vor.u32 v33, v0;
	v1 =	vadd.f32 v36, v1;
	v51 =	vld.idx.msk [tilespmem:v28+s21+$0x0], $0xffff  }
0x314: {  	v53 =	vmul.f32 v54, v10;
	v54 =	vld.idx.msk [tilespmem:v31+s23+$0x0], $0xffff;
	v4 =	vadd.f32 v43, v4  }
0x315: {  	v56 =	vmul.f32 v58, v10;
	v57 =	vld.idx.msk [tilespmem:v34+s25+$0x0], $0xffff;
	v1 =	vadd.f32 v49, v1  }
0x316: {  	v58 =	vmul.f32 v14, v62;
	v3 =	vld.idx.msk [tilespmem:v3+s21+$0x0], $0xffff;
	v4 =	vadd.f32 v53, v4  }
0x317: {  	v59 =	vmul.f32 v30, v62;
	v2 =	vld.idx.msk [tilespmem:v2+s23+$0x0], $0xffff;
	v1 =	vadd.f32 v56, v1  }
0x318: {  	v60 =	vmul.f32 v42, v20;
	v0 =	vld.idx.msk [tilespmem:v0+s25+$0x0], $0xffff;
	v4 =	vadd.f32 v58, v4  }
0x319: {  	v46 =	vld [tilespmem:$0x1FE80];
	v61 =	vmul.f32 v48, v20;
	v1 =	vadd.f32 v59, v1  }
0x31a: {  	v44 =	vld [tilespmem:$0x1FE60];
	v62 =	vmul.f32 v54, v51;
	v4 =	vadd.f32 v60, v4  }
0x31b: {  	v47 =	vld [tilespmem:$0x1FE90];
	v63 =	vmul.f32 v57, v51;
	v1 =	vadd.f32 v61, v1  }
0x31c: {  	p0 =	sne.s32 s0, $0x7C0;
	v40 =	vld [tilespmem:$0x1FE40];
	v2 =	vmul.f32 v2, v3;
	v4 =	vadd.f32 v62, v4  }
.Ltmp1:
0x31d: {  	v45 =	vld [tilespmem:$0x1FE70];
	v0 =	vmul.f32 v0, v3;
	v1 =	vadd.f32 v63, v1;
	(pc) =	sbr.rel @p0 .LBB2_4-.Ltmp1, $4  }
0x31e: {  	v41 =	vld [tilespmem:$0x1FE50];
	v2 =	vadd.f32 v2, v4  }
0x31f: {  	v38 =	vld [tilespmem:$0x1FE20];
	v0 =	vadd.f32 v0, v1  }
0x320: {  	v37 =	vld [tilespmem:$0x1FE10];
	[tilespmem:s31+$0x18F00] =	vst v2  }
0x321: {  	s4 =	sadd.s32 $0x10, s4;
	s0 =	sadd.s32 $0x40, s0;
	v35 =	vlaneseq.u32;
	v39 =	vld [tilespmem:$0x1FE30];
	[tilespmem:s31+$0x19100] =	vst v0  }
0x322: {  	[hbm4b:s10+s1] =	stream.linear.scatter [tilespmem:s28], [sflag:$0x2], $0x200, $0x38;
	[tilespmem:$0x19300] =	vst v63  }
0x323: {  	_ =	swait.ge [sflag:s13], $0x200  }
0x324: {  	[sflag:s13] =	ssyncset.done $0x0  }
0x325: {  	[sflag:s13] =	ssyncadd.s32 $0xFFFFFE00  }
0x326: {  	[hbm4b:s11+s1] =	stream.linear.scatter [tilespmem:s29], [sflag:$0x2], $0x200, $0x38;
	[tilespmem:$0x19300] =	vst v63  }
0x327: {  	_ =	swait.ge [sflag:s13], $0x200  }
0x328: {  	v33 =	vld [tilespmem:$0x1FF20]  }
0x329: {  	v43 =	vld [tilespmem:$0x1FF30]  }
0x32a: {  	v48 =	vld [tilespmem:$0x1FF40]  }
0x32b: {  	v49 =	vld [tilespmem:$0x1FF50]  }
0x32c: {  	v51 =	vld [tilespmem:$0x1FF60]  }
0x32d: {  	v53 =	vld [tilespmem:$0x1FF70]  }
0x32e: {  	v56 =	vld [tilespmem:$0x1FF80]  }
0x32f: {  	s30 =	sadd.s32 $0x1, s30;
	v57 =	vld [tilespmem:$0x1FF90]  }
0x330: {  	p0 =	sne.s32 s30, s12;
	v58 =	vld [tilespmem:$0x1FFA0]  }
.Ltmp2:
0x331: {  	v59 =	vld [tilespmem:$0x1FFB0];
	(pc) =	sbr.rel @p0 .LBB2_1-.Ltmp2, $4  }
0x332: {  	v60 =	vld [tilespmem:$0x1FFC0]  }
0x333: {  	v61 =	vld [tilespmem:$0x1FFD0]  }
0x334: {  	[sflag:s13] =	ssyncset.done $0x0;
	v62 =	vld [tilespmem:$0x1FFE0]  }
0x335: {  	v42 =	vld [tilespmem:$0x1FFF0];
	[sflag:s13] =	ssyncadd.s32 $0xFFFFFE00  }
0x336: {  	_ =	sfence.sel $0x180000  }
0x337: {  	[bflag:$0x0] =	sbarrier.arrive $0xFFFF  }
0x338: {  	_ =	strace $0x90000047  }
0x339: {  	s0 =	stileid.u32;
	[bflag:$0x2] =	sbarrier.arrive $0xFFFF  }
0x33a: {  	p0 =	sne.s32 s0, $0x0;
	s0 =	rddreg [dreg:$0x6]  }
0x33b: {  	s0 =	sadd.s32 @!p0 $0x100000, s0  }
0x33c: {  	[sflag:s0] =	ssyncadd.tile.s32 @!p0 $0x1;
	_ =	shalt  }
.Lfunc_end2:
_tile_overlayer_lowered:
.L_overlay_start_2:
0x33d: {  	(tag) =	ssettag $0x2  }
0x33e: {  	s0 =	rddreg [dreg:$0x0];
	s2 =	stileid.u32  }
0x33f: {  	s1 =	rddreg [dreg:$0x1];
	p0 =	sne.s32 s2, $0x0  }
0x340: {  	s3 =	rddreg [dreg:$0x2];
	[bflag:$0x3] =	sbarrier.arrive $0xFFFF;
	s2 =	simm.s32 @!p0 $0x1C02  }
0x341: {  	[timem:s3], [sflag:s2] =	dma.local @!p0 [hbm:s0], s1  }
0x342: {  	s0 =	simm.s32 @!p0 $0x2  }
0x343: {  	_ =	swait.ge @!p0 [sflag:s0], s1  }
0x344: {  	s1 =	ssub.s32 @!p0 $0x0, s1;
	[sflag:s0] =	ssyncset.done @!p0 $0x0  }
0x345: {  	[sflag:s0] =	ssyncadd.s32 @!p0 s1  }
0x346: {  	[bflag:$0x3] =	sbarrier.arrive $0xFFFF  }
0x347: {  	_ =	shalt  }

</sc_bundles>
